<compile_context>
chip_gen: v7x
topology: tpu7x:2x2x1
jax: 0.10.2.dev20260603
libtpu: 0.0.44.dev20260713+nightly
codegen_flags: <defaults>
</compile_context>

<pallas_src>
import functools

import jax
import jax.numpy as jnp
from jax import lax
from jax.experimental import pallas as pl
from jax.experimental.pallas import tpu as pltpu
from jax.experimental.pallas import tpu_sc as plsc

N = 10000
E = 320000
D = 128
NC, NS = 2, 16
NW = NC * NS
CHUNK = 128

NP_ = 10240
RPT = NP_ // NW
SPLIT = 5120
ACC_R = 5376
RPT_A = ACC_R // NW
A_CH = 160
A_PAD = NW * A_CH * CHUNK
E_CH = 80
E_PAD = NW * E_CH * CHUNK

_mesh = plsc.VectorSubcoreMesh(
    core_axis_name="c", subcore_axis_name="s", num_cores=NC, num_subcores=NS)


_DEG_K = 8


@functools.partial(
    pl.kernel,
    out_type=jax.ShapeDtypeStruct((NC * NP_,), jnp.float32),
    mesh=_mesh,
    scratch_types=[
        pltpu.VMEM((A_CH, CHUNK), jnp.int32),
        pltpu.VMEM((CHUNK,), jnp.float32),
        pltpu.VMEM((RPT,), jnp.float32),
        pltpu.VMEM_SHARED((NP_,), jnp.float32),
        pltpu.SemaphoreType.DMA,
    ],
)
def _deg_kernel(dst_hbm, ones_hbm, zeros_hbm, degp_hbm, idx_v, ones_v, db_v,
                acc_sh, dsem):
    cid = lax.axis_index("c")
    sid = lax.axis_index("s")
    wid = sid * NC + cid
    r0 = sid * RPT
    pltpu.sync_copy(ones_hbm, ones_v)
    pltpu.sync_copy(zeros_hbm.at[pl.ds(r0, RPT)], db_v)
    pltpu.sync_copy(db_v, acc_sh.at[pl.ds(r0, RPT)])
    pltpu.sync_copy(dst_hbm.at[wid], idx_v)
    plsc.subcore_barrier()

    def body(j, carry):
        pltpu.async_copy(ones_v, acc_sh.at[idx_v.at[j]], dsem, add=True)

        @pl.when(j >= _DEG_K)
        def _():
            pltpu.make_async_copy(ones_v, acc_sh.at[idx_v.at[j - _DEG_K]],
                                  dsem).wait()
        return carry

    lax.fori_loop(0, A_CH, body, 0)

    def drain(j, carry):
        pltpu.make_async_copy(ones_v, acc_sh.at[idx_v.at[j]], dsem).wait()
        return carry

    lax.fori_loop(A_CH - _DEG_K, A_CH, drain, 0)
    plsc.subcore_barrier()
    pltpu.sync_copy(acc_sh.at[pl.ds(r0, RPT)], db_v)
    pltpu.sync_copy(db_v, degp_hbm.at[pl.ds(cid * NP_ + r0, RPT)])


AGG_C = 320
A_G = A_PAD // (NW * AGG_C)


_C0 = 64
_C1 = 64
_CMAX = max(_C0, _C1)


@functools.partial(
    pl.kernel,
    out_type=jax.ShapeDtypeStruct((NC, ACC_R, D), jnp.float32),
    mesh=_mesh,
    scratch_types=[
        pltpu.VMEM((_CMAX * AGG_C,), jnp.int32),
        pltpu.VMEM((_CMAX * AGG_C,), jnp.int32),
        pltpu.VMEM((AGG_C, D), jnp.float32),
        pltpu.VMEM_SHARED((ACC_R, D), jnp.float32),
    ],
)
def _agg_kernel(z_hbm, src_hbm, dst_hbm, zeros_hbm, aggp_hbm,
                sidx_v, didx_v, rows_v, acc_sh):
    cid = lax.axis_index("c")
    sid = lax.axis_index("s")
    wid = sid * NC + cid
    r0 = sid * RPT_A
    cnt = jnp.where(cid == 0, _C0, _C1)
    pltpu.sync_copy(src_hbm.at[wid], sidx_v)
    pltpu.sync_copy(dst_hbm.at[wid], didx_v)
    pltpu.sync_copy(zeros_hbm.at[pl.ds(r0, RPT_A)],
                    rows_v.at[pl.ds(0, RPT_A)])
    pltpu.sync_copy(rows_v.at[pl.ds(0, RPT_A)], acc_sh.at[pl.ds(r0, RPT_A)])
    plsc.subcore_barrier()

    def body(g, carry):
        sl = pl.ds(g * AGG_C, AGG_C)
        pltpu.sync_copy(z_hbm.at[sidx_v.at[sl]], rows_v)
        pltpu.sync_copy(rows_v, acc_sh.at[didx_v.at[sl]], add=True)
        return carry

    lax.fori_loop(0, cnt, body, 0)
    plsc.subcore_barrier()
    pltpu.sync_copy(acc_sh.at[pl.ds(r0, RPT_A)], rows_v.at[pl.ds(0, RPT_A)])
    pltpu.sync_copy(rows_v.at[pl.ds(0, RPT_A)],
                    aggp_hbm.at[cid, pl.ds(r0, RPT_A)])


_QR = 3
_Q0 = 80
_Q1 = 80
_QMAX = max(_Q0, _Q1)


@functools.partial(
    pl.kernel,
    out_type=jax.ShapeDtypeStruct((E_PAD, D), jnp.float32),
    mesh=_mesh,
    scratch_types=[
        pltpu.VMEM((_QMAX, CHUNK), jnp.int32),
        pltpu.VMEM((_QMAX, CHUNK), jnp.int32),
        pltpu.VMEM((_QR, 2 * CHUNK, D), jnp.float32),
        pltpu.SemaphoreType.DMA((_QR,)),
        pltpu.SemaphoreType.DMA((_QR,)),
        pltpu.SemaphoreType.DMA((_QR,)),
    ],
)
def _q_kernel(p_hbm, pneg_hbm, row_hbm, col_hbm, q_hbm,
              ridx_v, cidx_v, buf, ga, gb, wsem):
    cid = lax.axis_index("c")
    sid = lax.axis_index("s")
    wid = sid * NC + cid
    cnt = jnp.where(cid == 0, _Q0, _Q1)
    base = jnp.where(cid == 0, sid * _Q0, 16 * _Q0 + sid * _Q1) * CHUNK
    pltpu.sync_copy(row_hbm.at[wid], ridx_v)
    pltpu.sync_copy(col_hbm.at[wid], cidx_v)

    def issue(j, s):
        pltpu.async_copy(p_hbm.at[ridx_v.at[j]],
                         buf.at[s, pl.ds(0, CHUNK)], ga.at[s])
        pltpu.async_copy(pneg_hbm.at[cidx_v.at[j]],
                         buf.at[s, pl.ds(CHUNK, CHUNK)], gb.at[s])

    for b in range(_QR - 1):
        issue(b, b)

    def body(j, carry):
        s = lax.rem(j, _QR)
        pltpu.make_async_copy(p_hbm.at[ridx_v.at[j]],
                              buf.at[s, pl.ds(0, CHUNK)], ga.at[s]).wait()
        pltpu.make_async_copy(pneg_hbm.at[cidx_v.at[j]],
                              buf.at[s, pl.ds(CHUNK, CHUNK)], gb.at[s]).wait()

        def row_body(r, c2):
            for c in range(D // 16):
                sl = pl.ds(c * 16, 16)
                plsc.addupdate(buf.at[s, r, sl], buf[s, CHUNK + r, sl])
            return c2

        lax.fori_loop(0, CHUNK, row_body, 0)
        pltpu.async_copy(buf.at[s, pl.ds(0, CHUNK)],
                         q_hbm.at[pl.ds(base + j * CHUNK, CHUNK)], wsem.at[s])
        s2 = lax.rem(j + _QR - 1, _QR)

        @pl.when(jnp.logical_and(j >= 1, j + _QR - 1 < cnt))
        def _():
            pltpu.make_async_copy(
                buf.at[s2, pl.ds(0, CHUNK)],
                q_hbm.at[pl.ds(base + (j - 1) * CHUNK, CHUNK)],
                wsem.at[s2]).wait()

        @pl.when(j + _QR - 1 < cnt)
        def _():
            issue(j + _QR - 1, s2)
        return carry

    lax.fori_loop(0, cnt, body, 0)

    def drain(j, carry):
        s = lax.rem(j, _QR)
        pltpu.make_async_copy(buf.at[s, pl.ds(0, CHUNK)],
                              q_hbm.at[pl.ds(base + j * CHUNK, CHUNK)],
                              wsem.at[s]).wait()
        return carry

    lax.fori_loop(cnt - _QR, cnt, drain, 0)


BLK = 1024
EBLK = 2048


def _k1_body(x_ref, w1_ref, degp_ref, z1_ref, dinv_ref):
    deg = degp_ref[:, 0:1] + degp_ref[:, 1:2] + 1.0
    dinv = lax.rsqrt(deg)
    y = jnp.dot(x_ref[...], w1_ref[...], preferred_element_type=jnp.float32)
    z1_ref[...] = y * dinv
    dinv_ref[...] = dinv


def _k2_body(agg_ref, z1_ref, dinv_ref, b1_ref, w2_ref, z2_ref):
    agg = agg_ref[0] + agg_ref[1]
    dinv = dinv_ref[...]
    f1 = jnp.maximum((agg + z1_ref[...]) * dinv + b1_ref[...], 0.0)
    z2_ref[...] = jnp.dot(f1, w2_ref[...],
                          preferred_element_type=jnp.float32) * dinv


def _k3_body(agg_ref, z2_ref, dinv_ref, b2_ref, m1_ref, p_ref, pneg_ref):
    agg = agg_ref[0] + agg_ref[1]
    dinv = dinv_ref[...]
    f2 = jnp.maximum((agg + z2_ref[...]) * dinv + b2_ref[...], 0.0)
    p = jnp.dot(f2, m1_ref[...], preferred_element_type=jnp.float32)
    p_ref[...] = p
    pneg_ref[...] = -p


def _k4_body(q_ref, c1_ref, m2_ref, c2_ref, m3_ref, c3_ref, o_ref):
    h1 = jnp.maximum(q_ref[...] + c1_ref[...], 0.0)
    h2 = jnp.maximum(
        jnp.dot(h1.astype(jnp.bfloat16), m2_ref[...].astype(jnp.bfloat16),
                preferred_element_type=jnp.float32)
        + c2_ref[...], 0.0)
    o = jnp.dot(h2.astype(jnp.bfloat16), m3_ref[...].astype(jnp.bfloat16),
                preferred_element_type=jnp.float32)
    o_ref[...] = jax.nn.sigmoid(o + c3_ref[...])


def _row_spec(i):
    return (i, 0)


def _rep_spec(i):
    return (0, 0)


def _node_spec(i):
    return (0, i, 0)


def _aggregate(z, src_r, dstA_r, dstB_r, zerosA):
    aggA = _agg_kernel(z, src_r, dstA_r, zerosA)
    aggB = _agg_kernel(z, src_r, dstB_r, zerosA)
    return jnp.concatenate([aggA[:, :SPLIT], aggB[:, :SPLIT]], axis=1)


def kernel(x, edge_index, W1, b1, W2, b2, M1, c1, M2, c2, M3, c3):
    f32 = jnp.float32
    ei = edge_index.astype(jnp.int32)
    row, col = ei[:, 0], ei[:, 1]
    fill = jnp.full((A_PAD - 2 * E,), NP_ - 1, jnp.int32)
    src_u = jnp.concatenate([row, col, fill])
    dst_u = jnp.concatenate([col, row, fill])
    inA = dst_u < SPLIT
    def per_core_rows(flat, pad_val, c0, c1, ce):
        l0 = 16 * c0 * ce
        rows0 = flat[:l0].reshape(16, c0 * ce)
        rows1 = flat[l0:].reshape(16, c1 * ce)
        cm = max(c0, c1) * ce
        rows0 = jnp.pad(rows0, ((0, 0), (0, cm - c0 * ce)),
                        constant_values=pad_val)
        rows1 = jnp.pad(rows1, ((0, 0), (0, cm - c1 * ce)),
                        constant_values=pad_val)
        return jnp.stack([rows0, rows1], axis=1).reshape(NW, cm)

    src_r = per_core_rows(src_u, NP_ - 1, _C0, _C1, AGG_C)
    dstA_r = per_core_rows(jnp.where(inA, dst_u, SPLIT), SPLIT,
                           _C0, _C1, AGG_C)
    dstB_r = per_core_rows(jnp.where(inA, SPLIT, dst_u - SPLIT), SPLIT,
                           _C0, _C1, AGG_C)
    efill = jnp.zeros((E_PAD - E,), jnp.int32)
    row_r = per_core_rows(jnp.concatenate([row, efill]), 0,
                          _Q0, _Q1, CHUNK).reshape(NW, _QMAX, CHUNK)
    col_r = per_core_rows(jnp.concatenate([col, efill]), 0,
                          _Q0, _Q1, CHUNK).reshape(NW, _QMAX, CHUNK)

    zerosA = jnp.zeros((ACC_R, D), f32)
    zeros1d = jnp.zeros((NP_,), f32)
    ones1d = jnp.ones((CHUNK,), f32)
    x_pad = jnp.concatenate([x, jnp.zeros((NP_ - N, D), f32)], axis=0)

    degp = _deg_kernel(dst_r := dst_u.reshape(NW, A_CH, CHUNK), ones1d,
                       zeros1d)
    degp_t = degp.reshape(NC, NP_).T

    grid_n = NP_ // BLK
    z1, dinv = pl.pallas_call(
        _k1_body,
        grid=(grid_n,),
        in_specs=[
            pl.BlockSpec((BLK, D), _row_spec),
            pl.BlockSpec((D, D), _rep_spec),
            pl.BlockSpec((BLK, NC), _row_spec),
        ],
        out_specs=[
            pl.BlockSpec((BLK, D), _row_spec),
            pl.BlockSpec((BLK, 1), _row_spec),
        ],
        out_shape=[
            jax.ShapeDtypeStruct((NP_, D), f32),
            jax.ShapeDtypeStruct((NP_, 1), f32),
        ],
    )(x_pad, W1, degp_t)

    agg1 = _aggregate(z1, src_r, dstA_r, dstB_r, zerosA)

    z2 = pl.pallas_call(
        _k2_body,
        grid=(grid_n,),
        in_specs=[
            pl.BlockSpec((NC, BLK, D), _node_spec),
            pl.BlockSpec((BLK, D), _row_spec),
            pl.BlockSpec((BLK, 1), _row_spec),
            pl.BlockSpec((1, D), _rep_spec),
            pl.BlockSpec((D, D), _rep_spec),
        ],
        out_specs=pl.BlockSpec((BLK, D), _row_spec),
        out_shape=jax.ShapeDtypeStruct((NP_, D), f32),
    )(agg1, z1, dinv, b1.reshape(1, D), W2)

    agg2 = _aggregate(z2, src_r, dstA_r, dstB_r, zerosA)

    p, pneg = pl.pallas_call(
        _k3_body,
        grid=(grid_n,),
        in_specs=[
            pl.BlockSpec((NC, BLK, D), _node_spec),
            pl.BlockSpec((BLK, D), _row_spec),
            pl.BlockSpec((BLK, 1), _row_spec),
            pl.BlockSpec((1, D), _rep_spec),
            pl.BlockSpec((D, D), _rep_spec),
        ],
        out_specs=[
            pl.BlockSpec((BLK, D), _row_spec),
            pl.BlockSpec((BLK, D), _row_spec),
        ],
        out_shape=[
            jax.ShapeDtypeStruct((NP_, D), f32),
            jax.ShapeDtypeStruct((NP_, D), f32),
        ],
    )(agg2, z2, dinv, b2.reshape(1, D), M1)

    q = _q_kernel(p, pneg, row_r, col_r)

    m3p = jnp.concatenate([M3, jnp.zeros((D, 7), f32)], axis=1)
    c3t = jnp.broadcast_to(c3.reshape(1, 1), (1, 8))
    out = pl.pallas_call(
        _k4_body,
        grid=(E_PAD // EBLK,),
        in_specs=[
            pl.BlockSpec((EBLK, D), _row_spec),
            pl.BlockSpec((1, D), _rep_spec),
            pl.BlockSpec((D, D), _rep_spec),
            pl.BlockSpec((1, D), _rep_spec),
            pl.BlockSpec((D, 8), _rep_spec),
            pl.BlockSpec((1, 8), _rep_spec),
        ],
        out_specs=pl.BlockSpec((EBLK, 8), _row_spec),
        out_shape=jax.ShapeDtypeStruct((E_PAD, 8), f32),
    )(q, c1.reshape(1, D), M2, c2.reshape(1, D), m3p, c3t)

    return out[:E, :1]

# --- scband reference (transcript-rebuilt; emitter-appended) ---
"""Pipeline reference for scband-gcnedge-net-50568944943202 (READ-ONLY COPY).

The authoritative reference and input builder live on the scoring server;
editing this copy changes nothing except your own understanding.
"""

import jax, jax.numpy as jnp
import numpy as np

N_NODES = 10000
N_EDGES = 320000
D_IN = 128
D_HID = 128
D_OUT = 128
MLP_HID = 128
MLP_OUT = 1


def setup_inputs(seed: int = 0) -> dict:
    key = jax.random.key(seed)
    ks = jax.random.split(key, 12)
    x = jax.random.normal(ks[0], (N_NODES, D_IN), dtype=jnp.float32)
    edge_index = jax.random.randint(ks[1], (N_EDGES, 2), 0, N_NODES, dtype=jnp.int64)
    def glorot(k, shape):
        fan_in, fan_out = shape[0], shape[1]
        lim = np.sqrt(6.0 / (fan_in + fan_out))
        return jax.random.uniform(k, shape, dtype=jnp.float32, minval=-lim, maxval=lim)
    W1 = glorot(ks[2], (D_IN, D_HID))
    b1 = jnp.zeros((D_HID,), dtype=jnp.float32)
    W2 = glorot(ks[3], (D_HID, D_OUT))
    b2 = jnp.zeros((D_OUT,), dtype=jnp.float32)
    M1 = glorot(ks[4], (D_OUT, MLP_HID))
    c1 = jnp.zeros((MLP_HID,), dtype=jnp.float32)
    M2 = glorot(ks[5], (MLP_HID, MLP_HID))
    c2 = jnp.zeros((MLP_HID,), dtype=jnp.float32)
    M3 = glorot(ks[6], (MLP_HID, MLP_OUT))
    c3 = jnp.zeros((MLP_OUT,), dtype=jnp.float32)
    return {"x": x, "edge_index": edge_index, "W1": W1, "b1": b1, "W2": W2, "b2": b2,
            "M1": M1, "c1": c1, "M2": M2, "c2": c2, "M3": M3, "c3": c3}


def _gcn_conv(x, src, dst, W, b):
    # PyG GCNConv: x' = D^{-1/2} (A + I) D^{-1/2} (x W) + b
    x = x @ W
    sl = jnp.arange(N_NODES, dtype=src.dtype)
    src_sl = jnp.concatenate([src, sl])
    dst_sl = jnp.concatenate([dst, sl])
    deg = jax.ops.segment_sum(jnp.ones_like(dst_sl, dtype=x.dtype), dst_sl,
                              num_segments=N_NODES)
    dinv = jnp.where(deg > 0, deg ** -0.5, 0.0)
    norm = dinv[src_sl] * dinv[dst_sl]
    msg = x[src_sl] * norm[:, None]
    out = jax.ops.segment_sum(msg, dst_sl, num_segments=N_NODES)
    return out + b


def reference(x, edge_index, W1, b1, W2, b2, M1, c1, M2, c2, M3, c3):
    # forward: edge_index comes in as (E, 2); transpose then make undirected
    ei = edge_index.T  # (2, E)
    row, col = ei[0], ei[1]
    src_u = jnp.concatenate([row, col])
    dst_u = jnp.concatenate([col, row])
    # cal_node_feature: two GCNConv + ReLU
    f = jax.nn.relu(_gcn_conv(x, src_u, dst_u, W1, b1))
    f = jax.nn.relu(_gcn_conv(f, src_u, dst_u, W2, b2))
    # predict_edge_prob on directed edges
    edge_attr = f[row] - f[col]
    h = jax.nn.relu(edge_attr @ M1 + c1)
    h = jax.nn.relu(h @ M2 + c2)
    return jax.nn.sigmoid(h @ M3 + c3)

if __name__ == "__main__":
    import jax
    _d = setup_inputs()
    print(jax.jit(kernel)(*tuple(_d.values())))

</pallas_src>

<mosaic_0001>
#map = affine_map<(d0, d1) -> (0, 0)>
#map1 = affine_map<(d0, d1) -> (0, 0, 0)>
module attributes {stable_mosaic.version = 14 : i64} {
  func.func @_agg_kernel(%arg0: i32, %arg1: i32, %arg2: memref<10240x128xf32, #tpu.memory_space<hbm>>, %arg3: memref<32x20480xi32, #tpu.memory_space<hbm>>, %arg4: memref<32x20480xi32, #tpu.memory_space<hbm>>, %arg5: memref<5376x128xf32, #tpu.memory_space<hbm>>, %arg6: memref<2x5376x128xf32, #tpu.memory_space<hbm>>, %arg7: memref<20480xi32, #tpu.memory_space<vmem>>, %arg8: memref<20480xi32, #tpu.memory_space<vmem>>, %arg9: memref<320x128xf32, #tpu.memory_space<vmem>>, %arg10: memref<5376x128xf32, #tpu.memory_space<vmem_shared>>) attributes {dimension_semantics = [#tpu.dimension_semantics<core_parallel>, #tpu.dimension_semantics<subcore_parallel>], iteration_bounds = array<i64: 2, 16>, scalar_prefetch = 0 : i64, scratch_operands = 4 : i64, tpu.core_type = #tpu.core_type<sc_vector_subcore>, window_params = [{transform_indices = #map}, {transform_indices = #map}, {transform_indices = #map}, {transform_indices = #map}, {transform_indices = #map1}]} {
    %mul3A = arith.constant 2 : i32
    %mul3A_0 = arith.muli %arg1, %mul3A : i32
    %add3A = arith.addi %mul3A_0, %arg0 : i32
    %mul3A_1 = arith.constant 168 : i32
    %mul3A_2 = arith.muli %arg1, %mul3A_1 : i32
    %eq3A = arith.constant 0 : i32
    %eq3A_3 = arith.cmpi eq, %arg0, %eq3A : i32
    %jit3A = arith.constant 64 : i32
    %jit3A_4 = arith.constant 64 : i32
    %select_n3A = arith.select %eq3A_3, %jit3A, %jit3A_4 : i32
    "tpu.region"() ({
      %run_scoped3A = tpu.sem_alloc : memref<!tpu.dma_semaphore, #tpu.memory_space<semaphore_mem>>
      %dma_start3A = arith.constant 0 : i32
      %dma_start3A_15 = tpu.memref_slice %arg3[%add3A, %dma_start3A] : memref<32x20480xi32, #tpu.memory_space<hbm>> -> memref<1x20480xi32, #tpu.memory_space<hbm>>
      %dma_start3A_16 = tpu.memref_squeeze %dma_start3A_15 : memref<1x20480xi32, #tpu.memory_space<hbm>> -> memref<20480xi32, #tpu.memory_space<hbm>>
      %dma_start3A_17 = arith.constant 0 : i32
      %dma_start3A_18 = tpu.memref_slice %arg3[%add3A, %dma_start3A_17] : memref<32x20480xi32, #tpu.memory_space<hbm>> -> memref<1x20480xi32, #tpu.memory_space<hbm>>
      %dma_start3A_19 = tpu.memref_squeeze %dma_start3A_18 : memref<1x20480xi32, #tpu.memory_space<hbm>> -> memref<20480xi32, #tpu.memory_space<hbm>>
      tpu.enqueue_dma source(%dma_start3A_19 : memref<20480xi32, #tpu.memory_space<hbm>>) target(%arg7 : memref<20480xi32, #tpu.memory_space<vmem>>) target_semaphore(%run_scoped3A : memref<!tpu.dma_semaphore, #tpu.memory_space<semaphore_mem>>)
      %dma_wait3A = arith.constant 0 : i32
      %dma_wait3A_20 = tpu.memref_slice %arg3[%add3A, %dma_wait3A] : memref<32x20480xi32, #tpu.memory_space<hbm>> -> memref<1x20480xi32, #tpu.memory_space<hbm>>
      %dma_wait3A_21 = tpu.memref_squeeze %dma_wait3A_20 : memref<1x20480xi32, #tpu.memory_space<hbm>> -> memref<20480xi32, #tpu.memory_space<hbm>>
      %dma_wait3A_22 = arith.constant 0 : i32
      %dma_wait3A_23 = tpu.memref_slice %arg3[%add3A, %dma_wait3A_22] : memref<32x20480xi32, #tpu.memory_space<hbm>> -> memref<1x20480xi32, #tpu.memory_space<hbm>>
      %dma_wait3A_24 = tpu.memref_squeeze %dma_wait3A_23 : memref<1x20480xi32, #tpu.memory_space<hbm>> -> memref<20480xi32, #tpu.memory_space<hbm>>
      tpu.wait_dma2 semaphore(%run_scoped3A : memref<!tpu.dma_semaphore, #tpu.memory_space<semaphore_mem>>) src(%dma_wait3A_24 : memref<20480xi32, #tpu.memory_space<hbm>>) dst(%arg7 : memref<20480xi32, #tpu.memory_space<vmem>>)
      tpu.yield
    }) : () -> ()
    "tpu.region"() ({
      %run_scoped3A = tpu.sem_alloc : memref<!tpu.dma_semaphore, #tpu.memory_space<semaphore_mem>>
      %dma_start3A = arith.constant 0 : i32
      %dma_start3A_15 = tpu.memref_slice %arg4[%add3A, %dma_start3A] : memref<32x20480xi32, #tpu.memory_space<hbm>> -> memref<1x20480xi32, #tpu.memory_space<hbm>>
      %dma_start3A_16 = tpu.memref_squeeze %dma_start3A_15 : memref<1x20480xi32, #tpu.memory_space<hbm>> -> memref<20480xi32, #tpu.memory_space<hbm>>
      %dma_start3A_17 = arith.constant 0 : i32
      %dma_start3A_18 = tpu.memref_slice %arg4[%add3A, %dma_start3A_17] : memref<32x20480xi32, #tpu.memory_space<hbm>> -> memref<1x20480xi32, #tpu.memory_space<hbm>>
      %dma_start3A_19 = tpu.memref_squeeze %dma_start3A_18 : memref<1x20480xi32, #tpu.memory_space<hbm>> -> memref<20480xi32, #tpu.memory_space<hbm>>
      tpu.enqueue_dma source(%dma_start3A_19 : memref<20480xi32, #tpu.memory_space<hbm>>) target(%arg8 : memref<20480xi32, #tpu.memory_space<vmem>>) target_semaphore(%run_scoped3A : memref<!tpu.dma_semaphore, #tpu.memory_space<semaphore_mem>>)
      %dma_wait3A = arith.constant 0 : i32
      %dma_wait3A_20 = tpu.memref_slice %arg4[%add3A, %dma_wait3A] : memref<32x20480xi32, #tpu.memory_space<hbm>> -> memref<1x20480xi32, #tpu.memory_space<hbm>>
      %dma_wait3A_21 = tpu.memref_squeeze %dma_wait3A_20 : memref<1x20480xi32, #tpu.memory_space<hbm>> -> memref<20480xi32, #tpu.memory_space<hbm>>
      %dma_wait3A_22 = arith.constant 0 : i32
      %dma_wait3A_23 = tpu.memref_slice %arg4[%add3A, %dma_wait3A_22] : memref<32x20480xi32, #tpu.memory_space<hbm>> -> memref<1x20480xi32, #tpu.memory_space<hbm>>
      %dma_wait3A_24 = tpu.memref_squeeze %dma_wait3A_23 : memref<1x20480xi32, #tpu.memory_space<hbm>> -> memref<20480xi32, #tpu.memory_space<hbm>>
      tpu.wait_dma2 semaphore(%run_scoped3A : memref<!tpu.dma_semaphore, #tpu.memory_space<semaphore_mem>>) src(%dma_wait3A_24 : memref<20480xi32, #tpu.memory_space<hbm>>) dst(%arg8 : memref<20480xi32, #tpu.memory_space<vmem>>)
      tpu.yield
    }) : () -> ()
    "tpu.region"() ({
      %run_scoped3A = tpu.sem_alloc : memref<!tpu.dma_semaphore, #tpu.memory_space<semaphore_mem>>
      %dma_start3A = arith.constant 0 : i32
      %dma_start3A_15 = arith.constant 0 : i32
      %dma_start3A_16 = tpu.memref_slice %arg9[%dma_start3A, %dma_start3A_15] : memref<320x128xf32, #tpu.memory_space<vmem>> -> memref<168x128xf32, #tpu.memory_space<vmem>>
      %dma_start3A_17 = arith.constant 0 : i32
      %dma_start3A_18 = tpu.memref_slice %arg5[%mul3A_2, %dma_start3A_17] : memref<5376x128xf32, #tpu.memory_space<hbm>> -> memref<168x128xf32, #tpu.memory_space<hbm>>
      %dma_start3A_19 = arith.constant 0 : i32
      %dma_start3A_20 = arith.constant 0 : i32
      %dma_start3A_21 = tpu.memref_slice %arg9[%dma_start3A_19, %dma_start3A_20] : memref<320x128xf32, #tpu.memory_space<vmem>> -> memref<168x128xf32, #tpu.memory_space<vmem>>
      %dma_start3A_22 = arith.constant 0 : i32
      %dma_start3A_23 = tpu.memref_slice %arg5[%mul3A_2, %dma_start3A_22] : memref<5376x128xf32, #tpu.memory_space<hbm>> -> memref<168x128xf32, #tpu.memory_space<hbm>>
      tpu.enqueue_dma source(%dma_start3A_23 : memref<168x128xf32, #tpu.memory_space<hbm>>) target(%dma_start3A_21 : memref<168x128xf32, #tpu.memory_space<vmem>>) target_semaphore(%run_scoped3A : memref<!tpu.dma_semaphore, #tpu.memory_space<semaphore_mem>>)
      %dma_wait3A = arith.constant 0 : i32
      %dma_wait3A_24 = arith.constant 0 : i32
      %dma_wait3A_25 = tpu.memref_slice %arg9[%dma_wait3A, %dma_wait3A_24] : memref<320x128xf32, #tpu.memory_space<vmem>> -> memref<168x128xf32, #tpu.memory_space<vmem>>
      %dma_wait3A_26 = arith.constant 0 : i32
      %dma_wait3A_27 = tpu.memref_slice %arg5[%mul3A_2, %dma_wait3A_26] : memref<5376x128xf32, #tpu.memory_space<hbm>> -> memref<168x128xf32, #tpu.memory_space<hbm>>
      %dma_wait3A_28 = arith.constant 0 : i32
      %dma_wait3A_29 = arith.constant 0 : i32
      %dma_wait3A_30 = tpu.memref_slice %arg9[%dma_wait3A_28, %dma_wait3A_29] : memref<320x128xf32, #tpu.memory_space<vmem>> -> memref<168x128xf32, #tpu.memory_space<vmem>>
      %dma_wait3A_31 = arith.constant 0 : i32
      %dma_wait3A_32 = tpu.memref_slice %arg5[%mul3A_2, %dma_wait3A_31] : memref<5376x128xf32, #tpu.memory_space<hbm>> -> memref<168x128xf32, #tpu.memory_space<hbm>>
      tpu.wait_dma2 semaphore(%run_scoped3A : memref<!tpu.dma_semaphore, #tpu.memory_space<semaphore_mem>>) src(%dma_wait3A_32 : memref<168x128xf32, #tpu.memory_space<hbm>>) dst(%dma_wait3A_30 : memref<168x128xf32, #tpu.memory_space<vmem>>)
      tpu.yield
    }) : () -> ()
    "tpu.region"() ({
      %run_scoped3A = tpu.sem_alloc : memref<!tpu.dma_semaphore, #tpu.memory_space<semaphore_mem>>
      %dma_start3A = arith.constant 0 : i32
      %dma_start3A_15 = arith.constant 0 : i32
      %dma_start3A_16 = tpu.memref_slice %arg9[%dma_start3A, %dma_start3A_15] : memref<320x128xf32, #tpu.memory_space<vmem>> -> memref<168x128xf32, #tpu.memory_space<vmem>>
      %dma_start3A_17 = arith.constant 0 : i32
      %dma_start3A_18 = tpu.memref_slice %arg10[%mul3A_2, %dma_start3A_17] : memref<5376x128xf32, #tpu.memory_space<vmem_shared>> -> memref<168x128xf32, #tpu.memory_space<vmem_shared>>
      %dma_start3A_19 = arith.constant 0 : i32
      %dma_start3A_20 = tpu.memref_slice %arg10[%mul3A_2, %dma_start3A_19] : memref<5376x128xf32, #tpu.memory_space<vmem_shared>> -> memref<168x128xf32, #tpu.memory_space<vmem_shared>>
      %dma_start3A_21 = arith.constant 0 : i32
      %dma_start3A_22 = arith.constant 0 : i32
      %dma_start3A_23 = tpu.memref_slice %arg9[%dma_start3A_21, %dma_start3A_22] : memref<320x128xf32, #tpu.memory_space<vmem>> -> memref<168x128xf32, #tpu.memory_space<vmem>>
      tpu.enqueue_dma source(%dma_start3A_23 : memref<168x128xf32, #tpu.memory_space<vmem>>) target(%dma_start3A_20 : memref<168x128xf32, #tpu.memory_space<vmem_shared>>) target_semaphore(%run_scoped3A : memref<!tpu.dma_semaphore, #tpu.memory_space<semaphore_mem>>)
      %dma_wait3A = arith.constant 0 : i32
      %dma_wait3A_24 = arith.constant 0 : i32
      %dma_wait3A_25 = tpu.memref_slice %arg9[%dma_wait3A, %dma_wait3A_24] : memref<320x128xf32, #tpu.memory_space<vmem>> -> memref<168x128xf32, #tpu.memory_space<vmem>>
      %dma_wait3A_26 = arith.constant 0 : i32
      %dma_wait3A_27 = tpu.memref_slice %arg10[%mul3A_2, %dma_wait3A_26] : memref<5376x128xf32, #tpu.memory_space<vmem_shared>> -> memref<168x128xf32, #tpu.memory_space<vmem_shared>>
      %dma_wait3A_28 = arith.constant 0 : i32
      %dma_wait3A_29 = tpu.memref_slice %arg10[%mul3A_2, %dma_wait3A_28] : memref<5376x128xf32, #tpu.memory_space<vmem_shared>> -> memref<168x128xf32, #tpu.memory_space<vmem_shared>>
      %dma_wait3A_30 = arith.constant 0 : i32
      %dma_wait3A_31 = arith.constant 0 : i32
      %dma_wait3A_32 = tpu.memref_slice %arg9[%dma_wait3A_30, %dma_wait3A_31] : memref<320x128xf32, #tpu.memory_space<vmem>> -> memref<168x128xf32, #tpu.memory_space<vmem>>
      tpu.wait_dma2 semaphore(%run_scoped3A : memref<!tpu.dma_semaphore, #tpu.memory_space<semaphore_mem>>) src(%dma_wait3A_32 : memref<168x128xf32, #tpu.memory_space<vmem>>) dst(%dma_wait3A_29 : memref<168x128xf32, #tpu.memory_space<vmem_shared>>)
      tpu.yield
    }) : () -> ()
    %barrier3A = arith.constant 0 : index
    tpu.barrier barrier_id(%barrier3A)
    %while3A = arith.constant 0 : i32
    %while3A_5 = arith.constant 0 : i32
    %while3A_6 = arith.subi %select_n3A, %while3A_5 : i32
    %while3A_7 = arith.addi %while3A_5, %while3A_6 : i32
    %while3A_8 = arith.constant 1 : i32
    %while3A_9 = arith.divsi %while3A_6, %while3A_8 : i32
    %while3A_10 = arith.muli %while3A_9, %while3A_8 : i32
    %while3A_11 = arith.addi %while3A_5, %while3A_10 : i32
    %while3A_12 = arith.constant 1 : i32
    scf.for %while3A_15 = %while3A_5 to %while3A_11 step %while3A_12  : i32 {
      %mul3A_16 = arith.constant 320 : i32
      %mul3A_17 = arith.muli %while3A_15, %mul3A_16 : i32
      "tpu.region"() ({
        %run_scoped3A = tpu.sem_alloc : memref<!tpu.dma_semaphore, #tpu.memory_space<semaphore_mem>>
        %dma_start3A = tpu.memref_slice %arg7[%mul3A_17] : memref<20480xi32, #tpu.memory_space<vmem>> -> memref<320xi32, #tpu.memory_space<vmem>>
        %dma_start3A_18 = arith.constant 0 : i32
        %dma_start3A_19 = arith.constant 0 : i32
        %dma_start3A_20 = tpu.memref_slice %arg2[%dma_start3A_18, %dma_start3A_19] : memref<10240x128xf32, #tpu.memory_space<hbm>> -> memref<10240x128xf32, #tpu.memory_space<hbm>>
        tpu.enqueue_indirect_dma source(%dma_start3A_20 : memref<10240x128xf32, #tpu.memory_space<hbm>>) target(%arg9 : memref<320x128xf32, #tpu.memory_space<vmem>>) offsets(%dma_start3A : memref<320xi32, #tpu.memory_space<vmem>>) semaphore(%run_scoped3A : memref<!tpu.dma_semaphore, #tpu.memory_space<semaphore_mem>>)
        %dma_wait3A = tpu.memref_slice %arg7[%mul3A_17] : memref<20480xi32, #tpu.memory_space<vmem>> -> memref<320xi32, #tpu.memory_space<vmem>>
        %dma_wait3A_21 = arith.constant 0 : i32
        %dma_wait3A_22 = arith.constant 0 : i32
        %dma_wait3A_23 = tpu.memref_slice %arg2[%dma_wait3A_21, %dma_wait3A_22] : memref<10240x128xf32, #tpu.memory_space<hbm>> -> memref<10240x128xf32, #tpu.memory_space<hbm>>
        tpu.wait_indirect_dma semaphore(%run_scoped3A : memref<!tpu.dma_semaphore, #tpu.memory_space<semaphore_mem>>) src(%dma_wait3A_23 : memref<10240x128xf32, #tpu.memory_space<hbm>>) dst(%arg9 : memref<320x128xf32, #tpu.memory_space<vmem>>)
        tpu.yield
      }) : () -> ()
      "tpu.region"() ({
        %run_scoped3A = tpu.sem_alloc : memref<!tpu.dma_semaphore, #tpu.memory_space<semaphore_mem>>
        %dma_start3A = tpu.memref_slice %arg8[%mul3A_17] : memref<20480xi32, #tpu.memory_space<vmem>> -> memref<320xi32, #tpu.memory_space<vmem>>
        %dma_start3A_18 = arith.constant 0 : i32
        %dma_start3A_19 = arith.constant 0 : i32
        %dma_start3A_20 = tpu.memref_slice %arg10[%dma_start3A_18, %dma_start3A_19] : memref<5376x128xf32, #tpu.memory_space<vmem_shared>> -> memref<5376x128xf32, #tpu.memory_space<vmem_shared>>
        tpu.enqueue_indirect_dma source(%arg9 : memref<320x128xf32, #tpu.memory_space<vmem>>) target(%dma_start3A_20 : memref<5376x128xf32, #tpu.memory_space<vmem_shared>>) offsets(%dma_start3A : memref<320xi32, #tpu.memory_space<vmem>>) semaphore(%run_scoped3A : memref<!tpu.dma_semaphore, #tpu.memory_space<semaphore_mem>>) {add = true}
        %dma_wait3A = tpu.memref_slice %arg8[%mul3A_17] : memref<20480xi32, #tpu.memory_space<vmem>> -> memref<320xi32, #tpu.memory_space<vmem>>
        %dma_wait3A_21 = arith.constant 0 : i32
        %dma_wait3A_22 = arith.constant 0 : i32
        %dma_wait3A_23 = tpu.memref_slice %arg10[%dma_wait3A_21, %dma_wait3A_22] : memref<5376x128xf32, #tpu.memory_space<vmem_shared>> -> memref<5376x128xf32, #tpu.memory_space<vmem_shared>>
        tpu.wait_indirect_dma semaphore(%run_scoped3A : memref<!tpu.dma_semaphore, #tpu.memory_space<semaphore_mem>>) src(%arg9 : memref<320x128xf32, #tpu.memory_space<vmem>>) dst(%dma_wait3A_23 : memref<5376x128xf32, #tpu.memory_space<vmem_shared>>)
        tpu.yield
      }) : () -> ()
    }
    %while3A_13 = arith.constant 1 : i32
    scf.for %while3A_15 = %while3A_11 to %while3A_7 step %while3A_13  : i32 {
      %mul3A_16 = arith.constant 320 : i32
      %mul3A_17 = arith.muli %while3A_15, %mul3A_16 : i32
      "tpu.region"() ({
        %run_scoped3A = tpu.sem_alloc : memref<!tpu.dma_semaphore, #tpu.memory_space<semaphore_mem>>
        %dma_start3A = tpu.memref_slice %arg7[%mul3A_17] : memref<20480xi32, #tpu.memory_space<vmem>> -> memref<320xi32, #tpu.memory_space<vmem>>
        %dma_start3A_18 = arith.constant 0 : i32
        %dma_start3A_19 = arith.constant 0 : i32
        %dma_start3A_20 = tpu.memref_slice %arg2[%dma_start3A_18, %dma_start3A_19] : memref<10240x128xf32, #tpu.memory_space<hbm>> -> memref<10240x128xf32, #tpu.memory_space<hbm>>
        tpu.enqueue_indirect_dma source(%dma_start3A_20 : memref<10240x128xf32, #tpu.memory_space<hbm>>) target(%arg9 : memref<320x128xf32, #tpu.memory_space<vmem>>) offsets(%dma_start3A : memref<320xi32, #tpu.memory_space<vmem>>) semaphore(%run_scoped3A : memref<!tpu.dma_semaphore, #tpu.memory_space<semaphore_mem>>)
        %dma_wait3A = tpu.memref_slice %arg7[%mul3A_17] : memref<20480xi32, #tpu.memory_space<vmem>> -> memref<320xi32, #tpu.memory_space<vmem>>
        %dma_wait3A_21 = arith.constant 0 : i32
        %dma_wait3A_22 = arith.constant 0 : i32
        %dma_wait3A_23 = tpu.memref_slice %arg2[%dma_wait3A_21, %dma_wait3A_22] : memref<10240x128xf32, #tpu.memory_space<hbm>> -> memref<10240x128xf32, #tpu.memory_space<hbm>>
        tpu.wait_indirect_dma semaphore(%run_scoped3A : memref<!tpu.dma_semaphore, #tpu.memory_space<semaphore_mem>>) src(%dma_wait3A_23 : memref<10240x128xf32, #tpu.memory_space<hbm>>) dst(%arg9 : memref<320x128xf32, #tpu.memory_space<vmem>>)
        tpu.yield
      }) : () -> ()
      "tpu.region"() ({
        %run_scoped3A = tpu.sem_alloc : memref<!tpu.dma_semaphore, #tpu.memory_space<semaphore_mem>>
        %dma_start3A = tpu.memref_slice %arg8[%mul3A_17] : memref<20480xi32, #tpu.memory_space<vmem>> -> memref<320xi32, #tpu.memory_space<vmem>>
        %dma_start3A_18 = arith.constant 0 : i32
        %dma_start3A_19 = arith.constant 0 : i32
        %dma_start3A_20 = tpu.memref_slice %arg10[%dma_start3A_18, %dma_start3A_19] : memref<5376x128xf32, #tpu.memory_space<vmem_shared>> -> memref<5376x128xf32, #tpu.memory_space<vmem_shared>>
        tpu.enqueue_indirect_dma source(%arg9 : memref<320x128xf32, #tpu.memory_space<vmem>>) target(%dma_start3A_20 : memref<5376x128xf32, #tpu.memory_space<vmem_shared>>) offsets(%dma_start3A : memref<320xi32, #tpu.memory_space<vmem>>) semaphore(%run_scoped3A : memref<!tpu.dma_semaphore, #tpu.memory_space<semaphore_mem>>) {add = true}
        %dma_wait3A = tpu.memref_slice %arg8[%mul3A_17] : memref<20480xi32, #tpu.memory_space<vmem>> -> memref<320xi32, #tpu.memory_space<vmem>>
        %dma_wait3A_21 = arith.constant 0 : i32
        %dma_wait3A_22 = arith.constant 0 : i32
        %dma_wait3A_23 = tpu.memref_slice %arg10[%dma_wait3A_21, %dma_wait3A_22] : memref<5376x128xf32, #tpu.memory_space<vmem_shared>> -> memref<5376x128xf32, #tpu.memory_space<vmem_shared>>
        tpu.wait_indirect_dma semaphore(%run_scoped3A : memref<!tpu.dma_semaphore, #tpu.memory_space<semaphore_mem>>) src(%arg9 : memref<320x128xf32, #tpu.memory_space<vmem>>) dst(%dma_wait3A_23 : memref<5376x128xf32, #tpu.memory_space<vmem_shared>>)
        tpu.yield
      }) : () -> ()
    }
    %barrier3A_14 = arith.constant 0 : index
    tpu.barrier barrier_id(%barrier3A_14)
    "tpu.region"() ({
      %run_scoped3A = tpu.sem_alloc : memref<!tpu.dma_semaphore, #tpu.memory_space<semaphore_mem>>
      %dma_start3A = arith.constant 0 : i32
      %dma_start3A_15 = arith.constant 0 : i32
      %dma_start3A_16 = tpu.memref_slice %arg9[%dma_start3A, %dma_start3A_15] : memref<320x128xf32, #tpu.memory_space<vmem>> -> memref<168x128xf32, #tpu.memory_space<vmem>>
      %dma_start3A_17 = arith.constant 0 : i32
      %dma_start3A_18 = tpu.memref_slice %arg10[%mul3A_2, %dma_start3A_17] : memref<5376x128xf32, #tpu.memory_space<vmem_shared>> -> memref<168x128xf32, #tpu.memory_space<vmem_shared>>
      %dma_start3A_19 = arith.constant 0 : i32
      %dma_start3A_20 = arith.constant 0 : i32
      %dma_start3A_21 = tpu.memref_slice %arg9[%dma_start3A_19, %dma_start3A_20] : memref<320x128xf32, #tpu.memory_space<vmem>> -> memref<168x128xf32, #tpu.memory_space<vmem>>
      %dma_start3A_22 = arith.constant 0 : i32
      %dma_start3A_23 = tpu.memref_slice %arg10[%mul3A_2, %dma_start3A_22] : memref<5376x128xf32, #tpu.memory_space<vmem_shared>> -> memref<168x128xf32, #tpu.memory_space<vmem_shared>>
      tpu.enqueue_dma source(%dma_start3A_23 : memref<168x128xf32, #tpu.memory_space<vmem_shared>>) target(%dma_start3A_21 : memref<168x128xf32, #tpu.memory_space<vmem>>) target_semaphore(%run_scoped3A : memref<!tpu.dma_semaphore, #tpu.memory_space<semaphore_mem>>)
      %dma_wait3A = arith.constant 0 : i32
      %dma_wait3A_24 = arith.constant 0 : i32
      %dma_wait3A_25 = tpu.memref_slice %arg9[%dma_wait3A, %dma_wait3A_24] : memref<320x128xf32, #tpu.memory_space<vmem>> -> memref<168x128xf32, #tpu.memory_space<vmem>>
      %dma_wait3A_26 = arith.constant 0 : i32
      %dma_wait3A_27 = tpu.memref_slice %arg10[%mul3A_2, %dma_wait3A_26] : memref<5376x128xf32, #tpu.memory_space<vmem_shared>> -> memref<168x128xf32, #tpu.memory_space<vmem_shared>>
      %dma_wait3A_28 = arith.constant 0 : i32
      %dma_wait3A_29 = arith.constant 0 : i32
      %dma_wait3A_30 = tpu.memref_slice %arg9[%dma_wait3A_28, %dma_wait3A_29] : memref<320x128xf32, #tpu.memory_space<vmem>> -> memref<168x128xf32, #tpu.memory_space<vmem>>
      %dma_wait3A_31 = arith.constant 0 : i32
      %dma_wait3A_32 = tpu.memref_slice %arg10[%mul3A_2, %dma_wait3A_31] : memref<5376x128xf32, #tpu.memory_space<vmem_shared>> -> memref<168x128xf32, #tpu.memory_space<vmem_shared>>
      tpu.wait_dma2 semaphore(%run_scoped3A : memref<!tpu.dma_semaphore, #tpu.memory_space<semaphore_mem>>) src(%dma_wait3A_32 : memref<168x128xf32, #tpu.memory_space<vmem_shared>>) dst(%dma_wait3A_30 : memref<168x128xf32, #tpu.memory_space<vmem>>)
      tpu.yield
    }) : () -> ()
    "tpu.region"() ({
      %run_scoped3A = tpu.sem_alloc : memref<!tpu.dma_semaphore, #tpu.memory_space<semaphore_mem>>
      %dma_start3A = arith.constant 0 : i32
      %dma_start3A_15 = arith.constant 0 : i32
      %dma_start3A_16 = tpu.memref_slice %arg9[%dma_start3A, %dma_start3A_15] : memref<320x128xf32, #tpu.memory_space<vmem>> -> memref<168x128xf32, #tpu.memory_space<vmem>>
      %dma_start3A_17 = arith.constant 0 : i32
      %dma_start3A_18 = tpu.memref_slice %arg6[%arg0, %mul3A_2, %dma_start3A_17] : memref<2x5376x128xf32, #tpu.memory_space<hbm>> -> memref<1x168x128xf32, #tpu.memory_space<hbm>>
      %dma_start3A_19 = tpu.memref_squeeze %dma_start3A_18 : memref<1x168x128xf32, #tpu.memory_space<hbm>> -> memref<168x128xf32, #tpu.memory_space<hbm>>
      %dma_start3A_20 = arith.constant 0 : i32
      %dma_start3A_21 = tpu.memref_slice %arg6[%arg0, %mul3A_2, %dma_start3A_20] : memref<2x5376x128xf32, #tpu.memory_space<hbm>> -> memref<1x168x128xf32, #tpu.memory_space<hbm>>
      %dma_start3A_22 = tpu.memref_squeeze %dma_start3A_21 : memref<1x168x128xf32, #tpu.memory_space<hbm>> -> memref<168x128xf32, #tpu.memory_space<hbm>>
      %dma_start3A_23 = arith.constant 0 : i32
      %dma_start3A_24 = arith.constant 0 : i32
      %dma_start3A_25 = tpu.memref_slice %arg9[%dma_start3A_23, %dma_start3A_24] : memref<320x128xf32, #tpu.memory_space<vmem>> -> memref<168x128xf32, #tpu.memory_space<vmem>>
      tpu.enqueue_dma source(%dma_start3A_25 : memref<168x128xf32, #tpu.memory_space<vmem>>) target(%dma_start3A_22 : memref<168x128xf32, #tpu.memory_space<hbm>>) target_semaphore(%run_scoped3A : memref<!tpu.dma_semaphore, #tpu.memory_space<semaphore_mem>>)
      %dma_wait3A = arith.constant 0 : i32
      %dma_wait3A_26 = arith.constant 0 : i32
      %dma_wait3A_27 = tpu.memref_slice %arg9[%dma_wait3A, %dma_wait3A_26] : memref<320x128xf32, #tpu.memory_space<vmem>> -> memref<168x128xf32, #tpu.memory_space<vmem>>
      %dma_wait3A_28 = arith.constant 0 : i32
      %dma_wait3A_29 = tpu.memref_slice %arg6[%arg0, %mul3A_2, %dma_wait3A_28] : memref<2x5376x128xf32, #tpu.memory_space<hbm>> -> memref<1x168x128xf32, #tpu.memory_space<hbm>>
      %dma_wait3A_30 = tpu.memref_squeeze %dma_wait3A_29 : memref<1x168x128xf32, #tpu.memory_space<hbm>> -> memref<168x128xf32, #tpu.memory_space<hbm>>
      %dma_wait3A_31 = arith.constant 0 : i32
      %dma_wait3A_32 = tpu.memref_slice %arg6[%arg0, %mul3A_2, %dma_wait3A_31] : memref<2x5376x128xf32, #tpu.memory_space<hbm>> -> memref<1x168x128xf32, #tpu.memory_space<hbm>>
      %dma_wait3A_33 = tpu.memref_squeeze %dma_wait3A_32 : memref<1x168x128xf32, #tpu.memory_space<hbm>> -> memref<168x128xf32, #tpu.memory_space<hbm>>
      %dma_wait3A_34 = arith.constant 0 : i32
      %dma_wait3A_35 = arith.constant 0 : i32
      %dma_wait3A_36 = tpu.memref_slice %arg9[%dma_wait3A_34, %dma_wait3A_35] : memref<320x128xf32, #tpu.memory_space<vmem>> -> memref<168x128xf32, #tpu.memory_space<vmem>>
      tpu.wait_dma2 semaphore(%run_scoped3A : memref<!tpu.dma_semaphore, #tpu.memory_space<semaphore_mem>>) src(%dma_wait3A_36 : memref<168x128xf32, #tpu.memory_space<vmem>>) dst(%dma_wait3A_33 : memref<168x128xf32, #tpu.memory_space<hbm>>)
      tpu.yield
    }) : () -> ()
    return
  }
}

#map = affine_map<(d0, d1) -> (0, 0)>
#map1 = affine_map<(d0, d1) -> (0, 0, 0)>
module attributes {stable_mosaic.version = 14 : i64} {
  func.func @_agg_kernel(%arg0: i32, %arg1: i32, %arg2: memref<10240x128xf32, #tpu.memory_space<hbm>>, %arg3: memref<32x20480xi32, #tpu.memory_space<hbm>>, %arg4: memref<32x20480xi32, #tpu.memory_space<hbm>>, %arg5: memref<5376x128xf32, #tpu.memory_space<hbm>>, %arg6: memref<2x5376x128xf32, #tpu.memory_space<hbm>>, %arg7: memref<20480xi32, #tpu.memory_space<vmem>>, %arg8: memref<20480xi32, #tpu.memory_space<vmem>>, %arg9: memref<320x128xf32, #tpu.memory_space<vmem>>, %arg10: memref<5376x128xf32, #tpu.memory_space<vmem_shared>>) attributes {dimension_semantics = [#tpu.dimension_semantics<core_parallel>, #tpu.dimension_semantics<subcore_parallel>], iteration_bounds = array<i64: 2, 16>, scalar_prefetch = 0 : i64, scratch_operands = 4 : i64, tpu.core_type = #tpu.core_type<sc_vector_subcore>, window_params = [{transform_indices = #map}, {transform_indices = #map}, {transform_indices = #map}, {transform_indices = #map}, {transform_indices = #map1}]} {
    %mul3A = arith.constant 2 : i32
    %mul3A_0 = arith.muli %arg1, %mul3A : i32
    %add3A = arith.addi %mul3A_0, %arg0 : i32
    %mul3A_1 = arith.constant 168 : i32
    %mul3A_2 = arith.muli %arg1, %mul3A_1 : i32
    %eq3A = arith.constant 0 : i32
    %eq3A_3 = arith.cmpi eq, %arg0, %eq3A : i32
    %jit3A = arith.constant 64 : i32
    %jit3A_4 = arith.constant 64 : i32
    %select_n3A = arith.select %eq3A_3, %jit3A, %jit3A_4 : i32
    "tpu.region"() ({
      %run_scoped3A = tpu.sem_alloc : memref<!tpu.dma_semaphore, #tpu.memory_space<semaphore_mem>>
      %dma_start3A = arith.constant 0 : i32
      %dma_start3A_15 = tpu.memref_slice %arg3[%add3A, %dma_start3A] : memref<32x20480xi32, #tpu.memory_space<hbm>> -> memref<1x20480xi32, #tpu.memory_space<hbm>>
      %dma_start3A_16 = tpu.memref_squeeze %dma_start3A_15 : memref<1x20480xi32, #tpu.memory_space<hbm>> -> memref<20480xi32, #tpu.memory_space<hbm>>
      %dma_start3A_17 = arith.constant 0 : i32
      %dma_start3A_18 = tpu.memref_slice %arg3[%add3A, %dma_start3A_17] : memref<32x20480xi32, #tpu.memory_space<hbm>> -> memref<1x20480xi32, #tpu.memory_space<hbm>>
      %dma_start3A_19 = tpu.memref_squeeze %dma_start3A_18 : memref<1x20480xi32, #tpu.memory_space<hbm>> -> memref<20480xi32, #tpu.memory_space<hbm>>
      tpu.enqueue_dma source(%dma_start3A_19 : memref<20480xi32, #tpu.memory_space<hbm>>) target(%arg7 : memref<20480xi32, #tpu.memory_space<vmem>>) target_semaphore(%run_scoped3A : memref<!tpu.dma_semaphore, #tpu.memory_space<semaphore_mem>>)
      %dma_wait3A = arith.constant 0 : i32
      %dma_wait3A_20 = tpu.memref_slice %arg3[%add3A, %dma_wait3A] : memref<32x20480xi32, #tpu.memory_space<hbm>> -> memref<1x20480xi32, #tpu.memory_space<hbm>>
      %dma_wait3A_21 = tpu.memref_squeeze %dma_wait3A_20 : memref<1x20480xi32, #tpu.memory_space<hbm>> -> memref<20480xi32, #tpu.memory_space<hbm>>
      %dma_wait3A_22 = arith.constant 0 : i32
      %dma_wait3A_23 = tpu.memref_slice %arg3[%add3A, %dma_wait3A_22] : memref<32x20480xi32, #tpu.memory_space<hbm>> -> memref<1x20480xi32, #tpu.memory_space<hbm>>
      %dma_wait3A_24 = tpu.memref_squeeze %dma_wait3A_23 : memref<1x20480xi32, #tpu.memory_space<hbm>> -> memref<20480xi32, #tpu.memory_space<hbm>>
      tpu.wait_dma2 semaphore(%run_scoped3A : memref<!tpu.dma_semaphore, #tpu.memory_space<semaphore_mem>>) src(%dma_wait3A_24 : memref<20480xi32, #tpu.memory_space<hbm>>) dst(%arg7 : memref<20480xi32, #tpu.memory_space<vmem>>)
      tpu.yield
    }) : () -> ()
    "tpu.region"() ({
      %run_scoped3A = tpu.sem_alloc : memref<!tpu.dma_semaphore, #tpu.memory_space<semaphore_mem>>
      %dma_start3A = arith.constant 0 : i32
      %dma_start3A_15 = tpu.memref_slice %arg4[%add3A, %dma_start3A] : memref<32x20480xi32, #tpu.memory_space<hbm>> -> memref<1x20480xi32, #tpu.memory_space<hbm>>
      %dma_start3A_16 = tpu.memref_squeeze %dma_start3A_15 : memref<1x20480xi32, #tpu.memory_space<hbm>> -> memref<20480xi32, #tpu.memory_space<hbm>>
      %dma_start3A_17 = arith.constant 0 : i32
      %dma_start3A_18 = tpu.memref_slice %arg4[%add3A, %dma_start3A_17] : memref<32x20480xi32, #tpu.memory_space<hbm>> -> memref<1x20480xi32, #tpu.memory_space<hbm>>
      %dma_start3A_19 = tpu.memref_squeeze %dma_start3A_18 : memref<1x20480xi32, #tpu.memory_space<hbm>> -> memref<20480xi32, #tpu.memory_space<hbm>>
      tpu.enqueue_dma source(%dma_start3A_19 : memref<20480xi32, #tpu.memory_space<hbm>>) target(%arg8 : memref<20480xi32, #tpu.memory_space<vmem>>) target_semaphore(%run_scoped3A : memref<!tpu.dma_semaphore, #tpu.memory_space<semaphore_mem>>)
      %dma_wait3A = arith.constant 0 : i32
      %dma_wait3A_20 = tpu.memref_slice %arg4[%add3A, %dma_wait3A] : memref<32x20480xi32, #tpu.memory_space<hbm>> -> memref<1x20480xi32, #tpu.memory_space<hbm>>
      %dma_wait3A_21 = tpu.memref_squeeze %dma_wait3A_20 : memref<1x20480xi32, #tpu.memory_space<hbm>> -> memref<20480xi32, #tpu.memory_space<hbm>>
      %dma_wait3A_22 = arith.constant 0 : i32
      %dma_wait3A_23 = tpu.memref_slice %arg4[%add3A, %dma_wait3A_22] : memref<32x20480xi32, #tpu.memory_space<hbm>> -> memref<1x20480xi32, #tpu.memory_space<hbm>>
      %dma_wait3A_24 = tpu.memref_squeeze %dma_wait3A_23 : memref<1x20480xi32, #tpu.memory_space<hbm>> -> memref<20480xi32, #tpu.memory_space<hbm>>
      tpu.wait_dma2 semaphore(%run_scoped3A : memref<!tpu.dma_semaphore, #tpu.memory_space<semaphore_mem>>) src(%dma_wait3A_24 : memref<20480xi32, #tpu.memory_space<hbm>>) dst(%arg8 : memref<20480xi32, #tpu.memory_space<vmem>>)
      tpu.yield
    }) : () -> ()
    "tpu.region"() ({
      %run_scoped3A = tpu.sem_alloc : memref<!tpu.dma_semaphore, #tpu.memory_space<semaphore_mem>>
      %dma_start3A = arith.constant 0 : i32
      %dma_start3A_15 = arith.constant 0 : i32
      %dma_start3A_16 = tpu.memref_slice %arg9[%dma_start3A, %dma_start3A_15] : memref<320x128xf32, #tpu.memory_space<vmem>> -> memref<168x128xf32, #tpu.memory_space<vmem>>
      %dma_start3A_17 = arith.constant 0 : i32
      %dma_start3A_18 = tpu.memref_slice %arg5[%mul3A_2, %dma_start3A_17] : memref<5376x128xf32, #tpu.memory_space<hbm>> -> memref<168x128xf32, #tpu.memory_space<hbm>>
      %dma_start3A_19 = arith.constant 0 : i32
      %dma_start3A_20 = arith.constant 0 : i32
      %dma_start3A_21 = tpu.memref_slice %arg9[%dma_start3A_19, %dma_start3A_20] : memref<320x128xf32, #tpu.memory_space<vmem>> -> memref<168x128xf32, #tpu.memory_space<vmem>>
      %dma_start3A_22 = arith.constant 0 : i32
      %dma_start3A_23 = tpu.memref_slice %arg5[%mul3A_2, %dma_start3A_22] : memref<5376x128xf32, #tpu.memory_space<hbm>> -> memref<168x128xf32, #tpu.memory_space<hbm>>
      tpu.enqueue_dma source(%dma_start3A_23 : memref<168x128xf32, #tpu.memory_space<hbm>>) target(%dma_start3A_21 : memref<168x128xf32, #tpu.memory_space<vmem>>) target_semaphore(%run_scoped3A : memref<!tpu.dma_semaphore, #tpu.memory_space<semaphore_mem>>)
      %dma_wait3A = arith.constant 0 : i32
      %dma_wait3A_24 = arith.constant 0 : i32
      %dma_wait3A_25 = tpu.memref_slice %arg9[%dma_wait3A, %dma_wait3A_24] : memref<320x128xf32, #tpu.memory_space<vmem>> -> memref<168x128xf32, #tpu.memory_space<vmem>>
      %dma_wait3A_26 = arith.constant 0 : i32
      %dma_wait3A_27 = tpu.memref_slice %arg5[%mul3A_2, %dma_wait3A_26] : memref<5376x128xf32, #tpu.memory_space<hbm>> -> memref<168x128xf32, #tpu.memory_space<hbm>>
      %dma_wait3A_28 = arith.constant 0 : i32
      %dma_wait3A_29 = arith.constant 0 : i32
      %dma_wait3A_30 = tpu.memref_slice %arg9[%dma_wait3A_28, %dma_wait3A_29] : memref<320x128xf32, #tpu.memory_space<vmem>> -> memref<168x128xf32, #tpu.memory_space<vmem>>
      %dma_wait3A_31 = arith.constant 0 : i32
      %dma_wait3A_32 = tpu.memref_slice %arg5[%mul3A_2, %dma_wait3A_31] : memref<5376x128xf32, #tpu.memory_space<hbm>> -> memref<168x128xf32, #tpu.memory_space<hbm>>
      tpu.wait_dma2 semaphore(%run_scoped3A : memref<!tpu.dma_semaphore, #tpu.memory_space<semaphore_mem>>) src(%dma_wait3A_32 : memref<168x128xf32, #tpu.memory_space<hbm>>) dst(%dma_wait3A_30 : memref<168x128xf32, #tpu.memory_space<vmem>>)
      tpu.yield
    }) : () -> ()
    "tpu.region"() ({
      %run_scoped3A = tpu.sem_alloc : memref<!tpu.dma_semaphore, #tpu.memory_space<semaphore_mem>>
      %dma_start3A = arith.constant 0 : i32
      %dma_start3A_15 = arith.constant 0 : i32
      %dma_start3A_16 = tpu.memref_slice %arg9[%dma_start3A, %dma_start3A_15] : memref<320x128xf32, #tpu.memory_space<vmem>> -> memref<168x128xf32, #tpu.memory_space<vmem>>
      %dma_start3A_17 = arith.constant 0 : i32
      %dma_start3A_18 = tpu.memref_slice %arg10[%mul3A_2, %dma_start3A_17] : memref<5376x128xf32, #tpu.memory_space<vmem_shared>> -> memref<168x128xf32, #tpu.memory_space<vmem_shared>>
      %dma_start3A_19 = arith.constant 0 : i32
      %dma_start3A_20 = tpu.memref_slice %arg10[%mul3A_2, %dma_start3A_19] : memref<5376x128xf32, #tpu.memory_space<vmem_shared>> -> memref<168x128xf32, #tpu.memory_space<vmem_shared>>
      %dma_start3A_21 = arith.constant 0 : i32
      %dma_start3A_22 = arith.constant 0 : i32
      %dma_start3A_23 = tpu.memref_slice %arg9[%dma_start3A_21, %dma_start3A_22] : memref<320x128xf32, #tpu.memory_space<vmem>> -> memref<168x128xf32, #tpu.memory_space<vmem>>
      tpu.enqueue_dma source(%dma_start3A_23 : memref<168x128xf32, #tpu.memory_space<vmem>>) target(%dma_start3A_20 : memref<168x128xf32, #tpu.memory_space<vmem_shared>>) target_semaphore(%run_scoped3A : memref<!tpu.dma_semaphore, #tpu.memory_space<semaphore_mem>>)
      %dma_wait3A = arith.constant 0 : i32
      %dma_wait3A_24 = arith.constant 0 : i32
      %dma_wait3A_25 = tpu.memref_slice %arg9[%dma_wait3A, %dma_wait3A_24] : memref<320x128xf32, #tpu.memory_space<vmem>> -> memref<168x128xf32, #tpu.memory_space<vmem>>
      %dma_wait3A_26 = arith.constant 0 : i32
      %dma_wait3A_27 = tpu.memref_slice %arg10[%mul3A_2, %dma_wait3A_26] : memref<5376x128xf32, #tpu.memory_space<vmem_shared>> -> memref<168x128xf32, #tpu.memory_space<vmem_shared>>
      %dma_wait3A_28 = arith.constant 0 : i32
      %dma_wait3A_29 = tpu.memref_slice %arg10[%mul3A_2, %dma_wait3A_28] : memref<5376x128xf32, #tpu.memory_space<vmem_shared>> -> memref<168x128xf32, #tpu.memory_space<vmem_shared>>
      %dma_wait3A_30 = arith.constant 0 : i32
      %dma_wait3A_31 = arith.constant 0 : i32
      %dma_wait3A_32 = tpu.memref_slice %arg9[%dma_wait3A_30, %dma_wait3A_31] : memref<320x128xf32, #tpu.memory_space<vmem>> -> memref<168x128xf32, #tpu.memory_space<vmem>>
      tpu.wait_dma2 semaphore(%run_scoped3A : memref<!tpu.dma_semaphore, #tpu.memory_space<semaphore_mem>>) src(%dma_wait3A_32 : memref<168x128xf32, #tpu.memory_space<vmem>>) dst(%dma_wait3A_29 : memref<168x128xf32, #tpu.memory_space<vmem_shared>>)
      tpu.yield
    }) : () -> ()
    %barrier3A = arith.constant 0 : index
    tpu.barrier barrier_id(%barrier3A)
    %while3A = arith.constant 0 : i32
    %while3A_5 = arith.constant 0 : i32
    %while3A_6 = arith.subi %select_n3A, %while3A_5 : i32
    %while3A_7 = arith.addi %while3A_5, %while3A_6 : i32
    %while3A_8 = arith.constant 1 : i32
    %while3A_9 = arith.divsi %while3A_6, %while3A_8 : i32
    %while3A_10 = arith.muli %while3A_9, %while3A_8 : i32
    %while3A_11 = arith.addi %while3A_5, %while3A_10 : i32
    %while3A_12 = arith.constant 1 : i32
    scf.for %while3A_15 = %while3A_5 to %while3A_11 step %while3A_12  : i32 {
      %mul3A_16 = arith.constant 320 : i32
      %mul3A_17 = arith.muli %while3A_15, %mul3A_16 : i32
      "tpu.region"() ({
        %run_scoped3A = tpu.sem_alloc : memref<!tpu.dma_semaphore, #tpu.memory_space<semaphore_mem>>
        %dma_start3A = tpu.memref_slice %arg7[%mul3A_17] : memref<20480xi32, #tpu.memory_space<vmem>> -> memref<320xi32, #tpu.memory_space<vmem>>
        %dma_start3A_18 = arith.constant 0 : i32
        %dma_start3A_19 = arith.constant 0 : i32
        %dma_start3A_20 = tpu.memref_slice %arg2[%dma_start3A_18, %dma_start3A_19] : memref<10240x128xf32, #tpu.memory_space<hbm>> -> memref<10240x128xf32, #tpu.memory_space<hbm>>
        tpu.enqueue_indirect_dma source(%dma_start3A_20 : memref<10240x128xf32, #tpu.memory_space<hbm>>) target(%arg9 : memref<320x128xf32, #tpu.memory_space<vmem>>) offsets(%dma_start3A : memref<320xi32, #tpu.memory_space<vmem>>) semaphore(%run_scoped3A : memref<!tpu.dma_semaphore, #tpu.memory_space<semaphore_mem>>)
        %dma_wait3A = tpu.memref_slice %arg7[%mul3A_17] : memref<20480xi32, #tpu.memory_space<vmem>> -> memref<320xi32, #tpu.memory_space<vmem>>
        %dma_wait3A_21 = arith.constant 0 : i32
        %dma_wait3A_22 = arith.constant 0 : i32
        %dma_wait3A_23 = tpu.memref_slice %arg2[%dma_wait3A_21, %dma_wait3A_22] : memref<10240x128xf32, #tpu.memory_space<hbm>> -> memref<10240x128xf32, #tpu.memory_space<hbm>>
        tpu.wait_indirect_dma semaphore(%run_scoped3A : memref<!tpu.dma_semaphore, #tpu.memory_space<semaphore_mem>>) src(%dma_wait3A_23 : memref<10240x128xf32, #tpu.memory_space<hbm>>) dst(%arg9 : memref<320x128xf32, #tpu.memory_space<vmem>>)
        tpu.yield
      }) : () -> ()
      "tpu.region"() ({
        %run_scoped3A = tpu.sem_alloc : memref<!tpu.dma_semaphore, #tpu.memory_space<semaphore_mem>>
        %dma_start3A = tpu.memref_slice %arg8[%mul3A_17] : memref<20480xi32, #tpu.memory_space<vmem>> -> memref<320xi32, #tpu.memory_space<vmem>>
        %dma_start3A_18 = arith.constant 0 : i32
        %dma_start3A_19 = arith.constant 0 : i32
        %dma_start3A_20 = tpu.memref_slice %arg10[%dma_start3A_18, %dma_start3A_19] : memref<5376x128xf32, #tpu.memory_space<vmem_shared>> -> memref<5376x128xf32, #tpu.memory_space<vmem_shared>>
        tpu.enqueue_indirect_dma source(%arg9 : memref<320x128xf32, #tpu.memory_space<vmem>>) target(%dma_start3A_20 : memref<5376x128xf32, #tpu.memory_space<vmem_shared>>) offsets(%dma_start3A : memref<320xi32, #tpu.memory_space<vmem>>) semaphore(%run_scoped3A : memref<!tpu.dma_semaphore, #tpu.memory_space<semaphore_mem>>) {add = true}
        %dma_wait3A = tpu.memref_slice %arg8[%mul3A_17] : memref<20480xi32, #tpu.memory_space<vmem>> -> memref<320xi32, #tpu.memory_space<vmem>>
        %dma_wait3A_21 = arith.constant 0 : i32
        %dma_wait3A_22 = arith.constant 0 : i32
        %dma_wait3A_23 = tpu.memref_slice %arg10[%dma_wait3A_21, %dma_wait3A_22] : memref<5376x128xf32, #tpu.memory_space<vmem_shared>> -> memref<5376x128xf32, #tpu.memory_space<vmem_shared>>
        tpu.wait_indirect_dma semaphore(%run_scoped3A : memref<!tpu.dma_semaphore, #tpu.memory_space<semaphore_mem>>) src(%arg9 : memref<320x128xf32, #tpu.memory_space<vmem>>) dst(%dma_wait3A_23 : memref<5376x128xf32, #tpu.memory_space<vmem_shared>>)
        tpu.yield
      }) : () -> ()
    }
    %while3A_13 = arith.constant 1 : i32
    scf.for %while3A_15 = %while3A_11 to %while3A_7 step %while3A_13  : i32 {
      %mul3A_16 = arith.constant 320 : i32
      %mul3A_17 = arith.muli %while3A_15, %mul3A_16 : i32
      "tpu.region"() ({
        %run_scoped3A = tpu.sem_alloc : memref<!tpu.dma_semaphore, #tpu.memory_space<semaphore_mem>>
        %dma_start3A = tpu.memref_slice %arg7[%mul3A_17] : memref<20480xi32, #tpu.memory_space<vmem>> -> memref<320xi32, #tpu.memory_space<vmem>>
        %dma_start3A_18 = arith.constant 0 : i32
        %dma_start3A_19 = arith.constant 0 : i32
        %dma_start3A_20 = tpu.memref_slice %arg2[%dma_start3A_18, %dma_start3A_19] : memref<10240x128xf32, #tpu.memory_space<hbm>> -> memref<10240x128xf32, #tpu.memory_space<hbm>>
        tpu.enqueue_indirect_dma source(%dma_start3A_20 : memref<10240x128xf32, #tpu.memory_space<hbm>>) target(%arg9 : memref<320x128xf32, #tpu.memory_space<vmem>>) offsets(%dma_start3A : memref<320xi32, #tpu.memory_space<vmem>>) semaphore(%run_scoped3A : memref<!tpu.dma_semaphore, #tpu.memory_space<semaphore_mem>>)
        %dma_wait3A = tpu.memref_slice %arg7[%mul3A_17] : memref<20480xi32, #tpu.memory_space<vmem>> -> memref<320xi32, #tpu.memory_space<vmem>>
        %dma_wait3A_21 = arith.constant 0 : i32
        %dma_wait3A_22 = arith.constant 0 : i32
        %dma_wait3A_23 = tpu.memref_slice %arg2[%dma_wait3A_21, %dma_wait3A_22] : memref<10240x128xf32, #tpu.memory_space<hbm>> -> memref<10240x128xf32, #tpu.memory_space<hbm>>
        tpu.wait_indirect_dma semaphore(%run_scoped3A : memref<!tpu.dma_semaphore, #tpu.memory_space<semaphore_mem>>) src(%dma_wait3A_23 : memref<10240x128xf32, #tpu.memory_space<hbm>>) dst(%arg9 : memref<320x128xf32, #tpu.memory_space<vmem>>)
        tpu.yield
      }) : () -> ()
      "tpu.region"() ({
        %run_scoped3A = tpu.sem_alloc : memref<!tpu.dma_semaphore, #tpu.memory_space<semaphore_mem>>
        %dma_start3A = tpu.memref_slice %arg8[%mul3A_17] : memref<20480xi32, #tpu.memory_space<vmem>> -> memref<320xi32, #tpu.memory_space<vmem>>
        %dma_start3A_18 = arith.constant 0 : i32
        %dma_start3A_19 = arith.constant 0 : i32
        %dma_start3A_20 = tpu.memref_slice %arg10[%dma_start3A_18, %dma_start3A_19] : memref<5376x128xf32, #tpu.memory_space<vmem_shared>> -> memref<5376x128xf32, #tpu.memory_space<vmem_shared>>
        tpu.enqueue_indirect_dma source(%arg9 : memref<320x128xf32, #tpu.memory_space<vmem>>) target(%dma_start3A_20 : memref<5376x128xf32, #tpu.memory_space<vmem_shared>>) offsets(%dma_start3A : memref<320xi32, #tpu.memory_space<vmem>>) semaphore(%run_scoped3A : memref<!tpu.dma_semaphore, #tpu.memory_space<semaphore_mem>>) {add = true}
        %dma_wait3A = tpu.memref_slice %arg8[%mul3A_17] : memref<20480xi32, #tpu.memory_space<vmem>> -> memref<320xi32, #tpu.memory_space<vmem>>
        %dma_wait3A_21 = arith.constant 0 : i32
        %dma_wait3A_22 = arith.constant 0 : i32
        %dma_wait3A_23 = tpu.memref_slice %arg10[%dma_wait3A_21, %dma_wait3A_22] : memref<5376x128xf32, #tpu.memory_space<vmem_shared>> -> memref<5376x128xf32, #tpu.memory_space<vmem_shared>>
        tpu.wait_indirect_dma semaphore(%run_scoped3A : memref<!tpu.dma_semaphore, #tpu.memory_space<semaphore_mem>>) src(%arg9 : memref<320x128xf32, #tpu.memory_space<vmem>>) dst(%dma_wait3A_23 : memref<5376x128xf32, #tpu.memory_space<vmem_shared>>)
        tpu.yield
      }) : () -> ()
    }
    %barrier3A_14 = arith.constant 0 : index
    tpu.barrier barrier_id(%barrier3A_14)
    "tpu.region"() ({
      %run_scoped3A = tpu.sem_alloc : memref<!tpu.dma_semaphore, #tpu.memory_space<semaphore_mem>>
      %dma_start3A = arith.constant 0 : i32
      %dma_start3A_15 = arith.constant 0 : i32
      %dma_start3A_16 = tpu.memref_slice %arg9[%dma_start3A, %dma_start3A_15] : memref<320x128xf32, #tpu.memory_space<vmem>> -> memref<168x128xf32, #tpu.memory_space<vmem>>
      %dma_start3A_17 = arith.constant 0 : i32
      %dma_start3A_18 = tpu.memref_slice %arg10[%mul3A_2, %dma_start3A_17] : memref<5376x128xf32, #tpu.memory_space<vmem_shared>> -> memref<168x128xf32, #tpu.memory_space<vmem_shared>>
      %dma_start3A_19 = arith.constant 0 : i32
      %dma_start3A_20 = arith.constant 0 : i32
      %dma_start3A_21 = tpu.memref_slice %arg9[%dma_start3A_19, %dma_start3A_20] : memref<320x128xf32, #tpu.memory_space<vmem>> -> memref<168x128xf32, #tpu.memory_space<vmem>>
      %dma_start3A_22 = arith.constant 0 : i32
      %dma_start3A_23 = tpu.memref_slice %arg10[%mul3A_2, %dma_start3A_22] : memref<5376x128xf32, #tpu.memory_space<vmem_shared>> -> memref<168x128xf32, #tpu.memory_space<vmem_shared>>
      tpu.enqueue_dma source(%dma_start3A_23 : memref<168x128xf32, #tpu.memory_space<vmem_shared>>) target(%dma_start3A_21 : memref<168x128xf32, #tpu.memory_space<vmem>>) target_semaphore(%run_scoped3A : memref<!tpu.dma_semaphore, #tpu.memory_space<semaphore_mem>>)
      %dma_wait3A = arith.constant 0 : i32
      %dma_wait3A_24 = arith.constant 0 : i32
      %dma_wait3A_25 = tpu.memref_slice %arg9[%dma_wait3A, %dma_wait3A_24] : memref<320x128xf32, #tpu.memory_space<vmem>> -> memref<168x128xf32, #tpu.memory_space<vmem>>
      %dma_wait3A_26 = arith.constant 0 : i32
      %dma_wait3A_27 = tpu.memref_slice %arg10[%mul3A_2, %dma_wait3A_26] : memref<5376x128xf32, #tpu.memory_space<vmem_shared>> -> memref<168x128xf32, #tpu.memory_space<vmem_shared>>
      %dma_wait3A_28 = arith.constant 0 : i32
      %dma_wait3A_29 = arith.constant 0 : i32
      %dma_wait3A_30 = tpu.memref_slice %arg9[%dma_wait3A_28, %dma_wait3A_29] : memref<320x128xf32, #tpu.memory_space<vmem>> -> memref<168x128xf32, #tpu.memory_space<vmem>>
      %dma_wait3A_31 = arith.constant 0 : i32
      %dma_wait3A_32 = tpu.memref_slice %arg10[%mul3A_2, %dma_wait3A_31] : memref<5376x128xf32, #tpu.memory_space<vmem_shared>> -> memref<168x128xf32, #tpu.memory_space<vmem_shared>>
      tpu.wait_dma2 semaphore(%run_scoped3A : memref<!tpu.dma_semaphore, #tpu.memory_space<semaphore_mem>>) src(%dma_wait3A_32 : memref<168x128xf32, #tpu.memory_space<vmem_shared>>) dst(%dma_wait3A_30 : memref<168x128xf32, #tpu.memory_space<vmem>>)
      tpu.yield
    }) : () -> ()
    "tpu.region"() ({
      %run_scoped3A = tpu.sem_alloc : memref<!tpu.dma_semaphore, #tpu.memory_space<semaphore_mem>>
      %dma_start3A = arith.constant 0 : i32
      %dma_start3A_15 = arith.constant 0 : i32
      %dma_start3A_16 = tpu.memref_slice %arg9[%dma_start3A, %dma_start3A_15] : memref<320x128xf32, #tpu.memory_space<vmem>> -> memref<168x128xf32, #tpu.memory_space<vmem>>
      %dma_start3A_17 = arith.constant 0 : i32
      %dma_start3A_18 = tpu.memref_slice %arg6[%arg0, %mul3A_2, %dma_start3A_17] : memref<2x5376x128xf32, #tpu.memory_space<hbm>> -> memref<1x168x128xf32, #tpu.memory_space<hbm>>
      %dma_start3A_19 = tpu.memref_squeeze %dma_start3A_18 : memref<1x168x128xf32, #tpu.memory_space<hbm>> -> memref<168x128xf32, #tpu.memory_space<hbm>>
      %dma_start3A_20 = arith.constant 0 : i32
      %dma_start3A_21 = tpu.memref_slice %arg6[%arg0, %mul3A_2, %dma_start3A_20] : memref<2x5376x128xf32, #tpu.memory_space<hbm>> -> memref<1x168x128xf32, #tpu.memory_space<hbm>>
      %dma_start3A_22 = tpu.memref_squeeze %dma_start3A_21 : memref<1x168x128xf32, #tpu.memory_space<hbm>> -> memref<168x128xf32, #tpu.memory_space<hbm>>
      %dma_start3A_23 = arith.constant 0 : i32
      %dma_start3A_24 = arith.constant 0 : i32
      %dma_start3A_25 = tpu.memref_slice %arg9[%dma_start3A_23, %dma_start3A_24] : memref<320x128xf32, #tpu.memory_space<vmem>> -> memref<168x128xf32, #tpu.memory_space<vmem>>
      tpu.enqueue_dma source(%dma_start3A_25 : memref<168x128xf32, #tpu.memory_space<vmem>>) target(%dma_start3A_22 : memref<168x128xf32, #tpu.memory_space<hbm>>) target_semaphore(%run_scoped3A : memref<!tpu.dma_semaphore, #tpu.memory_space<semaphore_mem>>)
      %dma_wait3A = arith.constant 0 : i32
      %dma_wait3A_26 = arith.constant 0 : i32
      %dma_wait3A_27 = tpu.memref_slice %arg9[%dma_wait3A, %dma_wait3A_26] : memref<320x128xf32, #tpu.memory_space<vmem>> -> memref<168x128xf32, #tpu.memory_space<vmem>>
      %dma_wait3A_28 = arith.constant 0 : i32
      %dma_wait3A_29 = tpu.memref_slice %arg6[%arg0, %mul3A_2, %dma_wait3A_28] : memref<2x5376x128xf32, #tpu.memory_space<hbm>> -> memref<1x168x128xf32, #tpu.memory_space<hbm>>
      %dma_wait3A_30 = tpu.memref_squeeze %dma_wait3A_29 : memref<1x168x128xf32, #tpu.memory_space<hbm>> -> memref<168x128xf32, #tpu.memory_space<hbm>>
      %dma_wait3A_31 = arith.constant 0 : i32
      %dma_wait3A_32 = tpu.memref_slice %arg6[%arg0, %mul3A_2, %dma_wait3A_31] : memref<2x5376x128xf32, #tpu.memory_space<hbm>> -> memref<1x168x128xf32, #tpu.memory_space<hbm>>
      %dma_wait3A_33 = tpu.memref_squeeze %dma_wait3A_32 : memref<1x168x128xf32, #tpu.memory_space<hbm>> -> memref<168x128xf32, #tpu.memory_space<hbm>>
      %dma_wait3A_34 = arith.constant 0 : i32
      %dma_wait3A_35 = arith.constant 0 : i32
      %dma_wait3A_36 = tpu.memref_slice %arg9[%dma_wait3A_34, %dma_wait3A_35] : memref<320x128xf32, #tpu.memory_space<vmem>> -> memref<168x128xf32, #tpu.memory_space<vmem>>
      tpu.wait_dma2 semaphore(%run_scoped3A : memref<!tpu.dma_semaphore, #tpu.memory_space<semaphore_mem>>) src(%dma_wait3A_36 : memref<168x128xf32, #tpu.memory_space<vmem>>) dst(%dma_wait3A_33 : memref<168x128xf32, #tpu.memory_space<hbm>>)
      tpu.yield
    }) : () -> ()
    return
  }
}

#map = affine_map<(d0, d1) -> (0, 0, 0)>
#map1 = affine_map<(d0, d1) -> (0)>
module attributes {stable_mosaic.version = 14 : i64} {
  func.func @_deg_kernel(%arg0: i32, %arg1: i32, %arg2: memref<32x160x128xi32, #tpu.memory_space<hbm>>, %arg3: memref<128xf32, #tpu.memory_space<hbm>>, %arg4: memref<10240xf32, #tpu.memory_space<hbm>>, %arg5: memref<20480xf32, #tpu.memory_space<hbm>>, %arg6: memref<160x128xi32, #tpu.memory_space<vmem>>, %arg7: memref<128xf32, #tpu.memory_space<vmem>>, %arg8: memref<320xf32, #tpu.memory_space<vmem>>, %arg9: memref<10240xf32, #tpu.memory_space<vmem_shared>>, %arg10: memref<!tpu.dma_semaphore, #tpu.memory_space<semaphore_mem>>) attributes {dimension_semantics = [#tpu.dimension_semantics<core_parallel>, #tpu.dimension_semantics<subcore_parallel>], iteration_bounds = array<i64: 2, 16>, scalar_prefetch = 0 : i64, scratch_operands = 5 : i64, tpu.core_type = #tpu.core_type<sc_vector_subcore>, window_params = [{transform_indices = #map}, {transform_indices = #map1}, {transform_indices = #map1}, {transform_indices = #map1}]} {
    %mul3A = arith.constant 2 : i32
    %mul3A_0 = arith.muli %arg1, %mul3A : i32
    %add3A = arith.addi %mul3A_0, %arg0 : i32
    %mul3A_1 = arith.constant 320 : i32
    %mul3A_2 = arith.muli %arg1, %mul3A_1 : i32
    "tpu.region"() ({
      %run_scoped3A = tpu.sem_alloc : memref<!tpu.dma_semaphore, #tpu.memory_space<semaphore_mem>>
      tpu.enqueue_dma source(%arg3 : memref<128xf32, #tpu.memory_space<hbm>>) target(%arg7 : memref<128xf32, #tpu.memory_space<vmem>>) target_semaphore(%run_scoped3A : memref<!tpu.dma_semaphore, #tpu.memory_space<semaphore_mem>>)
      tpu.wait_dma2 semaphore(%run_scoped3A : memref<!tpu.dma_semaphore, #tpu.memory_space<semaphore_mem>>) src(%arg3 : memref<128xf32, #tpu.memory_space<hbm>>) dst(%arg7 : memref<128xf32, #tpu.memory_space<vmem>>)
      tpu.yield
    }) : () -> ()
    "tpu.region"() ({
      %run_scoped3A = tpu.sem_alloc : memref<!tpu.dma_semaphore, #tpu.memory_space<semaphore_mem>>
      %dma_start3A = tpu.memref_slice %arg4[%mul3A_2] : memref<10240xf32, #tpu.memory_space<hbm>> -> memref<320xf32, #tpu.memory_space<hbm>>
      %dma_start3A_18 = tpu.memref_slice %arg4[%mul3A_2] : memref<10240xf32, #tpu.memory_space<hbm>> -> memref<320xf32, #tpu.memory_space<hbm>>
      tpu.enqueue_dma source(%dma_start3A_18 : memref<320xf32, #tpu.memory_space<hbm>>) target(%arg8 : memref<320xf32, #tpu.memory_space<vmem>>) target_semaphore(%run_scoped3A : memref<!tpu.dma_semaphore, #tpu.memory_space<semaphore_mem>>)
      %dma_wait3A = tpu.memref_slice %arg4[%mul3A_2] : memref<10240xf32, #tpu.memory_space<hbm>> -> memref<320xf32, #tpu.memory_space<hbm>>
      %dma_wait3A_19 = tpu.memref_slice %arg4[%mul3A_2] : memref<10240xf32, #tpu.memory_space<hbm>> -> memref<320xf32, #tpu.memory_space<hbm>>
      tpu.wait_dma2 semaphore(%run_scoped3A : memref<!tpu.dma_semaphore, #tpu.memory_space<semaphore_mem>>) src(%dma_wait3A_19 : memref<320xf32, #tpu.memory_space<hbm>>) dst(%arg8 : memref<320xf32, #tpu.memory_space<vmem>>)
      tpu.yield
    }) : () -> ()
    "tpu.region"() ({
      %run_scoped3A = tpu.sem_alloc : memref<!tpu.dma_semaphore, #tpu.memory_space<semaphore_mem>>
      %dma_start3A = tpu.memref_slice %arg9[%mul3A_2] : memref<10240xf32, #tpu.memory_space<vmem_shared>> -> memref<320xf32, #tpu.memory_space<vmem_shared>>
      %dma_start3A_18 = tpu.memref_slice %arg9[%mul3A_2] : memref<10240xf32, #tpu.memory_space<vmem_shared>> -> memref<320xf32, #tpu.memory_space<vmem_shared>>
      tpu.enqueue_dma source(%arg8 : memref<320xf32, #tpu.memory_space<vmem>>) target(%dma_start3A_18 : memref<320xf32, #tpu.memory_space<vmem_shared>>) target_semaphore(%run_scoped3A : memref<!tpu.dma_semaphore, #tpu.memory_space<semaphore_mem>>)
      %dma_wait3A = tpu.memref_slice %arg9[%mul3A_2] : memref<10240xf32, #tpu.memory_space<vmem_shared>> -> memref<320xf32, #tpu.memory_space<vmem_shared>>
      %dma_wait3A_19 = tpu.memref_slice %arg9[%mul3A_2] : memref<10240xf32, #tpu.memory_space<vmem_shared>> -> memref<320xf32, #tpu.memory_space<vmem_shared>>
      tpu.wait_dma2 semaphore(%run_scoped3A : memref<!tpu.dma_semaphore, #tpu.memory_space<semaphore_mem>>) src(%arg8 : memref<320xf32, #tpu.memory_space<vmem>>) dst(%dma_wait3A_19 : memref<320xf32, #tpu.memory_space<vmem_shared>>)
      tpu.yield
    }) : () -> ()
    "tpu.region"() ({
      %run_scoped3A = tpu.sem_alloc : memref<!tpu.dma_semaphore, #tpu.memory_space<semaphore_mem>>
      %dma_start3A = arith.constant 0 : i32
      %dma_start3A_18 = arith.constant 0 : i32
      %dma_start3A_19 = tpu.memref_slice %arg2[%add3A, %dma_start3A, %dma_start3A_18] : memref<32x160x128xi32, #tpu.memory_space<hbm>> -> memref<1x160x128xi32, #tpu.memory_space<hbm>>
      %dma_start3A_20 = tpu.memref_squeeze %dma_start3A_19 : memref<1x160x128xi32, #tpu.memory_space<hbm>> -> memref<160x128xi32, #tpu.memory_space<hbm>>
      %dma_start3A_21 = arith.constant 0 : i32
      %dma_start3A_22 = arith.constant 0 : i32
      %dma_start3A_23 = tpu.memref_slice %arg2[%add3A, %dma_start3A_21, %dma_start3A_22] : memref<32x160x128xi32, #tpu.memory_space<hbm>> -> memref<1x160x128xi32, #tpu.memory_space<hbm>>
      %dma_start3A_24 = tpu.memref_squeeze %dma_start3A_23 : memref<1x160x128xi32, #tpu.memory_space<hbm>> -> memref<160x128xi32, #tpu.memory_space<hbm>>
      tpu.enqueue_dma source(%dma_start3A_24 : memref<160x128xi32, #tpu.memory_space<hbm>>) target(%arg6 : memref<160x128xi32, #tpu.memory_space<vmem>>) target_semaphore(%run_scoped3A : memref<!tpu.dma_semaphore, #tpu.memory_space<semaphore_mem>>)
      %dma_wait3A = arith.constant 0 : i32
      %dma_wait3A_25 = arith.constant 0 : i32
      %dma_wait3A_26 = tpu.memref_slice %arg2[%add3A, %dma_wait3A, %dma_wait3A_25] : memref<32x160x128xi32, #tpu.memory_space<hbm>> -> memref<1x160x128xi32, #tpu.memory_space<hbm>>
      %dma_wait3A_27 = tpu.memref_squeeze %dma_wait3A_26 : memref<1x160x128xi32, #tpu.memory_space<hbm>> -> memref<160x128xi32, #tpu.memory_space<hbm>>
      %dma_wait3A_28 = arith.constant 0 : i32
      %dma_wait3A_29 = arith.constant 0 : i32
      %dma_wait3A_30 = tpu.memref_slice %arg2[%add3A, %dma_wait3A_28, %dma_wait3A_29] : memref<32x160x128xi32, #tpu.memory_space<hbm>> -> memref<1x160x128xi32, #tpu.memory_space<hbm>>
      %dma_wait3A_31 = tpu.memref_squeeze %dma_wait3A_30 : memref<1x160x128xi32, #tpu.memory_space<hbm>> -> memref<160x128xi32, #tpu.memory_space<hbm>>
      tpu.wait_dma2 semaphore(%run_scoped3A : memref<!tpu.dma_semaphore, #tpu.memory_space<semaphore_mem>>) src(%dma_wait3A_31 : memref<160x128xi32, #tpu.memory_space<hbm>>) dst(%arg6 : memref<160x128xi32, #tpu.memory_space<vmem>>)
      tpu.yield
    }) : () -> ()
    %barrier3A = arith.constant 0 : index
    tpu.barrier barrier_id(%barrier3A)
    %scan3A = arith.constant 0 : i32
    %scan3A_3 = arith.constant 0 : i32
    %scan3A_4 = arith.constant 160 : i32
    %scan3A_5 = arith.addi %scan3A_3, %scan3A_4 : i32
    %scan3A_6 = arith.constant 1 : i32
    scf.for %scan3A_18 = %scan3A_3 to %scan3A_5 step %scan3A_6  : i32 {
      %dma_start3A = arith.constant 0 : i32
      %dma_start3A_19 = tpu.memref_slice %arg6[%scan3A_18, %dma_start3A] : memref<160x128xi32, #tpu.memory_space<vmem>> -> memref<1x128xi32, #tpu.memory_space<vmem>>
      %dma_start3A_20 = tpu.memref_squeeze %dma_start3A_19 : memref<1x128xi32, #tpu.memory_space<vmem>> -> memref<128xi32, #tpu.memory_space<vmem>>
      %dma_start3A_21 = arith.constant 0 : i32
      %dma_start3A_22 = tpu.memref_slice %arg9[%dma_start3A_21] : memref<10240xf32, #tpu.memory_space<vmem_shared>> -> memref<10240xf32, #tpu.memory_space<vmem_shared>>
      tpu.enqueue_indirect_dma source(%arg7 : memref<128xf32, #tpu.memory_space<vmem>>) target(%dma_start3A_22 : memref<10240xf32, #tpu.memory_space<vmem_shared>>) offsets(%dma_start3A_20 : memref<128xi32, #tpu.memory_space<vmem>>) semaphore(%arg10 : memref<!tpu.dma_semaphore, #tpu.memory_space<semaphore_mem>>) {add = true}
      %ge3A = arith.constant 8 : i32
      %ge3A_23 = arith.cmpi sge, %scan3A_18, %ge3A : i32
      %convert_element_type3A = arith.extui %ge3A_23 : i1 to i32
      %cond3A = arith.constant 0 : i32
      %cond3A_24 = arith.cmpi ne, %convert_element_type3A, %cond3A : i32
      scf.if %cond3A_24 {
        %sub3A = arith.constant 8 : i32
        %sub3A_25 = arith.subi %scan3A_18, %sub3A : i32
        %dma_wait3A = arith.constant 0 : i32
        %dma_wait3A_26 = tpu.memref_slice %arg6[%sub3A_25, %dma_wait3A] : memref<160x128xi32, #tpu.memory_space<vmem>> -> memref<1x128xi32, #tpu.memory_space<vmem>>
        %dma_wait3A_27 = tpu.memref_squeeze %dma_wait3A_26 : memref<1x128xi32, #tpu.memory_space<vmem>> -> memref<128xi32, #tpu.memory_space<vmem>>
        %dma_wait3A_28 = arith.constant 0 : i32
        %dma_wait3A_29 = tpu.memref_slice %arg9[%dma_wait3A_28] : memref<10240xf32, #tpu.memory_space<vmem_shared>> -> memref<10240xf32, #tpu.memory_space<vmem_shared>>
        tpu.wait_indirect_dma semaphore(%arg10 : memref<!tpu.dma_semaphore, #tpu.memory_space<semaphore_mem>>) src(%arg7 : memref<128xf32, #tpu.memory_space<vmem>>) dst(%dma_wait3A_29 : memref<10240xf32, #tpu.memory_space<vmem_shared>>)
      } else {
      }
    }
    %scan3A_7 = arith.constant 160 : i32
    %scan3A_8 = arith.constant 0 : i32
    %scan3A_9 = arith.constant 152 : i32
    %scan3A_10 = arith.constant 8 : i32
    %scan3A_11 = arith.addi %scan3A_9, %scan3A_10 : i32
    %scan3A_12 = arith.constant 1 : i32
    scf.for %scan3A_18 = %scan3A_9 to %scan3A_11 step %scan3A_12  : i32 {
      %dma_wait3A = arith.constant 0 : i32
      %dma_wait3A_19 = tpu.memref_slice %arg6[%scan3A_18, %dma_wait3A] : memref<160x128xi32, #tpu.memory_space<vmem>> -> memref<1x128xi32, #tpu.memory_space<vmem>>
      %dma_wait3A_20 = tpu.memref_squeeze %dma_wait3A_19 : memref<1x128xi32, #tpu.memory_space<vmem>> -> memref<128xi32, #tpu.memory_space<vmem>>
      %dma_wait3A_21 = arith.constant 0 : i32
      %dma_wait3A_22 = tpu.memref_slice %arg9[%dma_wait3A_21] : memref<10240xf32, #tpu.memory_space<vmem_shared>> -> memref<10240xf32, #tpu.memory_space<vmem_shared>>
      tpu.wait_indirect_dma semaphore(%arg10 : memref<!tpu.dma_semaphore, #tpu.memory_space<semaphore_mem>>) src(%arg7 : memref<128xf32, #tpu.memory_space<vmem>>) dst(%dma_wait3A_22 : memref<10240xf32, #tpu.memory_space<vmem_shared>>)
    }
    %scan3A_13 = arith.constant 8 : i32
    %barrier3A_14 = arith.constant 0 : index
    tpu.barrier barrier_id(%barrier3A_14)
    "tpu.region"() ({
      %run_scoped3A = tpu.sem_alloc : memref<!tpu.dma_semaphore, #tpu.memory_space<semaphore_mem>>
      %dma_start3A = tpu.memref_slice %arg9[%mul3A_2] : memref<10240xf32, #tpu.memory_space<vmem_shared>> -> memref<320xf32, #tpu.memory_space<vmem_shared>>
      %dma_start3A_18 = tpu.memref_slice %arg9[%mul3A_2] : memref<10240xf32, #tpu.memory_space<vmem_shared>> -> memref<320xf32, #tpu.memory_space<vmem_shared>>
      tpu.enqueue_dma source(%dma_start3A_18 : memref<320xf32, #tpu.memory_space<vmem_shared>>) target(%arg8 : memref<320xf32, #tpu.memory_space<vmem>>) target_semaphore(%run_scoped3A : memref<!tpu.dma_semaphore, #tpu.memory_space<semaphore_mem>>)
      %dma_wait3A = tpu.memref_slice %arg9[%mul3A_2] : memref<10240xf32, #tpu.memory_space<vmem_shared>> -> memref<320xf32, #tpu.memory_space<vmem_shared>>
      %dma_wait3A_19 = tpu.memref_slice %arg9[%mul3A_2] : memref<10240xf32, #tpu.memory_space<vmem_shared>> -> memref<320xf32, #tpu.memory_space<vmem_shared>>
      tpu.wait_dma2 semaphore(%run_scoped3A : memref<!tpu.dma_semaphore, #tpu.memory_space<semaphore_mem>>) src(%dma_wait3A_19 : memref<320xf32, #tpu.memory_space<vmem_shared>>) dst(%arg8 : memref<320xf32, #tpu.memory_space<vmem>>)
      tpu.yield
    }) : () -> ()
    %mul3A_15 = arith.constant 10240 : i32
    %mul3A_16 = arith.muli %arg0, %mul3A_15 : i32
    %add3A_17 = arith.addi %mul3A_16, %mul3A_2 : i32
    "tpu.region"() ({
      %run_scoped3A = tpu.sem_alloc : memref<!tpu.dma_semaphore, #tpu.memory_space<semaphore_mem>>
      %dma_start3A = tpu.memref_slice %arg5[%add3A_17] : memref<20480xf32, #tpu.memory_space<hbm>> -> memref<320xf32, #tpu.memory_space<hbm>>
      %dma_start3A_18 = tpu.memref_slice %arg5[%add3A_17] : memref<20480xf32, #tpu.memory_space<hbm>> -> memref<320xf32, #tpu.memory_space<hbm>>
      tpu.enqueue_dma source(%arg8 : memref<320xf32, #tpu.memory_space<vmem>>) target(%dma_start3A_18 : memref<320xf32, #tpu.memory_space<hbm>>) target_semaphore(%run_scoped3A : memref<!tpu.dma_semaphore, #tpu.memory_space<semaphore_mem>>)
      %dma_wait3A = tpu.memref_slice %arg5[%add3A_17] : memref<20480xf32, #tpu.memory_space<hbm>> -> memref<320xf32, #tpu.memory_space<hbm>>
      %dma_wait3A_19 = tpu.memref_slice %arg5[%add3A_17] : memref<20480xf32, #tpu.memory_space<hbm>> -> memref<320xf32, #tpu.memory_space<hbm>>
      tpu.wait_dma2 semaphore(%run_scoped3A : memref<!tpu.dma_semaphore, #tpu.memory_space<semaphore_mem>>) src(%arg8 : memref<320xf32, #tpu.memory_space<vmem>>) dst(%dma_wait3A_19 : memref<320xf32, #tpu.memory_space<hbm>>)
      tpu.yield
    }) : () -> ()
    return
  }
}

#map = affine_map<(d0, d1) -> (0, 0)>
#map1 = affine_map<(d0, d1) -> (0, 0, 0)>
module attributes {stable_mosaic.version = 14 : i64} {
  func.func @_agg_kernel(%arg0: i32, %arg1: i32, %arg2: memref<10240x128xf32, #tpu.memory_space<hbm>>, %arg3: memref<32x20480xi32, #tpu.memory_space<hbm>>, %arg4: memref<32x20480xi32, #tpu.memory_space<hbm>>, %arg5: memref<5376x128xf32, #tpu.memory_space<hbm>>, %arg6: memref<2x5376x128xf32, #tpu.memory_space<hbm>>, %arg7: memref<20480xi32, #tpu.memory_space<vmem>>, %arg8: memref<20480xi32, #tpu.memory_space<vmem>>, %arg9: memref<320x128xf32, #tpu.memory_space<vmem>>, %arg10: memref<5376x128xf32, #tpu.memory_space<vmem_shared>>) attributes {dimension_semantics = [#tpu.dimension_semantics<core_parallel>, #tpu.dimension_semantics<subcore_parallel>], iteration_bounds = array<i64: 2, 16>, scalar_prefetch = 0 : i64, scratch_operands = 4 : i64, tpu.core_type = #tpu.core_type<sc_vector_subcore>, window_params = [{transform_indices = #map}, {transform_indices = #map}, {transform_indices = #map}, {transform_indices = #map}, {transform_indices = #map1}]} {
    %mul3A = arith.constant 2 : i32
    %mul3A_0 = arith.muli %arg1, %mul3A : i32
    %add3A = arith.addi %mul3A_0, %arg0 : i32
    %mul3A_1 = arith.constant 168 : i32
    %mul3A_2 = arith.muli %arg1, %mul3A_1 : i32
    %eq3A = arith.constant 0 : i32
    %eq3A_3 = arith.cmpi eq, %arg0, %eq3A : i32
    %jit3A = arith.constant 64 : i32
    %jit3A_4 = arith.constant 64 : i32
    %select_n3A = arith.select %eq3A_3, %jit3A, %jit3A_4 : i32
    "tpu.region"() ({
      %run_scoped3A = tpu.sem_alloc : memref<!tpu.dma_semaphore, #tpu.memory_space<semaphore_mem>>
      %dma_start3A = arith.constant 0 : i32
      %dma_start3A_15 = tpu.memref_slice %arg3[%add3A, %dma_start3A] : memref<32x20480xi32, #tpu.memory_space<hbm>> -> memref<1x20480xi32, #tpu.memory_space<hbm>>
      %dma_start3A_16 = tpu.memref_squeeze %dma_start3A_15 : memref<1x20480xi32, #tpu.memory_space<hbm>> -> memref<20480xi32, #tpu.memory_space<hbm>>
      %dma_start3A_17 = arith.constant 0 : i32
      %dma_start3A_18 = tpu.memref_slice %arg3[%add3A, %dma_start3A_17] : memref<32x20480xi32, #tpu.memory_space<hbm>> -> memref<1x20480xi32, #tpu.memory_space<hbm>>
      %dma_start3A_19 = tpu.memref_squeeze %dma_start3A_18 : memref<1x20480xi32, #tpu.memory_space<hbm>> -> memref<20480xi32, #tpu.memory_space<hbm>>
      tpu.enqueue_dma source(%dma_start3A_19 : memref<20480xi32, #tpu.memory_space<hbm>>) target(%arg7 : memref<20480xi32, #tpu.memory_space<vmem>>) target_semaphore(%run_scoped3A : memref<!tpu.dma_semaphore, #tpu.memory_space<semaphore_mem>>)
      %dma_wait3A = arith.constant 0 : i32
      %dma_wait3A_20 = tpu.memref_slice %arg3[%add3A, %dma_wait3A] : memref<32x20480xi32, #tpu.memory_space<hbm>> -> memref<1x20480xi32, #tpu.memory_space<hbm>>
      %dma_wait3A_21 = tpu.memref_squeeze %dma_wait3A_20 : memref<1x20480xi32, #tpu.memory_space<hbm>> -> memref<20480xi32, #tpu.memory_space<hbm>>
      %dma_wait3A_22 = arith.constant 0 : i32
      %dma_wait3A_23 = tpu.memref_slice %arg3[%add3A, %dma_wait3A_22] : memref<32x20480xi32, #tpu.memory_space<hbm>> -> memref<1x20480xi32, #tpu.memory_space<hbm>>
      %dma_wait3A_24 = tpu.memref_squeeze %dma_wait3A_23 : memref<1x20480xi32, #tpu.memory_space<hbm>> -> memref<20480xi32, #tpu.memory_space<hbm>>
      tpu.wait_dma2 semaphore(%run_scoped3A : memref<!tpu.dma_semaphore, #tpu.memory_space<semaphore_mem>>) src(%dma_wait3A_24 : memref<20480xi32, #tpu.memory_space<hbm>>) dst(%arg7 : memref<20480xi32, #tpu.memory_space<vmem>>)
      tpu.yield
    }) : () -> ()
    "tpu.region"() ({
      %run_scoped3A = tpu.sem_alloc : memref<!tpu.dma_semaphore, #tpu.memory_space<semaphore_mem>>
      %dma_start3A = arith.constant 0 : i32
      %dma_start3A_15 = tpu.memref_slice %arg4[%add3A, %dma_start3A] : memref<32x20480xi32, #tpu.memory_space<hbm>> -> memref<1x20480xi32, #tpu.memory_space<hbm>>
      %dma_start3A_16 = tpu.memref_squeeze %dma_start3A_15 : memref<1x20480xi32, #tpu.memory_space<hbm>> -> memref<20480xi32, #tpu.memory_space<hbm>>
      %dma_start3A_17 = arith.constant 0 : i32
      %dma_start3A_18 = tpu.memref_slice %arg4[%add3A, %dma_start3A_17] : memref<32x20480xi32, #tpu.memory_space<hbm>> -> memref<1x20480xi32, #tpu.memory_space<hbm>>
      %dma_start3A_19 = tpu.memref_squeeze %dma_start3A_18 : memref<1x20480xi32, #tpu.memory_space<hbm>> -> memref<20480xi32, #tpu.memory_space<hbm>>
      tpu.enqueue_dma source(%dma_start3A_19 : memref<20480xi32, #tpu.memory_space<hbm>>) target(%arg8 : memref<20480xi32, #tpu.memory_space<vmem>>) target_semaphore(%run_scoped3A : memref<!tpu.dma_semaphore, #tpu.memory_space<semaphore_mem>>)
      %dma_wait3A = arith.constant 0 : i32
      %dma_wait3A_20 = tpu.memref_slice %arg4[%add3A, %dma_wait3A] : memref<32x20480xi32, #tpu.memory_space<hbm>> -> memref<1x20480xi32, #tpu.memory_space<hbm>>
      %dma_wait3A_21 = tpu.memref_squeeze %dma_wait3A_20 : memref<1x20480xi32, #tpu.memory_space<hbm>> -> memref<20480xi32, #tpu.memory_space<hbm>>
      %dma_wait3A_22 = arith.constant 0 : i32
      %dma_wait3A_23 = tpu.memref_slice %arg4[%add3A, %dma_wait3A_22] : memref<32x20480xi32, #tpu.memory_space<hbm>> -> memref<1x20480xi32, #tpu.memory_space<hbm>>
      %dma_wait3A_24 = tpu.memref_squeeze %dma_wait3A_23 : memref<1x20480xi32, #tpu.memory_space<hbm>> -> memref<20480xi32, #tpu.memory_space<hbm>>
      tpu.wait_dma2 semaphore(%run_scoped3A : memref<!tpu.dma_semaphore, #tpu.memory_space<semaphore_mem>>) src(%dma_wait3A_24 : memref<20480xi32, #tpu.memory_space<hbm>>) dst(%arg8 : memref<20480xi32, #tpu.memory_space<vmem>>)
      tpu.yield
    }) : () -> ()
    "tpu.region"() ({
      %run_scoped3A = tpu.sem_alloc : memref<!tpu.dma_semaphore, #tpu.memory_space<semaphore_mem>>
      %dma_start3A = arith.constant 0 : i32
      %dma_start3A_15 = arith.constant 0 : i32
      %dma_start3A_16 = tpu.memref_slice %arg9[%dma_start3A, %dma_start3A_15] : memref<320x128xf32, #tpu.memory_space<vmem>> -> memref<168x128xf32, #tpu.memory_space<vmem>>
      %dma_start3A_17 = arith.constant 0 : i32
      %dma_start3A_18 = tpu.memref_slice %arg5[%mul3A_2, %dma_start3A_17] : memref<5376x128xf32, #tpu.memory_space<hbm>> -> memref<168x128xf32, #tpu.memory_space<hbm>>
      %dma_start3A_19 = arith.constant 0 : i32
      %dma_start3A_20 = arith.constant 0 : i32
      %dma_start3A_21 = tpu.memref_slice %arg9[%dma_start3A_19, %dma_start3A_20] : memref<320x128xf32, #tpu.memory_space<vmem>> -> memref<168x128xf32, #tpu.memory_space<vmem>>
      %dma_start3A_22 = arith.constant 0 : i32
      %dma_start3A_23 = tpu.memref_slice %arg5[%mul3A_2, %dma_start3A_22] : memref<5376x128xf32, #tpu.memory_space<hbm>> -> memref<168x128xf32, #tpu.memory_space<hbm>>
      tpu.enqueue_dma source(%dma_start3A_23 : memref<168x128xf32, #tpu.memory_space<hbm>>) target(%dma_start3A_21 : memref<168x128xf32, #tpu.memory_space<vmem>>) target_semaphore(%run_scoped3A : memref<!tpu.dma_semaphore, #tpu.memory_space<semaphore_mem>>)
      %dma_wait3A = arith.constant 0 : i32
      %dma_wait3A_24 = arith.constant 0 : i32
      %dma_wait3A_25 = tpu.memref_slice %arg9[%dma_wait3A, %dma_wait3A_24] : memref<320x128xf32, #tpu.memory_space<vmem>> -> memref<168x128xf32, #tpu.memory_space<vmem>>
      %dma_wait3A_26 = arith.constant 0 : i32
      %dma_wait3A_27 = tpu.memref_slice %arg5[%mul3A_2, %dma_wait3A_26] : memref<5376x128xf32, #tpu.memory_space<hbm>> -> memref<168x128xf32, #tpu.memory_space<hbm>>
      %dma_wait3A_28 = arith.constant 0 : i32
      %dma_wait3A_29 = arith.constant 0 : i32
      %dma_wait3A_30 = tpu.memref_slice %arg9[%dma_wait3A_28, %dma_wait3A_29] : memref<320x128xf32, #tpu.memory_space<vmem>> -> memref<168x128xf32, #tpu.memory_space<vmem>>
      %dma_wait3A_31 = arith.constant 0 : i32
      %dma_wait3A_32 = tpu.memref_slice %arg5[%mul3A_2, %dma_wait3A_31] : memref<5376x128xf32, #tpu.memory_space<hbm>> -> memref<168x128xf32, #tpu.memory_space<hbm>>
      tpu.wait_dma2 semaphore(%run_scoped3A : memref<!tpu.dma_semaphore, #tpu.memory_space<semaphore_mem>>) src(%dma_wait3A_32 : memref<168x128xf32, #tpu.memory_space<hbm>>) dst(%dma_wait3A_30 : memref<168x128xf32, #tpu.memory_space<vmem>>)
      tpu.yield
    }) : () -> ()
    "tpu.region"() ({
      %run_scoped3A = tpu.sem_alloc : memref<!tpu.dma_semaphore, #tpu.memory_space<semaphore_mem>>
      %dma_start3A = arith.constant 0 : i32
      %dma_start3A_15 = arith.constant 0 : i32
      %dma_start3A_16 = tpu.memref_slice %arg9[%dma_start3A, %dma_start3A_15] : memref<320x128xf32, #tpu.memory_space<vmem>> -> memref<168x128xf32, #tpu.memory_space<vmem>>
      %dma_start3A_17 = arith.constant 0 : i32
      %dma_start3A_18 = tpu.memref_slice %arg10[%mul3A_2, %dma_start3A_17] : memref<5376x128xf32, #tpu.memory_space<vmem_shared>> -> memref<168x128xf32, #tpu.memory_space<vmem_shared>>
      %dma_start3A_19 = arith.constant 0 : i32
      %dma_start3A_20 = tpu.memref_slice %arg10[%mul3A_2, %dma_start3A_19] : memref<5376x128xf32, #tpu.memory_space<vmem_shared>> -> memref<168x128xf32, #tpu.memory_space<vmem_shared>>
      %dma_start3A_21 = arith.constant 0 : i32
      %dma_start3A_22 = arith.constant 0 : i32
      %dma_start3A_23 = tpu.memref_slice %arg9[%dma_start3A_21, %dma_start3A_22] : memref<320x128xf32, #tpu.memory_space<vmem>> -> memref<168x128xf32, #tpu.memory_space<vmem>>
      tpu.enqueue_dma source(%dma_start3A_23 : memref<168x128xf32, #tpu.memory_space<vmem>>) target(%dma_start3A_20 : memref<168x128xf32, #tpu.memory_space<vmem_shared>>) target_semaphore(%run_scoped3A : memref<!tpu.dma_semaphore, #tpu.memory_space<semaphore_mem>>)
      %dma_wait3A = arith.constant 0 : i32
      %dma_wait3A_24 = arith.constant 0 : i32
      %dma_wait3A_25 = tpu.memref_slice %arg9[%dma_wait3A, %dma_wait3A_24] : memref<320x128xf32, #tpu.memory_space<vmem>> -> memref<168x128xf32, #tpu.memory_space<vmem>>
      %dma_wait3A_26 = arith.constant 0 : i32
      %dma_wait3A_27 = tpu.memref_slice %arg10[%mul3A_2, %dma_wait3A_26] : memref<5376x128xf32, #tpu.memory_space<vmem_shared>> -> memref<168x128xf32, #tpu.memory_space<vmem_shared>>
      %dma_wait3A_28 = arith.constant 0 : i32
      %dma_wait3A_29 = tpu.memref_slice %arg10[%mul3A_2, %dma_wait3A_28] : memref<5376x128xf32, #tpu.memory_space<vmem_shared>> -> memref<168x128xf32, #tpu.memory_space<vmem_shared>>
      %dma_wait3A_30 = arith.constant 0 : i32
      %dma_wait3A_31 = arith.constant 0 : i32
      %dma_wait3A_32 = tpu.memref_slice %arg9[%dma_wait3A_30, %dma_wait3A_31] : memref<320x128xf32, #tpu.memory_space<vmem>> -> memref<168x128xf32, #tpu.memory_space<vmem>>
      tpu.wait_dma2 semaphore(%run_scoped3A : memref<!tpu.dma_semaphore, #tpu.memory_space<semaphore_mem>>) src(%dma_wait3A_32 : memref<168x128xf32, #tpu.memory_space<vmem>>) dst(%dma_wait3A_29 : memref<168x128xf32, #tpu.memory_space<vmem_shared>>)
      tpu.yield
    }) : () -> ()
    %barrier3A = arith.constant 0 : index
    tpu.barrier barrier_id(%barrier3A)
    %while3A = arith.constant 0 : i32
    %while3A_5 = arith.constant 0 : i32
    %while3A_6 = arith.subi %select_n3A, %while3A_5 : i32
    %while3A_7 = arith.addi %while3A_5, %while3A_6 : i32
    %while3A_8 = arith.constant 1 : i32
    %while3A_9 = arith.divsi %while3A_6, %while3A_8 : i32
    %while3A_10 = arith.muli %while3A_9, %while3A_8 : i32
    %while3A_11 = arith.addi %while3A_5, %while3A_10 : i32
    %while3A_12 = arith.constant 1 : i32
    scf.for %while3A_15 = %while3A_5 to %while3A_11 step %while3A_12  : i32 {
      %mul3A_16 = arith.constant 320 : i32
      %mul3A_17 = arith.muli %while3A_15, %mul3A_16 : i32
      "tpu.region"() ({
        %run_scoped3A = tpu.sem_alloc : memref<!tpu.dma_semaphore, #tpu.memory_space<semaphore_mem>>
        %dma_start3A = tpu.memref_slice %arg7[%mul3A_17] : memref<20480xi32, #tpu.memory_space<vmem>> -> memref<320xi32, #tpu.memory_space<vmem>>
        %dma_start3A_18 = arith.constant 0 : i32
        %dma_start3A_19 = arith.constant 0 : i32
        %dma_start3A_20 = tpu.memref_slice %arg2[%dma_start3A_18, %dma_start3A_19] : memref<10240x128xf32, #tpu.memory_space<hbm>> -> memref<10240x128xf32, #tpu.memory_space<hbm>>
        tpu.enqueue_indirect_dma source(%dma_start3A_20 : memref<10240x128xf32, #tpu.memory_space<hbm>>) target(%arg9 : memref<320x128xf32, #tpu.memory_space<vmem>>) offsets(%dma_start3A : memref<320xi32, #tpu.memory_space<vmem>>) semaphore(%run_scoped3A : memref<!tpu.dma_semaphore, #tpu.memory_space<semaphore_mem>>)
        %dma_wait3A = tpu.memref_slice %arg7[%mul3A_17] : memref<20480xi32, #tpu.memory_space<vmem>> -> memref<320xi32, #tpu.memory_space<vmem>>
        %dma_wait3A_21 = arith.constant 0 : i32
        %dma_wait3A_22 = arith.constant 0 : i32
        %dma_wait3A_23 = tpu.memref_slice %arg2[%dma_wait3A_21, %dma_wait3A_22] : memref<10240x128xf32, #tpu.memory_space<hbm>> -> memref<10240x128xf32, #tpu.memory_space<hbm>>
        tpu.wait_indirect_dma semaphore(%run_scoped3A : memref<!tpu.dma_semaphore, #tpu.memory_space<semaphore_mem>>) src(%dma_wait3A_23 : memref<10240x128xf32, #tpu.memory_space<hbm>>) dst(%arg9 : memref<320x128xf32, #tpu.memory_space<vmem>>)
        tpu.yield
      }) : () -> ()
      "tpu.region"() ({
        %run_scoped3A = tpu.sem_alloc : memref<!tpu.dma_semaphore, #tpu.memory_space<semaphore_mem>>
        %dma_start3A = tpu.memref_slice %arg8[%mul3A_17] : memref<20480xi32, #tpu.memory_space<vmem>> -> memref<320xi32, #tpu.memory_space<vmem>>
        %dma_start3A_18 = arith.constant 0 : i32
        %dma_start3A_19 = arith.constant 0 : i32
        %dma_start3A_20 = tpu.memref_slice %arg10[%dma_start3A_18, %dma_start3A_19] : memref<5376x128xf32, #tpu.memory_space<vmem_shared>> -> memref<5376x128xf32, #tpu.memory_space<vmem_shared>>
        tpu.enqueue_indirect_dma source(%arg9 : memref<320x128xf32, #tpu.memory_space<vmem>>) target(%dma_start3A_20 : memref<5376x128xf32, #tpu.memory_space<vmem_shared>>) offsets(%dma_start3A : memref<320xi32, #tpu.memory_space<vmem>>) semaphore(%run_scoped3A : memref<!tpu.dma_semaphore, #tpu.memory_space<semaphore_mem>>) {add = true}
        %dma_wait3A = tpu.memref_slice %arg8[%mul3A_17] : memref<20480xi32, #tpu.memory_space<vmem>> -> memref<320xi32, #tpu.memory_space<vmem>>
        %dma_wait3A_21 = arith.constant 0 : i32
        %dma_wait3A_22 = arith.constant 0 : i32
        %dma_wait3A_23 = tpu.memref_slice %arg10[%dma_wait3A_21, %dma_wait3A_22] : memref<5376x128xf32, #tpu.memory_space<vmem_shared>> -> memref<5376x128xf32, #tpu.memory_space<vmem_shared>>
        tpu.wait_indirect_dma semaphore(%run_scoped3A : memref<!tpu.dma_semaphore, #tpu.memory_space<semaphore_mem>>) src(%arg9 : memref<320x128xf32, #tpu.memory_space<vmem>>) dst(%dma_wait3A_23 : memref<5376x128xf32, #tpu.memory_space<vmem_shared>>)
        tpu.yield
      }) : () -> ()
    }
    %while3A_13 = arith.constant 1 : i32
    scf.for %while3A_15 = %while3A_11 to %while3A_7 step %while3A_13  : i32 {
      %mul3A_16 = arith.constant 320 : i32
      %mul3A_17 = arith.muli %while3A_15, %mul3A_16 : i32
      "tpu.region"() ({
        %run_scoped3A = tpu.sem_alloc : memref<!tpu.dma_semaphore, #tpu.memory_space<semaphore_mem>>
        %dma_start3A = tpu.memref_slice %arg7[%mul3A_17] : memref<20480xi32, #tpu.memory_space<vmem>> -> memref<320xi32, #tpu.memory_space<vmem>>
        %dma_start3A_18 = arith.constant 0 : i32
        %dma_start3A_19 = arith.constant 0 : i32
        %dma_start3A_20 = tpu.memref_slice %arg2[%dma_start3A_18, %dma_start3A_19] : memref<10240x128xf32, #tpu.memory_space<hbm>> -> memref<10240x128xf32, #tpu.memory_space<hbm>>
        tpu.enqueue_indirect_dma source(%dma_start3A_20 : memref<10240x128xf32, #tpu.memory_space<hbm>>) target(%arg9 : memref<320x128xf32, #tpu.memory_space<vmem>>) offsets(%dma_start3A : memref<320xi32, #tpu.memory_space<vmem>>) semaphore(%run_scoped3A : memref<!tpu.dma_semaphore, #tpu.memory_space<semaphore_mem>>)
        %dma_wait3A = tpu.memref_slice %arg7[%mul3A_17] : memref<20480xi32, #tpu.memory_space<vmem>> -> memref<320xi32, #tpu.memory_space<vmem>>
        %dma_wait3A_21 = arith.constant 0 : i32
        %dma_wait3A_22 = arith.constant 0 : i32
        %dma_wait3A_23 = tpu.memref_slice %arg2[%dma_wait3A_21, %dma_wait3A_22] : memref<10240x128xf32, #tpu.memory_space<hbm>> -> memref<10240x128xf32, #tpu.memory_space<hbm>>
        tpu.wait_indirect_dma semaphore(%run_scoped3A : memref<!tpu.dma_semaphore, #tpu.memory_space<semaphore_mem>>) src(%dma_wait3A_23 : memref<10240x128xf32, #tpu.memory_space<hbm>>) dst(%arg9 : memref<320x128xf32, #tpu.memory_space<vmem>>)
        tpu.yield
      }) : () -> ()
      "tpu.region"() ({
        %run_scoped3A = tpu.sem_alloc : memref<!tpu.dma_semaphore, #tpu.memory_space<semaphore_mem>>
        %dma_start3A = tpu.memref_slice %arg8[%mul3A_17] : memref<20480xi32, #tpu.memory_space<vmem>> -> memref<320xi32, #tpu.memory_space<vmem>>
        %dma_start3A_18 = arith.constant 0 : i32
        %dma_start3A_19 = arith.constant 0 : i32
        %dma_start3A_20 = tpu.memref_slice %arg10[%dma_start3A_18, %dma_start3A_19] : memref<5376x128xf32, #tpu.memory_space<vmem_shared>> -> memref<5376x128xf32, #tpu.memory_space<vmem_shared>>
        tpu.enqueue_indirect_dma source(%arg9 : memref<320x128xf32, #tpu.memory_space<vmem>>) target(%dma_start3A_20 : memref<5376x128xf32, #tpu.memory_space<vmem_shared>>) offsets(%dma_start3A : memref<320xi32, #tpu.memory_space<vmem>>) semaphore(%run_scoped3A : memref<!tpu.dma_semaphore, #tpu.memory_space<semaphore_mem>>) {add = true}
        %dma_wait3A = tpu.memref_slice %arg8[%mul3A_17] : memref<20480xi32, #tpu.memory_space<vmem>> -> memref<320xi32, #tpu.memory_space<vmem>>
        %dma_wait3A_21 = arith.constant 0 : i32
        %dma_wait3A_22 = arith.constant 0 : i32
        %dma_wait3A_23 = tpu.memref_slice %arg10[%dma_wait3A_21, %dma_wait3A_22] : memref<5376x128xf32, #tpu.memory_space<vmem_shared>> -> memref<5376x128xf32, #tpu.memory_space<vmem_shared>>
        tpu.wait_indirect_dma semaphore(%run_scoped3A : memref<!tpu.dma_semaphore, #tpu.memory_space<semaphore_mem>>) src(%arg9 : memref<320x128xf32, #tpu.memory_space<vmem>>) dst(%dma_wait3A_23 : memref<5376x128xf32, #tpu.memory_space<vmem_shared>>)
        tpu.yield
      }) : () -> ()
    }
    %barrier3A_14 = arith.constant 0 : index
    tpu.barrier barrier_id(%barrier3A_14)
    "tpu.region"() ({
      %run_scoped3A = tpu.sem_alloc : memref<!tpu.dma_semaphore, #tpu.memory_space<semaphore_mem>>
      %dma_start3A = arith.constant 0 : i32
      %dma_start3A_15 = arith.constant 0 : i32
      %dma_start3A_16 = tpu.memref_slice %arg9[%dma_start3A, %dma_start3A_15] : memref<320x128xf32, #tpu.memory_space<vmem>> -> memref<168x128xf32, #tpu.memory_space<vmem>>
      %dma_start3A_17 = arith.constant 0 : i32
      %dma_start3A_18 = tpu.memref_slice %arg10[%mul3A_2, %dma_start3A_17] : memref<5376x128xf32, #tpu.memory_space<vmem_shared>> -> memref<168x128xf32, #tpu.memory_space<vmem_shared>>
      %dma_start3A_19 = arith.constant 0 : i32
      %dma_start3A_20 = arith.constant 0 : i32
      %dma_start3A_21 = tpu.memref_slice %arg9[%dma_start3A_19, %dma_start3A_20] : memref<320x128xf32, #tpu.memory_space<vmem>> -> memref<168x128xf32, #tpu.memory_space<vmem>>
      %dma_start3A_22 = arith.constant 0 : i32
      %dma_start3A_23 = tpu.memref_slice %arg10[%mul3A_2, %dma_start3A_22] : memref<5376x128xf32, #tpu.memory_space<vmem_shared>> -> memref<168x128xf32, #tpu.memory_space<vmem_shared>>
      tpu.enqueue_dma source(%dma_start3A_23 : memref<168x128xf32, #tpu.memory_space<vmem_shared>>) target(%dma_start3A_21 : memref<168x128xf32, #tpu.memory_space<vmem>>) target_semaphore(%run_scoped3A : memref<!tpu.dma_semaphore, #tpu.memory_space<semaphore_mem>>)
      %dma_wait3A = arith.constant 0 : i32
      %dma_wait3A_24 = arith.constant 0 : i32
      %dma_wait3A_25 = tpu.memref_slice %arg9[%dma_wait3A, %dma_wait3A_24] : memref<320x128xf32, #tpu.memory_space<vmem>> -> memref<168x128xf32, #tpu.memory_space<vmem>>
      %dma_wait3A_26 = arith.constant 0 : i32
      %dma_wait3A_27 = tpu.memref_slice %arg10[%mul3A_2, %dma_wait3A_26] : memref<5376x128xf32, #tpu.memory_space<vmem_shared>> -> memref<168x128xf32, #tpu.memory_space<vmem_shared>>
      %dma_wait3A_28 = arith.constant 0 : i32
      %dma_wait3A_29 = arith.constant 0 : i32
      %dma_wait3A_30 = tpu.memref_slice %arg9[%dma_wait3A_28, %dma_wait3A_29] : memref<320x128xf32, #tpu.memory_space<vmem>> -> memref<168x128xf32, #tpu.memory_space<vmem>>
      %dma_wait3A_31 = arith.constant 0 : i32
      %dma_wait3A_32 = tpu.memref_slice %arg10[%mul3A_2, %dma_wait3A_31] : memref<5376x128xf32, #tpu.memory_space<vmem_shared>> -> memref<168x128xf32, #tpu.memory_space<vmem_shared>>
      tpu.wait_dma2 semaphore(%run_scoped3A : memref<!tpu.dma_semaphore, #tpu.memory_space<semaphore_mem>>) src(%dma_wait3A_32 : memref<168x128xf32, #tpu.memory_space<vmem_shared>>) dst(%dma_wait3A_30 : memref<168x128xf32, #tpu.memory_space<vmem>>)
      tpu.yield
    }) : () -> ()
    "tpu.region"() ({
      %run_scoped3A = tpu.sem_alloc : memref<!tpu.dma_semaphore, #tpu.memory_space<semaphore_mem>>
      %dma_start3A = arith.constant 0 : i32
      %dma_start3A_15 = arith.constant 0 : i32
      %dma_start3A_16 = tpu.memref_slice %arg9[%dma_start3A, %dma_start3A_15] : memref<320x128xf32, #tpu.memory_space<vmem>> -> memref<168x128xf32, #tpu.memory_space<vmem>>
      %dma_start3A_17 = arith.constant 0 : i32
      %dma_start3A_18 = tpu.memref_slice %arg6[%arg0, %mul3A_2, %dma_start3A_17] : memref<2x5376x128xf32, #tpu.memory_space<hbm>> -> memref<1x168x128xf32, #tpu.memory_space<hbm>>
      %dma_start3A_19 = tpu.memref_squeeze %dma_start3A_18 : memref<1x168x128xf32, #tpu.memory_space<hbm>> -> memref<168x128xf32, #tpu.memory_space<hbm>>
      %dma_start3A_20 = arith.constant 0 : i32
      %dma_start3A_21 = tpu.memref_slice %arg6[%arg0, %mul3A_2, %dma_start3A_20] : memref<2x5376x128xf32, #tpu.memory_space<hbm>> -> memref<1x168x128xf32, #tpu.memory_space<hbm>>
      %dma_start3A_22 = tpu.memref_squeeze %dma_start3A_21 : memref<1x168x128xf32, #tpu.memory_space<hbm>> -> memref<168x128xf32, #tpu.memory_space<hbm>>
      %dma_start3A_23 = arith.constant 0 : i32
      %dma_start3A_24 = arith.constant 0 : i32
      %dma_start3A_25 = tpu.memref_slice %arg9[%dma_start3A_23, %dma_start3A_24] : memref<320x128xf32, #tpu.memory_space<vmem>> -> memref<168x128xf32, #tpu.memory_space<vmem>>
      tpu.enqueue_dma source(%dma_start3A_25 : memref<168x128xf32, #tpu.memory_space<vmem>>) target(%dma_start3A_22 : memref<168x128xf32, #tpu.memory_space<hbm>>) target_semaphore(%run_scoped3A : memref<!tpu.dma_semaphore, #tpu.memory_space<semaphore_mem>>)
      %dma_wait3A = arith.constant 0 : i32
      %dma_wait3A_26 = arith.constant 0 : i32
      %dma_wait3A_27 = tpu.memref_slice %arg9[%dma_wait3A, %dma_wait3A_26] : memref<320x128xf32, #tpu.memory_space<vmem>> -> memref<168x128xf32, #tpu.memory_space<vmem>>
      %dma_wait3A_28 = arith.constant 0 : i32
      %dma_wait3A_29 = tpu.memref_slice %arg6[%arg0, %mul3A_2, %dma_wait3A_28] : memref<2x5376x128xf32, #tpu.memory_space<hbm>> -> memref<1x168x128xf32, #tpu.memory_space<hbm>>
      %dma_wait3A_30 = tpu.memref_squeeze %dma_wait3A_29 : memref<1x168x128xf32, #tpu.memory_space<hbm>> -> memref<168x128xf32, #tpu.memory_space<hbm>>
      %dma_wait3A_31 = arith.constant 0 : i32
      %dma_wait3A_32 = tpu.memref_slice %arg6[%arg0, %mul3A_2, %dma_wait3A_31] : memref<2x5376x128xf32, #tpu.memory_space<hbm>> -> memref<1x168x128xf32, #tpu.memory_space<hbm>>
      %dma_wait3A_33 = tpu.memref_squeeze %dma_wait3A_32 : memref<1x168x128xf32, #tpu.memory_space<hbm>> -> memref<168x128xf32, #tpu.memory_space<hbm>>
      %dma_wait3A_34 = arith.constant 0 : i32
      %dma_wait3A_35 = arith.constant 0 : i32
      %dma_wait3A_36 = tpu.memref_slice %arg9[%dma_wait3A_34, %dma_wait3A_35] : memref<320x128xf32, #tpu.memory_space<vmem>> -> memref<168x128xf32, #tpu.memory_space<vmem>>
      tpu.wait_dma2 semaphore(%run_scoped3A : memref<!tpu.dma_semaphore, #tpu.memory_space<semaphore_mem>>) src(%dma_wait3A_36 : memref<168x128xf32, #tpu.memory_space<vmem>>) dst(%dma_wait3A_33 : memref<168x128xf32, #tpu.memory_space<hbm>>)
      tpu.yield
    }) : () -> ()
    return
  }
}

#map = affine_map<(d0, d1) -> (0, 0)>
#map1 = affine_map<(d0, d1) -> (0, 0, 0)>
module attributes {stable_mosaic.version = 14 : i64} {
  func.func @_agg_kernel(%arg0: i32, %arg1: i32, %arg2: memref<10240x128xf32, #tpu.memory_space<hbm>>, %arg3: memref<32x20480xi32, #tpu.memory_space<hbm>>, %arg4: memref<32x20480xi32, #tpu.memory_space<hbm>>, %arg5: memref<5376x128xf32, #tpu.memory_space<hbm>>, %arg6: memref<2x5376x128xf32, #tpu.memory_space<hbm>>, %arg7: memref<20480xi32, #tpu.memory_space<vmem>>, %arg8: memref<20480xi32, #tpu.memory_space<vmem>>, %arg9: memref<320x128xf32, #tpu.memory_space<vmem>>, %arg10: memref<5376x128xf32, #tpu.memory_space<vmem_shared>>) attributes {dimension_semantics = [#tpu.dimension_semantics<core_parallel>, #tpu.dimension_semantics<subcore_parallel>], iteration_bounds = array<i64: 2, 16>, scalar_prefetch = 0 : i64, scratch_operands = 4 : i64, tpu.core_type = #tpu.core_type<sc_vector_subcore>, window_params = [{transform_indices = #map}, {transform_indices = #map}, {transform_indices = #map}, {transform_indices = #map}, {transform_indices = #map1}]} {
    %mul3A = arith.constant 2 : i32
    %mul3A_0 = arith.muli %arg1, %mul3A : i32
    %add3A = arith.addi %mul3A_0, %arg0 : i32
    %mul3A_1 = arith.constant 168 : i32
    %mul3A_2 = arith.muli %arg1, %mul3A_1 : i32
    %eq3A = arith.constant 0 : i32
    %eq3A_3 = arith.cmpi eq, %arg0, %eq3A : i32
    %jit3A = arith.constant 64 : i32
    %jit3A_4 = arith.constant 64 : i32
    %select_n3A = arith.select %eq3A_3, %jit3A, %jit3A_4 : i32
    "tpu.region"() ({
      %run_scoped3A = tpu.sem_alloc : memref<!tpu.dma_semaphore, #tpu.memory_space<semaphore_mem>>
      %dma_start3A = arith.constant 0 : i32
      %dma_start3A_15 = tpu.memref_slice %arg3[%add3A, %dma_start3A] : memref<32x20480xi32, #tpu.memory_space<hbm>> -> memref<1x20480xi32, #tpu.memory_space<hbm>>
      %dma_start3A_16 = tpu.memref_squeeze %dma_start3A_15 : memref<1x20480xi32, #tpu.memory_space<hbm>> -> memref<20480xi32, #tpu.memory_space<hbm>>
      %dma_start3A_17 = arith.constant 0 : i32
      %dma_start3A_18 = tpu.memref_slice %arg3[%add3A, %dma_start3A_17] : memref<32x20480xi32, #tpu.memory_space<hbm>> -> memref<1x20480xi32, #tpu.memory_space<hbm>>
      %dma_start3A_19 = tpu.memref_squeeze %dma_start3A_18 : memref<1x20480xi32, #tpu.memory_space<hbm>> -> memref<20480xi32, #tpu.memory_space<hbm>>
      tpu.enqueue_dma source(%dma_start3A_19 : memref<20480xi32, #tpu.memory_space<hbm>>) target(%arg7 : memref<20480xi32, #tpu.memory_space<vmem>>) target_semaphore(%run_scoped3A : memref<!tpu.dma_semaphore, #tpu.memory_space<semaphore_mem>>)
      %dma_wait3A = arith.constant 0 : i32
      %dma_wait3A_20 = tpu.memref_slice %arg3[%add3A, %dma_wait3A] : memref<32x20480xi32, #tpu.memory_space<hbm>> -> memref<1x20480xi32, #tpu.memory_space<hbm>>
      %dma_wait3A_21 = tpu.memref_squeeze %dma_wait3A_20 : memref<1x20480xi32, #tpu.memory_space<hbm>> -> memref<20480xi32, #tpu.memory_space<hbm>>
      %dma_wait3A_22 = arith.constant 0 : i32
      %dma_wait3A_23 = tpu.memref_slice %arg3[%add3A, %dma_wait3A_22] : memref<32x20480xi32, #tpu.memory_space<hbm>> -> memref<1x20480xi32, #tpu.memory_space<hbm>>
      %dma_wait3A_24 = tpu.memref_squeeze %dma_wait3A_23 : memref<1x20480xi32, #tpu.memory_space<hbm>> -> memref<20480xi32, #tpu.memory_space<hbm>>
      tpu.wait_dma2 semaphore(%run_scoped3A : memref<!tpu.dma_semaphore, #tpu.memory_space<semaphore_mem>>) src(%dma_wait3A_24 : memref<20480xi32, #tpu.memory_space<hbm>>) dst(%arg7 : memref<20480xi32, #tpu.memory_space<vmem>>)
      tpu.yield
    }) : () -> ()
    "tpu.region"() ({
      %run_scoped3A = tpu.sem_alloc : memref<!tpu.dma_semaphore, #tpu.memory_space<semaphore_mem>>
      %dma_start3A = arith.constant 0 : i32
      %dma_start3A_15 = tpu.memref_slice %arg4[%add3A, %dma_start3A] : memref<32x20480xi32, #tpu.memory_space<hbm>> -> memref<1x20480xi32, #tpu.memory_space<hbm>>
      %dma_start3A_16 = tpu.memref_squeeze %dma_start3A_15 : memref<1x20480xi32, #tpu.memory_space<hbm>> -> memref<20480xi32, #tpu.memory_space<hbm>>
      %dma_start3A_17 = arith.constant 0 : i32
      %dma_start3A_18 = tpu.memref_slice %arg4[%add3A, %dma_start3A_17] : memref<32x20480xi32, #tpu.memory_space<hbm>> -> memref<1x20480xi32, #tpu.memory_space<hbm>>
      %dma_start3A_19 = tpu.memref_squeeze %dma_start3A_18 : memref<1x20480xi32, #tpu.memory_space<hbm>> -> memref<20480xi32, #tpu.memory_space<hbm>>
      tpu.enqueue_dma source(%dma_start3A_19 : memref<20480xi32, #tpu.memory_space<hbm>>) target(%arg8 : memref<20480xi32, #tpu.memory_space<vmem>>) target_semaphore(%run_scoped3A : memref<!tpu.dma_semaphore, #tpu.memory_space<semaphore_mem>>)
      %dma_wait3A = arith.constant 0 : i32
      %dma_wait3A_20 = tpu.memref_slice %arg4[%add3A, %dma_wait3A] : memref<32x20480xi32, #tpu.memory_space<hbm>> -> memref<1x20480xi32, #tpu.memory_space<hbm>>
      %dma_wait3A_21 = tpu.memref_squeeze %dma_wait3A_20 : memref<1x20480xi32, #tpu.memory_space<hbm>> -> memref<20480xi32, #tpu.memory_space<hbm>>
      %dma_wait3A_22 = arith.constant 0 : i32
      %dma_wait3A_23 = tpu.memref_slice %arg4[%add3A, %dma_wait3A_22] : memref<32x20480xi32, #tpu.memory_space<hbm>> -> memref<1x20480xi32, #tpu.memory_space<hbm>>
      %dma_wait3A_24 = tpu.memref_squeeze %dma_wait3A_23 : memref<1x20480xi32, #tpu.memory_space<hbm>> -> memref<20480xi32, #tpu.memory_space<hbm>>
      tpu.wait_dma2 semaphore(%run_scoped3A : memref<!tpu.dma_semaphore, #tpu.memory_space<semaphore_mem>>) src(%dma_wait3A_24 : memref<20480xi32, #tpu.memory_space<hbm>>) dst(%arg8 : memref<20480xi32, #tpu.memory_space<vmem>>)
      tpu.yield
    }) : () -> ()
    "tpu.region"() ({
      %run_scoped3A = tpu.sem_alloc : memref<!tpu.dma_semaphore, #tpu.memory_space<semaphore_mem>>
      %dma_start3A = arith.constant 0 : i32
      %dma_start3A_15 = arith.constant 0 : i32
      %dma_start3A_16 = tpu.memref_slice %arg9[%dma_start3A, %dma_start3A_15] : memref<320x128xf32, #tpu.memory_space<vmem>> -> memref<168x128xf32, #tpu.memory_space<vmem>>
      %dma_start3A_17 = arith.constant 0 : i32
      %dma_start3A_18 = tpu.memref_slice %arg5[%mul3A_2, %dma_start3A_17] : memref<5376x128xf32, #tpu.memory_space<hbm>> -> memref<168x128xf32, #tpu.memory_space<hbm>>
      %dma_start3A_19 = arith.constant 0 : i32
      %dma_start3A_20 = arith.constant 0 : i32
      %dma_start3A_21 = tpu.memref_slice %arg9[%dma_start3A_19, %dma_start3A_20] : memref<320x128xf32, #tpu.memory_space<vmem>> -> memref<168x128xf32, #tpu.memory_space<vmem>>
      %dma_start3A_22 = arith.constant 0 : i32
      %dma_start3A_23 = tpu.memref_slice %arg5[%mul3A_2, %dma_start3A_22] : memref<5376x128xf32, #tpu.memory_space<hbm>> -> memref<168x128xf32, #tpu.memory_space<hbm>>
      tpu.enqueue_dma source(%dma_start3A_23 : memref<168x128xf32, #tpu.memory_space<hbm>>) target(%dma_start3A_21 : memref<168x128xf32, #tpu.memory_space<vmem>>) target_semaphore(%run_scoped3A : memref<!tpu.dma_semaphore, #tpu.memory_space<semaphore_mem>>)
      %dma_wait3A = arith.constant 0 : i32
      %dma_wait3A_24 = arith.constant 0 : i32
      %dma_wait3A_25 = tpu.memref_slice %arg9[%dma_wait3A, %dma_wait3A_24] : memref<320x128xf32, #tpu.memory_space<vmem>> -> memref<168x128xf32, #tpu.memory_space<vmem>>
      %dma_wait3A_26 = arith.constant 0 : i32
      %dma_wait3A_27 = tpu.memref_slice %arg5[%mul3A_2, %dma_wait3A_26] : memref<5376x128xf32, #tpu.memory_space<hbm>> -> memref<168x128xf32, #tpu.memory_space<hbm>>
      %dma_wait3A_28 = arith.constant 0 : i32
      %dma_wait3A_29 = arith.constant 0 : i32
      %dma_wait3A_30 = tpu.memref_slice %arg9[%dma_wait3A_28, %dma_wait3A_29] : memref<320x128xf32, #tpu.memory_space<vmem>> -> memref<168x128xf32, #tpu.memory_space<vmem>>
      %dma_wait3A_31 = arith.constant 0 : i32
      %dma_wait3A_32 = tpu.memref_slice %arg5[%mul3A_2, %dma_wait3A_31] : memref<5376x128xf32, #tpu.memory_space<hbm>> -> memref<168x128xf32, #tpu.memory_space<hbm>>
      tpu.wait_dma2 semaphore(%run_scoped3A : memref<!tpu.dma_semaphore, #tpu.memory_space<semaphore_mem>>) src(%dma_wait3A_32 : memref<168x128xf32, #tpu.memory_space<hbm>>) dst(%dma_wait3A_30 : memref<168x128xf32, #tpu.memory_space<vmem>>)
      tpu.yield
    }) : () -> ()
    "tpu.region"() ({
      %run_scoped3A = tpu.sem_alloc : memref<!tpu.dma_semaphore, #tpu.memory_space<semaphore_mem>>
      %dma_start3A = arith.constant 0 : i32
      %dma_start3A_15 = arith.constant 0 : i32
      %dma_start3A_16 = tpu.memref_slice %arg9[%dma_start3A, %dma_start3A_15] : memref<320x128xf32, #tpu.memory_space<vmem>> -> memref<168x128xf32, #tpu.memory_space<vmem>>
      %dma_start3A_17 = arith.constant 0 : i32
      %dma_start3A_18 = tpu.memref_slice %arg10[%mul3A_2, %dma_start3A_17] : memref<5376x128xf32, #tpu.memory_space<vmem_shared>> -> memref<168x128xf32, #tpu.memory_space<vmem_shared>>
      %dma_start3A_19 = arith.constant 0 : i32
      %dma_start3A_20 = tpu.memref_slice %arg10[%mul3A_2, %dma_start3A_19] : memref<5376x128xf32, #tpu.memory_space<vmem_shared>> -> memref<168x128xf32, #tpu.memory_space<vmem_shared>>
      %dma_start3A_21 = arith.constant 0 : i32
      %dma_start3A_22 = arith.constant 0 : i32
      %dma_start3A_23 = tpu.memref_slice %arg9[%dma_start3A_21, %dma_start3A_22] : memref<320x128xf32, #tpu.memory_space<vmem>> -> memref<168x128xf32, #tpu.memory_space<vmem>>
      tpu.enqueue_dma source(%dma_start3A_23 : memref<168x128xf32, #tpu.memory_space<vmem>>) target(%dma_start3A_20 : memref<168x128xf32, #tpu.memory_space<vmem_shared>>) target_semaphore(%run_scoped3A : memref<!tpu.dma_semaphore, #tpu.memory_space<semaphore_mem>>)
      %dma_wait3A = arith.constant 0 : i32
      %dma_wait3A_24 = arith.constant 0 : i32
      %dma_wait3A_25 = tpu.memref_slice %arg9[%dma_wait3A, %dma_wait3A_24] : memref<320x128xf32, #tpu.memory_space<vmem>> -> memref<168x128xf32, #tpu.memory_space<vmem>>
      %dma_wait3A_26 = arith.constant 0 : i32
      %dma_wait3A_27 = tpu.memref_slice %arg10[%mul3A_2, %dma_wait3A_26] : memref<5376x128xf32, #tpu.memory_space<vmem_shared>> -> memref<168x128xf32, #tpu.memory_space<vmem_shared>>
      %dma_wait3A_28 = arith.constant 0 : i32
      %dma_wait3A_29 = tpu.memref_slice %arg10[%mul3A_2, %dma_wait3A_28] : memref<5376x128xf32, #tpu.memory_space<vmem_shared>> -> memref<168x128xf32, #tpu.memory_space<vmem_shared>>
      %dma_wait3A_30 = arith.constant 0 : i32
      %dma_wait3A_31 = arith.constant 0 : i32
      %dma_wait3A_32 = tpu.memref_slice %arg9[%dma_wait3A_30, %dma_wait3A_31] : memref<320x128xf32, #tpu.memory_space<vmem>> -> memref<168x128xf32, #tpu.memory_space<vmem>>
      tpu.wait_dma2 semaphore(%run_scoped3A : memref<!tpu.dma_semaphore, #tpu.memory_space<semaphore_mem>>) src(%dma_wait3A_32 : memref<168x128xf32, #tpu.memory_space<vmem>>) dst(%dma_wait3A_29 : memref<168x128xf32, #tpu.memory_space<vmem_shared>>)
      tpu.yield
    }) : () -> ()
    %barrier3A = arith.constant 0 : index
    tpu.barrier barrier_id(%barrier3A)
    %while3A = arith.constant 0 : i32
    %while3A_5 = arith.constant 0 : i32
    %while3A_6 = arith.subi %select_n3A, %while3A_5 : i32
    %while3A_7 = arith.addi %while3A_5, %while3A_6 : i32
    %while3A_8 = arith.constant 1 : i32
    %while3A_9 = arith.divsi %while3A_6, %while3A_8 : i32
    %while3A_10 = arith.muli %while3A_9, %while3A_8 : i32
    %while3A_11 = arith.addi %while3A_5, %while3A_10 : i32
    %while3A_12 = arith.constant 1 : i32
    scf.for %while3A_15 = %while3A_5 to %while3A_11 step %while3A_12  : i32 {
      %mul3A_16 = arith.constant 320 : i32
      %mul3A_17 = arith.muli %while3A_15, %mul3A_16 : i32
      "tpu.region"() ({
        %run_scoped3A = tpu.sem_alloc : memref<!tpu.dma_semaphore, #tpu.memory_space<semaphore_mem>>
        %dma_start3A = tpu.memref_slice %arg7[%mul3A_17] : memref<20480xi32, #tpu.memory_space<vmem>> -> memref<320xi32, #tpu.memory_space<vmem>>
        %dma_start3A_18 = arith.constant 0 : i32
        %dma_start3A_19 = arith.constant 0 : i32
        %dma_start3A_20 = tpu.memref_slice %arg2[%dma_start3A_18, %dma_start3A_19] : memref<10240x128xf32, #tpu.memory_space<hbm>> -> memref<10240x128xf32, #tpu.memory_space<hbm>>
        tpu.enqueue_indirect_dma source(%dma_start3A_20 : memref<10240x128xf32, #tpu.memory_space<hbm>>) target(%arg9 : memref<320x128xf32, #tpu.memory_space<vmem>>) offsets(%dma_start3A : memref<320xi32, #tpu.memory_space<vmem>>) semaphore(%run_scoped3A : memref<!tpu.dma_semaphore, #tpu.memory_space<semaphore_mem>>)
        %dma_wait3A = tpu.memref_slice %arg7[%mul3A_17] : memref<20480xi32, #tpu.memory_space<vmem>> -> memref<320xi32, #tpu.memory_space<vmem>>
        %dma_wait3A_21 = arith.constant 0 : i32
        %dma_wait3A_22 = arith.constant 0 : i32
        %dma_wait3A_23 = tpu.memref_slice %arg2[%dma_wait3A_21, %dma_wait3A_22] : memref<10240x128xf32, #tpu.memory_space<hbm>> -> memref<10240x128xf32, #tpu.memory_space<hbm>>
        tpu.wait_indirect_dma semaphore(%run_scoped3A : memref<!tpu.dma_semaphore, #tpu.memory_space<semaphore_mem>>) src(%dma_wait3A_23 : memref<10240x128xf32, #tpu.memory_space<hbm>>) dst(%arg9 : memref<320x128xf32, #tpu.memory_space<vmem>>)
        tpu.yield
      }) : () -> ()
      "tpu.region"() ({
        %run_scoped3A = tpu.sem_alloc : memref<!tpu.dma_semaphore, #tpu.memory_space<semaphore_mem>>
        %dma_start3A = tpu.memref_slice %arg8[%mul3A_17] : memref<20480xi32, #tpu.memory_space<vmem>> -> memref<320xi32, #tpu.memory_space<vmem>>
        %dma_start3A_18 = arith.constant 0 : i32
        %dma_start3A_19 = arith.constant 0 : i32
        %dma_start3A_20 = tpu.memref_slice %arg10[%dma_start3A_18, %dma_start3A_19] : memref<5376x128xf32, #tpu.memory_space<vmem_shared>> -> memref<5376x128xf32, #tpu.memory_space<vmem_shared>>
        tpu.enqueue_indirect_dma source(%arg9 : memref<320x128xf32, #tpu.memory_space<vmem>>) target(%dma_start3A_20 : memref<5376x128xf32, #tpu.memory_space<vmem_shared>>) offsets(%dma_start3A : memref<320xi32, #tpu.memory_space<vmem>>) semaphore(%run_scoped3A : memref<!tpu.dma_semaphore, #tpu.memory_space<semaphore_mem>>) {add = true}
        %dma_wait3A = tpu.memref_slice %arg8[%mul3A_17] : memref<20480xi32, #tpu.memory_space<vmem>> -> memref<320xi32, #tpu.memory_space<vmem>>
        %dma_wait3A_21 = arith.constant 0 : i32
        %dma_wait3A_22 = arith.constant 0 : i32
        %dma_wait3A_23 = tpu.memref_slice %arg10[%dma_wait3A_21, %dma_wait3A_22] : memref<5376x128xf32, #tpu.memory_space<vmem_shared>> -> memref<5376x128xf32, #tpu.memory_space<vmem_shared>>
        tpu.wait_indirect_dma semaphore(%run_scoped3A : memref<!tpu.dma_semaphore, #tpu.memory_space<semaphore_mem>>) src(%arg9 : memref<320x128xf32, #tpu.memory_space<vmem>>) dst(%dma_wait3A_23 : memref<5376x128xf32, #tpu.memory_space<vmem_shared>>)
        tpu.yield
      }) : () -> ()
    }
    %while3A_13 = arith.constant 1 : i32
    scf.for %while3A_15 = %while3A_11 to %while3A_7 step %while3A_13  : i32 {
      %mul3A_16 = arith.constant 320 : i32
      %mul3A_17 = arith.muli %while3A_15, %mul3A_16 : i32
      "tpu.region"() ({
        %run_scoped3A = tpu.sem_alloc : memref<!tpu.dma_semaphore, #tpu.memory_space<semaphore_mem>>
        %dma_start3A = tpu.memref_slice %arg7[%mul3A_17] : memref<20480xi32, #tpu.memory_space<vmem>> -> memref<320xi32, #tpu.memory_space<vmem>>
        %dma_start3A_18 = arith.constant 0 : i32
        %dma_start3A_19 = arith.constant 0 : i32
        %dma_start3A_20 = tpu.memref_slice %arg2[%dma_start3A_18, %dma_start3A_19] : memref<10240x128xf32, #tpu.memory_space<hbm>> -> memref<10240x128xf32, #tpu.memory_space<hbm>>
        tpu.enqueue_indirect_dma source(%dma_start3A_20 : memref<10240x128xf32, #tpu.memory_space<hbm>>) target(%arg9 : memref<320x128xf32, #tpu.memory_space<vmem>>) offsets(%dma_start3A : memref<320xi32, #tpu.memory_space<vmem>>) semaphore(%run_scoped3A : memref<!tpu.dma_semaphore, #tpu.memory_space<semaphore_mem>>)
        %dma_wait3A = tpu.memref_slice %arg7[%mul3A_17] : memref<20480xi32, #tpu.memory_space<vmem>> -> memref<320xi32, #tpu.memory_space<vmem>>
        %dma_wait3A_21 = arith.constant 0 : i32
        %dma_wait3A_22 = arith.constant 0 : i32
        %dma_wait3A_23 = tpu.memref_slice %arg2[%dma_wait3A_21, %dma_wait3A_22] : memref<10240x128xf32, #tpu.memory_space<hbm>> -> memref<10240x128xf32, #tpu.memory_space<hbm>>
        tpu.wait_indirect_dma semaphore(%run_scoped3A : memref<!tpu.dma_semaphore, #tpu.memory_space<semaphore_mem>>) src(%dma_wait3A_23 : memref<10240x128xf32, #tpu.memory_space<hbm>>) dst(%arg9 : memref<320x128xf32, #tpu.memory_space<vmem>>)
        tpu.yield
      }) : () -> ()
      "tpu.region"() ({
        %run_scoped3A = tpu.sem_alloc : memref<!tpu.dma_semaphore, #tpu.memory_space<semaphore_mem>>
        %dma_start3A = tpu.memref_slice %arg8[%mul3A_17] : memref<20480xi32, #tpu.memory_space<vmem>> -> memref<320xi32, #tpu.memory_space<vmem>>
        %dma_start3A_18 = arith.constant 0 : i32
        %dma_start3A_19 = arith.constant 0 : i32
        %dma_start3A_20 = tpu.memref_slice %arg10[%dma_start3A_18, %dma_start3A_19] : memref<5376x128xf32, #tpu.memory_space<vmem_shared>> -> memref<5376x128xf32, #tpu.memory_space<vmem_shared>>
        tpu.enqueue_indirect_dma source(%arg9 : memref<320x128xf32, #tpu.memory_space<vmem>>) target(%dma_start3A_20 : memref<5376x128xf32, #tpu.memory_space<vmem_shared>>) offsets(%dma_start3A : memref<320xi32, #tpu.memory_space<vmem>>) semaphore(%run_scoped3A : memref<!tpu.dma_semaphore, #tpu.memory_space<semaphore_mem>>) {add = true}
        %dma_wait3A = tpu.memref_slice %arg8[%mul3A_17] : memref<20480xi32, #tpu.memory_space<vmem>> -> memref<320xi32, #tpu.memory_space<vmem>>
        %dma_wait3A_21 = arith.constant 0 : i32
        %dma_wait3A_22 = arith.constant 0 : i32
        %dma_wait3A_23 = tpu.memref_slice %arg10[%dma_wait3A_21, %dma_wait3A_22] : memref<5376x128xf32, #tpu.memory_space<vmem_shared>> -> memref<5376x128xf32, #tpu.memory_space<vmem_shared>>
        tpu.wait_indirect_dma semaphore(%run_scoped3A : memref<!tpu.dma_semaphore, #tpu.memory_space<semaphore_mem>>) src(%arg9 : memref<320x128xf32, #tpu.memory_space<vmem>>) dst(%dma_wait3A_23 : memref<5376x128xf32, #tpu.memory_space<vmem_shared>>)
        tpu.yield
      }) : () -> ()
    }
    %barrier3A_14 = arith.constant 0 : index
    tpu.barrier barrier_id(%barrier3A_14)
    "tpu.region"() ({
      %run_scoped3A = tpu.sem_alloc : memref<!tpu.dma_semaphore, #tpu.memory_space<semaphore_mem>>
      %dma_start3A = arith.constant 0 : i32
      %dma_start3A_15 = arith.constant 0 : i32
      %dma_start3A_16 = tpu.memref_slice %arg9[%dma_start3A, %dma_start3A_15] : memref<320x128xf32, #tpu.memory_space<vmem>> -> memref<168x128xf32, #tpu.memory_space<vmem>>
      %dma_start3A_17 = arith.constant 0 : i32
      %dma_start3A_18 = tpu.memref_slice %arg10[%mul3A_2, %dma_start3A_17] : memref<5376x128xf32, #tpu.memory_space<vmem_shared>> -> memref<168x128xf32, #tpu.memory_space<vmem_shared>>
      %dma_start3A_19 = arith.constant 0 : i32
      %dma_start3A_20 = arith.constant 0 : i32
      %dma_start3A_21 = tpu.memref_slice %arg9[%dma_start3A_19, %dma_start3A_20] : memref<320x128xf32, #tpu.memory_space<vmem>> -> memref<168x128xf32, #tpu.memory_space<vmem>>
      %dma_start3A_22 = arith.constant 0 : i32
      %dma_start3A_23 = tpu.memref_slice %arg10[%mul3A_2, %dma_start3A_22] : memref<5376x128xf32, #tpu.memory_space<vmem_shared>> -> memref<168x128xf32, #tpu.memory_space<vmem_shared>>
      tpu.enqueue_dma source(%dma_start3A_23 : memref<168x128xf32, #tpu.memory_space<vmem_shared>>) target(%dma_start3A_21 : memref<168x128xf32, #tpu.memory_space<vmem>>) target_semaphore(%run_scoped3A : memref<!tpu.dma_semaphore, #tpu.memory_space<semaphore_mem>>)
      %dma_wait3A = arith.constant 0 : i32
      %dma_wait3A_24 = arith.constant 0 : i32
      %dma_wait3A_25 = tpu.memref_slice %arg9[%dma_wait3A, %dma_wait3A_24] : memref<320x128xf32, #tpu.memory_space<vmem>> -> memref<168x128xf32, #tpu.memory_space<vmem>>
      %dma_wait3A_26 = arith.constant 0 : i32
      %dma_wait3A_27 = tpu.memref_slice %arg10[%mul3A_2, %dma_wait3A_26] : memref<5376x128xf32, #tpu.memory_space<vmem_shared>> -> memref<168x128xf32, #tpu.memory_space<vmem_shared>>
      %dma_wait3A_28 = arith.constant 0 : i32
      %dma_wait3A_29 = arith.constant 0 : i32
      %dma_wait3A_30 = tpu.memref_slice %arg9[%dma_wait3A_28, %dma_wait3A_29] : memref<320x128xf32, #tpu.memory_space<vmem>> -> memref<168x128xf32, #tpu.memory_space<vmem>>
      %dma_wait3A_31 = arith.constant 0 : i32
      %dma_wait3A_32 = tpu.memref_slice %arg10[%mul3A_2, %dma_wait3A_31] : memref<5376x128xf32, #tpu.memory_space<vmem_shared>> -> memref<168x128xf32, #tpu.memory_space<vmem_shared>>
      tpu.wait_dma2 semaphore(%run_scoped3A : memref<!tpu.dma_semaphore, #tpu.memory_space<semaphore_mem>>) src(%dma_wait3A_32 : memref<168x128xf32, #tpu.memory_space<vmem_shared>>) dst(%dma_wait3A_30 : memref<168x128xf32, #tpu.memory_space<vmem>>)
      tpu.yield
    }) : () -> ()
    "tpu.region"() ({
      %run_scoped3A = tpu.sem_alloc : memref<!tpu.dma_semaphore, #tpu.memory_space<semaphore_mem>>
      %dma_start3A = arith.constant 0 : i32
      %dma_start3A_15 = arith.constant 0 : i32
      %dma_start3A_16 = tpu.memref_slice %arg9[%dma_start3A, %dma_start3A_15] : memref<320x128xf32, #tpu.memory_space<vmem>> -> memref<168x128xf32, #tpu.memory_space<vmem>>
      %dma_start3A_17 = arith.constant 0 : i32
      %dma_start3A_18 = tpu.memref_slice %arg6[%arg0, %mul3A_2, %dma_start3A_17] : memref<2x5376x128xf32, #tpu.memory_space<hbm>> -> memref<1x168x128xf32, #tpu.memory_space<hbm>>
      %dma_start3A_19 = tpu.memref_squeeze %dma_start3A_18 : memref<1x168x128xf32, #tpu.memory_space<hbm>> -> memref<168x128xf32, #tpu.memory_space<hbm>>
      %dma_start3A_20 = arith.constant 0 : i32
      %dma_start3A_21 = tpu.memref_slice %arg6[%arg0, %mul3A_2, %dma_start3A_20] : memref<2x5376x128xf32, #tpu.memory_space<hbm>> -> memref<1x168x128xf32, #tpu.memory_space<hbm>>
      %dma_start3A_22 = tpu.memref_squeeze %dma_start3A_21 : memref<1x168x128xf32, #tpu.memory_space<hbm>> -> memref<168x128xf32, #tpu.memory_space<hbm>>
      %dma_start3A_23 = arith.constant 0 : i32
      %dma_start3A_24 = arith.constant 0 : i32
      %dma_start3A_25 = tpu.memref_slice %arg9[%dma_start3A_23, %dma_start3A_24] : memref<320x128xf32, #tpu.memory_space<vmem>> -> memref<168x128xf32, #tpu.memory_space<vmem>>
      tpu.enqueue_dma source(%dma_start3A_25 : memref<168x128xf32, #tpu.memory_space<vmem>>) target(%dma_start3A_22 : memref<168x128xf32, #tpu.memory_space<hbm>>) target_semaphore(%run_scoped3A : memref<!tpu.dma_semaphore, #tpu.memory_space<semaphore_mem>>)
      %dma_wait3A = arith.constant 0 : i32
      %dma_wait3A_26 = arith.constant 0 : i32
      %dma_wait3A_27 = tpu.memref_slice %arg9[%dma_wait3A, %dma_wait3A_26] : memref<320x128xf32, #tpu.memory_space<vmem>> -> memref<168x128xf32, #tpu.memory_space<vmem>>
      %dma_wait3A_28 = arith.constant 0 : i32
      %dma_wait3A_29 = tpu.memref_slice %arg6[%arg0, %mul3A_2, %dma_wait3A_28] : memref<2x5376x128xf32, #tpu.memory_space<hbm>> -> memref<1x168x128xf32, #tpu.memory_space<hbm>>
      %dma_wait3A_30 = tpu.memref_squeeze %dma_wait3A_29 : memref<1x168x128xf32, #tpu.memory_space<hbm>> -> memref<168x128xf32, #tpu.memory_space<hbm>>
      %dma_wait3A_31 = arith.constant 0 : i32
      %dma_wait3A_32 = tpu.memref_slice %arg6[%arg0, %mul3A_2, %dma_wait3A_31] : memref<2x5376x128xf32, #tpu.memory_space<hbm>> -> memref<1x168x128xf32, #tpu.memory_space<hbm>>
      %dma_wait3A_33 = tpu.memref_squeeze %dma_wait3A_32 : memref<1x168x128xf32, #tpu.memory_space<hbm>> -> memref<168x128xf32, #tpu.memory_space<hbm>>
      %dma_wait3A_34 = arith.constant 0 : i32
      %dma_wait3A_35 = arith.constant 0 : i32
      %dma_wait3A_36 = tpu.memref_slice %arg9[%dma_wait3A_34, %dma_wait3A_35] : memref<320x128xf32, #tpu.memory_space<vmem>> -> memref<168x128xf32, #tpu.memory_space<vmem>>
      tpu.wait_dma2 semaphore(%run_scoped3A : memref<!tpu.dma_semaphore, #tpu.memory_space<semaphore_mem>>) src(%dma_wait3A_36 : memref<168x128xf32, #tpu.memory_space<vmem>>) dst(%dma_wait3A_33 : memref<168x128xf32, #tpu.memory_space<hbm>>)
      tpu.yield
    }) : () -> ()
    return
  }
}

#map = affine_map<(d0, d1) -> (0, 0)>
#map1 = affine_map<(d0, d1) -> (0, 0, 0)>
module attributes {stable_mosaic.version = 14 : i64} {
  func.func @_q_kernel(%arg0: i32, %arg1: i32, %arg2: memref<10240x128xf32, #tpu.memory_space<hbm>>, %arg3: memref<10240x128xf32, #tpu.memory_space<hbm>>, %arg4: memref<32x80x128xi32, #tpu.memory_space<hbm>>, %arg5: memref<32x80x128xi32, #tpu.memory_space<hbm>>, %arg6: memref<327680x128xf32, #tpu.memory_space<hbm>>, %arg7: memref<80x128xi32, #tpu.memory_space<vmem>>, %arg8: memref<80x128xi32, #tpu.memory_space<vmem>>, %arg9: memref<3x256x128xf32, #tpu.memory_space<vmem>>, %arg10: memref<3x!tpu.dma_semaphore, #tpu.memory_space<semaphore_mem>>, %arg11: memref<3x!tpu.dma_semaphore, #tpu.memory_space<semaphore_mem>>, %arg12: memref<3x!tpu.dma_semaphore, #tpu.memory_space<semaphore_mem>>) attributes {dimension_semantics = [#tpu.dimension_semantics<core_parallel>, #tpu.dimension_semantics<subcore_parallel>], iteration_bounds = array<i64: 2, 16>, scalar_prefetch = 0 : i64, scratch_operands = 6 : i64, tpu.core_type = #tpu.core_type<sc_vector_subcore>, window_params = [{transform_indices = #map}, {transform_indices = #map}, {transform_indices = #map1}, {transform_indices = #map1}, {transform_indices = #map}]} {
    %mul3A = arith.constant 2 : i32
    %mul3A_0 = arith.muli %arg1, %mul3A : i32
    %add3A = arith.addi %mul3A_0, %arg0 : i32
    %eq3A = arith.constant 0 : i32
    %eq3A_1 = arith.cmpi eq, %arg0, %eq3A : i32
    %jit3A = arith.constant 80 : i32
    %jit3A_2 = arith.constant 80 : i32
    %select_n3A = arith.select %eq3A_1, %jit3A, %jit3A_2 : i32
    %eq3A_3 = arith.constant 0 : i32
    %eq3A_4 = arith.cmpi eq, %arg0, %eq3A_3 : i32
    %mul3A_5 = arith.constant 80 : i32
    %mul3A_6 = arith.muli %arg1, %mul3A_5 : i32
    %mul3A_7 = arith.constant 80 : i32
    %mul3A_8 = arith.muli %arg1, %mul3A_7 : i32
    %add3A_9 = arith.constant 1280 : i32
    %add3A_10 = arith.addi %add3A_9, %mul3A_8 : i32
    %select_n3A_11 = arith.select %eq3A_4, %mul3A_6, %add3A_10 : i32
    %mul3A_12 = arith.constant 128 : i32
    %mul3A_13 = arith.muli %select_n3A_11, %mul3A_12 : i32
    "tpu.region"() ({
      %run_scoped3A = tpu.sem_alloc : memref<!tpu.dma_semaphore, #tpu.memory_space<semaphore_mem>>
      %dma_start3A_92 = arith.constant 0 : i32
      %dma_start3A_93 = arith.constant 0 : i32
      %dma_start3A_94 = tpu.memref_slice %arg4[%add3A, %dma_start3A_92, %dma_start3A_93] : memref<32x80x128xi32, #tpu.memory_space<hbm>> -> memref<1x80x128xi32, #tpu.memory_space<hbm>>
      %dma_start3A_95 = tpu.memref_squeeze %dma_start3A_94 : memref<1x80x128xi32, #tpu.memory_space<hbm>> -> memref<80x128xi32, #tpu.memory_space<hbm>>
      %dma_start3A_96 = arith.constant 0 : i32
      %dma_start3A_97 = arith.constant 0 : i32
      %dma_start3A_98 = tpu.memref_slice %arg4[%add3A, %dma_start3A_96, %dma_start3A_97] : memref<32x80x128xi32, #tpu.memory_space<hbm>> -> memref<1x80x128xi32, #tpu.memory_space<hbm>>
      %dma_start3A_99 = tpu.memref_squeeze %dma_start3A_98 : memref<1x80x128xi32, #tpu.memory_space<hbm>> -> memref<80x128xi32, #tpu.memory_space<hbm>>
      tpu.enqueue_dma source(%dma_start3A_99 : memref<80x128xi32, #tpu.memory_space<hbm>>) target(%arg7 : memref<80x128xi32, #tpu.memory_space<vmem>>) target_semaphore(%run_scoped3A : memref<!tpu.dma_semaphore, #tpu.memory_space<semaphore_mem>>)
      %dma_wait3A = arith.constant 0 : i32
      %dma_wait3A_100 = arith.constant 0 : i32
      %dma_wait3A_101 = tpu.memref_slice %arg4[%add3A, %dma_wait3A, %dma_wait3A_100] : memref<32x80x128xi32, #tpu.memory_space<hbm>> -> memref<1x80x128xi32, #tpu.memory_space<hbm>>
      %dma_wait3A_102 = tpu.memref_squeeze %dma_wait3A_101 : memref<1x80x128xi32, #tpu.memory_space<hbm>> -> memref<80x128xi32, #tpu.memory_space<hbm>>
      %dma_wait3A_103 = arith.constant 0 : i32
      %dma_wait3A_104 = arith.constant 0 : i32
      %dma_wait3A_105 = tpu.memref_slice %arg4[%add3A, %dma_wait3A_103, %dma_wait3A_104] : memref<32x80x128xi32, #tpu.memory_space<hbm>> -> memref<1x80x128xi32, #tpu.memory_space<hbm>>
      %dma_wait3A_106 = tpu.memref_squeeze %dma_wait3A_105 : memref<1x80x128xi32, #tpu.memory_space<hbm>> -> memref<80x128xi32, #tpu.memory_space<hbm>>
      tpu.wait_dma2 semaphore(%run_scoped3A : memref<!tpu.dma_semaphore, #tpu.memory_space<semaphore_mem>>) src(%dma_wait3A_106 : memref<80x128xi32, #tpu.memory_space<hbm>>) dst(%arg7 : memref<80x128xi32, #tpu.memory_space<vmem>>)
      tpu.yield
    }) : () -> ()
    "tpu.region"() ({
      %run_scoped3A = tpu.sem_alloc : memref<!tpu.dma_semaphore, #tpu.memory_space<semaphore_mem>>
      %dma_start3A_92 = arith.constant 0 : i32
      %dma_start3A_93 = arith.constant 0 : i32
      %dma_start3A_94 = tpu.memref_slice %arg5[%add3A, %dma_start3A_92, %dma_start3A_93] : memref<32x80x128xi32, #tpu.memory_space<hbm>> -> memref<1x80x128xi32, #tpu.memory_space<hbm>>
      %dma_start3A_95 = tpu.memref_squeeze %dma_start3A_94 : memref<1x80x128xi32, #tpu.memory_space<hbm>> -> memref<80x128xi32, #tpu.memory_space<hbm>>
      %dma_start3A_96 = arith.constant 0 : i32
      %dma_start3A_97 = arith.constant 0 : i32
      %dma_start3A_98 = tpu.memref_slice %arg5[%add3A, %dma_start3A_96, %dma_start3A_97] : memref<32x80x128xi32, #tpu.memory_space<hbm>> -> memref<1x80x128xi32, #tpu.memory_space<hbm>>
      %dma_start3A_99 = tpu.memref_squeeze %dma_start3A_98 : memref<1x80x128xi32, #tpu.memory_space<hbm>> -> memref<80x128xi32, #tpu.memory_space<hbm>>
      tpu.enqueue_dma source(%dma_start3A_99 : memref<80x128xi32, #tpu.memory_space<hbm>>) target(%arg8 : memref<80x128xi32, #tpu.memory_space<vmem>>) target_semaphore(%run_scoped3A : memref<!tpu.dma_semaphore, #tpu.memory_space<semaphore_mem>>)
      %dma_wait3A = arith.constant 0 : i32
      %dma_wait3A_100 = arith.constant 0 : i32
      %dma_wait3A_101 = tpu.memref_slice %arg5[%add3A, %dma_wait3A, %dma_wait3A_100] : memref<32x80x128xi32, #tpu.memory_space<hbm>> -> memref<1x80x128xi32, #tpu.memory_space<hbm>>
      %dma_wait3A_102 = tpu.memref_squeeze %dma_wait3A_101 : memref<1x80x128xi32, #tpu.memory_space<hbm>> -> memref<80x128xi32, #tpu.memory_space<hbm>>
      %dma_wait3A_103 = arith.constant 0 : i32
      %dma_wait3A_104 = arith.constant 0 : i32
      %dma_wait3A_105 = tpu.memref_slice %arg5[%add3A, %dma_wait3A_103, %dma_wait3A_104] : memref<32x80x128xi32, #tpu.memory_space<hbm>> -> memref<1x80x128xi32, #tpu.memory_space<hbm>>
      %dma_wait3A_106 = tpu.memref_squeeze %dma_wait3A_105 : memref<1x80x128xi32, #tpu.memory_space<hbm>> -> memref<80x128xi32, #tpu.memory_space<hbm>>
      tpu.wait_dma2 semaphore(%run_scoped3A : memref<!tpu.dma_semaphore, #tpu.memory_space<semaphore_mem>>) src(%dma_wait3A_106 : memref<80x128xi32, #tpu.memory_space<hbm>>) dst(%arg8 : memref<80x128xi32, #tpu.memory_space<vmem>>)
      tpu.yield
    }) : () -> ()
    %dma_start3A = arith.constant 0 : i32
    %dma_start3A_14 = arith.constant 0 : i32
    %dma_start3A_15 = arith.constant 0 : i32
    %dma_start3A_16 = arith.constant 0 : i32
    %dma_start3A_17 = arith.constant 0 : i32
    %dma_start3A_18 = tpu.memref_slice %arg9[%dma_start3A_14, %dma_start3A_16, %dma_start3A_17] : memref<3x256x128xf32, #tpu.memory_space<vmem>> -> memref<1x128x128xf32, #tpu.memory_space<vmem>>
    %dma_start3A_19 = tpu.memref_squeeze %dma_start3A_18 : memref<1x128x128xf32, #tpu.memory_space<vmem>> -> memref<128x128xf32, #tpu.memory_space<vmem>>
    %dma_start3A_20 = arith.constant 0 : i32
    %dma_start3A_21 = tpu.memref_slice %arg7[%dma_start3A, %dma_start3A_20] : memref<80x128xi32, #tpu.memory_space<vmem>> -> memref<1x128xi32, #tpu.memory_space<vmem>>
    %dma_start3A_22 = tpu.memref_squeeze %dma_start3A_21 : memref<1x128xi32, #tpu.memory_space<vmem>> -> memref<128xi32, #tpu.memory_space<vmem>>
    %dma_start3A_23 = arith.constant 0 : i32
    %dma_start3A_24 = arith.constant 0 : i32
    %dma_start3A_25 = tpu.memref_slice %arg2[%dma_start3A_23, %dma_start3A_24] : memref<10240x128xf32, #tpu.memory_space<hbm>> -> memref<10240x128xf32, #tpu.memory_space<hbm>>
    %dma_start3A_26 = tpu.memref_slice %arg10[%dma_start3A_15] : memref<3x!tpu.dma_semaphore, #tpu.memory_space<semaphore_mem>> -> memref<1x!tpu.dma_semaphore, #tpu.memory_space<semaphore_mem>>
    %dma_start3A_27 = tpu.memref_squeeze %dma_start3A_26 : memref<1x!tpu.dma_semaphore, #tpu.memory_space<semaphore_mem>> -> memref<!tpu.dma_semaphore, #tpu.memory_space<semaphore_mem>>
    tpu.enqueue_indirect_dma source(%dma_start3A_25 : memref<10240x128xf32, #tpu.memory_space<hbm>>) target(%dma_start3A_19 : memref<128x128xf32, #tpu.memory_space<vmem>>) offsets(%dma_start3A_22 : memref<128xi32, #tpu.memory_space<vmem>>) semaphore(%dma_start3A_27 : memref<!tpu.dma_semaphore, #tpu.memory_space<semaphore_mem>>)
    %dma_start3A_28 = arith.constant 0 : i32
    %dma_start3A_29 = arith.constant 0 : i32
    %dma_start3A_30 = arith.constant 0 : i32
    %dma_start3A_31 = arith.constant 128 : i32
    %dma_start3A_32 = arith.constant 0 : i32
    %dma_start3A_33 = tpu.memref_slice %arg9[%dma_start3A_29, %dma_start3A_31, %dma_start3A_32] : memref<3x256x128xf32, #tpu.memory_space<vmem>> -> memref<1x128x128xf32, #tpu.memory_space<vmem>>
    %dma_start3A_34 = tpu.memref_squeeze %dma_start3A_33 : memref<1x128x128xf32, #tpu.memory_space<vmem>> -> memref<128x128xf32, #tpu.memory_space<vmem>>
    %dma_start3A_35 = arith.constant 0 : i32
    %dma_start3A_36 = tpu.memref_slice %arg8[%dma_start3A_28, %dma_start3A_35] : memref<80x128xi32, #tpu.memory_space<vmem>> -> memref<1x128xi32, #tpu.memory_space<vmem>>
    %dma_start3A_37 = tpu.memref_squeeze %dma_start3A_36 : memref<1x128xi32, #tpu.memory_space<vmem>> -> memref<128xi32, #tpu.memory_space<vmem>>
    %dma_start3A_38 = arith.constant 0 : i32
    %dma_start3A_39 = arith.constant 0 : i32
    %dma_start3A_40 = tpu.memref_slice %arg3[%dma_start3A_38, %dma_start3A_39] : memref<10240x128xf32, #tpu.memory_space<hbm>> -> memref<10240x128xf32, #tpu.memory_space<hbm>>
    %dma_start3A_41 = tpu.memref_slice %arg11[%dma_start3A_30] : memref<3x!tpu.dma_semaphore, #tpu.memory_space<semaphore_mem>> -> memref<1x!tpu.dma_semaphore, #tpu.memory_space<semaphore_mem>>
    %dma_start3A_42 = tpu.memref_squeeze %dma_start3A_41 : memref<1x!tpu.dma_semaphore, #tpu.memory_space<semaphore_mem>> -> memref<!tpu.dma_semaphore, #tpu.memory_space<semaphore_mem>>
    tpu.enqueue_indirect_dma source(%dma_start3A_40 : memref<10240x128xf32, #tpu.memory_space<hbm>>) target(%dma_start3A_34 : memref<128x128xf32, #tpu.memory_space<vmem>>) offsets(%dma_start3A_37 : memref<128xi32, #tpu.memory_space<vmem>>) semaphore(%dma_start3A_42 : memref<!tpu.dma_semaphore, #tpu.memory_space<semaphore_mem>>)
    %dma_start3A_43 = arith.constant 1 : i32
    %dma_start3A_44 = arith.constant 1 : i32
    %dma_start3A_45 = arith.constant 1 : i32
    %dma_start3A_46 = arith.constant 0 : i32
    %dma_start3A_47 = arith.constant 0 : i32
    %dma_start3A_48 = tpu.memref_slice %arg9[%dma_start3A_44, %dma_start3A_46, %dma_start3A_47] : memref<3x256x128xf32, #tpu.memory_space<vmem>> -> memref<1x128x128xf32, #tpu.memory_space<vmem>>
    %dma_start3A_49 = tpu.memref_squeeze %dma_start3A_48 : memref<1x128x128xf32, #tpu.memory_space<vmem>> -> memref<128x128xf32, #tpu.memory_space<vmem>>
    %dma_start3A_50 = arith.constant 0 : i32
    %dma_start3A_51 = tpu.memref_slice %arg7[%dma_start3A_43, %dma_start3A_50] : memref<80x128xi32, #tpu.memory_space<vmem>> -> memref<1x128xi32, #tpu.memory_space<vmem>>
    %dma_start3A_52 = tpu.memref_squeeze %dma_start3A_51 : memref<1x128xi32, #tpu.memory_space<vmem>> -> memref<128xi32, #tpu.memory_space<vmem>>
    %dma_start3A_53 = arith.constant 0 : i32
    %dma_start3A_54 = arith.constant 0 : i32
    %dma_start3A_55 = tpu.memref_slice %arg2[%dma_start3A_53, %dma_start3A_54] : memref<10240x128xf32, #tpu.memory_space<hbm>> -> memref<10240x128xf32, #tpu.memory_space<hbm>>
    %dma_start3A_56 = tpu.memref_slice %arg10[%dma_start3A_45] : memref<3x!tpu.dma_semaphore, #tpu.memory_space<semaphore_mem>> -> memref<1x!tpu.dma_semaphore, #tpu.memory_space<semaphore_mem>>
    %dma_start3A_57 = tpu.memref_squeeze %dma_start3A_56 : memref<1x!tpu.dma_semaphore, #tpu.memory_space<semaphore_mem>> -> memref<!tpu.dma_semaphore, #tpu.memory_space<semaphore_mem>>
    tpu.enqueue_indirect_dma source(%dma_start3A_55 : memref<10240x128xf32, #tpu.memory_space<hbm>>) target(%dma_start3A_49 : memref<128x128xf32, #tpu.memory_space<vmem>>) offsets(%dma_start3A_52 : memref<128xi32, #tpu.memory_space<vmem>>) semaphore(%dma_start3A_57 : memref<!tpu.dma_semaphore, #tpu.memory_space<semaphore_mem>>)
    %dma_start3A_58 = arith.constant 1 : i32
    %dma_start3A_59 = arith.constant 1 : i32
    %dma_start3A_60 = arith.constant 1 : i32
    %dma_start3A_61 = arith.constant 128 : i32
    %dma_start3A_62 = arith.constant 0 : i32
    %dma_start3A_63 = tpu.memref_slice %arg9[%dma_start3A_59, %dma_start3A_61, %dma_start3A_62] : memref<3x256x128xf32, #tpu.memory_space<vmem>> -> memref<1x128x128xf32, #tpu.memory_space<vmem>>
    %dma_start3A_64 = tpu.memref_squeeze %dma_start3A_63 : memref<1x128x128xf32, #tpu.memory_space<vmem>> -> memref<128x128xf32, #tpu.memory_space<vmem>>
    %dma_start3A_65 = arith.constant 0 : i32
    %dma_start3A_66 = tpu.memref_slice %arg8[%dma_start3A_58, %dma_start3A_65] : memref<80x128xi32, #tpu.memory_space<vmem>> -> memref<1x128xi32, #tpu.memory_space<vmem>>
    %dma_start3A_67 = tpu.memref_squeeze %dma_start3A_66 : memref<1x128xi32, #tpu.memory_space<vmem>> -> memref<128xi32, #tpu.memory_space<vmem>>
    %dma_start3A_68 = arith.constant 0 : i32
    %dma_start3A_69 = arith.constant 0 : i32
    %dma_start3A_70 = tpu.memref_slice %arg3[%dma_start3A_68, %dma_start3A_69] : memref<10240x128xf32, #tpu.memory_space<hbm>> -> memref<10240x128xf32, #tpu.memory_space<hbm>>
    %dma_start3A_71 = tpu.memref_slice %arg11[%dma_start3A_60] : memref<3x!tpu.dma_semaphore, #tpu.memory_space<semaphore_mem>> -> memref<1x!tpu.dma_semaphore, #tpu.memory_space<semaphore_mem>>
    %dma_start3A_72 = tpu.memref_squeeze %dma_start3A_71 : memref<1x!tpu.dma_semaphore, #tpu.memory_space<semaphore_mem>> -> memref<!tpu.dma_semaphore, #tpu.memory_space<semaphore_mem>>
    tpu.enqueue_indirect_dma source(%dma_start3A_70 : memref<10240x128xf32, #tpu.memory_space<hbm>>) target(%dma_start3A_64 : memref<128x128xf32, #tpu.memory_space<vmem>>) offsets(%dma_start3A_67 : memref<128xi32, #tpu.memory_space<vmem>>) semaphore(%dma_start3A_72 : memref<!tpu.dma_semaphore, #tpu.memory_space<semaphore_mem>>)
    %while3A = arith.constant 0 : i32
    %while3A_73 = arith.constant 0 : i32
    %while3A_74 = arith.subi %select_n3A, %while3A_73 : i32
    %while3A_75 = arith.addi %while3A_73, %while3A_74 : i32
    %while3A_76 = arith.constant 1 : i32
    %while3A_77 = arith.divsi %while3A_74, %while3A_76 : i32
    %while3A_78 = arith.muli %while3A_77, %while3A_76 : i32
    %while3A_79 = arith.addi %while3A_73, %while3A_78 : i32
    %while3A_80 = arith.constant 1 : i32
    scf.for %while3A_92 = %while3A_73 to %while3A_79 step %while3A_80  : i32 {
      %rem3A = arith.constant 3 : i32
      %rem3A_93 = arith.remsi %while3A_92, %rem3A : i32
      %dma_wait3A = arith.constant 0 : i32
      %dma_wait3A_94 = arith.constant 0 : i32
      %dma_wait3A_95 = tpu.memref_slice %arg9[%rem3A_93, %dma_wait3A, %dma_wait3A_94] : memref<3x256x128xf32, #tpu.memory_space<vmem>> -> memref<1x128x128xf32, #tpu.memory_space<vmem>>
      %dma_wait3A_96 = tpu.memref_squeeze %dma_wait3A_95 : memref<1x128x128xf32, #tpu.memory_space<vmem>> -> memref<128x128xf32, #tpu.memory_space<vmem>>
      %dma_wait3A_97 = arith.constant 0 : i32
      %dma_wait3A_98 = tpu.memref_slice %arg7[%while3A_92, %dma_wait3A_97] : memref<80x128xi32, #tpu.memory_space<vmem>> -> memref<1x128xi32, #tpu.memory_space<vmem>>
      %dma_wait3A_99 = tpu.memref_squeeze %dma_wait3A_98 : memref<1x128xi32, #tpu.memory_space<vmem>> -> memref<128xi32, #tpu.memory_space<vmem>>
      %dma_wait3A_100 = arith.constant 0 : i32
      %dma_wait3A_101 = arith.constant 0 : i32
      %dma_wait3A_102 = tpu.memref_slice %arg2[%dma_wait3A_100, %dma_wait3A_101] : memref<10240x128xf32, #tpu.memory_space<hbm>> -> memref<10240x128xf32, #tpu.memory_space<hbm>>
      %dma_wait3A_103 = tpu.memref_slice %arg10[%rem3A_93] : memref<3x!tpu.dma_semaphore, #tpu.memory_space<semaphore_mem>> -> memref<1x!tpu.dma_semaphore, #tpu.memory_space<semaphore_mem>>
      %dma_wait3A_104 = tpu.memref_squeeze %dma_wait3A_103 : memref<1x!tpu.dma_semaphore, #tpu.memory_space<semaphore_mem>> -> memref<!tpu.dma_semaphore, #tpu.memory_space<semaphore_mem>>
      tpu.wait_indirect_dma semaphore(%dma_wait3A_104 : memref<!tpu.dma_semaphore, #tpu.memory_space<semaphore_mem>>) src(%dma_wait3A_102 : memref<10240x128xf32, #tpu.memory_space<hbm>>) dst(%dma_wait3A_96 : memref<128x128xf32, #tpu.memory_space<vmem>>)
      %dma_wait3A_105 = arith.constant 128 : i32
      %dma_wait3A_106 = arith.constant 0 : i32
      %dma_wait3A_107 = tpu.memref_slice %arg9[%rem3A_93, %dma_wait3A_105, %dma_wait3A_106] : memref<3x256x128xf32, #tpu.memory_space<vmem>> -> memref<1x128x128xf32, #tpu.memory_space<vmem>>
      %dma_wait3A_108 = tpu.memref_squeeze %dma_wait3A_107 : memref<1x128x128xf32, #tpu.memory_space<vmem>> -> memref<128x128xf32, #tpu.memory_space<vmem>>
      %dma_wait3A_109 = arith.constant 0 : i32
      %dma_wait3A_110 = tpu.memref_slice %arg8[%while3A_92, %dma_wait3A_109] : memref<80x128xi32, #tpu.memory_space<vmem>> -> memref<1x128xi32, #tpu.memory_space<vmem>>
      %dma_wait3A_111 = tpu.memref_squeeze %dma_wait3A_110 : memref<1x128xi32, #tpu.memory_space<vmem>> -> memref<128xi32, #tpu.memory_space<vmem>>
      %dma_wait3A_112 = arith.constant 0 : i32
      %dma_wait3A_113 = arith.constant 0 : i32
      %dma_wait3A_114 = tpu.memref_slice %arg3[%dma_wait3A_112, %dma_wait3A_113] : memref<10240x128xf32, #tpu.memory_space<hbm>> -> memref<10240x128xf32, #tpu.memory_space<hbm>>
      %dma_wait3A_115 = tpu.memref_slice %arg11[%rem3A_93] : memref<3x!tpu.dma_semaphore, #tpu.memory_space<semaphore_mem>> -> memref<1x!tpu.dma_semaphore, #tpu.memory_space<semaphore_mem>>
      %dma_wait3A_116 = tpu.memref_squeeze %dma_wait3A_115 : memref<1x!tpu.dma_semaphore, #tpu.memory_space<semaphore_mem>> -> memref<!tpu.dma_semaphore, #tpu.memory_space<semaphore_mem>>
      tpu.wait_indirect_dma semaphore(%dma_wait3A_116 : memref<!tpu.dma_semaphore, #tpu.memory_space<semaphore_mem>>) src(%dma_wait3A_114 : memref<10240x128xf32, #tpu.memory_space<hbm>>) dst(%dma_wait3A_108 : memref<128x128xf32, #tpu.memory_space<vmem>>)
      %scan3A = arith.constant 0 : i32
      %scan3A_117 = arith.constant 0 : i32
      %scan3A_118 = arith.constant 128 : i32
      %scan3A_119 = arith.addi %scan3A_117, %scan3A_118 : i32
      %scan3A_120 = arith.constant 1 : i32
      scf.for %scan3A_159 = %scan3A_117 to %scan3A_119 step %scan3A_120  : i32 {
        %add3A_160 = arith.constant 128 : i32
        %add3A_161 = arith.addi %add3A_160, %scan3A_159 : i32
        %get3A = arith.index_cast %rem3A_93 : i32 to index
        %get3A_162 = arith.index_cast %add3A_161 : i32 to index
        %get3A_163 = arith.constant 0 : index
        %get3A_164 = tpu.vector_load %arg9[%get3A, %get3A_162, %get3A_163] {strides = array<i32>} : memref<3x256x128xf32, #tpu.memory_space<vmem>>, vector<1x1x16xf32>,
        %get3A_165 = vector.shape_cast %get3A_164 : vector<1x1x16xf32> to vector<16xf32>
        %swap3A = arith.index_cast %rem3A_93 : i32 to index
        %swap3A_166 = arith.index_cast %scan3A_159 : i32 to index
        %swap3A_167 = arith.constant 0 : index
        %swap3A_168 = tpu.vector_load %arg9[%swap3A, %swap3A_166, %swap3A_167] {strides = array<i32>} : memref<3x256x128xf32, #tpu.memory_space<vmem>>, vector<1x1x16xf32>,
        %swap3A_169 = vector.shape_cast %swap3A_168 : vector<1x1x16xf32> to vector<16xf32>
        %swap3A_170 = vector.shape_cast %get3A_165 : vector<16xf32> to vector<1x1x16xf32>
        tpu.vector_store %arg9[%swap3A, %swap3A_166, %swap3A_167], %swap3A_170 {add = true, strides = array<i32>} : memref<3x256x128xf32, #tpu.memory_space<vmem>>, vector<1x1x16xf32>,
        %add3A_171 = arith.constant 128 : i32
        %add3A_172 = arith.addi %add3A_171, %scan3A_159 : i32
        %get3A_173 = arith.index_cast %rem3A_93 : i32 to index
        %get3A_174 = arith.index_cast %add3A_172 : i32 to index
        %get3A_175 = arith.constant 16 : index
        %get3A_176 = tpu.vector_load %arg9[%get3A_173, %get3A_174, %get3A_175] {strides = array<i32>} : memref<3x256x128xf32, #tpu.memory_space<vmem>>, vector<1x1x16xf32>,
        %get3A_177 = vector.shape_cast %get3A_176 : vector<1x1x16xf32> to vector<16xf32>
        %swap3A_178 = arith.index_cast %rem3A_93 : i32 to index
        %swap3A_179 = arith.index_cast %scan3A_159 : i32 to index
        %swap3A_180 = arith.constant 16 : index
        %swap3A_181 = tpu.vector_load %arg9[%swap3A_178, %swap3A_179, %swap3A_180] {strides = array<i32>} : memref<3x256x128xf32, #tpu.memory_space<vmem>>, vector<1x1x16xf32>,
        %swap3A_182 = vector.shape_cast %swap3A_181 : vector<1x1x16xf32> to vector<16xf32>
        %swap3A_183 = vector.shape_cast %get3A_177 : vector<16xf32> to vector<1x1x16xf32>
        tpu.vector_store %arg9[%swap3A_178, %swap3A_179, %swap3A_180], %swap3A_183 {add = true, strides = array<i32>} : memref<3x256x128xf32, #tpu.memory_space<vmem>>, vector<1x1x16xf32>,
        %add3A_184 = arith.constant 128 : i32
        %add3A_185 = arith.addi %add3A_184, %scan3A_159 : i32
        %get3A_186 = arith.index_cast %rem3A_93 : i32 to index
        %get3A_187 = arith.index_cast %add3A_185 : i32 to index
        %get3A_188 = arith.constant 32 : index
        %get3A_189 = tpu.vector_load %arg9[%get3A_186, %get3A_187, %get3A_188] {strides = array<i32>} : memref<3x256x128xf32, #tpu.memory_space<vmem>>, vector<1x1x16xf32>,
        %get3A_190 = vector.shape_cast %get3A_189 : vector<1x1x16xf32> to vector<16xf32>
        %swap3A_191 = arith.index_cast %rem3A_93 : i32 to index
        %swap3A_192 = arith.index_cast %scan3A_159 : i32 to index
        %swap3A_193 = arith.constant 32 : index
        %swap3A_194 = tpu.vector_load %arg9[%swap3A_191, %swap3A_192, %swap3A_193] {strides = array<i32>} : memref<3x256x128xf32, #tpu.memory_space<vmem>>, vector<1x1x16xf32>,
        %swap3A_195 = vector.shape_cast %swap3A_194 : vector<1x1x16xf32> to vector<16xf32>
        %swap3A_196 = vector.shape_cast %get3A_190 : vector<16xf32> to vector<1x1x16xf32>
        tpu.vector_store %arg9[%swap3A_191, %swap3A_192, %swap3A_193], %swap3A_196 {add = true, strides = array<i32>} : memref<3x256x128xf32, #tpu.memory_space<vmem>>, vector<1x1x16xf32>,
        %add3A_197 = arith.constant 128 : i32
        %add3A_198 = arith.addi %add3A_197, %scan3A_159 : i32
        %get3A_199 = arith.index_cast %rem3A_93 : i32 to index
        %get3A_200 = arith.index_cast %add3A_198 : i32 to index
        %get3A_201 = arith.constant 48 : index
        %get3A_202 = tpu.vector_load %arg9[%get3A_199, %get3A_200, %get3A_201] {strides = array<i32>} : memref<3x256x128xf32, #tpu.memory_space<vmem>>, vector<1x1x16xf32>,
        %get3A_203 = vector.shape_cast %get3A_202 : vector<1x1x16xf32> to vector<16xf32>
        %swap3A_204 = arith.index_cast %rem3A_93 : i32 to index
        %swap3A_205 = arith.index_cast %scan3A_159 : i32 to index
        %swap3A_206 = arith.constant 48 : index
        %swap3A_207 = tpu.vector_load %arg9[%swap3A_204, %swap3A_205, %swap3A_206] {strides = array<i32>} : memref<3x256x128xf32, #tpu.memory_space<vmem>>, vector<1x1x16xf32>,
        %swap3A_208 = vector.shape_cast %swap3A_207 : vector<1x1x16xf32> to vector<16xf32>
        %swap3A_209 = vector.shape_cast %get3A_203 : vector<16xf32> to vector<1x1x16xf32>
        tpu.vector_store %arg9[%swap3A_204, %swap3A_205, %swap3A_206], %swap3A_209 {add = true, strides = array<i32>} : memref<3x256x128xf32, #tpu.memory_space<vmem>>, vector<1x1x16xf32>,
        %add3A_210 = arith.constant 128 : i32
        %add3A_211 = arith.addi %add3A_210, %scan3A_159 : i32
        %get3A_212 = arith.index_cast %rem3A_93 : i32 to index
        %get3A_213 = arith.index_cast %add3A_211 : i32 to index
        %get3A_214 = arith.constant 64 : index
        %get3A_215 = tpu.vector_load %arg9[%get3A_212, %get3A_213, %get3A_214] {strides = array<i32>} : memref<3x256x128xf32, #tpu.memory_space<vmem>>, vector<1x1x16xf32>,
        %get3A_216 = vector.shape_cast %get3A_215 : vector<1x1x16xf32> to vector<16xf32>
        %swap3A_217 = arith.index_cast %rem3A_93 : i32 to index
        %swap3A_218 = arith.index_cast %scan3A_159 : i32 to index
        %swap3A_219 = arith.constant 64 : index
        %swap3A_220 = tpu.vector_load %arg9[%swap3A_217, %swap3A_218, %swap3A_219] {strides = array<i32>} : memref<3x256x128xf32, #tpu.memory_space<vmem>>, vector<1x1x16xf32>,
        %swap3A_221 = vector.shape_cast %swap3A_220 : vector<1x1x16xf32> to vector<16xf32>
        %swap3A_222 = vector.shape_cast %get3A_216 : vector<16xf32> to vector<1x1x16xf32>
        tpu.vector_store %arg9[%swap3A_217, %swap3A_218, %swap3A_219], %swap3A_222 {add = true, strides = array<i32>} : memref<3x256x128xf32, #tpu.memory_space<vmem>>, vector<1x1x16xf32>,
        %add3A_223 = arith.constant 128 : i32
        %add3A_224 = arith.addi %add3A_223, %scan3A_159 : i32
        %get3A_225 = arith.index_cast %rem3A_93 : i32 to index
        %get3A_226 = arith.index_cast %add3A_224 : i32 to index
        %get3A_227 = arith.constant 80 : index
        %get3A_228 = tpu.vector_load %arg9[%get3A_225, %get3A_226, %get3A_227] {strides = array<i32>} : memref<3x256x128xf32, #tpu.memory_space<vmem>>, vector<1x1x16xf32>,
        %get3A_229 = vector.shape_cast %get3A_228 : vector<1x1x16xf32> to vector<16xf32>
        %swap3A_230 = arith.index_cast %rem3A_93 : i32 to index
        %swap3A_231 = arith.index_cast %scan3A_159 : i32 to index
        %swap3A_232 = arith.constant 80 : index
        %swap3A_233 = tpu.vector_load %arg9[%swap3A_230, %swap3A_231, %swap3A_232] {strides = array<i32>} : memref<3x256x128xf32, #tpu.memory_space<vmem>>, vector<1x1x16xf32>,
        %swap3A_234 = vector.shape_cast %swap3A_233 : vector<1x1x16xf32> to vector<16xf32>
        %swap3A_235 = vector.shape_cast %get3A_229 : vector<16xf32> to vector<1x1x16xf32>
        tpu.vector_store %arg9[%swap3A_230, %swap3A_231, %swap3A_232], %swap3A_235 {add = true, strides = array<i32>} : memref<3x256x128xf32, #tpu.memory_space<vmem>>, vector<1x1x16xf32>,
        %add3A_236 = arith.constant 128 : i32
        %add3A_237 = arith.addi %add3A_236, %scan3A_159 : i32
        %get3A_238 = arith.index_cast %rem3A_93 : i32 to index
        %get3A_239 = arith.index_cast %add3A_237 : i32 to index
        %get3A_240 = arith.constant 96 : index
        %get3A_241 = tpu.vector_load %arg9[%get3A_238, %get3A_239, %get3A_240] {strides = array<i32>} : memref<3x256x128xf32, #tpu.memory_space<vmem>>, vector<1x1x16xf32>,
        %get3A_242 = vector.shape_cast %get3A_241 : vector<1x1x16xf32> to vector<16xf32>
        %swap3A_243 = arith.index_cast %rem3A_93 : i32 to index
        %swap3A_244 = arith.index_cast %scan3A_159 : i32 to index
        %swap3A_245 = arith.constant 96 : index
        %swap3A_246 = tpu.vector_load %arg9[%swap3A_243, %swap3A_244, %swap3A_245] {strides = array<i32>} : memref<3x256x128xf32, #tpu.memory_space<vmem>>, vector<1x1x16xf32>,
        %swap3A_247 = vector.shape_cast %swap3A_246 : vector<1x1x16xf32> to vector<16xf32>
        %swap3A_248 = vector.shape_cast %get3A_242 : vector<16xf32> to vector<1x1x16xf32>
        tpu.vector_store %arg9[%swap3A_243, %swap3A_244, %swap3A_245], %swap3A_248 {add = true, strides = array<i32>} : memref<3x256x128xf32, #tpu.memory_space<vmem>>, vector<1x1x16xf32>,
        %add3A_249 = arith.constant 128 : i32
        %add3A_250 = arith.addi %add3A_249, %scan3A_159 : i32
        %get3A_251 = arith.index_cast %rem3A_93 : i32 to index
        %get3A_252 = arith.index_cast %add3A_250 : i32 to index
        %get3A_253 = arith.constant 112 : index
        %get3A_254 = tpu.vector_load %arg9[%get3A_251, %get3A_252, %get3A_253] {strides = array<i32>} : memref<3x256x128xf32, #tpu.memory_space<vmem>>, vector<1x1x16xf32>,
        %get3A_255 = vector.shape_cast %get3A_254 : vector<1x1x16xf32> to vector<16xf32>
        %swap3A_256 = arith.index_cast %rem3A_93 : i32 to index
        %swap3A_257 = arith.index_cast %scan3A_159 : i32 to index
        %swap3A_258 = arith.constant 112 : index
        %swap3A_259 = tpu.vector_load %arg9[%swap3A_256, %swap3A_257, %swap3A_258] {strides = array<i32>} : memref<3x256x128xf32, #tpu.memory_space<vmem>>, vector<1x1x16xf32>,
        %swap3A_260 = vector.shape_cast %swap3A_259 : vector<1x1x16xf32> to vector<16xf32>
        %swap3A_261 = vector.shape_cast %get3A_255 : vector<16xf32> to vector<1x1x16xf32>
        tpu.vector_store %arg9[%swap3A_256, %swap3A_257, %swap3A_258], %swap3A_261 {add = true, strides = array<i32>} : memref<3x256x128xf32, #tpu.memory_space<vmem>>, vector<1x1x16xf32>,
      }
      %scan3A_121 = arith.constant 128 : i32
      %mul3A_122 = arith.constant 128 : i32
      %mul3A_123 = arith.muli %while3A_92, %mul3A_122 : i32
      %add3A_124 = arith.addi %mul3A_13, %mul3A_123 : i32
      %dma_start3A_125 = arith.constant 0 : i32
      %dma_start3A_126 = arith.constant 0 : i32
      %dma_start3A_127 = tpu.memref_slice %arg9[%rem3A_93, %dma_start3A_125, %dma_start3A_126] : memref<3x256x128xf32, #tpu.memory_space<vmem>> -> memref<1x128x128xf32, #tpu.memory_space<vmem>>
      %dma_start3A_128 = tpu.memref_squeeze %dma_start3A_127 : memref<1x128x128xf32, #tpu.memory_space<vmem>> -> memref<128x128xf32, #tpu.memory_space<vmem>>
      %dma_start3A_129 = arith.constant 0 : i32
      %dma_start3A_130 = tpu.memref_slice %arg6[%add3A_124, %dma_start3A_129] : memref<327680x128xf32, #tpu.memory_space<hbm>> -> memref<128x128xf32, #tpu.memory_space<hbm>>
      %dma_start3A_131 = tpu.memref_slice %arg12[%rem3A_93] : memref<3x!tpu.dma_semaphore, #tpu.memory_space<semaphore_mem>> -> memref<1x!tpu.dma_semaphore, #tpu.memory_space<semaphore_mem>>
      %dma_start3A_132 = tpu.memref_squeeze %dma_start3A_131 : memref<1x!tpu.dma_semaphore, #tpu.memory_space<semaphore_mem>> -> memref<!tpu.dma_semaphore, #tpu.memory_space<semaphore_mem>>
      %dma_start3A_133 = arith.constant 0 : i32
      %dma_start3A_134 = tpu.memref_slice %arg6[%add3A_124, %dma_start3A_133] : memref<327680x128xf32, #tpu.memory_space<hbm>> -> memref<128x128xf32, #tpu.memory_space<hbm>>
      %dma_start3A_135 = arith.constant 0 : i32
      %dma_start3A_136 = arith.constant 0 : i32
      %dma_start3A_137 = tpu.memref_slice %arg9[%rem3A_93, %dma_start3A_135, %dma_start3A_136] : memref<3x256x128xf32, #tpu.memory_space<vmem>> -> memref<1x128x128xf32, #tpu.memory_space<vmem>>
      %dma_start3A_138 = tpu.memref_squeeze %dma_start3A_137 : memref<1x128x128xf32, #tpu.memory_space<vmem>> -> memref<128x128xf32, #tpu.memory_space<vmem>>
      tpu.enqueue_dma source(%dma_start3A_138 : memref<128x128xf32, #tpu.memory_space<vmem>>) target(%dma_start3A_134 : memref<128x128xf32, #tpu.memory_space<hbm>>) target_semaphore(%dma_start3A_132 : memref<!tpu.dma_semaphore, #tpu.memory_space<semaphore_mem>>)
      %add3A_139 = arith.constant 3 : i32
      %add3A_140 = arith.addi %while3A_92, %add3A_139 : i32
      %sub3A_141 = arith.constant 1 : i32
      %sub3A_142 = arith.subi %add3A_140, %sub3A_141 : i32
      %rem3A_143 = arith.constant 3 : i32
      %rem3A_144 = arith.remsi %sub3A_142, %rem3A_143 : i32
      %ge3A = arith.constant 1 : i32
      %ge3A_145 = arith.cmpi sge, %while3A_92, %ge3A : i32
      %add3A_146 = arith.constant 3 : i32
      %add3A_147 = arith.addi %while3A_92, %add3A_146 : i32
      %sub3A_148 = arith.constant 1 : i32
      %sub3A_149 = arith.subi %add3A_147, %sub3A_148 : i32
      %lt3A = arith.cmpi slt, %sub3A_149, %select_n3A : i32
      %and3A = arith.andi %ge3A_145, %lt3A : i1
      %convert_element_type3A = arith.extui %and3A : i1 to i32
      %cond3A = arith.constant 0 : i32
      %cond3A_150 = arith.cmpi ne, %convert_element_type3A, %cond3A : i32
      scf.if %cond3A_150 {
        %sub3A_159 = arith.constant 1 : i32
        %sub3A_160 = arith.subi %while3A_92, %sub3A_159 : i32
        %mul3A_161 = arith.constant 128 : i32
        %mul3A_162 = arith.muli %sub3A_160, %mul3A_161 : i32
        %add3A_163 = arith.addi %mul3A_13, %mul3A_162 : i32
        %dma_wait3A_164 = arith.constant 0 : i32
        %dma_wait3A_165 = arith.constant 0 : i32
        %dma_wait3A_166 = tpu.memref_slice %arg9[%rem3A_144, %dma_wait3A_164, %dma_wait3A_165] : memref<3x256x128xf32, #tpu.memory_space<vmem>> -> memref<1x128x128xf32, #tpu.memory_space<vmem>>
        %dma_wait3A_167 = tpu.memref_squeeze %dma_wait3A_166 : memref<1x128x128xf32, #tpu.memory_space<vmem>> -> memref<128x128xf32, #tpu.memory_space<vmem>>
        %dma_wait3A_168 = arith.constant 0 : i32
        %dma_wait3A_169 = tpu.memref_slice %arg6[%add3A_163, %dma_wait3A_168] : memref<327680x128xf32, #tpu.memory_space<hbm>> -> memref<128x128xf32, #tpu.memory_space<hbm>>
        %dma_wait3A_170 = tpu.memref_slice %arg12[%rem3A_144] : memref<3x!tpu.dma_semaphore, #tpu.memory_space<semaphore_mem>> -> memref<1x!tpu.dma_semaphore, #tpu.memory_space<semaphore_mem>>
        %dma_wait3A_171 = tpu.memref_squeeze %dma_wait3A_170 : memref<1x!tpu.dma_semaphore, #tpu.memory_space<semaphore_mem>> -> memref<!tpu.dma_semaphore, #tpu.memory_space<semaphore_mem>>
        %dma_wait3A_172 = arith.constant 0 : i32
        %dma_wait3A_173 = tpu.memref_slice %arg6[%add3A_163, %dma_wait3A_172] : memref<327680x128xf32, #tpu.memory_space<hbm>> -> memref<128x128xf32, #tpu.memory_space<hbm>>
        %dma_wait3A_174 = arith.constant 0 : i32
        %dma_wait3A_175 = arith.constant 0 : i32
        %dma_wait3A_176 = tpu.memref_slice %arg9[%rem3A_144, %dma_wait3A_174, %dma_wait3A_175] : memref<3x256x128xf32, #tpu.memory_space<vmem>> -> memref<1x128x128xf32, #tpu.memory_space<vmem>>
        %dma_wait3A_177 = tpu.memref_squeeze %dma_wait3A_176 : memref<1x128x128xf32, #tpu.memory_space<vmem>> -> memref<128x128xf32, #tpu.memory_space<vmem>>
        tpu.wait_dma2 semaphore(%dma_wait3A_171 : memref<!tpu.dma_semaphore, #tpu.memory_space<semaphore_mem>>) src(%dma_wait3A_177 : memref<128x128xf32, #tpu.memory_space<vmem>>) dst(%dma_wait3A_173 : memref<128x128xf32, #tpu.memory_space<hbm>>)
      } else {
      }
      %add3A_151 = arith.constant 3 : i32
      %add3A_152 = arith.addi %while3A_92, %add3A_151 : i32
      %sub3A_153 = arith.constant 1 : i32
      %sub3A_154 = arith.subi %add3A_152, %sub3A_153 : i32
      %lt3A_155 = arith.cmpi slt, %sub3A_154, %select_n3A : i32
      %convert_element_type3A_156 = arith.extui %lt3A_155 : i1 to i32
      %cond3A_157 = arith.constant 0 : i32
      %cond3A_158 = arith.cmpi ne, %convert_element_type3A_156, %cond3A_157 : i32
      scf.if %cond3A_158 {
        %add3A_159 = arith.constant 3 : i32
        %add3A_160 = arith.addi %while3A_92, %add3A_159 : i32
        %sub3A_161 = arith.constant 1 : i32
        %sub3A_162 = arith.subi %add3A_160, %sub3A_161 : i32
        %dma_start3A_163 = arith.constant 0 : i32
        %dma_start3A_164 = arith.constant 0 : i32
        %dma_start3A_165 = tpu.memref_slice %arg9[%rem3A_144, %dma_start3A_163, %dma_start3A_164] : memref<3x256x128xf32, #tpu.memory_space<vmem>> -> memref<1x128x128xf32, #tpu.memory_space<vmem>>
        %dma_start3A_166 = tpu.memref_squeeze %dma_start3A_165 : memref<1x128x128xf32, #tpu.memory_space<vmem>> -> memref<128x128xf32, #tpu.memory_space<vmem>>
        %dma_start3A_167 = arith.constant 0 : i32
        %dma_start3A_168 = tpu.memref_slice %arg7[%sub3A_162, %dma_start3A_167] : memref<80x128xi32, #tpu.memory_space<vmem>> -> memref<1x128xi32, #tpu.memory_space<vmem>>
        %dma_start3A_169 = tpu.memref_squeeze %dma_start3A_168 : memref<1x128xi32, #tpu.memory_space<vmem>> -> memref<128xi32, #tpu.memory_space<vmem>>
        %dma_start3A_170 = arith.constant 0 : i32
        %dma_start3A_171 = arith.constant 0 : i32
        %dma_start3A_172 = tpu.memref_slice %arg2[%dma_start3A_170, %dma_start3A_171] : memref<10240x128xf32, #tpu.memory_space<hbm>> -> memref<10240x128xf32, #tpu.memory_space<hbm>>
        %dma_start3A_173 = tpu.memref_slice %arg10[%rem3A_144] : memref<3x!tpu.dma_semaphore, #tpu.memory_space<semaphore_mem>> -> memref<1x!tpu.dma_semaphore, #tpu.memory_space<semaphore_mem>>
        %dma_start3A_174 = tpu.memref_squeeze %dma_start3A_173 : memref<1x!tpu.dma_semaphore, #tpu.memory_space<semaphore_mem>> -> memref<!tpu.dma_semaphore, #tpu.memory_space<semaphore_mem>>
        tpu.enqueue_indirect_dma source(%dma_start3A_172 : memref<10240x128xf32, #tpu.memory_space<hbm>>) target(%dma_start3A_166 : memref<128x128xf32, #tpu.memory_space<vmem>>) offsets(%dma_start3A_169 : memref<128xi32, #tpu.memory_space<vmem>>) semaphore(%dma_start3A_174 : memref<!tpu.dma_semaphore, #tpu.memory_space<semaphore_mem>>)
        %dma_start3A_175 = arith.constant 128 : i32
        %dma_start3A_176 = arith.constant 0 : i32
        %dma_start3A_177 = tpu.memref_slice %arg9[%rem3A_144, %dma_start3A_175, %dma_start3A_176] : memref<3x256x128xf32, #tpu.memory_space<vmem>> -> memref<1x128x128xf32, #tpu.memory_space<vmem>>
        %dma_start3A_178 = tpu.memref_squeeze %dma_start3A_177 : memref<1x128x128xf32, #tpu.memory_space<vmem>> -> memref<128x128xf32, #tpu.memory_space<vmem>>
        %dma_start3A_179 = arith.constant 0 : i32
        %dma_start3A_180 = tpu.memref_slice %arg8[%sub3A_162, %dma_start3A_179] : memref<80x128xi32, #tpu.memory_space<vmem>> -> memref<1x128xi32, #tpu.memory_space<vmem>>
        %dma_start3A_181 = tpu.memref_squeeze %dma_start3A_180 : memref<1x128xi32, #tpu.memory_space<vmem>> -> memref<128xi32, #tpu.memory_space<vmem>>
        %dma_start3A_182 = arith.constant 0 : i32
        %dma_start3A_183 = arith.constant 0 : i32
        %dma_start3A_184 = tpu.memref_slice %arg3[%dma_start3A_182, %dma_start3A_183] : memref<10240x128xf32, #tpu.memory_space<hbm>> -> memref<10240x128xf32, #tpu.memory_space<hbm>>
        %dma_start3A_185 = tpu.memref_slice %arg11[%rem3A_144] : memref<3x!tpu.dma_semaphore, #tpu.memory_space<semaphore_mem>> -> memref<1x!tpu.dma_semaphore, #tpu.memory_space<semaphore_mem>>
        %dma_start3A_186 = tpu.memref_squeeze %dma_start3A_185 : memref<1x!tpu.dma_semaphore, #tpu.memory_space<semaphore_mem>> -> memref<!tpu.dma_semaphore, #tpu.memory_space<semaphore_mem>>
        tpu.enqueue_indirect_dma source(%dma_start3A_184 : memref<10240x128xf32, #tpu.memory_space<hbm>>) target(%dma_start3A_178 : memref<128x128xf32, #tpu.memory_space<vmem>>) offsets(%dma_start3A_181 : memref<128xi32, #tpu.memory_space<vmem>>) semaphore(%dma_start3A_186 : memref<!tpu.dma_semaphore, #tpu.memory_space<semaphore_mem>>)
      } else {
      }
    }
    %while3A_81 = arith.constant 1 : i32
    scf.for %while3A_92 = %while3A_79 to %while3A_75 step %while3A_81  : i32 {
      %rem3A = arith.constant 3 : i32
      %rem3A_93 = arith.remsi %while3A_92, %rem3A : i32
      %dma_wait3A = arith.constant 0 : i32
      %dma_wait3A_94 = arith.constant 0 : i32
      %dma_wait3A_95 = tpu.memref_slice %arg9[%rem3A_93, %dma_wait3A, %dma_wait3A_94] : memref<3x256x128xf32, #tpu.memory_space<vmem>> -> memref<1x128x128xf32, #tpu.memory_space<vmem>>
      %dma_wait3A_96 = tpu.memref_squeeze %dma_wait3A_95 : memref<1x128x128xf32, #tpu.memory_space<vmem>> -> memref<128x128xf32, #tpu.memory_space<vmem>>
      %dma_wait3A_97 = arith.constant 0 : i32
      %dma_wait3A_98 = tpu.memref_slice %arg7[%while3A_92, %dma_wait3A_97] : memref<80x128xi32, #tpu.memory_space<vmem>> -> memref<1x128xi32, #tpu.memory_space<vmem>>
      %dma_wait3A_99 = tpu.memref_squeeze %dma_wait3A_98 : memref<1x128xi32, #tpu.memory_space<vmem>> -> memref<128xi32, #tpu.memory_space<vmem>>
      %dma_wait3A_100 = arith.constant 0 : i32
      %dma_wait3A_101 = arith.constant 0 : i32
      %dma_wait3A_102 = tpu.memref_slice %arg2[%dma_wait3A_100, %dma_wait3A_101] : memref<10240x128xf32, #tpu.memory_space<hbm>> -> memref<10240x128xf32, #tpu.memory_space<hbm>>
      %dma_wait3A_103 = tpu.memref_slice %arg10[%rem3A_93] : memref<3x!tpu.dma_semaphore, #tpu.memory_space<semaphore_mem>> -> memref<1x!tpu.dma_semaphore, #tpu.memory_space<semaphore_mem>>
      %dma_wait3A_104 = tpu.memref_squeeze %dma_wait3A_103 : memref<1x!tpu.dma_semaphore, #tpu.memory_space<semaphore_mem>> -> memref<!tpu.dma_semaphore, #tpu.memory_space<semaphore_mem>>
      tpu.wait_indirect_dma semaphore(%dma_wait3A_104 : memref<!tpu.dma_semaphore, #tpu.memory_space<semaphore_mem>>) src(%dma_wait3A_102 : memref<10240x128xf32, #tpu.memory_space<hbm>>) dst(%dma_wait3A_96 : memref<128x128xf32, #tpu.memory_space<vmem>>)
      %dma_wait3A_105 = arith.constant 128 : i32
      %dma_wait3A_106 = arith.constant 0 : i32
      %dma_wait3A_107 = tpu.memref_slice %arg9[%rem3A_93, %dma_wait3A_105, %dma_wait3A_106] : memref<3x256x128xf32, #tpu.memory_space<vmem>> -> memref<1x128x128xf32, #tpu.memory_space<vmem>>
      %dma_wait3A_108 = tpu.memref_squeeze %dma_wait3A_107 : memref<1x128x128xf32, #tpu.memory_space<vmem>> -> memref<128x128xf32, #tpu.memory_space<vmem>>
      %dma_wait3A_109 = arith.constant 0 : i32
      %dma_wait3A_110 = tpu.memref_slice %arg8[%while3A_92, %dma_wait3A_109] : memref<80x128xi32, #tpu.memory_space<vmem>> -> memref<1x128xi32, #tpu.memory_space<vmem>>
      %dma_wait3A_111 = tpu.memref_squeeze %dma_wait3A_110 : memref<1x128xi32, #tpu.memory_space<vmem>> -> memref<128xi32, #tpu.memory_space<vmem>>
      %dma_wait3A_112 = arith.constant 0 : i32
      %dma_wait3A_113 = arith.constant 0 : i32
      %dma_wait3A_114 = tpu.memref_slice %arg3[%dma_wait3A_112, %dma_wait3A_113] : memref<10240x128xf32, #tpu.memory_space<hbm>> -> memref<10240x128xf32, #tpu.memory_space<hbm>>
      %dma_wait3A_115 = tpu.memref_slice %arg11[%rem3A_93] : memref<3x!tpu.dma_semaphore, #tpu.memory_space<semaphore_mem>> -> memref<1x!tpu.dma_semaphore, #tpu.memory_space<semaphore_mem>>
      %dma_wait3A_116 = tpu.memref_squeeze %dma_wait3A_115 : memref<1x!tpu.dma_semaphore, #tpu.memory_space<semaphore_mem>> -> memref<!tpu.dma_semaphore, #tpu.memory_space<semaphore_mem>>
      tpu.wait_indirect_dma semaphore(%dma_wait3A_116 : memref<!tpu.dma_semaphore, #tpu.memory_space<semaphore_mem>>) src(%dma_wait3A_114 : memref<10240x128xf32, #tpu.memory_space<hbm>>) dst(%dma_wait3A_108 : memref<128x128xf32, #tpu.memory_space<vmem>>)
      %scan3A = arith.constant 0 : i32
      %scan3A_117 = arith.constant 0 : i32
      %scan3A_118 = arith.constant 128 : i32
      %scan3A_119 = arith.addi %scan3A_117, %scan3A_118 : i32
      %scan3A_120 = arith.constant 1 : i32
      scf.for %scan3A_159 = %scan3A_117 to %scan3A_119 step %scan3A_120  : i32 {
        %add3A_160 = arith.constant 128 : i32
        %add3A_161 = arith.addi %add3A_160, %scan3A_159 : i32
        %get3A = arith.index_cast %rem3A_93 : i32 to index
        %get3A_162 = arith.index_cast %add3A_161 : i32 to index
        %get3A_163 = arith.constant 0 : index
        %get3A_164 = tpu.vector_load %arg9[%get3A, %get3A_162, %get3A_163] {strides = array<i32>} : memref<3x256x128xf32, #tpu.memory_space<vmem>>, vector<1x1x16xf32>,
        %get3A_165 = vector.shape_cast %get3A_164 : vector<1x1x16xf32> to vector<16xf32>
        %swap3A = arith.index_cast %rem3A_93 : i32 to index
        %swap3A_166 = arith.index_cast %scan3A_159 : i32 to index
        %swap3A_167 = arith.constant 0 : index
        %swap3A_168 = tpu.vector_load %arg9[%swap3A, %swap3A_166, %swap3A_167] {strides = array<i32>} : memref<3x256x128xf32, #tpu.memory_space<vmem>>, vector<1x1x16xf32>,
        %swap3A_169 = vector.shape_cast %swap3A_168 : vector<1x1x16xf32> to vector<16xf32>
        %swap3A_170 = vector.shape_cast %get3A_165 : vector<16xf32> to vector<1x1x16xf32>
        tpu.vector_store %arg9[%swap3A, %swap3A_166, %swap3A_167], %swap3A_170 {add = true, strides = array<i32>} : memref<3x256x128xf32, #tpu.memory_space<vmem>>, vector<1x1x16xf32>,
        %add3A_171 = arith.constant 128 : i32
        %add3A_172 = arith.addi %add3A_171, %scan3A_159 : i32
        %get3A_173 = arith.index_cast %rem3A_93 : i32 to index
        %get3A_174 = arith.index_cast %add3A_172 : i32 to index
        %get3A_175 = arith.constant 16 : index
        %get3A_176 = tpu.vector_load %arg9[%get3A_173, %get3A_174, %get3A_175] {strides = array<i32>} : memref<3x256x128xf32, #tpu.memory_space<vmem>>, vector<1x1x16xf32>,
        %get3A_177 = vector.shape_cast %get3A_176 : vector<1x1x16xf32> to vector<16xf32>
        %swap3A_178 = arith.index_cast %rem3A_93 : i32 to index
        %swap3A_179 = arith.index_cast %scan3A_159 : i32 to index
        %swap3A_180 = arith.constant 16 : index
        %swap3A_181 = tpu.vector_load %arg9[%swap3A_178, %swap3A_179, %swap3A_180] {strides = array<i32>} : memref<3x256x128xf32, #tpu.memory_space<vmem>>, vector<1x1x16xf32>,
        %swap3A_182 = vector.shape_cast %swap3A_181 : vector<1x1x16xf32> to vector<16xf32>
        %swap3A_183 = vector.shape_cast %get3A_177 : vector<16xf32> to vector<1x1x16xf32>
        tpu.vector_store %arg9[%swap3A_178, %swap3A_179, %swap3A_180], %swap3A_183 {add = true, strides = array<i32>} : memref<3x256x128xf32, #tpu.memory_space<vmem>>, vector<1x1x16xf32>,
        %add3A_184 = arith.constant 128 : i32
        %add3A_185 = arith.addi %add3A_184, %scan3A_159 : i32
        %get3A_186 = arith.index_cast %rem3A_93 : i32 to index
        %get3A_187 = arith.index_cast %add3A_185 : i32 to index
        %get3A_188 = arith.constant 32 : index
        %get3A_189 = tpu.vector_load %arg9[%get3A_186, %get3A_187, %get3A_188] {strides = array<i32>} : memref<3x256x128xf32, #tpu.memory_space<vmem>>, vector<1x1x16xf32>,
        %get3A_190 = vector.shape_cast %get3A_189 : vector<1x1x16xf32> to vector<16xf32>
        %swap3A_191 = arith.index_cast %rem3A_93 : i32 to index
        %swap3A_192 = arith.index_cast %scan3A_159 : i32 to index
        %swap3A_193 = arith.constant 32 : index
        %swap3A_194 = tpu.vector_load %arg9[%swap3A_191, %swap3A_192, %swap3A_193] {strides = array<i32>} : memref<3x256x128xf32, #tpu.memory_space<vmem>>, vector<1x1x16xf32>,
        %swap3A_195 = vector.shape_cast %swap3A_194 : vector<1x1x16xf32> to vector<16xf32>
        %swap3A_196 = vector.shape_cast %get3A_190 : vector<16xf32> to vector<1x1x16xf32>
        tpu.vector_store %arg9[%swap3A_191, %swap3A_192, %swap3A_193], %swap3A_196 {add = true, strides = array<i32>} : memref<3x256x128xf32, #tpu.memory_space<vmem>>, vector<1x1x16xf32>,
        %add3A_197 = arith.constant 128 : i32
        %add3A_198 = arith.addi %add3A_197, %scan3A_159 : i32
        %get3A_199 = arith.index_cast %rem3A_93 : i32 to index
        %get3A_200 = arith.index_cast %add3A_198 : i32 to index
        %get3A_201 = arith.constant 48 : index
        %get3A_202 = tpu.vector_load %arg9[%get3A_199, %get3A_200, %get3A_201] {strides = array<i32>} : memref<3x256x128xf32, #tpu.memory_space<vmem>>, vector<1x1x16xf32>,
        %get3A_203 = vector.shape_cast %get3A_202 : vector<1x1x16xf32> to vector<16xf32>
        %swap3A_204 = arith.index_cast %rem3A_93 : i32 to index
        %swap3A_205 = arith.index_cast %scan3A_159 : i32 to index
        %swap3A_206 = arith.constant 48 : index
        %swap3A_207 = tpu.vector_load %arg9[%swap3A_204, %swap3A_205, %swap3A_206] {strides = array<i32>} : memref<3x256x128xf32, #tpu.memory_space<vmem>>, vector<1x1x16xf32>,
        %swap3A_208 = vector.shape_cast %swap3A_207 : vector<1x1x16xf32> to vector<16xf32>
        %swap3A_209 = vector.shape_cast %get3A_203 : vector<16xf32> to vector<1x1x16xf32>
        tpu.vector_store %arg9[%swap3A_204, %swap3A_205, %swap3A_206], %swap3A_209 {add = true, strides = array<i32>} : memref<3x256x128xf32, #tpu.memory_space<vmem>>, vector<1x1x16xf32>,
        %add3A_210 = arith.constant 128 : i32
        %add3A_211 = arith.addi %add3A_210, %scan3A_159 : i32
        %get3A_212 = arith.index_cast %rem3A_93 : i32 to index
        %get3A_213 = arith.index_cast %add3A_211 : i32 to index
        %get3A_214 = arith.constant 64 : index
        %get3A_215 = tpu.vector_load %arg9[%get3A_212, %get3A_213, %get3A_214] {strides = array<i32>} : memref<3x256x128xf32, #tpu.memory_space<vmem>>, vector<1x1x16xf32>,
        %get3A_216 = vector.shape_cast %get3A_215 : vector<1x1x16xf32> to vector<16xf32>
        %swap3A_217 = arith.index_cast %rem3A_93 : i32 to index
        %swap3A_218 = arith.index_cast %scan3A_159 : i32 to index
        %swap3A_219 = arith.constant 64 : index
        %swap3A_220 = tpu.vector_load %arg9[%swap3A_217, %swap3A_218, %swap3A_219] {strides = array<i32>} : memref<3x256x128xf32, #tpu.memory_space<vmem>>, vector<1x1x16xf32>,
        %swap3A_221 = vector.shape_cast %swap3A_220 : vector<1x1x16xf32> to vector<16xf32>
        %swap3A_222 = vector.shape_cast %get3A_216 : vector<16xf32> to vector<1x1x16xf32>
        tpu.vector_store %arg9[%swap3A_217, %swap3A_218, %swap3A_219], %swap3A_222 {add = true, strides = array<i32>} : memref<3x256x128xf32, #tpu.memory_space<vmem>>, vector<1x1x16xf32>,
        %add3A_223 = arith.constant 128 : i32
        %add3A_224 = arith.addi %add3A_223, %scan3A_159 : i32
        %get3A_225 = arith.index_cast %rem3A_93 : i32 to index
        %get3A_226 = arith.index_cast %add3A_224 : i32 to index
        %get3A_227 = arith.constant 80 : index
        %get3A_228 = tpu.vector_load %arg9[%get3A_225, %get3A_226, %get3A_227] {strides = array<i32>} : memref<3x256x128xf32, #tpu.memory_space<vmem>>, vector<1x1x16xf32>,
        %get3A_229 = vector.shape_cast %get3A_228 : vector<1x1x16xf32> to vector<16xf32>
        %swap3A_230 = arith.index_cast %rem3A_93 : i32 to index
        %swap3A_231 = arith.index_cast %scan3A_159 : i32 to index
        %swap3A_232 = arith.constant 80 : index
        %swap3A_233 = tpu.vector_load %arg9[%swap3A_230, %swap3A_231, %swap3A_232] {strides = array<i32>} : memref<3x256x128xf32, #tpu.memory_space<vmem>>, vector<1x1x16xf32>,
        %swap3A_234 = vector.shape_cast %swap3A_233 : vector<1x1x16xf32> to vector<16xf32>
        %swap3A_235 = vector.shape_cast %get3A_229 : vector<16xf32> to vector<1x1x16xf32>
        tpu.vector_store %arg9[%swap3A_230, %swap3A_231, %swap3A_232], %swap3A_235 {add = true, strides = array<i32>} : memref<3x256x128xf32, #tpu.memory_space<vmem>>, vector<1x1x16xf32>,
        %add3A_236 = arith.constant 128 : i32
        %add3A_237 = arith.addi %add3A_236, %scan3A_159 : i32
        %get3A_238 = arith.index_cast %rem3A_93 : i32 to index
        %get3A_239 = arith.index_cast %add3A_237 : i32 to index
        %get3A_240 = arith.constant 96 : index
        %get3A_241 = tpu.vector_load %arg9[%get3A_238, %get3A_239, %get3A_240] {strides = array<i32>} : memref<3x256x128xf32, #tpu.memory_space<vmem>>, vector<1x1x16xf32>,
        %get3A_242 = vector.shape_cast %get3A_241 : vector<1x1x16xf32> to vector<16xf32>
        %swap3A_243 = arith.index_cast %rem3A_93 : i32 to index
        %swap3A_244 = arith.index_cast %scan3A_159 : i32 to index
        %swap3A_245 = arith.constant 96 : index
        %swap3A_246 = tpu.vector_load %arg9[%swap3A_243, %swap3A_244, %swap3A_245] {strides = array<i32>} : memref<3x256x128xf32, #tpu.memory_space<vmem>>, vector<1x1x16xf32>,
        %swap3A_247 = vector.shape_cast %swap3A_246 : vector<1x1x16xf32> to vector<16xf32>
        %swap3A_248 = vector.shape_cast %get3A_242 : vector<16xf32> to vector<1x1x16xf32>
        tpu.vector_store %arg9[%swap3A_243, %swap3A_244, %swap3A_245], %swap3A_248 {add = true, strides = array<i32>} : memref<3x256x128xf32, #tpu.memory_space<vmem>>, vector<1x1x16xf32>,
        %add3A_249 = arith.constant 128 : i32
        %add3A_250 = arith.addi %add3A_249, %scan3A_159 : i32
        %get3A_251 = arith.index_cast %rem3A_93 : i32 to index
        %get3A_252 = arith.index_cast %add3A_250 : i32 to index
        %get3A_253 = arith.constant 112 : index
        %get3A_254 = tpu.vector_load %arg9[%get3A_251, %get3A_252, %get3A_253] {strides = array<i32>} : memref<3x256x128xf32, #tpu.memory_space<vmem>>, vector<1x1x16xf32>,
        %get3A_255 = vector.shape_cast %get3A_254 : vector<1x1x16xf32> to vector<16xf32>
        %swap3A_256 = arith.index_cast %rem3A_93 : i32 to index
        %swap3A_257 = arith.index_cast %scan3A_159 : i32 to index
        %swap3A_258 = arith.constant 112 : index
        %swap3A_259 = tpu.vector_load %arg9[%swap3A_256, %swap3A_257, %swap3A_258] {strides = array<i32>} : memref<3x256x128xf32, #tpu.memory_space<vmem>>, vector<1x1x16xf32>,
        %swap3A_260 = vector.shape_cast %swap3A_259 : vector<1x1x16xf32> to vector<16xf32>
        %swap3A_261 = vector.shape_cast %get3A_255 : vector<16xf32> to vector<1x1x16xf32>
        tpu.vector_store %arg9[%swap3A_256, %swap3A_257, %swap3A_258], %swap3A_261 {add = true, strides = array<i32>} : memref<3x256x128xf32, #tpu.memory_space<vmem>>, vector<1x1x16xf32>,
      }
      %scan3A_121 = arith.constant 128 : i32
      %mul3A_122 = arith.constant 128 : i32
      %mul3A_123 = arith.muli %while3A_92, %mul3A_122 : i32
      %add3A_124 = arith.addi %mul3A_13, %mul3A_123 : i32
      %dma_start3A_125 = arith.constant 0 : i32
      %dma_start3A_126 = arith.constant 0 : i32
      %dma_start3A_127 = tpu.memref_slice %arg9[%rem3A_93, %dma_start3A_125, %dma_start3A_126] : memref<3x256x128xf32, #tpu.memory_space<vmem>> -> memref<1x128x128xf32, #tpu.memory_space<vmem>>
      %dma_start3A_128 = tpu.memref_squeeze %dma_start3A_127 : memref<1x128x128xf32, #tpu.memory_space<vmem>> -> memref<128x128xf32, #tpu.memory_space<vmem>>
      %dma_start3A_129 = arith.constant 0 : i32
      %dma_start3A_130 = tpu.memref_slice %arg6[%add3A_124, %dma_start3A_129] : memref<327680x128xf32, #tpu.memory_space<hbm>> -> memref<128x128xf32, #tpu.memory_space<hbm>>
      %dma_start3A_131 = tpu.memref_slice %arg12[%rem3A_93] : memref<3x!tpu.dma_semaphore, #tpu.memory_space<semaphore_mem>> -> memref<1x!tpu.dma_semaphore, #tpu.memory_space<semaphore_mem>>
      %dma_start3A_132 = tpu.memref_squeeze %dma_start3A_131 : memref<1x!tpu.dma_semaphore, #tpu.memory_space<semaphore_mem>> -> memref<!tpu.dma_semaphore, #tpu.memory_space<semaphore_mem>>
      %dma_start3A_133 = arith.constant 0 : i32
      %dma_start3A_134 = tpu.memref_slice %arg6[%add3A_124, %dma_start3A_133] : memref<327680x128xf32, #tpu.memory_space<hbm>> -> memref<128x128xf32, #tpu.memory_space<hbm>>
      %dma_start3A_135 = arith.constant 0 : i32
      %dma_start3A_136 = arith.constant 0 : i32
      %dma_start3A_137 = tpu.memref_slice %arg9[%rem3A_93, %dma_start3A_135, %dma_start3A_136] : memref<3x256x128xf32, #tpu.memory_space<vmem>> -> memref<1x128x128xf32, #tpu.memory_space<vmem>>
      %dma_start3A_138 = tpu.memref_squeeze %dma_start3A_137 : memref<1x128x128xf32, #tpu.memory_space<vmem>> -> memref<128x128xf32, #tpu.memory_space<vmem>>
      tpu.enqueue_dma source(%dma_start3A_138 : memref<128x128xf32, #tpu.memory_space<vmem>>) target(%dma_start3A_134 : memref<128x128xf32, #tpu.memory_space<hbm>>) target_semaphore(%dma_start3A_132 : memref<!tpu.dma_semaphore, #tpu.memory_space<semaphore_mem>>)
      %add3A_139 = arith.constant 3 : i32
      %add3A_140 = arith.addi %while3A_92, %add3A_139 : i32
      %sub3A_141 = arith.constant 1 : i32
      %sub3A_142 = arith.subi %add3A_140, %sub3A_141 : i32
      %rem3A_143 = arith.constant 3 : i32
      %rem3A_144 = arith.remsi %sub3A_142, %rem3A_143 : i32
      %ge3A = arith.constant 1 : i32
      %ge3A_145 = arith.cmpi sge, %while3A_92, %ge3A : i32
      %add3A_146 = arith.constant 3 : i32
      %add3A_147 = arith.addi %while3A_92, %add3A_146 : i32
      %sub3A_148 = arith.constant 1 : i32
      %sub3A_149 = arith.subi %add3A_147, %sub3A_148 : i32
      %lt3A = arith.cmpi slt, %sub3A_149, %select_n3A : i32
      %and3A = arith.andi %ge3A_145, %lt3A : i1
      %convert_element_type3A = arith.extui %and3A : i1 to i32
      %cond3A = arith.constant 0 : i32
      %cond3A_150 = arith.cmpi ne, %convert_element_type3A, %cond3A : i32
      scf.if %cond3A_150 {
        %sub3A_159 = arith.constant 1 : i32
        %sub3A_160 = arith.subi %while3A_92, %sub3A_159 : i32
        %mul3A_161 = arith.constant 128 : i32
        %mul3A_162 = arith.muli %sub3A_160, %mul3A_161 : i32
        %add3A_163 = arith.addi %mul3A_13, %mul3A_162 : i32
        %dma_wait3A_164 = arith.constant 0 : i32
        %dma_wait3A_165 = arith.constant 0 : i32
        %dma_wait3A_166 = tpu.memref_slice %arg9[%rem3A_144, %dma_wait3A_164, %dma_wait3A_165] : memref<3x256x128xf32, #tpu.memory_space<vmem>> -> memref<1x128x128xf32, #tpu.memory_space<vmem>>
        %dma_wait3A_167 = tpu.memref_squeeze %dma_wait3A_166 : memref<1x128x128xf32, #tpu.memory_space<vmem>> -> memref<128x128xf32, #tpu.memory_space<vmem>>
        %dma_wait3A_168 = arith.constant 0 : i32
        %dma_wait3A_169 = tpu.memref_slice %arg6[%add3A_163, %dma_wait3A_168] : memref<327680x128xf32, #tpu.memory_space<hbm>> -> memref<128x128xf32, #tpu.memory_space<hbm>>
        %dma_wait3A_170 = tpu.memref_slice %arg12[%rem3A_144] : memref<3x!tpu.dma_semaphore, #tpu.memory_space<semaphore_mem>> -> memref<1x!tpu.dma_semaphore, #tpu.memory_space<semaphore_mem>>
        %dma_wait3A_171 = tpu.memref_squeeze %dma_wait3A_170 : memref<1x!tpu.dma_semaphore, #tpu.memory_space<semaphore_mem>> -> memref<!tpu.dma_semaphore, #tpu.memory_space<semaphore_mem>>
        %dma_wait3A_172 = arith.constant 0 : i32
        %dma_wait3A_173 = tpu.memref_slice %arg6[%add3A_163, %dma_wait3A_172] : memref<327680x128xf32, #tpu.memory_space<hbm>> -> memref<128x128xf32, #tpu.memory_space<hbm>>
        %dma_wait3A_174 = arith.constant 0 : i32
        %dma_wait3A_175 = arith.constant 0 : i32
        %dma_wait3A_176 = tpu.memref_slice %arg9[%rem3A_144, %dma_wait3A_174, %dma_wait3A_175] : memref<3x256x128xf32, #tpu.memory_space<vmem>> -> memref<1x128x128xf32, #tpu.memory_space<vmem>>
        %dma_wait3A_177 = tpu.memref_squeeze %dma_wait3A_176 : memref<1x128x128xf32, #tpu.memory_space<vmem>> -> memref<128x128xf32, #tpu.memory_space<vmem>>
        tpu.wait_dma2 semaphore(%dma_wait3A_171 : memref<!tpu.dma_semaphore, #tpu.memory_space<semaphore_mem>>) src(%dma_wait3A_177 : memref<128x128xf32, #tpu.memory_space<vmem>>) dst(%dma_wait3A_173 : memref<128x128xf32, #tpu.memory_space<hbm>>)
      } else {
      }
      %add3A_151 = arith.constant 3 : i32
      %add3A_152 = arith.addi %while3A_92, %add3A_151 : i32
      %sub3A_153 = arith.constant 1 : i32
      %sub3A_154 = arith.subi %add3A_152, %sub3A_153 : i32
      %lt3A_155 = arith.cmpi slt, %sub3A_154, %select_n3A : i32
      %convert_element_type3A_156 = arith.extui %lt3A_155 : i1 to i32
      %cond3A_157 = arith.constant 0 : i32
      %cond3A_158 = arith.cmpi ne, %convert_element_type3A_156, %cond3A_157 : i32
      scf.if %cond3A_158 {
        %add3A_159 = arith.constant 3 : i32
        %add3A_160 = arith.addi %while3A_92, %add3A_159 : i32
        %sub3A_161 = arith.constant 1 : i32
        %sub3A_162 = arith.subi %add3A_160, %sub3A_161 : i32
        %dma_start3A_163 = arith.constant 0 : i32
        %dma_start3A_164 = arith.constant 0 : i32
        %dma_start3A_165 = tpu.memref_slice %arg9[%rem3A_144, %dma_start3A_163, %dma_start3A_164] : memref<3x256x128xf32, #tpu.memory_space<vmem>> -> memref<1x128x128xf32, #tpu.memory_space<vmem>>
        %dma_start3A_166 = tpu.memref_squeeze %dma_start3A_165 : memref<1x128x128xf32, #tpu.memory_space<vmem>> -> memref<128x128xf32, #tpu.memory_space<vmem>>
        %dma_start3A_167 = arith.constant 0 : i32
        %dma_start3A_168 = tpu.memref_slice %arg7[%sub3A_162, %dma_start3A_167] : memref<80x128xi32, #tpu.memory_space<vmem>> -> memref<1x128xi32, #tpu.memory_space<vmem>>
        %dma_start3A_169 = tpu.memref_squeeze %dma_start3A_168 : memref<1x128xi32, #tpu.memory_space<vmem>> -> memref<128xi32, #tpu.memory_space<vmem>>
        %dma_start3A_170 = arith.constant 0 : i32
        %dma_start3A_171 = arith.constant 0 : i32
        %dma_start3A_172 = tpu.memref_slice %arg2[%dma_start3A_170, %dma_start3A_171] : memref<10240x128xf32, #tpu.memory_space<hbm>> -> memref<10240x128xf32, #tpu.memory_space<hbm>>
        %dma_start3A_173 = tpu.memref_slice %arg10[%rem3A_144] : memref<3x!tpu.dma_semaphore, #tpu.memory_space<semaphore_mem>> -> memref<1x!tpu.dma_semaphore, #tpu.memory_space<semaphore_mem>>
        %dma_start3A_174 = tpu.memref_squeeze %dma_start3A_173 : memref<1x!tpu.dma_semaphore, #tpu.memory_space<semaphore_mem>> -> memref<!tpu.dma_semaphore, #tpu.memory_space<semaphore_mem>>
        tpu.enqueue_indirect_dma source(%dma_start3A_172 : memref<10240x128xf32, #tpu.memory_space<hbm>>) target(%dma_start3A_166 : memref<128x128xf32, #tpu.memory_space<vmem>>) offsets(%dma_start3A_169 : memref<128xi32, #tpu.memory_space<vmem>>) semaphore(%dma_start3A_174 : memref<!tpu.dma_semaphore, #tpu.memory_space<semaphore_mem>>)
        %dma_start3A_175 = arith.constant 128 : i32
        %dma_start3A_176 = arith.constant 0 : i32
        %dma_start3A_177 = tpu.memref_slice %arg9[%rem3A_144, %dma_start3A_175, %dma_start3A_176] : memref<3x256x128xf32, #tpu.memory_space<vmem>> -> memref<1x128x128xf32, #tpu.memory_space<vmem>>
        %dma_start3A_178 = tpu.memref_squeeze %dma_start3A_177 : memref<1x128x128xf32, #tpu.memory_space<vmem>> -> memref<128x128xf32, #tpu.memory_space<vmem>>
        %dma_start3A_179 = arith.constant 0 : i32
        %dma_start3A_180 = tpu.memref_slice %arg8[%sub3A_162, %dma_start3A_179] : memref<80x128xi32, #tpu.memory_space<vmem>> -> memref<1x128xi32, #tpu.memory_space<vmem>>
        %dma_start3A_181 = tpu.memref_squeeze %dma_start3A_180 : memref<1x128xi32, #tpu.memory_space<vmem>> -> memref<128xi32, #tpu.memory_space<vmem>>
        %dma_start3A_182 = arith.constant 0 : i32
        %dma_start3A_183 = arith.constant 0 : i32
        %dma_start3A_184 = tpu.memref_slice %arg3[%dma_start3A_182, %dma_start3A_183] : memref<10240x128xf32, #tpu.memory_space<hbm>> -> memref<10240x128xf32, #tpu.memory_space<hbm>>
        %dma_start3A_185 = tpu.memref_slice %arg11[%rem3A_144] : memref<3x!tpu.dma_semaphore, #tpu.memory_space<semaphore_mem>> -> memref<1x!tpu.dma_semaphore, #tpu.memory_space<semaphore_mem>>
        %dma_start3A_186 = tpu.memref_squeeze %dma_start3A_185 : memref<1x!tpu.dma_semaphore, #tpu.memory_space<semaphore_mem>> -> memref<!tpu.dma_semaphore, #tpu.memory_space<semaphore_mem>>
        tpu.enqueue_indirect_dma source(%dma_start3A_184 : memref<10240x128xf32, #tpu.memory_space<hbm>>) target(%dma_start3A_178 : memref<128x128xf32, #tpu.memory_space<vmem>>) offsets(%dma_start3A_181 : memref<128xi32, #tpu.memory_space<vmem>>) semaphore(%dma_start3A_186 : memref<!tpu.dma_semaphore, #tpu.memory_space<semaphore_mem>>)
      } else {
      }
    }
    %sub3A = arith.constant 3 : i32
    %sub3A_82 = arith.subi %select_n3A, %sub3A : i32
    %while3A_83 = arith.constant 0 : i32
    %while3A_84 = arith.subi %select_n3A, %sub3A_82 : i32
    %while3A_85 = arith.addi %sub3A_82, %while3A_84 : i32
    %while3A_86 = arith.constant 1 : i32
    %while3A_87 = arith.divsi %while3A_84, %while3A_86 : i32
    %while3A_88 = arith.muli %while3A_87, %while3A_86 : i32
    %while3A_89 = arith.addi %sub3A_82, %while3A_88 : i32
    %while3A_90 = arith.constant 1 : i32
    scf.for %while3A_92 = %sub3A_82 to %while3A_89 step %while3A_90  : i32 {
      %rem3A = arith.constant 3 : i32
      %rem3A_93 = arith.remsi %while3A_92, %rem3A : i32
      %mul3A_94 = arith.constant 128 : i32
      %mul3A_95 = arith.muli %while3A_92, %mul3A_94 : i32
      %add3A_96 = arith.addi %mul3A_13, %mul3A_95 : i32
      %dma_wait3A = arith.constant 0 : i32
      %dma_wait3A_97 = arith.constant 0 : i32
      %dma_wait3A_98 = tpu.memref_slice %arg9[%rem3A_93, %dma_wait3A, %dma_wait3A_97] : memref<3x256x128xf32, #tpu.memory_space<vmem>> -> memref<1x128x128xf32, #tpu.memory_space<vmem>>
      %dma_wait3A_99 = tpu.memref_squeeze %dma_wait3A_98 : memref<1x128x128xf32, #tpu.memory_space<vmem>> -> memref<128x128xf32, #tpu.memory_space<vmem>>
      %dma_wait3A_100 = arith.constant 0 : i32
      %dma_wait3A_101 = tpu.memref_slice %arg6[%add3A_96, %dma_wait3A_100] : memref<327680x128xf32, #tpu.memory_space<hbm>> -> memref<128x128xf32, #tpu.memory_space<hbm>>
      %dma_wait3A_102 = tpu.memref_slice %arg12[%rem3A_93] : memref<3x!tpu.dma_semaphore, #tpu.memory_space<semaphore_mem>> -> memref<1x!tpu.dma_semaphore, #tpu.memory_space<semaphore_mem>>
      %dma_wait3A_103 = tpu.memref_squeeze %dma_wait3A_102 : memref<1x!tpu.dma_semaphore, #tpu.memory_space<semaphore_mem>> -> memref<!tpu.dma_semaphore, #tpu.memory_space<semaphore_mem>>
      %dma_wait3A_104 = arith.constant 0 : i32
      %dma_wait3A_105 = tpu.memref_slice %arg6[%add3A_96, %dma_wait3A_104] : memref<327680x128xf32, #tpu.memory_space<hbm>> -> memref<128x128xf32, #tpu.memory_space<hbm>>
      %dma_wait3A_106 = arith.constant 0 : i32
      %dma_wait3A_107 = arith.constant 0 : i32
      %dma_wait3A_108 = tpu.memref_slice %arg9[%rem3A_93, %dma_wait3A_106, %dma_wait3A_107] : memref<3x256x128xf32, #tpu.memory_space<vmem>> -> memref<1x128x128xf32, #tpu.memory_space<vmem>>
      %dma_wait3A_109 = tpu.memref_squeeze %dma_wait3A_108 : memref<1x128x128xf32, #tpu.memory_space<vmem>> -> memref<128x128xf32, #tpu.memory_space<vmem>>
      tpu.wait_dma2 semaphore(%dma_wait3A_103 : memref<!tpu.dma_semaphore, #tpu.memory_space<semaphore_mem>>) src(%dma_wait3A_109 : memref<128x128xf32, #tpu.memory_space<vmem>>) dst(%dma_wait3A_105 : memref<128x128xf32, #tpu.memory_space<hbm>>)
    }
    %while3A_91 = arith.constant 1 : i32
    scf.for %while3A_92 = %while3A_89 to %while3A_85 step %while3A_91  : i32 {
      %rem3A = arith.constant 3 : i32
      %rem3A_93 = arith.remsi %while3A_92, %rem3A : i32
      %mul3A_94 = arith.constant 128 : i32
      %mul3A_95 = arith.muli %while3A_92, %mul3A_94 : i32
      %add3A_96 = arith.addi %mul3A_13, %mul3A_95 : i32
      %dma_wait3A = arith.constant 0 : i32
      %dma_wait3A_97 = arith.constant 0 : i32
      %dma_wait3A_98 = tpu.memref_slice %arg9[%rem3A_93, %dma_wait3A, %dma_wait3A_97] : memref<3x256x128xf32, #tpu.memory_space<vmem>> -> memref<1x128x128xf32, #tpu.memory_space<vmem>>
      %dma_wait3A_99 = tpu.memref_squeeze %dma_wait3A_98 : memref<1x128x128xf32, #tpu.memory_space<vmem>> -> memref<128x128xf32, #tpu.memory_space<vmem>>
      %dma_wait3A_100 = arith.constant 0 : i32
      %dma_wait3A_101 = tpu.memref_slice %arg6[%add3A_96, %dma_wait3A_100] : memref<327680x128xf32, #tpu.memory_space<hbm>> -> memref<128x128xf32, #tpu.memory_space<hbm>>
      %dma_wait3A_102 = tpu.memref_slice %arg12[%rem3A_93] : memref<3x!tpu.dma_semaphore, #tpu.memory_space<semaphore_mem>> -> memref<1x!tpu.dma_semaphore, #tpu.memory_space<semaphore_mem>>
      %dma_wait3A_103 = tpu.memref_squeeze %dma_wait3A_102 : memref<1x!tpu.dma_semaphore, #tpu.memory_space<semaphore_mem>> -> memref<!tpu.dma_semaphore, #tpu.memory_space<semaphore_mem>>
      %dma_wait3A_104 = arith.constant 0 : i32
      %dma_wait3A_105 = tpu.memref_slice %arg6[%add3A_96, %dma_wait3A_104] : memref<327680x128xf32, #tpu.memory_space<hbm>> -> memref<128x128xf32, #tpu.memory_space<hbm>>
      %dma_wait3A_106 = arith.constant 0 : i32
      %dma_wait3A_107 = arith.constant 0 : i32
      %dma_wait3A_108 = tpu.memref_slice %arg9[%rem3A_93, %dma_wait3A_106, %dma_wait3A_107] : memref<3x256x128xf32, #tpu.memory_space<vmem>> -> memref<1x128x128xf32, #tpu.memory_space<vmem>>
      %dma_wait3A_109 = tpu.memref_squeeze %dma_wait3A_108 : memref<1x128x128xf32, #tpu.memory_space<vmem>> -> memref<128x128xf32, #tpu.memory_space<vmem>>
      tpu.wait_dma2 semaphore(%dma_wait3A_103 : memref<!tpu.dma_semaphore, #tpu.memory_space<semaphore_mem>>) src(%dma_wait3A_109 : memref<128x128xf32, #tpu.memory_space<vmem>>) dst(%dma_wait3A_105 : memref<128x128xf32, #tpu.memory_space<hbm>>)
    }
    return
  }
}

module attributes {stable_mosaic.version = 14 : i64} {
  func.func @_k1_body(%arg0: i32, %arg1: memref<1024x128xf32, #tpu.memory_space<vmem>>, %arg2: memref<128x128xf32, #tpu.memory_space<vmem>>, %arg3: memref<1024x2xf32, #tpu.memory_space<vmem>>, %arg4: memref<1024x128xf32, #tpu.memory_space<vmem>>, %arg5: memref<1024x1xf32, #tpu.memory_space<vmem>>) attributes {dimension_semantics = [#tpu.dimension_semantics<arbitrary>], iteration_bounds = array<i64: 10>, scalar_prefetch = 0 : i64, scratch_operands = 0 : i64, tpu.core_type = #tpu.core_type<tc>, window_params = [{transform_indices = @transform_0, window_bounds = array<i64: 1024, 128>}, {pipeline_mode = #tpu.pipeline_mode<synchronous>, transform_indices = @transform_1, window_bounds = array<i64: 128, 128>}, {transform_indices = @transform_2, window_bounds = array<i64: 1024, 2>}, {transform_indices = @transform_3, window_bounds = array<i64: 1024, 128>}, {transform_indices = @transform_4, window_bounds = array<i64: 1024, 1>}]} {
    %get3A = arith.constant 0 : index
    %get3A_0 = arith.constant 0 : index
    %get3A_1 = vector.load %arg3[%get3A, %get3A_0] : memref<1024x2xf32, #tpu.memory_space<vmem>>, vector<1024x1xf32>
    %get3A_2 = arith.constant 0 : index
    %get3A_3 = arith.constant 1 : index
    %get3A_4 = vector.load %arg3[%get3A_2, %get3A_3] : memref<1024x2xf32, #tpu.memory_space<vmem>>, vector<1024x1xf32>
    %add3A = arith.addf %get3A_1, %get3A_4 : vector<1024x1xf32>
    %add3A_5 = arith.constant 1.000000e+00 : f32
    %add3A_6 = vector.broadcast %add3A_5 : f32 to vector<1024x1xf32>
    %add3A_7 = arith.addf %add3A, %add3A_6 : vector<1024x1xf32>
    %rsqrt3A = math.rsqrt %add3A_7 : vector<1024x1xf32>
    %get3A_8 = arith.constant 0 : index
    %get3A_9 = arith.constant 0 : index
    %get3A_10 = vector.load %arg1[%get3A_8, %get3A_9] : memref<1024x128xf32, #tpu.memory_space<vmem>>, vector<1024x128xf32>
    %get3A_11 = arith.constant 0 : index
    %get3A_12 = arith.constant 0 : index
    %get3A_13 = vector.load %arg2[%get3A_11, %get3A_12] : memref<128x128xf32, #tpu.memory_space<vmem>>, vector<128x128xf32>
    %dot_general3A = arith.constant dense<0.000000e+00> : vector<1024x128xf32>
    %dot_general3A_14 = tpu.matmul %get3A_10, %get3A_13, %dot_general3A {dimension_numbers = #tpu.dot_dimension_numbers<[1], [0], [0], [1], [0, 0, 1, 1], [], []>, transpose_lhs_hint = false} : vector<1024x128xf32>, vector<128x128xf32>, vector<1024x128xf32> -> vector<1024x128xf32>
    %mul3A = vector.broadcast %rsqrt3A : vector<1024x1xf32> to vector<1024x128xf32>
    %mul3A_15 = arith.mulf %dot_general3A_14, %mul3A : vector<1024x128xf32>
    %swap3A = arith.constant 0 : index
    %swap3A_16 = arith.constant 0 : index
    %swap3A_17 = vector.load %arg4[%swap3A, %swap3A_16] : memref<1024x128xf32, #tpu.memory_space<vmem>>, vector<1024x128xf32>
    tpu.vector_store %arg4[%swap3A, %swap3A_16], %mul3A_15 {strides = array<i32>} : memref<1024x128xf32, #tpu.memory_space<vmem>>, vector<1024x128xf32>,
    %swap3A_18 = arith.constant 0 : index
    %swap3A_19 = arith.constant 0 : index
    %swap3A_20 = vector.load %arg5[%swap3A_18, %swap3A_19] : memref<1024x1xf32, #tpu.memory_space<vmem>>, vector<1024x1xf32>
    tpu.vector_store %arg5[%swap3A_18, %swap3A_19], %rsqrt3A {strides = array<i32>} : memref<1024x1xf32, #tpu.memory_space<vmem>>, vector<1024x1xf32>,
    return
  }
  func.func @transform_0(%arg0: i32) -> (i32, i32) {
    %c0_i32 = arith.constant 0 : i32
    %c0_i32_0 = arith.constant 0 : i32
    return %arg0, %c0_i32 : i32, i32
  }
  func.func @transform_1(%arg0: i32) -> (i32, i32) {
    %c0_i32 = arith.constant 0 : i32
    %c0_i32_0 = arith.constant 0 : i32
    %c0_i32_1 = arith.constant 0 : i32
    return %c0_i32, %c0_i32_0 : i32, i32
  }
  func.func @transform_2(%arg0: i32) -> (i32, i32) {
    %c0_i32 = arith.constant 0 : i32
    %c0_i32_0 = arith.constant 0 : i32
    return %arg0, %c0_i32 : i32, i32
  }
  func.func @transform_3(%arg0: i32) -> (i32, i32) {
    %c0_i32 = arith.constant 0 : i32
    %c0_i32_0 = arith.constant 0 : i32
    return %arg0, %c0_i32 : i32, i32
  }
  func.func @transform_4(%arg0: i32) -> (i32, i32) {
    %c0_i32 = arith.constant 0 : i32
    %c0_i32_0 = arith.constant 0 : i32
    return %arg0, %c0_i32 : i32, i32
  }
}

module attributes {stable_mosaic.version = 14 : i64} {
  func.func @_k2_body(%arg0: i32, %arg1: memref<2x1024x128xf32, #tpu.memory_space<vmem>>, %arg2: memref<1024x128xf32, #tpu.memory_space<vmem>>, %arg3: memref<1024x1xf32, #tpu.memory_space<vmem>>, %arg4: memref<1x128xf32, #tpu.memory_space<vmem>>, %arg5: memref<128x128xf32, #tpu.memory_space<vmem>>, %arg6: memref<1024x128xf32, #tpu.memory_space<vmem>>) attributes {dimension_semantics = [#tpu.dimension_semantics<arbitrary>], iteration_bounds = array<i64: 10>, scalar_prefetch = 0 : i64, scratch_operands = 0 : i64, tpu.core_type = #tpu.core_type<tc>, window_params = [{transform_indices = @transform_0, window_bounds = array<i64: 2, 1024, 128>}, {transform_indices = @transform_1, window_bounds = array<i64: 1024, 128>}, {transform_indices = @transform_2, window_bounds = array<i64: 1024, 1>}, {pipeline_mode = #tpu.pipeline_mode<synchronous>, transform_indices = @transform_3, window_bounds = array<i64: 1, 128>}, {pipeline_mode = #tpu.pipeline_mode<synchronous>, transform_indices = @transform_4, window_bounds = array<i64: 128, 128>}, {transform_indices = @transform_5, window_bounds = array<i64: 1024, 128>}]} {
    %get3A = arith.constant 0 : index
    %get3A_0 = arith.constant 0 : index
    %get3A_1 = arith.constant 0 : index
    %get3A_2 = vector.load %arg1[%get3A, %get3A_0, %get3A_1] : memref<2x1024x128xf32, #tpu.memory_space<vmem>>, vector<1x1024x128xf32>
    %get3A_3 = vector.shape_cast %get3A_2 : vector<1x1024x128xf32> to vector<1024x128xf32>
    %get3A_4 = arith.constant 1 : index
    %get3A_5 = arith.constant 0 : index
    %get3A_6 = arith.constant 0 : index
    %get3A_7 = vector.load %arg1[%get3A_4, %get3A_5, %get3A_6] : memref<2x1024x128xf32, #tpu.memory_space<vmem>>, vector<1x1024x128xf32>
    %get3A_8 = vector.shape_cast %get3A_7 : vector<1x1024x128xf32> to vector<1024x128xf32>
    %add3A = arith.addf %get3A_3, %get3A_8 : vector<1024x128xf32>
    %get3A_9 = arith.constant 0 : index
    %get3A_10 = arith.constant 0 : index
    %get3A_11 = vector.load %arg3[%get3A_9, %get3A_10] : memref<1024x1xf32, #tpu.memory_space<vmem>>, vector<1024x1xf32>
    %get3A_12 = arith.constant 0 : index
    %get3A_13 = arith.constant 0 : index
    %get3A_14 = vector.load %arg2[%get3A_12, %get3A_13] : memref<1024x128xf32, #tpu.memory_space<vmem>>, vector<1024x128xf32>
    %add3A_15 = arith.addf %add3A, %get3A_14 : vector<1024x128xf32>
    %mul3A = vector.broadcast %get3A_11 : vector<1024x1xf32> to vector<1024x128xf32>
    %mul3A_16 = arith.mulf %add3A_15, %mul3A : vector<1024x128xf32>
    %get3A_17 = arith.constant 0 : index
    %get3A_18 = arith.constant 0 : index
    %get3A_19 = vector.load %arg4[%get3A_17, %get3A_18] : memref<1x128xf32, #tpu.memory_space<vmem>>, vector<1x128xf32>
    %add3A_20 = vector.broadcast %get3A_19 : vector<1x128xf32> to vector<1024x128xf32>
    %add3A_21 = arith.addf %mul3A_16, %add3A_20 : vector<1024x128xf32>
    %max3A = arith.constant 0.000000e+00 : f32
    %max3A_22 = vector.broadcast %max3A : f32 to vector<1024x128xf32>
    %max3A_23 = arith.maximumf %add3A_21, %max3A_22 : vector<1024x128xf32>
    %get3A_24 = arith.constant 0 : index
    %get3A_25 = arith.constant 0 : index
    %get3A_26 = vector.load %arg5[%get3A_24, %get3A_25] : memref<128x128xf32, #tpu.memory_space<vmem>>, vector<128x128xf32>
    %dot_general3A = arith.constant dense<0.000000e+00> : vector<1024x128xf32>
    %dot_general3A_27 = tpu.matmul %max3A_23, %get3A_26, %dot_general3A {dimension_numbers = #tpu.dot_dimension_numbers<[1], [0], [0], [1], [0, 0, 1, 1], [], []>, transpose_lhs_hint = false} : vector<1024x128xf32>, vector<128x128xf32>, vector<1024x128xf32> -> vector<1024x128xf32>
    %mul3A_28 = vector.broadcast %get3A_11 : vector<1024x1xf32> to vector<1024x128xf32>
    %mul3A_29 = arith.mulf %dot_general3A_27, %mul3A_28 : vector<1024x128xf32>
    %swap3A = arith.constant 0 : index
    %swap3A_30 = arith.constant 0 : index
    %swap3A_31 = vector.load %arg6[%swap3A, %swap3A_30] : memref<1024x128xf32, #tpu.memory_space<vmem>>, vector<1024x128xf32>
    tpu.vector_store %arg6[%swap3A, %swap3A_30], %mul3A_29 {strides = array<i32>} : memref<1024x128xf32, #tpu.memory_space<vmem>>, vector<1024x128xf32>,
    return
  }
  func.func @transform_0(%arg0: i32) -> (i32, i32, i32) {
    %c0_i32 = arith.constant 0 : i32
    %c0_i32_0 = arith.constant 0 : i32
    %c0_i32_1 = arith.constant 0 : i32
    return %c0_i32, %arg0, %c0_i32_0 : i32, i32, i32
  }
  func.func @transform_1(%arg0: i32) -> (i32, i32) {
    %c0_i32 = arith.constant 0 : i32
    %c0_i32_0 = arith.constant 0 : i32
    return %arg0, %c0_i32 : i32, i32
  }
  func.func @transform_2(%arg0: i32) -> (i32, i32) {
    %c0_i32 = arith.constant 0 : i32
    %c0_i32_0 = arith.constant 0 : i32
    return %arg0, %c0_i32 : i32, i32
  }
  func.func @transform_3(%arg0: i32) -> (i32, i32) {
    %c0_i32 = arith.constant 0 : i32
    %c0_i32_0 = arith.constant 0 : i32
    %c0_i32_1 = arith.constant 0 : i32
    return %c0_i32, %c0_i32_0 : i32, i32
  }
  func.func @transform_4(%arg0: i32) -> (i32, i32) {
    %c0_i32 = arith.constant 0 : i32
    %c0_i32_0 = arith.constant 0 : i32
    %c0_i32_1 = arith.constant 0 : i32
    return %c0_i32, %c0_i32_0 : i32, i32
  }
  func.func @transform_5(%arg0: i32) -> (i32, i32) {
    %c0_i32 = arith.constant 0 : i32
    %c0_i32_0 = arith.constant 0 : i32
    return %arg0, %c0_i32 : i32, i32
  }
}

module attributes {stable_mosaic.version = 14 : i64} {
  func.func @_k3_body(%arg0: i32, %arg1: memref<2x1024x128xf32, #tpu.memory_space<vmem>>, %arg2: memref<1024x128xf32, #tpu.memory_space<vmem>>, %arg3: memref<1024x1xf32, #tpu.memory_space<vmem>>, %arg4: memref<1x128xf32, #tpu.memory_space<vmem>>, %arg5: memref<128x128xf32, #tpu.memory_space<vmem>>, %arg6: memref<1024x128xf32, #tpu.memory_space<vmem>>, %arg7: memref<1024x128xf32, #tpu.memory_space<vmem>>) attributes {dimension_semantics = [#tpu.dimension_semantics<arbitrary>], iteration_bounds = array<i64: 10>, scalar_prefetch = 0 : i64, scratch_operands = 0 : i64, tpu.core_type = #tpu.core_type<tc>, window_params = [{transform_indices = @transform_0, window_bounds = array<i64: 2, 1024, 128>}, {transform_indices = @transform_1, window_bounds = array<i64: 1024, 128>}, {transform_indices = @transform_2, window_bounds = array<i64: 1024, 1>}, {pipeline_mode = #tpu.pipeline_mode<synchronous>, transform_indices = @transform_3, window_bounds = array<i64: 1, 128>}, {pipeline_mode = #tpu.pipeline_mode<synchronous>, transform_indices = @transform_4, window_bounds = array<i64: 128, 128>}, {transform_indices = @transform_5, window_bounds = array<i64: 1024, 128>}, {transform_indices = @transform_6, window_bounds = array<i64: 1024, 128>}]} {
    %get3A = arith.constant 0 : index
    %get3A_0 = arith.constant 0 : index
    %get3A_1 = arith.constant 0 : index
    %get3A_2 = vector.load %arg1[%get3A, %get3A_0, %get3A_1] : memref<2x1024x128xf32, #tpu.memory_space<vmem>>, vector<1x1024x128xf32>
    %get3A_3 = vector.shape_cast %get3A_2 : vector<1x1024x128xf32> to vector<1024x128xf32>
    %get3A_4 = arith.constant 1 : index
    %get3A_5 = arith.constant 0 : index
    %get3A_6 = arith.constant 0 : index
    %get3A_7 = vector.load %arg1[%get3A_4, %get3A_5, %get3A_6] : memref<2x1024x128xf32, #tpu.memory_space<vmem>>, vector<1x1024x128xf32>
    %get3A_8 = vector.shape_cast %get3A_7 : vector<1x1024x128xf32> to vector<1024x128xf32>
    %add3A = arith.addf %get3A_3, %get3A_8 : vector<1024x128xf32>
    %get3A_9 = arith.constant 0 : index
    %get3A_10 = arith.constant 0 : index
    %get3A_11 = vector.load %arg3[%get3A_9, %get3A_10] : memref<1024x1xf32, #tpu.memory_space<vmem>>, vector<1024x1xf32>
    %get3A_12 = arith.constant 0 : index
    %get3A_13 = arith.constant 0 : index
    %get3A_14 = vector.load %arg2[%get3A_12, %get3A_13] : memref<1024x128xf32, #tpu.memory_space<vmem>>, vector<1024x128xf32>
    %add3A_15 = arith.addf %add3A, %get3A_14 : vector<1024x128xf32>
    %mul3A = vector.broadcast %get3A_11 : vector<1024x1xf32> to vector<1024x128xf32>
    %mul3A_16 = arith.mulf %add3A_15, %mul3A : vector<1024x128xf32>
    %get3A_17 = arith.constant 0 : index
    %get3A_18 = arith.constant 0 : index
    %get3A_19 = vector.load %arg4[%get3A_17, %get3A_18] : memref<1x128xf32, #tpu.memory_space<vmem>>, vector<1x128xf32>
    %add3A_20 = vector.broadcast %get3A_19 : vector<1x128xf32> to vector<1024x128xf32>
    %add3A_21 = arith.addf %mul3A_16, %add3A_20 : vector<1024x128xf32>
    %max3A = arith.constant 0.000000e+00 : f32
    %max3A_22 = vector.broadcast %max3A : f32 to vector<1024x128xf32>
    %max3A_23 = arith.maximumf %add3A_21, %max3A_22 : vector<1024x128xf32>
    %get3A_24 = arith.constant 0 : index
    %get3A_25 = arith.constant 0 : index
    %get3A_26 = vector.load %arg5[%get3A_24, %get3A_25] : memref<128x128xf32, #tpu.memory_space<vmem>>, vector<128x128xf32>
    %dot_general3A = arith.constant dense<0.000000e+00> : vector<1024x128xf32>
    %dot_general3A_27 = tpu.matmul %max3A_23, %get3A_26, %dot_general3A {dimension_numbers = #tpu.dot_dimension_numbers<[1], [0], [0], [1], [0, 0, 1, 1], [], []>, transpose_lhs_hint = false} : vector<1024x128xf32>, vector<128x128xf32>, vector<1024x128xf32> -> vector<1024x128xf32>
    %swap3A = arith.constant 0 : index
    %swap3A_28 = arith.constant 0 : index
    %swap3A_29 = vector.load %arg6[%swap3A, %swap3A_28] : memref<1024x128xf32, #tpu.memory_space<vmem>>, vector<1024x128xf32>
    tpu.vector_store %arg6[%swap3A, %swap3A_28], %dot_general3A_27 {strides = array<i32>} : memref<1024x128xf32, #tpu.memory_space<vmem>>, vector<1024x128xf32>,
    %neg3A = arith.constant 0.000000e+00 : f32
    %neg3A_30 = vector.broadcast %neg3A : f32 to vector<1024x128xf32>
    %neg3A_31 = arith.subf %neg3A_30, %dot_general3A_27 : vector<1024x128xf32>
    %swap3A_32 = arith.constant 0 : index
    %swap3A_33 = arith.constant 0 : index
    %swap3A_34 = vector.load %arg7[%swap3A_32, %swap3A_33] : memref<1024x128xf32, #tpu.memory_space<vmem>>, vector<1024x128xf32>
    tpu.vector_store %arg7[%swap3A_32, %swap3A_33], %neg3A_31 {strides = array<i32>} : memref<1024x128xf32, #tpu.memory_space<vmem>>, vector<1024x128xf32>,
    return
  }
  func.func @transform_0(%arg0: i32) -> (i32, i32, i32) {
    %c0_i32 = arith.constant 0 : i32
    %c0_i32_0 = arith.constant 0 : i32
    %c0_i32_1 = arith.constant 0 : i32
    return %c0_i32, %arg0, %c0_i32_0 : i32, i32, i32
  }
  func.func @transform_1(%arg0: i32) -> (i32, i32) {
    %c0_i32 = arith.constant 0 : i32
    %c0_i32_0 = arith.constant 0 : i32
    return %arg0, %c0_i32 : i32, i32
  }
  func.func @transform_2(%arg0: i32) -> (i32, i32) {
    %c0_i32 = arith.constant 0 : i32
    %c0_i32_0 = arith.constant 0 : i32
    return %arg0, %c0_i32 : i32, i32
  }
  func.func @transform_3(%arg0: i32) -> (i32, i32) {
    %c0_i32 = arith.constant 0 : i32
    %c0_i32_0 = arith.constant 0 : i32
    %c0_i32_1 = arith.constant 0 : i32
    return %c0_i32, %c0_i32_0 : i32, i32
  }
  func.func @transform_4(%arg0: i32) -> (i32, i32) {
    %c0_i32 = arith.constant 0 : i32
    %c0_i32_0 = arith.constant 0 : i32
    %c0_i32_1 = arith.constant 0 : i32
    return %c0_i32, %c0_i32_0 : i32, i32
  }
  func.func @transform_5(%arg0: i32) -> (i32, i32) {
    %c0_i32 = arith.constant 0 : i32
    %c0_i32_0 = arith.constant 0 : i32
    return %arg0, %c0_i32 : i32, i32
  }
  func.func @transform_6(%arg0: i32) -> (i32, i32) {
    %c0_i32 = arith.constant 0 : i32
    %c0_i32_0 = arith.constant 0 : i32
    return %arg0, %c0_i32 : i32, i32
  }
}

module attributes {stable_mosaic.version = 14 : i64} {
  func.func @_k4_body(%arg0: i32, %arg1: memref<2048x128xf32, #tpu.memory_space<vmem>>, %arg2: memref<1x128xf32, #tpu.memory_space<vmem>>, %arg3: memref<128x128xf32, #tpu.memory_space<vmem>>, %arg4: memref<1x128xf32, #tpu.memory_space<vmem>>, %arg5: memref<128x8xf32, #tpu.memory_space<vmem>>, %arg6: memref<1x8xf32, #tpu.memory_space<vmem>>, %arg7: memref<2048x8xf32, #tpu.memory_space<vmem>>) attributes {dimension_semantics = [#tpu.dimension_semantics<arbitrary>], iteration_bounds = array<i64: 160>, scalar_prefetch = 0 : i64, scratch_operands = 0 : i64, tpu.core_type = #tpu.core_type<tc>, window_params = [{transform_indices = @transform_0, window_bounds = array<i64: 2048, 128>}, {pipeline_mode = #tpu.pipeline_mode<synchronous>, transform_indices = @transform_1, window_bounds = array<i64: 1, 128>}, {pipeline_mode = #tpu.pipeline_mode<synchronous>, transform_indices = @transform_2, window_bounds = array<i64: 128, 128>}, {pipeline_mode = #tpu.pipeline_mode<synchronous>, transform_indices = @transform_3, window_bounds = array<i64: 1, 128>}, {pipeline_mode = #tpu.pipeline_mode<synchronous>, transform_indices = @transform_4, window_bounds = array<i64: 128, 8>}, {pipeline_mode = #tpu.pipeline_mode<synchronous>, transform_indices = @transform_5, window_bounds = array<i64: 1, 8>}, {transform_indices = @transform_6, window_bounds = array<i64: 2048, 8>}]} {
    %get3A = arith.constant 0 : index
    %get3A_0 = arith.constant 0 : index
    %get3A_1 = vector.load %arg1[%get3A, %get3A_0] : memref<2048x128xf32, #tpu.memory_space<vmem>>, vector<2048x128xf32>
    %get3A_2 = arith.constant 0 : index
    %get3A_3 = arith.constant 0 : index
    %get3A_4 = vector.load %arg2[%get3A_2, %get3A_3] : memref<1x128xf32, #tpu.memory_space<vmem>>, vector<1x128xf32>
    %add3A = vector.broadcast %get3A_4 : vector<1x128xf32> to vector<2048x128xf32>
    %add3A_5 = arith.addf %get3A_1, %add3A : vector<2048x128xf32>
    %max3A = arith.constant 0.000000e+00 : f32
    %max3A_6 = vector.broadcast %max3A : f32 to vector<2048x128xf32>
    %max3A_7 = arith.maximumf %add3A_5, %max3A_6 : vector<2048x128xf32>
    %convert_element_type3A = arith.truncf %max3A_7 : vector<2048x128xf32> to vector<2048x128xbf16>
    %get3A_8 = arith.constant 0 : index
    %get3A_9 = arith.constant 0 : index
    %get3A_10 = vector.load %arg3[%get3A_8, %get3A_9] : memref<128x128xf32, #tpu.memory_space<vmem>>, vector<128x128xf32>
    %convert_element_type3A_11 = arith.truncf %get3A_10 : vector<128x128xf32> to vector<128x128xbf16>
    %dot_general3A = arith.constant dense<0.000000e+00> : vector<2048x128xf32>
    %dot_general3A_12 = tpu.matmul %convert_element_type3A, %convert_element_type3A_11, %dot_general3A {dimension_numbers = #tpu.dot_dimension_numbers<[1], [0], [0], [1], [0, 0, 1, 1], [], []>, transpose_lhs_hint = false} : vector<2048x128xbf16>, vector<128x128xbf16>, vector<2048x128xf32> -> vector<2048x128xf32>
    %get3A_13 = arith.constant 0 : index
    %get3A_14 = arith.constant 0 : index
    %get3A_15 = vector.load %arg4[%get3A_13, %get3A_14] : memref<1x128xf32, #tpu.memory_space<vmem>>, vector<1x128xf32>
    %add3A_16 = vector.broadcast %get3A_15 : vector<1x128xf32> to vector<2048x128xf32>
    %add3A_17 = arith.addf %dot_general3A_12, %add3A_16 : vector<2048x128xf32>
    %max3A_18 = arith.constant 0.000000e+00 : f32
    %max3A_19 = vector.broadcast %max3A_18 : f32 to vector<2048x128xf32>
    %max3A_20 = arith.maximumf %add3A_17, %max3A_19 : vector<2048x128xf32>
    %convert_element_type3A_21 = arith.truncf %max3A_20 : vector<2048x128xf32> to vector<2048x128xbf16>
    %get3A_22 = arith.constant 0 : index
    %get3A_23 = arith.constant 0 : index
    %get3A_24 = vector.load %arg5[%get3A_22, %get3A_23] : memref<128x8xf32, #tpu.memory_space<vmem>>, vector<128x8xf32>
    %convert_element_type3A_25 = arith.truncf %get3A_24 : vector<128x8xf32> to vector<128x8xbf16>
    %dot_general3A_26 = arith.constant dense<0.000000e+00> : vector<2048x8xf32>
    %dot_general3A_27 = tpu.matmul %convert_element_type3A_21, %convert_element_type3A_25, %dot_general3A_26 {dimension_numbers = #tpu.dot_dimension_numbers<[1], [0], [0], [1], [0, 0, 1, 1], [], []>, transpose_lhs_hint = false} : vector<2048x128xbf16>, vector<128x8xbf16>, vector<2048x8xf32> -> vector<2048x8xf32>
    %get3A_28 = arith.constant 0 : index
    %get3A_29 = arith.constant 0 : index
    %get3A_30 = vector.load %arg6[%get3A_28, %get3A_29] : memref<1x8xf32, #tpu.memory_space<vmem>>, vector<1x8xf32>
    %add3A_31 = vector.broadcast %get3A_30 : vector<1x8xf32> to vector<2048x8xf32>
    %add3A_32 = arith.addf %dot_general3A_27, %add3A_31 : vector<2048x8xf32>
    %logistic3A = arith.negf %add3A_32 : vector<2048x8xf32>
    %logistic3A_33 = math.exp %logistic3A : vector<2048x8xf32>
    %logistic3A_34 = arith.constant 1.000000e+00 : f32
    %logistic3A_35 = vector.broadcast %logistic3A_34 : f32 to vector<2048x8xf32>
    %logistic3A_36 = arith.addf %logistic3A_35, %logistic3A_33 : vector<2048x8xf32>
    %logistic3A_37 = arith.divf %logistic3A_35, %logistic3A_36 : vector<2048x8xf32>
    %swap3A = arith.constant 0 : index
    %swap3A_38 = arith.constant 0 : index
    %swap3A_39 = vector.load %arg7[%swap3A, %swap3A_38] : memref<2048x8xf32, #tpu.memory_space<vmem>>, vector<2048x8xf32>
    tpu.vector_store %arg7[%swap3A, %swap3A_38], %logistic3A_37 {strides = array<i32>} : memref<2048x8xf32, #tpu.memory_space<vmem>>, vector<2048x8xf32>,
    return
  }
  func.func @transform_0(%arg0: i32) -> (i32, i32) {
    %c0_i32 = arith.constant 0 : i32
    %c0_i32_0 = arith.constant 0 : i32
    return %arg0, %c0_i32 : i32, i32
  }
  func.func @transform_1(%arg0: i32) -> (i32, i32) {
    %c0_i32 = arith.constant 0 : i32
    %c0_i32_0 = arith.constant 0 : i32
    %c0_i32_1 = arith.constant 0 : i32
    return %c0_i32, %c0_i32_0 : i32, i32
  }
  func.func @transform_2(%arg0: i32) -> (i32, i32) {
    %c0_i32 = arith.constant 0 : i32
    %c0_i32_0 = arith.constant 0 : i32
    %c0_i32_1 = arith.constant 0 : i32
    return %c0_i32, %c0_i32_0 : i32, i32
  }
  func.func @transform_3(%arg0: i32) -> (i32, i32) {
    %c0_i32 = arith.constant 0 : i32
    %c0_i32_0 = arith.constant 0 : i32
    %c0_i32_1 = arith.constant 0 : i32
    return %c0_i32, %c0_i32_0 : i32, i32
  }
  func.func @transform_4(%arg0: i32) -> (i32, i32) {
    %c0_i32 = arith.constant 0 : i32
    %c0_i32_0 = arith.constant 0 : i32
    %c0_i32_1 = arith.constant 0 : i32
    return %c0_i32, %c0_i32_0 : i32, i32
  }
  func.func @transform_5(%arg0: i32) -> (i32, i32) {
    %c0_i32 = arith.constant 0 : i32
    %c0_i32_0 = arith.constant 0 : i32
    %c0_i32_1 = arith.constant 0 : i32
    return %c0_i32, %c0_i32_0 : i32, i32
  }
  func.func @transform_6(%arg0: i32) -> (i32, i32) {
    %c0_i32 = arith.constant 0 : i32
    %c0_i32_0 = arith.constant 0 : i32
    return %arg0, %c0_i32 : i32, i32
  }
}

</mosaic_0001>

<sc_bundles>
// kernel: kernel.12.cloned.1.call-start
scs
__scs_entry_jumppad:
0x0: {  	(pc) =	sbr.rel $0x88, $3  }
0x1: {  	(tag) =	ssettag $0x0;
	lr =	simm.s32 $0x1  }
0x2: {  	[smem:$0x3F95] =	sst lr;
	_ =	strace $0xD0000000  }
0x3: {  	_ = 	snop  }
0x4: {  	_ = 	snop  }
0x5: {  	_ = 	snop  }
0x6: {  	_ = 	snop  }
0x7: {  	_ = 	snop  }
__scs_overlays_trampoline_lowered:
0x8: {  	[smem:$0x3FA4] =	sst s0  }
0x9: {  	[smem:$0x3FA5] =	sst s1  }
0xa: {  	[smem:$0x3FA6] =	sst s2  }
0xb: {  	[smem:$0x3FA7] =	sst s3  }
0xc: {  	[smem:$0x3FA8] =	sst s4  }
0xd: {  	[smem:$0x3FA9] =	sst s5  }
0xe: {  	[smem:$0x3FAA] =	sst s6  }
0xf: {  	[smem:$0x3FAB] =	sst s7  }
0x10: {  	[smem:$0x3FAC] =	sst s8  }
0x11: {  	[smem:$0x3FAD] =	sst s9;
	s0 =	simm.s32 @!p0 $0x0  }
0x12: {  	s1 =	sld [smem:$0x3F93];
	s0 =	simm.s32 @p0 $0x1  }
0x13: {  	[smem:$0x3FAE] =	sst s0;
	s0 =	simm.s32 @!p1 $0x0  }
0x14: {  	s2 =	sld [smem:$0x3F92];
	s0 =	simm.s32 @p1 $0x1  }
0x15: {  	[smem:$0x3FAF] =	sst s0;
	s0 =	simm.s32 @!p2 $0x0  }
0x16: {  	s3 =	sld [smem:$0x3FDB];
	s0 =	simm.s32 @p2 $0x1  }
0x17: {  	s4 =	simm.s32 $0x1BF5;
	[smem:$0x3FB1] =	sst s0  }
0x18: {  	s0 =	sld [smem:$0x3F94];
	_ =	swait.ge [sflag:s4], $0x0  }
0x19: {  	s7 =	sld [smem:$0x3F95]  }
0x1a: {  	s8 =	sadd.s32 $0xFFFFE003, lr  }
0x1b: {  	s9 =	sadd.s32 $0xFFFFFEF7, lr;
	s5 =	simm.s32 $0xFFFFFFFF;
	p2 =	slt.u32 s8, $0xFFFFF086  }
0x1c: {  	p1 =	slt.u32 s9, $0xF7A;
	s5 =	simm.s32 @!p2 $0x0  }
0x1d: {  	s5 =	simm.s32 @p1 $0x1;
	p0 =	seq.s32 s7, s2  }
0x1e: {  	s7 =	smul.u32 @!p0 $0xF7A, s2;
	p2 =	seq.s32 @!p0 s5, $0x0  }
0x1f: {  	s9 =	smul.u32 $0xF7A, s1;
	s8 =	simm.s32 @!p0 $0x1BF5;
	p2 =	por !p2, p0  }
0x20: {  	[sflag:s8] =	ssyncset.s32 @!p0 $0xFFFFF086;
	s6 =	sadd.s32 @!p0 s3, s7;
	s7 =	simm.s32 @!p0 $0x108  }
0x21: {  	s3 =	sadd.s32 s3, s9;
	s6 =	sadd.s32 @!p0 $0x88, s6;
	s7 =	simm.s32 @p2 $0x1082  }
0x22: {  	[simem:s7], [sflag:s8] =	dma.local @!p0 [hbm:s6], $0xF7A  }
0x23: {  	s9 =	sor.u32 $0xD0000000, s2;
	s6 =	simm.s32 $0x108;
	_ =	swait.ge @!p0 [sflag:s8], $0x0  }
0x24: {  	s3 =	sadd.s32 $0x88, s3;
	s6 =	simm.s32 @!p1 $0x1082;
	[sflag:s4] =	ssyncset.s32 $0xFFFFF086  }
0x25: {  	[simem:s6], [sflag:s4] =	dma.local [hbm:s3], $0xF7A  }
0x26: {  	[smem:$0x3F95] =	sst s1;
	(tag) =	ssettag s2;
	_ =	strace s9  }
0x27: {  	s1 =	sld [smem:$0x3FA5]  }
0x28: {  	s2 =	sld [smem:$0x3FA6]  }
0x29: {  	s4 =	sld [smem:$0x3FA8]  }
0x2a: {  	p0 =	seq.s32 s5, $0x0;
	s5 =	sld [smem:$0x3FA9]  }
0x2b: {  	s6 =	sld [smem:$0x3FAA]  }
0x2c: {  	s7 =	sld [smem:$0x3FAB]  }
0x2d: {  	s3 =	simm.s32 $0x108;
	s8 =	sld [smem:$0x3FAC]  }
0x2e: {  	s3 =	simm.s32 @!p0 $0x1082;
	s9 =	sld [smem:$0x3FAD]  }
0x2f: {  	lr =	sadd.s32 s0, s3;
	s0 =	sld [smem:$0x3FA4]  }
0x30: {  	s3 =	sld [smem:$0x3FA7]  }
0x31: {  	[smem:$0x3FB0] =	sst s10  }
0x32: {  	s10 =	sld [smem:$0x3FAE];
	_ =	sdelay $0x3  }
0x33: {  	p0 =	seq.s32 s10, $0x1;
	s10 =	sld [smem:$0x3FB0];
	_ =	sdelay $0x3  }
0x34: {  	[smem:$0x3FB0] =	sst s10  }
0x35: {  	s10 =	sld [smem:$0x3FAF];
	_ =	sdelay $0x3  }
0x36: {  	p1 =	seq.s32 s10, $0x1;
	s10 =	sld [smem:$0x3FB0];
	_ =	sdelay $0x3  }
0x37: {  	[smem:$0x3FB0] =	sst s10  }
0x38: {  	s10 =	sld [smem:$0x3FB1]  }
0x39: {  	_ = 	snop;
	(pc) =	sbr.ind lr, $3  }
0x3a: {  	_ = 	snop  }
0x3b: {  	_ = 	snop  }
0x3c: {  	p2 =	seq.s32 s10, $0x1;
	s10 =	sld [smem:$0x3FB0]  }
0x3d: {  	_ =	shalt  }
0x3e: {  	_ =	shalt  }
0x3f: {  	_ =	shalt  }
0x40: {  	_ =	shalt  }
0x41: {  	_ =	shalt  }
0x42: {  	_ =	shalt  }
0x43: {  	_ =	shalt  }
0x44: {  	_ =	shalt  }
0x45: {  	_ =	shalt  }
0x46: {  	_ =	shalt  }
0x47: {  	_ =	shalt  }
0x48: {  	_ =	shalt  }
0x49: {  	_ =	shalt  }
0x4a: {  	_ =	shalt  }
0x4b: {  	_ =	shalt  }
0x4c: {  	_ =	shalt  }
0x4d: {  	_ =	shalt  }
0x4e: {  	_ =	shalt  }
0x4f: {  	_ =	shalt  }
0x50: {  	_ =	shalt  }
0x51: {  	_ =	shalt  }
0x52: {  	_ =	shalt  }
0x53: {  	_ =	shalt  }
0x54: {  	_ =	shalt  }
0x55: {  	_ =	shalt  }
0x56: {  	_ =	shalt  }
0x57: {  	_ =	shalt  }
0x58: {  	_ =	shalt  }
0x59: {  	_ =	shalt  }
0x5a: {  	_ =	shalt  }
0x5b: {  	_ =	shalt  }
0x5c: {  	_ =	shalt  }
0x5d: {  	_ =	shalt  }
0x5e: {  	_ =	shalt  }
0x5f: {  	_ =	shalt  }
0x60: {  	_ =	shalt  }
0x61: {  	_ =	shalt  }
0x62: {  	_ =	shalt  }
0x63: {  	_ =	shalt  }
0x64: {  	_ =	shalt  }
0x65: {  	_ =	shalt  }
0x66: {  	_ =	shalt  }
0x67: {  	_ =	shalt  }
0x68: {  	_ =	shalt  }
0x69: {  	_ =	shalt  }
0x6a: {  	_ =	shalt  }
0x6b: {  	_ =	shalt  }
0x6c: {  	_ =	shalt  }
0x6d: {  	_ =	shalt  }
0x6e: {  	_ =	shalt  }
0x6f: {  	_ =	shalt  }
0x70: {  	_ =	shalt  }
0x71: {  	_ =	shalt  }
0x72: {  	_ =	shalt  }
0x73: {  	_ =	shalt  }
0x74: {  	_ =	shalt  }
0x75: {  	_ =	shalt  }
0x76: {  	_ =	shalt  }
0x77: {  	_ =	shalt  }
0x78: {  	_ =	shalt  }
0x79: {  	_ =	shalt  }
0x7a: {  	_ =	shalt  }
0x7b: {  	_ =	shalt  }
0x7c: {  	_ =	shalt  }
0x7d: {  	_ =	shalt  }
0x7e: {  	_ =	shalt  }
0x7f: {  	_ =	shalt  }
0x80: {  	_ =	shalt  }
0x81: {  	_ =	shalt  }
0x82: {  	_ =	shalt  }
0x83: {  	_ =	shalt  }
0x84: {  	_ =	shalt  }
0x85: {  	_ =	shalt  }
0x86: {  	_ =	shalt  }
0x87: {  	_ =	shalt  }
.Lfunc_end0:
.L_simem_size_0:
called_computation_lowered:
.L_overlay_start_0:
0x88: {  	s2 =	sld [smem:$0x3FD9]  }
0x89: {  	s3 =	sld [smem:$0x3FFE];
	_ =	sdelay $0x1  }
0x8a: {  	s1 =	srdreg.scid  }
0x8b: {  	s0 =	sand.u32 $0x1, s1  }
0x8c: {  	s17 =	sshll.u32 s0, $0xA;
	s2 =	sadd.s32 s3, s2  }
0x8d: {  	s2 =	sadd.s32 s2, s17  }
0x8e: {  	[smem:$0x3FBC] =	sst s2  }
0x8f: {  	_ = 	snop  }
0x90: {  	s2 =	sld [smem:$0x3FD0];
	(tm) =	ssettm $0x1  }
0x91: {  	s18 =	sld [smem:$0x3FFB];
	_ =	sdelay $0x3  }
0x92: {  	_ =	strace s18  }
0x93: {  	s3 =	sld [smem:$0x3FFC];
	_ =	sdelay $0x3  }
0x94: {  	_ =	strace s3  }
0x95: {  	s3 =	sld [smem:$0x3FFD];
	_ =	sdelay $0x3  }
0x96: {  	_ =	strace s3  }
0x97: {  	_ =	strace $0x8FFFFFFF  }
0x98: {  	s19 =	sld [smem:$0x3FDB];
	_ =	sdelay $0x1  }
0x99: {  	s4 =	simm.s32 $_scs_section_size  }
0x9a: {  	s5 =	simm.s32 $_size__tile_overlayer_lowered;
	s6 =	simm.s32 $_tile_overlayer_lowered  }
0x9b: {  	s22 =	simm.s32 $0x1BFF;
	s21 =	sshll.u32 s6, $0x1;
	s3 =	sadd.s32 s4, s19  }
0x9c: {  	s7 =	simm.s32 $0x0;
	s20 =	sshll.u32 s5, $0x1;
	s5 =	sadd.s32 s21, s3  }
0x9d: {  	[timem:s7], [sflag:s22] =	dma.local [hbm:s5], s20  }
0x9e: {  	_ =	swait.ge [sflag:s22], s20  }
0x9f: {  	s4 =	ssub.s32 $0x0, s20;
	[sflag:s22] =	ssyncset.done $0x0  }
0xa0: {  	[sflag:s22] =	ssyncadd.s32 s4;
	_ =	sdelay $0x1  }
0xa1: {  	s23 =	simm.s32 $0x1B8B  }
0xa2: {  	_ =	swait.ge [sflag:s23], $0x1  }
0xa3: {  	[sflag:s23] =	ssyncset.done $0x0  }
0xa4: {  	s25 =	simm.s32 $0x1B8E;
	s24 =	sld [smem:$0x3FFE];
	[sflag:s23] =	ssyncadd.s32 $0xFFFFFFFF  }
0xa5: {  	s26 =	simm.s32 $execute0_lowered;
	[smem:$0x3FD2] =	sst s25  }
0xa6: {  	s5 =	sshll.u32 s26, $0x1;
	_ =	strace $0x80000046;
	[dreg:$0x1] =	wrdreg $0xFFFFFFFF  }
0xa7: {  	s28 =	simm.s32 $_size_execute0_lowered;
	s3 =	sadd.s32 s3, s5;
	[dreg:$0x0] =	wrdreg $0x0  }
0xa8: {  	s5 =	sshll.u32 s28, $0x1;
	[dreg:$0x2] =	wrdreg s3  }
0xa9: {  	[dreg:$0x3] =	wrdreg s5  }
0xaa: {  	[dreg:$0x4] =	wrdreg $0xC0  }
0xab: {  	_ =	task [dreg:s7], $0x5FFFF  }
0xac: {  	[dreg:$0x1] =	wrdreg $0xFFFFFFFF  }
0xad: {  	[dreg:$0x0] =	wrdreg $0x60  }
0xae: {  	[dreg:$0x2] =	wrdreg s24  }
0xaf: {  	[dreg:$0x3] =	wrdreg s2  }
0xb0: {  	[dreg:$0x4] =	wrdreg $0x52000  }
0xb1: {  	[dreg:$0x5] =	wrdreg $0x9  }
0xb2: {  	_ =	task.clear_ibuf [dreg:s7], $0x6FFFF;
	_ =	strace $0x90000046  }
0xb3: {  	s29 =	simm.s32 $0x9;
	_ =	strace $0x80000048  }
0xb4: {  	_ =	swait.ge [sflag:s29], $0x1  }
0xb5: {  	[sflag:s29] =	ssyncadd.s32 $0xFFFFFFFF  }
0xb6: {  	_ =	strace $0x90000048  }
0xb7: {  	_ =	sfence  }
0xb8: {  	s30 =	sld [smem:$0x0];
	_ =	sdelay $0x2  }
0xb9: {  	s31 =	sshll.u32 s1, $0xD;
	s1 =	sshrl.u32 s1, $0x2  }
0xba: {  	s3 =	sand.u32 $0x4000, s31;
	s1 =	sadd.s32 s1, s30  }
0xbb: {  	s0 =	sor.u32 s3, s0;
	s1 =	sshll.u32 s1, $0x11  }
0xbc: {  	s0 =	sor.u32 s1, s0  }
0xbd: {  	s0 =	sadd.s32 $0x8F2B, s0  }
0xbe: {  	[sflag:s0] =	ssyncadd.remote.s32 $0x1  }
0xbf: {  	_ =	sfence.sel $0xFFFF  }
0xc0: {  	[dreg:$0x0] =	wrdreg $0xFFFFFFFF;
	(pc) =	sbr.abs _section_cstart, $3  }
0xc1: {  	[dreg:$0x1] =	wrdreg $0xFFFFFFFF  }
0xc2: {  	_ =	task.clear_ibuf [dreg:s7], $0x2FFFF;
	_ =	strace $0x9FFFFFFF  }
0xc3: {  	(tm) =	ssettm $0x7FFFFFFF  }
tec
execute0_lowered:
.L_overlay_start_1:
0x0: {  	(tag) =	ssettag $0x1  }
0x1: {  	s5 =	rddreg [dreg:$0x0]  }
0x2: {  	s8 =	rddreg [dreg:$0x1];
	s1 =	srdreg.scid  }
0x3: {  	s0 =	stileid.u32;
	s2 =	rddreg [dreg:$0x2]  }
0x4: {  	s3 =	simm.s32 $0x0;
	s13 =	simm.s32 $0x80;
	s14 =	simm.s32 $0x1  }
0x5: {  	s15 =	simm.s32 $0x0;
	s4 =	sand.u32 $0x1, s1;
	s1 =	rddreg [dreg:$0x3]  }
0x6: {  	s6 =	sshll.u32 s0, $0x1;
	[smem:$0x7FF] =	sst s3;
	s7 =	smul.u32 $0x140, s0  }
0x7: {  	s6 =	sor.u32 s4, s6;
	s30 =	ssub.s32 $0x2, s4;
	s10 =	smul.u32 $0x2800, s4  }
0x8: {  	_ =	strace $0x80000047;
	s6 =	smul.u32 $0xA00, s6;
	s12 =	sshrl.u32 s30, $0x1  }
0x9: {  	s4 =	sadd.s32 $0x19E00, s5;
	s11 =	sshrl.u32 s7, $0x3;
	s31 =	ssub.s32 s30, s12  }
0xa: {  	s10 =	sadd.s32 s7, s10;
	s12 =	simm.s32 $0x5080;
	s9 =	sadd.s32 s6, s5  }
0xb: {  	s5 =	sadd.s32 s11, s5;
	s6 =	sadd.s32 s7, s2;
	s10 =	sshrl.u32 s10, $0x3  }
0xc: {  	s11 =	simm.s32 $0x2;
	s5 =	sadd.s32 $0x1A000, s5;
	s7 =	sadd.s32 $0x5E00, s9  }
0xd: {  	s8 =	sadd.s32 s8, s10;
	s9 =	smax.u32 s31, $0x1;
	s10 =	simm.s32 $0x5000  }
.LBB2_1:
0xe: {  	[tilespmem:s10], [sflag:$0x2] =	stream.linear.gather [hbm4b:s4+s3], $0x80, $0x38;
	[tilespmem:$0x5480] =	vst v63  }
0xf: {  	_ =	swait.ge [sflag:s11], $0x80  }
0x10: {  	[sflag:s11] =	ssyncset.done $0x0  }
0x11: {  	[sflag:s11] =	ssyncadd.s32 $0xFFFFFF80  }
0x12: {  	[tilespmem:s12], [sflag:$0x2] =	stream.linear.gather [hbm4b:s5+s3], $0x140, $0x38;
	[tilespmem:$0x5480] =	vst v63  }
0x13: {  	_ =	swait.ge [sflag:s11], $0x140  }
0x14: {  	[sflag:s11] =	ssyncset.done $0x0  }
0x15: {  	[sflag:s11] =	ssyncadd.s32 $0xFFFFFEC0  }
0x16: {  	[spmem:s6] =	stream.linear.scatter [tilespmem:s12], [sflag:$0x2], $0x140, $0x38;
	[tilespmem:$0x5480] =	vst v63  }
0x17: {  	_ =	swait.ge [sflag:s11], $0x140  }
0x18: {  	[sflag:s11] =	ssyncset.done $0x0  }
0x19: {  	[sflag:s11] =	ssyncadd.s32 $0xFFFFFEC0  }
0x1a: {  	[tilespmem:s3], [sflag:$0x2] =	stream.linear.gather [hbm4b:s7+s3], $0x5000, $0x38;
	[tilespmem:$0x5480] =	vst v63  }
0x1b: {  	_ =	swait.ge [sflag:s11], $0x5000  }
0x1c: {  	[sflag:s11] =	ssyncset.done $0x0  }
0x1d: {  	p0 =	por $0x1, $0x1;
	[sflag:s11] =	ssyncadd.s32 $0xFFFFB000  }
0x1e: {  	s18 =	simm.s32 @!p0 $0x1;
	[bflag:$0x0] =	sbarrier.arrive $0xFFFF  }
0x1f: {  	[spmem:s2] =	stream.indirect.scatter.add.f32 [tilespmem:s10], [sflag:$0x1], $0x1, s3, s13, $0xb8;
	[tilespmem:$0x5480] =	vst v63  }
0x20: {  	_ =	swait.ge @!p0 [sflag:s18], $0x80  }
0x21: {  	s16 =	simm.s32 $0x1;
	s17 =	simm.s32 $0x0;
	[sflag:s18] =	ssyncset.done @!p0 $0x0  }
.LBB2_2:
0x22: {  	[sflag:s18] =	ssyncadd.s32 @!p0 $0xFFFFFF80  }
0x23: {  	s17 =	sadd.s32 $0x80, s17;
	s18 =	smov.u32 s16;
	s16 =	sadd.s32 $0x1, s16  }
0x24: {  	p1 =	sne.s32 s16, $0xA0  }
0x25: {  	[spmem:s2] =	stream.indirect.scatter.add.f32 [tilespmem:s10], [sflag:$0x1], $0x1, s17, s13, $0xb8;
	[tilespmem:$0x5480] =	vst v63  }
.Ltmp0:
0x26: {  	_ = 	snop;
	(pc) =	sbr.rel @p1 .LBB2_2-.Ltmp0, $4  }
0x27: {  	p0 =	slt.u32 s18, $0x8  }
0x28: {  	s18 =	simm.s32 @!p0 $0x1  }
0x29: {  	_ =	swait.ge @!p0 [sflag:s18], $0x80  }
0x2a: {  	[sflag:s18] =	ssyncset.done @!p0 $0x0  }
0x2b: {  	[sflag:s18] =	ssyncadd.s32 @!p0 $0xFFFFFF80  }
0x2c: {  	_ =	swait.ge [sflag:s14], $0x80  }
0x2d: {  	[sflag:s14] =	ssyncset.done $0x0  }
0x2e: {  	[sflag:s14] =	ssyncadd.s32 $0xFFFFFF80  }
0x2f: {  	_ =	swait.ge [sflag:s14], $0x80  }
0x30: {  	[sflag:s14] =	ssyncset.done $0x0  }
0x31: {  	[sflag:s14] =	ssyncadd.s32 $0xFFFFFF80  }
0x32: {  	_ =	swait.ge [sflag:s14], $0x80  }
0x33: {  	[sflag:s14] =	ssyncset.done $0x0  }
0x34: {  	[sflag:s14] =	ssyncadd.s32 $0xFFFFFF80  }
0x35: {  	_ =	swait.ge [sflag:s14], $0x80  }
0x36: {  	[sflag:s14] =	ssyncset.done $0x0  }
0x37: {  	[sflag:s14] =	ssyncadd.s32 $0xFFFFFF80  }
0x38: {  	_ =	swait.ge [sflag:s14], $0x80  }
0x39: {  	[sflag:s14] =	ssyncset.done $0x0  }
0x3a: {  	[sflag:s14] =	ssyncadd.s32 $0xFFFFFF80  }
0x3b: {  	_ =	swait.ge [sflag:s14], $0x80  }
0x3c: {  	[sflag:s14] =	ssyncset.done $0x0  }
0x3d: {  	[sflag:s14] =	ssyncadd.s32 $0xFFFFFF80  }
0x3e: {  	_ =	swait.ge [sflag:s14], $0x80  }
0x3f: {  	[sflag:s14] =	ssyncset.done $0x0  }
0x40: {  	[sflag:s14] =	ssyncadd.s32 $0xFFFFFF80  }
0x41: {  	_ =	swait.ge [sflag:s14], $0x80  }
0x42: {  	[sflag:s14] =	ssyncset.done $0x0  }
0x43: {  	[sflag:s14] =	ssyncadd.s32 $0xFFFFFF80  }
0x44: {  	[bflag:$0x0] =	sbarrier.arrive $0xFFFF  }
0x45: {  	[tilespmem:s12], [sflag:$0x2] =	stream.linear.gather [spmem:s6], $0x140, $0x38;
	[tilespmem:$0x5480] =	vst v63  }
0x46: {  	s15 =	sadd.s32 $0x1, s15;
	_ =	swait.ge [sflag:s11], $0x140  }
0x47: {  	p0 =	sne.s32 s15, s9;
	[sflag:s11] =	ssyncset.done $0x0  }
.Ltmp1:
0x48: {  	[sflag:s11] =	ssyncadd.s32 $0xFFFFFEC0;
	(pc) =	sbr.rel @p0 .LBB2_1-.Ltmp1, $4  }
0x49: {  	[hbm4b:s8+s3] =	stream.linear.scatter [tilespmem:s12], [sflag:$0x2], $0x140, $0x38;
	[tilespmem:$0x5480] =	vst v63  }
0x4a: {  	_ =	swait.ge [sflag:s11], $0x140  }
0x4b: {  	[sflag:s11] =	ssyncset.done $0x0  }
0x4c: {  	[sflag:s11] =	ssyncadd.s32 $0xFFFFFEC0  }
0x4d: {  	_ =	sfence.sel $0x180000  }
0x4e: {  	[bflag:$0x0] =	sbarrier.arrive $0xFFFF  }
0x4f: {  	p0 =	sne.s32 s0, $0x0;
	_ =	strace $0x90000047  }
0x50: {  	s0 =	sadd.s32 @!p0 $0x100000, s1;
	[bflag:$0x2] =	sbarrier.arrive $0xFFFF  }
0x51: {  	[sflag:s0] =	ssyncadd.tile.s32 @!p0 $0x1;
	_ =	shalt  }
.Lfunc_end2:
_tile_overlayer_lowered:
.L_overlay_start_2:
0x52: {  	(tag) =	ssettag $0x2  }
0x53: {  	s0 =	rddreg [dreg:$0x0];
	s2 =	stileid.u32  }
0x54: {  	s1 =	rddreg [dreg:$0x1];
	p0 =	sne.s32 s2, $0x0  }
0x55: {  	s3 =	rddreg [dreg:$0x2];
	[bflag:$0x3] =	sbarrier.arrive $0xFFFF;
	s2 =	simm.s32 @!p0 $0x1C02  }
0x56: {  	[timem:s3], [sflag:s2] =	dma.local @!p0 [hbm:s0], s1  }
0x57: {  	s0 =	simm.s32 @!p0 $0x2  }
0x58: {  	_ =	swait.ge @!p0 [sflag:s0], s1  }
0x59: {  	s1 =	ssub.s32 @!p0 $0x0, s1;
	[sflag:s0] =	ssyncset.done @!p0 $0x0  }
0x5a: {  	[sflag:s0] =	ssyncadd.s32 @!p0 s1  }
0x5b: {  	[bflag:$0x3] =	sbarrier.arrive $0xFFFF  }
0x5c: {  	_ =	shalt  }

// kernel: kernel.15.cloned.1.call-start
scs
__scs_entry_jumppad:
0x0: {  	(pc) =	sbr.rel $0x88, $3  }
0x1: {  	(tag) =	ssettag $0x0;
	lr =	simm.s32 $0x1  }
0x2: {  	[smem:$0x3F95] =	sst lr;
	_ =	strace $0xD0000000  }
0x3: {  	_ = 	snop  }
0x4: {  	_ = 	snop  }
0x5: {  	_ = 	snop  }
0x6: {  	_ = 	snop  }
0x7: {  	_ = 	snop  }
__scs_overlays_trampoline_lowered:
0x8: {  	[smem:$0x3FA4] =	sst s0  }
0x9: {  	[smem:$0x3FA5] =	sst s1  }
0xa: {  	[smem:$0x3FA6] =	sst s2  }
0xb: {  	[smem:$0x3FA7] =	sst s3  }
0xc: {  	[smem:$0x3FA8] =	sst s4  }
0xd: {  	[smem:$0x3FA9] =	sst s5  }
0xe: {  	[smem:$0x3FAA] =	sst s6  }
0xf: {  	[smem:$0x3FAB] =	sst s7  }
0x10: {  	[smem:$0x3FAC] =	sst s8  }
0x11: {  	[smem:$0x3FAD] =	sst s9;
	s0 =	simm.s32 @!p0 $0x0  }
0x12: {  	s1 =	sld [smem:$0x3F93];
	s0 =	simm.s32 @p0 $0x1  }
0x13: {  	[smem:$0x3FAE] =	sst s0;
	s0 =	simm.s32 @!p1 $0x0  }
0x14: {  	s2 =	sld [smem:$0x3F92];
	s0 =	simm.s32 @p1 $0x1  }
0x15: {  	[smem:$0x3FAF] =	sst s0;
	s0 =	simm.s32 @!p2 $0x0  }
0x16: {  	s3 =	sld [smem:$0x3FDB];
	s0 =	simm.s32 @p2 $0x1  }
0x17: {  	s4 =	simm.s32 $0x1BF5;
	[smem:$0x3FB1] =	sst s0  }
0x18: {  	s0 =	sld [smem:$0x3F94];
	_ =	swait.ge [sflag:s4], $0x0  }
0x19: {  	s7 =	sld [smem:$0x3F95]  }
0x1a: {  	s8 =	sadd.s32 $0xFFFFE003, lr  }
0x1b: {  	s9 =	sadd.s32 $0xFFFFFEF7, lr;
	s5 =	simm.s32 $0xFFFFFFFF;
	p2 =	slt.u32 s8, $0xFFFFF086  }
0x1c: {  	p1 =	slt.u32 s9, $0xF7A;
	s5 =	simm.s32 @!p2 $0x0  }
0x1d: {  	s5 =	simm.s32 @p1 $0x1;
	p0 =	seq.s32 s7, s2  }
0x1e: {  	s7 =	smul.u32 @!p0 $0xF7A, s2;
	p2 =	seq.s32 @!p0 s5, $0x0  }
0x1f: {  	s9 =	smul.u32 $0xF7A, s1;
	s8 =	simm.s32 @!p0 $0x1BF5;
	p2 =	por !p2, p0  }
0x20: {  	[sflag:s8] =	ssyncset.s32 @!p0 $0xFFFFF086;
	s6 =	sadd.s32 @!p0 s3, s7;
	s7 =	simm.s32 @!p0 $0x108  }
0x21: {  	s3 =	sadd.s32 s3, s9;
	s6 =	sadd.s32 @!p0 $0x88, s6;
	s7 =	simm.s32 @p2 $0x1082  }
0x22: {  	[simem:s7], [sflag:s8] =	dma.local @!p0 [hbm:s6], $0xF7A  }
0x23: {  	s9 =	sor.u32 $0xD0000000, s2;
	s6 =	simm.s32 $0x108;
	_ =	swait.ge @!p0 [sflag:s8], $0x0  }
0x24: {  	s3 =	sadd.s32 $0x88, s3;
	s6 =	simm.s32 @!p1 $0x1082;
	[sflag:s4] =	ssyncset.s32 $0xFFFFF086  }
0x25: {  	[simem:s6], [sflag:s4] =	dma.local [hbm:s3], $0xF7A  }
0x26: {  	[smem:$0x3F95] =	sst s1;
	(tag) =	ssettag s2;
	_ =	strace s9  }
0x27: {  	s1 =	sld [smem:$0x3FA5]  }
0x28: {  	s2 =	sld [smem:$0x3FA6]  }
0x29: {  	s4 =	sld [smem:$0x3FA8]  }
0x2a: {  	p0 =	seq.s32 s5, $0x0;
	s5 =	sld [smem:$0x3FA9]  }
0x2b: {  	s6 =	sld [smem:$0x3FAA]  }
0x2c: {  	s7 =	sld [smem:$0x3FAB]  }
0x2d: {  	s3 =	simm.s32 $0x108;
	s8 =	sld [smem:$0x3FAC]  }
0x2e: {  	s3 =	simm.s32 @!p0 $0x1082;
	s9 =	sld [smem:$0x3FAD]  }
0x2f: {  	lr =	sadd.s32 s0, s3;
	s0 =	sld [smem:$0x3FA4]  }
0x30: {  	s3 =	sld [smem:$0x3FA7]  }
0x31: {  	[smem:$0x3FB0] =	sst s10  }
0x32: {  	s10 =	sld [smem:$0x3FAE];
	_ =	sdelay $0x3  }
0x33: {  	p0 =	seq.s32 s10, $0x1;
	s10 =	sld [smem:$0x3FB0];
	_ =	sdelay $0x3  }
0x34: {  	[smem:$0x3FB0] =	sst s10  }
0x35: {  	s10 =	sld [smem:$0x3FAF];
	_ =	sdelay $0x3  }
0x36: {  	p1 =	seq.s32 s10, $0x1;
	s10 =	sld [smem:$0x3FB0];
	_ =	sdelay $0x3  }
0x37: {  	[smem:$0x3FB0] =	sst s10  }
0x38: {  	s10 =	sld [smem:$0x3FB1]  }
0x39: {  	_ = 	snop;
	(pc) =	sbr.ind lr, $3  }
0x3a: {  	_ = 	snop  }
0x3b: {  	_ = 	snop  }
0x3c: {  	p2 =	seq.s32 s10, $0x1;
	s10 =	sld [smem:$0x3FB0]  }
0x3d: {  	_ =	shalt  }
0x3e: {  	_ =	shalt  }
0x3f: {  	_ =	shalt  }
0x40: {  	_ =	shalt  }
0x41: {  	_ =	shalt  }
0x42: {  	_ =	shalt  }
0x43: {  	_ =	shalt  }
0x44: {  	_ =	shalt  }
0x45: {  	_ =	shalt  }
0x46: {  	_ =	shalt  }
0x47: {  	_ =	shalt  }
0x48: {  	_ =	shalt  }
0x49: {  	_ =	shalt  }
0x4a: {  	_ =	shalt  }
0x4b: {  	_ =	shalt  }
0x4c: {  	_ =	shalt  }
0x4d: {  	_ =	shalt  }
0x4e: {  	_ =	shalt  }
0x4f: {  	_ =	shalt  }
0x50: {  	_ =	shalt  }
0x51: {  	_ =	shalt  }
0x52: {  	_ =	shalt  }
0x53: {  	_ =	shalt  }
0x54: {  	_ =	shalt  }
0x55: {  	_ =	shalt  }
0x56: {  	_ =	shalt  }
0x57: {  	_ =	shalt  }
0x58: {  	_ =	shalt  }
0x59: {  	_ =	shalt  }
0x5a: {  	_ =	shalt  }
0x5b: {  	_ =	shalt  }
0x5c: {  	_ =	shalt  }
0x5d: {  	_ =	shalt  }
0x5e: {  	_ =	shalt  }
0x5f: {  	_ =	shalt  }
0x60: {  	_ =	shalt  }
0x61: {  	_ =	shalt  }
0x62: {  	_ =	shalt  }
0x63: {  	_ =	shalt  }
0x64: {  	_ =	shalt  }
0x65: {  	_ =	shalt  }
0x66: {  	_ =	shalt  }
0x67: {  	_ =	shalt  }
0x68: {  	_ =	shalt  }
0x69: {  	_ =	shalt  }
0x6a: {  	_ =	shalt  }
0x6b: {  	_ =	shalt  }
0x6c: {  	_ =	shalt  }
0x6d: {  	_ =	shalt  }
0x6e: {  	_ =	shalt  }
0x6f: {  	_ =	shalt  }
0x70: {  	_ =	shalt  }
0x71: {  	_ =	shalt  }
0x72: {  	_ =	shalt  }
0x73: {  	_ =	shalt  }
0x74: {  	_ =	shalt  }
0x75: {  	_ =	shalt  }
0x76: {  	_ =	shalt  }
0x77: {  	_ =	shalt  }
0x78: {  	_ =	shalt  }
0x79: {  	_ =	shalt  }
0x7a: {  	_ =	shalt  }
0x7b: {  	_ =	shalt  }
0x7c: {  	_ =	shalt  }
0x7d: {  	_ =	shalt  }
0x7e: {  	_ =	shalt  }
0x7f: {  	_ =	shalt  }
0x80: {  	_ =	shalt  }
0x81: {  	_ =	shalt  }
0x82: {  	_ =	shalt  }
0x83: {  	_ =	shalt  }
0x84: {  	_ =	shalt  }
0x85: {  	_ =	shalt  }
0x86: {  	_ =	shalt  }
0x87: {  	_ =	shalt  }
.Lfunc_end0:
.L_simem_size_0:
called_computation.1_lowered:
.L_overlay_start_0:
0x88: {  	s2 =	sld [smem:$0x3FD9]  }
0x89: {  	s3 =	sld [smem:$0x3FFE];
	_ =	sdelay $0x1  }
0x8a: {  	s1 =	srdreg.scid  }
0x8b: {  	s0 =	sand.u32 $0x1, s1  }
0x8c: {  	s17 =	sshll.u32 s0, $0xA;
	s2 =	sadd.s32 s3, s2  }
0x8d: {  	s2 =	sadd.s32 s2, s17  }
0x8e: {  	[smem:$0x3FBC] =	sst s2  }
0x8f: {  	_ = 	snop  }
0x90: {  	(tm) =	ssettm $0x1  }
0x91: {  	s18 =	sld [smem:$0x3FFB];
	_ =	sdelay $0x3  }
0x92: {  	_ =	strace s18  }
0x93: {  	s2 =	sld [smem:$0x3FFC];
	_ =	sdelay $0x3  }
0x94: {  	_ =	strace s2  }
0x95: {  	s2 =	sld [smem:$0x3FFD];
	_ =	sdelay $0x3  }
0x96: {  	_ =	strace s2  }
0x97: {  	_ =	strace $0x8FFFFFFF  }
0x98: {  	s19 =	sld [smem:$0x3FDB];
	_ =	sdelay $0x1  }
0x99: {  	s20 =	simm.s32 $_scs_section_size  }
0x9a: {  	s4 =	simm.s32 $_size__tile_overlayer_lowered;
	s5 =	simm.s32 $_tile_overlayer_lowered  }
0x9b: {  	s6 =	simm.s32 $0x1BFF;
	s21 =	sshll.u32 s5, $0x1;
	s3 =	sadd.s32 s20, s19  }
0x9c: {  	s22 =	simm.s32 $0x0;
	s4 =	sshll.u32 s4, $0x1;
	s5 =	sadd.s32 s21, s3  }
0x9d: {  	[timem:s22], [sflag:s6] =	dma.local [hbm:s5], s4  }
0x9e: {  	_ =	swait.ge [sflag:s6], s4  }
0x9f: {  	s4 =	ssub.s32 $0x0, s4;
	[sflag:s6] =	ssyncset.done $0x0  }
0xa0: {  	[sflag:s6] =	ssyncadd.s32 s4;
	_ =	sdelay $0x1  }
0xa1: {  	s23 =	simm.s32 $0x1B8B  }
0xa2: {  	_ =	swait.ge [sflag:s23], $0x1  }
0xa3: {  	[sflag:s23] =	ssyncset.done $0x0  }
0xa4: {  	[sflag:s23] =	ssyncadd.s32 $0xFFFFFFFF  }
0xa5: {  	s4 =	sld [smem:$0x0]  }
0xa6: {  	s5 =	sand.u32 $0xFFFFFFFE, s1  }
0xa7: {  	p0 =	sne.s32 s1, s5  }
0xa8: {  	s5 =	sshll.u32 @p0 s5, $0xE  }
0xa9: {  	s5 =	sadd.s32 @p0 $0x11B8D, s5;
	s6 =	sshll.u32 @p0 s4, $0x11  }
0xaa: {  	s5 =	sor.u32 @p0 s6, s5  }
0xab: {  	[sflag:s5] =	ssyncadd.remote.s32 @p0 $0x1;
	_ =	sdelay $0x1  }
0xac: {  	s5 =	simm.s32 @p0 $0x1B8D  }
0xad: {  	_ =	swait.eq @p0 [sflag:s5], $0x1  }
0xae: {  	[sflag:s5] =	ssyncadd.s32 @p0 $0xFFFFFFFF  }
0xaf: {  	s6 =	sshll.u32 @!p0 s1, $0xE  }
0xb0: {  	s6 =	sor.u32 @!p0 $0x4000, s6;
	s5 =	simm.s32 @!p0 $0x1B8D  }
0xb1: {  	s4 =	sshll.u32 @!p0 s4, $0x11;
	s6 =	sadd.s32 @!p0 $0x11B8D, s6;
	_ =	swait.eq @!p0 [sflag:s5], $0x1  }
0xb2: {  	s4 =	sor.u32 @!p0 s4, s6;
	[sflag:s5] =	ssyncadd.s32 @!p0 $0xFFFFFFFF  }
0xb3: {  	s25 =	simm.s32 $0x1B8E;
	s24 =	sld [smem:$0x3FFE];
	[sflag:s4] =	ssyncadd.remote.s32 @!p0 $0x1  }
0xb4: {  	s26 =	simm.s32 $execute0_lowered;
	[smem:$0x3FD2] =	sst s25  }
0xb5: {  	s5 =	sshll.u32 s26, $0x1;
	_ =	strace $0x8000004C;
	[dreg:$0x1] =	wrdreg $0xFFFFFFFF  }
0xb6: {  	s28 =	simm.s32 $_size_execute0_lowered;
	s3 =	sadd.s32 s3, s5;
	[dreg:$0x0] =	wrdreg $0x0  }
0xb7: {  	s5 =	sshll.u32 s28, $0x1;
	[dreg:$0x2] =	wrdreg s3  }
0xb8: {  	[dreg:$0x3] =	wrdreg s5  }
0xb9: {  	[dreg:$0x4] =	wrdreg $0xC0  }
0xba: {  	_ =	task [dreg:s22], $0x5FFFF  }
0xbb: {  	[dreg:$0x1] =	wrdreg $0xFFFFFFFF  }
0xbc: {  	[dreg:$0x0] =	wrdreg $0x60  }
0xbd: {  	[dreg:$0x2] =	wrdreg s24  }
0xbe: {  	[dreg:$0x3] =	wrdreg $0x140000  }
0xbf: {  	[dreg:$0x4] =	wrdreg $0x9  }
0xc0: {  	_ =	task.clear_ibuf [dreg:s22], $0x5FFFF;
	_ =	strace $0x9000004C  }
0xc1: {  	s29 =	simm.s32 $0x9;
	_ =	strace $0x8000004E  }
0xc2: {  	_ =	swait.ge [sflag:s29], $0x1  }
0xc3: {  	[sflag:s29] =	ssyncadd.s32 $0xFFFFFFFF  }
0xc4: {  	_ =	strace $0x9000004E  }
0xc5: {  	_ =	sfence  }
0xc6: {  	s30 =	sld [smem:$0x0];
	_ =	sdelay $0x2  }
0xc7: {  	s31 =	sshll.u32 s1, $0xD;
	s1 =	sshrl.u32 s1, $0x2  }
0xc8: {  	s4 =	sand.u32 $0x4000, s31;
	s1 =	sadd.s32 s1, s30  }
0xc9: {  	s0 =	sor.u32 s4, s0;
	s1 =	sshll.u32 s1, $0x11  }
0xca: {  	s0 =	sor.u32 s1, s0  }
0xcb: {  	s0 =	sadd.s32 $0x8F2B, s0  }
0xcc: {  	[sflag:s0] =	ssyncadd.remote.s32 $0x1  }
0xcd: {  	_ =	sfence.sel $0xFFFF  }
0xce: {  	[dreg:$0x0] =	wrdreg $0xFFFFFFFF;
	(pc) =	sbr.abs _section_cstart, $3  }
0xcf: {  	[dreg:$0x1] =	wrdreg $0xFFFFFFFF  }
0xd0: {  	_ =	task.clear_ibuf [dreg:s22], $0x2FFFF;
	_ =	strace $0x9FFFFFFF  }
0xd1: {  	(tm) =	ssettm $0x7FFFFFFF  }
tec
execute0_lowered:
.L_overlay_start_1:
0x0: {  	(tag) =	ssettag $0x1  }
0x1: {  	s5 =	rddreg [dreg:$0x0]  }
0x2: {  	s2 =	rddreg [dreg:$0x1]  }
0x3: {  	s0 =	rddreg [dreg:$0x2]  }
0x4: {  	s3 =	srdreg.scid;
	s1 =	stileid.u32  }
0x5: {  	s13 =	simm.s32 $0x1;
	s14 =	simm.s32 $0x5000;
	s15 =	simm.s32 $0xA000  }
0x6: {  	s16 =	simm.s32 $0x140;
	s17 =	simm.s32 $0x0;
	s28 =	smul.u32 $0x5400, s1  }
0x7: {  	s6 =	sand.u32 $0x1, s3;
	s26 =	sshrl.u32 s1, $0x2;
	s29 =	smul.u32 $0x15000, s1  }
0x8: {  	s4 =	sshll.u32 s1, $0x8;
	s3 =	simm.s32 $0x0;
	s7 =	smul.u32 $0x28000, s26  }
0x9: {  	s8 =	sshll.u32 s6, $0x7;
	s4 =	sand.u32 $0x300, s4;
	[smem:$0x7FF] =	sst s3  }
0xa: {  	s9 =	smul.u32 $0xA8000, s6;
	s6 =	ssub.s32 $0x2, s6;
	s4 =	sor.u32 s8, s4  }
0xb: {  	_ =	strace $0x8000004D;
	s10 =	sshrl.u32 s28, $0x3;
	s30 =	sshrl.u32 s6, $0x1  }
0xc: {  	s31 =	sshrl.u32 s29, $0x2;
	s7 =	sor.u32 s7, s4;
	s4 =	sadd.s32 $0x42600, s5  }
0xd: {  	s8 =	sadd.s32 s28, s9;
	s10 =	sadd.s32 s10, s5;
	s7 =	sshrl.u32 s7, $0x3  }
0xe: {  	s12 =	ssub.s32 s6, s30;
	s8 =	sshrl.u32 s8, $0x3;
	s7 =	sadd.s32 s7, s5  }
0xf: {  	s11 =	sadd.s32 s8, s5;
	s8 =	sadd.s32 s31, s2;
	s5 =	sadd.s32 $0x1A600, s7  }
0x10: {  	s6 =	sadd.s32 $0x5E00, s7;
	s7 =	sadd.s32 $0x6A600, s10;
	s9 =	sadd.s32 $0xA9600, s11  }
0x11: {  	s10 =	smax.u32 s12, $0x1;
	s11 =	simm.s32 $0x80;
	s12 =	simm.s32 $0x400  }
.LBB2_1:
0x12: {  	[tilespmem:s3], [sflag:$0x1] =	stream.strided.gather [hbm4b:s5+s11], $0x5000, s12, s11, $0x38;
	[tilespmem:$0x1E800] =	vst v63  }
0x13: {  	_ =	swait.ge [sflag:s13], $0x5000  }
0x14: {  	[sflag:s13] =	ssyncset.done $0x0  }
0x15: {  	[sflag:s13] =	ssyncadd.s32 $0xFFFFB000  }
0x16: {  	[tilespmem:s14], [sflag:$0x1] =	stream.strided.gather [hbm4b:s6+s11], $0x5000, s12, s11, $0x38;
	[tilespmem:$0x1E800] =	vst v63  }
0x17: {  	_ =	swait.ge [sflag:s13], $0x5000  }
0x18: {  	[sflag:s13] =	ssyncset.done $0x0  }
0x19: {  	[sflag:s13] =	ssyncadd.s32 $0xFFFFB000  }
0x1a: {  	[tilespmem:s15], [sflag:$0x1] =	stream.linear.gather [hbm4b:s7+s3], $0x5400, $0x38;
	[tilespmem:$0x1E800] =	vst v63  }
0x1b: {  	_ =	swait.ge [sflag:s13], $0x5400  }
0x1c: {  	[sflag:s13] =	ssyncset.done $0x0  }
0x1d: {  	[sflag:s13] =	ssyncadd.s32 $0xFFFFAC00  }
0x1e: {  	[spmem:s8] =	stream.linear.scatter [tilespmem:s15], [sflag:$0x1], $0x5400, $0x38;
	[tilespmem:$0x1E800] =	vst v63  }
0x1f: {  	_ =	swait.ge [sflag:s13], $0x5400  }
0x20: {  	[sflag:s13] =	ssyncset.done $0x0  }
0x21: {  	[sflag:s13] =	ssyncadd.s32 $0xFFFFAC00  }
0x22: {  	s18 =	simm.s32 $0x0;
	[bflag:$0x0] =	sbarrier.arrive $0xFFFF  }
0x23: {  	[tilespmem:s15], [sflag:$0x1] =	stream.indirect.gather [hbm4b:s4+s16], $0x80, s18, s16, $0xb8;
	[tilespmem:$0x1E800] =	vst v63  }
0x24: {  	_ =	swait.ge [sflag:s13], $0xA000  }
0x25: {  	[sflag:s13] =	ssyncset.done $0x0  }
0x26: {  	s31 =	simm.s32 $0x5000;
	[sflag:s13] =	ssyncadd.s32 $0xFFFF6000  }
0x27: {  	[spmem:s2] =	stream.indirect.scatter.add.f32 [tilespmem:s15], [sflag:$0x1], $0x80, s31, s16, $0xb8;
	[tilespmem:$0x1E800] =	vst v63  }
0x28: {  	_ =	swait.ge [sflag:s13], $0xA000  }
0x29: {  	s19 =	simm.s32 $0xA00;
	s18 =	simm.s32 $0x500;
	[sflag:s13] =	ssyncset.done $0x0  }
.LBB2_2:
0x2a: {  	s20 =	sshra.s32 s18, $0x2  }
0x2b: {  	[sflag:s13] =	ssyncadd.s32 $0xFFFF6000;
	s18 =	smov.u32 s19;
	s21 =	sadd.s32 $0x500, s19  }
0x2c: {  	[tilespmem:s15], [sflag:$0x1] =	stream.indirect.gather [hbm4b:s4+s16], $0x80, s20, s16, $0xb8;
	[tilespmem:$0x1E800] =	vst v63  }
0x2d: {  	p0 =	sne.s32 s19, $0x13B00;
	_ =	swait.ge [sflag:s13], $0xA000  }
.Ltmp0:
0x2e: {  	[sflag:s13] =	ssyncset.done $0x0;
	(pc) =	sbr.rel @p0 .LBB2_2-.Ltmp0, $4  }
0x2f: {  	s19 =	sadd.s32 $0x5000, s20;
	[sflag:s13] =	ssyncadd.s32 $0xFFFF6000  }
0x30: {  	[spmem:s2] =	stream.indirect.scatter.add.f32 [tilespmem:s15], [sflag:$0x1], $0x80, s19, s16, $0xb8;
	[tilespmem:$0x1E800] =	vst v63  }
0x31: {  	_ =	swait.ge [sflag:s13], $0xA000  }
0x32: {  	s19 =	smov.u32 s21;
	[sflag:s13] =	ssyncset.done $0x0  }
0x33: {  	s18 =	sshra.s32 s18, $0x2;
	[sflag:s13] =	ssyncadd.s32 $0xFFFF6000  }
0x34: {  	[tilespmem:s15], [sflag:$0x1] =	stream.indirect.gather [hbm4b:s4+s16], $0x80, s18, s16, $0xb8;
	[tilespmem:$0x1E800] =	vst v63  }
0x35: {  	_ =	swait.ge [sflag:s13], $0xA000  }
0x36: {  	[sflag:s13] =	ssyncset.done $0x0  }
0x37: {  	s18 =	sadd.s32 $0x5000, s18;
	[sflag:s13] =	ssyncadd.s32 $0xFFFF6000  }
0x38: {  	[spmem:s2] =	stream.indirect.scatter.add.f32 [tilespmem:s15], [sflag:$0x1], $0x80, s18, s16, $0xb8;
	[tilespmem:$0x1E800] =	vst v63  }
0x39: {  	_ =	swait.ge [sflag:s13], $0xA000  }
0x3a: {  	[sflag:s13] =	ssyncset.done $0x0  }
0x3b: {  	[sflag:s13] =	ssyncadd.s32 $0xFFFF6000  }
0x3c: {  	[bflag:$0x0] =	sbarrier.arrive $0xFFFF  }
0x3d: {  	[tilespmem:s15], [sflag:$0x1] =	stream.linear.gather [spmem:s8], $0x5400, $0x38;
	[tilespmem:$0x1E800] =	vst v63  }
0x3e: {  	s17 =	sadd.s32 $0x1, s17;
	_ =	swait.ge [sflag:s13], $0x5400  }
0x3f: {  	p0 =	sne.s32 s17, s10;
	[sflag:s13] =	ssyncset.done $0x0  }
.Ltmp1:
0x40: {  	[sflag:s13] =	ssyncadd.s32 $0xFFFFAC00;
	(pc) =	sbr.rel @p0 .LBB2_1-.Ltmp1, $4  }
0x41: {  	[hbm4b:s9+s3] =	stream.linear.scatter [tilespmem:s15], [sflag:$0x1], $0x5400, $0x38;
	[tilespmem:$0x1E800] =	vst v63  }
0x42: {  	_ =	swait.ge [sflag:s13], $0x5400  }
0x43: {  	[sflag:s13] =	ssyncset.done $0x0  }
0x44: {  	[sflag:s13] =	ssyncadd.s32 $0xFFFFAC00  }
0x45: {  	_ =	sfence.sel $0x180000  }
0x46: {  	[bflag:$0x0] =	sbarrier.arrive $0xFFFF  }
0x47: {  	p0 =	sne.s32 s1, $0x0;
	_ =	strace $0x9000004D  }
0x48: {  	s0 =	sadd.s32 @!p0 $0x100000, s0;
	[bflag:$0x2] =	sbarrier.arrive $0xFFFF  }
0x49: {  	[sflag:s0] =	ssyncadd.tile.s32 @!p0 $0x1;
	_ =	shalt  }
.Lfunc_end2:
_tile_overlayer_lowered:
.L_overlay_start_2:
0x4a: {  	(tag) =	ssettag $0x2  }
0x4b: {  	s0 =	rddreg [dreg:$0x0];
	s2 =	stileid.u32  }
0x4c: {  	s1 =	rddreg [dreg:$0x1];
	p0 =	sne.s32 s2, $0x0  }
0x4d: {  	s3 =	rddreg [dreg:$0x2];
	[bflag:$0x3] =	sbarrier.arrive $0xFFFF;
	s2 =	simm.s32 @!p0 $0x1C01  }
0x4e: {  	[timem:s3], [sflag:s2] =	dma.local @!p0 [hbm:s0], s1  }
0x4f: {  	s0 =	simm.s32 @!p0 $0x1  }
0x50: {  	_ =	swait.ge @!p0 [sflag:s0], s1  }
0x51: {  	s1 =	ssub.s32 @!p0 $0x0, s1;
	[sflag:s0] =	ssyncset.done @!p0 $0x0  }
0x52: {  	[sflag:s0] =	ssyncadd.s32 @!p0 s1  }
0x53: {  	[bflag:$0x3] =	sbarrier.arrive $0xFFFF  }
0x54: {  	_ =	shalt  }

// kernel: kernel.18.cloned.1.call-start
scs
__scs_entry_jumppad:
0x0: {  	(pc) =	sbr.rel $0x88, $3  }
0x1: {  	(tag) =	ssettag $0x0;
	lr =	simm.s32 $0x1  }
0x2: {  	[smem:$0x3F95] =	sst lr;
	_ =	strace $0xD0000000  }
0x3: {  	_ = 	snop  }
0x4: {  	_ = 	snop  }
0x5: {  	_ = 	snop  }
0x6: {  	_ = 	snop  }
0x7: {  	_ = 	snop  }
__scs_overlays_trampoline_lowered:
0x8: {  	[smem:$0x3FA4] =	sst s0  }
0x9: {  	[smem:$0x3FA5] =	sst s1  }
0xa: {  	[smem:$0x3FA6] =	sst s2  }
0xb: {  	[smem:$0x3FA7] =	sst s3  }
0xc: {  	[smem:$0x3FA8] =	sst s4  }
0xd: {  	[smem:$0x3FA9] =	sst s5  }
0xe: {  	[smem:$0x3FAA] =	sst s6  }
0xf: {  	[smem:$0x3FAB] =	sst s7  }
0x10: {  	[smem:$0x3FAC] =	sst s8  }
0x11: {  	[smem:$0x3FAD] =	sst s9;
	s0 =	simm.s32 @!p0 $0x0  }
0x12: {  	s1 =	sld [smem:$0x3F93];
	s0 =	simm.s32 @p0 $0x1  }
0x13: {  	[smem:$0x3FAE] =	sst s0;
	s0 =	simm.s32 @!p1 $0x0  }
0x14: {  	s2 =	sld [smem:$0x3F92];
	s0 =	simm.s32 @p1 $0x1  }
0x15: {  	[smem:$0x3FAF] =	sst s0;
	s0 =	simm.s32 @!p2 $0x0  }
0x16: {  	s3 =	sld [smem:$0x3FDB];
	s0 =	simm.s32 @p2 $0x1  }
0x17: {  	s4 =	simm.s32 $0x1BF5;
	[smem:$0x3FB1] =	sst s0  }
0x18: {  	s0 =	sld [smem:$0x3F94];
	_ =	swait.ge [sflag:s4], $0x0  }
0x19: {  	s7 =	sld [smem:$0x3F95]  }
0x1a: {  	s8 =	sadd.s32 $0xFFFFE003, lr  }
0x1b: {  	s9 =	sadd.s32 $0xFFFFFEF7, lr;
	s5 =	simm.s32 $0xFFFFFFFF;
	p2 =	slt.u32 s8, $0xFFFFF086  }
0x1c: {  	p1 =	slt.u32 s9, $0xF7A;
	s5 =	simm.s32 @!p2 $0x0  }
0x1d: {  	s5 =	simm.s32 @p1 $0x1;
	p0 =	seq.s32 s7, s2  }
0x1e: {  	s7 =	smul.u32 @!p0 $0xF7A, s2;
	p2 =	seq.s32 @!p0 s5, $0x0  }
0x1f: {  	s9 =	smul.u32 $0xF7A, s1;
	s8 =	simm.s32 @!p0 $0x1BF5;
	p2 =	por !p2, p0  }
0x20: {  	[sflag:s8] =	ssyncset.s32 @!p0 $0xFFFFF086;
	s6 =	sadd.s32 @!p0 s3, s7;
	s7 =	simm.s32 @!p0 $0x108  }
0x21: {  	s3 =	sadd.s32 s3, s9;
	s6 =	sadd.s32 @!p0 $0x88, s6;
	s7 =	simm.s32 @p2 $0x1082  }
0x22: {  	[simem:s7], [sflag:s8] =	dma.local @!p0 [hbm:s6], $0xF7A  }
0x23: {  	s9 =	sor.u32 $0xD0000000, s2;
	s6 =	simm.s32 $0x108;
	_ =	swait.ge @!p0 [sflag:s8], $0x0  }
0x24: {  	s3 =	sadd.s32 $0x88, s3;
	s6 =	simm.s32 @!p1 $0x1082;
	[sflag:s4] =	ssyncset.s32 $0xFFFFF086  }
0x25: {  	[simem:s6], [sflag:s4] =	dma.local [hbm:s3], $0xF7A  }
0x26: {  	[smem:$0x3F95] =	sst s1;
	(tag) =	ssettag s2;
	_ =	strace s9  }
0x27: {  	s1 =	sld [smem:$0x3FA5]  }
0x28: {  	s2 =	sld [smem:$0x3FA6]  }
0x29: {  	s4 =	sld [smem:$0x3FA8]  }
0x2a: {  	p0 =	seq.s32 s5, $0x0;
	s5 =	sld [smem:$0x3FA9]  }
0x2b: {  	s6 =	sld [smem:$0x3FAA]  }
0x2c: {  	s7 =	sld [smem:$0x3FAB]  }
0x2d: {  	s3 =	simm.s32 $0x108;
	s8 =	sld [smem:$0x3FAC]  }
0x2e: {  	s3 =	simm.s32 @!p0 $0x1082;
	s9 =	sld [smem:$0x3FAD]  }
0x2f: {  	lr =	sadd.s32 s0, s3;
	s0 =	sld [smem:$0x3FA4]  }
0x30: {  	s3 =	sld [smem:$0x3FA7]  }
0x31: {  	[smem:$0x3FB0] =	sst s10  }
0x32: {  	s10 =	sld [smem:$0x3FAE];
	_ =	sdelay $0x3  }
0x33: {  	p0 =	seq.s32 s10, $0x1;
	s10 =	sld [smem:$0x3FB0];
	_ =	sdelay $0x3  }
0x34: {  	[smem:$0x3FB0] =	sst s10  }
0x35: {  	s10 =	sld [smem:$0x3FAF];
	_ =	sdelay $0x3  }
0x36: {  	p1 =	seq.s32 s10, $0x1;
	s10 =	sld [smem:$0x3FB0];
	_ =	sdelay $0x3  }
0x37: {  	[smem:$0x3FB0] =	sst s10  }
0x38: {  	s10 =	sld [smem:$0x3FB1]  }
0x39: {  	_ = 	snop;
	(pc) =	sbr.ind lr, $3  }
0x3a: {  	_ = 	snop  }
0x3b: {  	_ = 	snop  }
0x3c: {  	p2 =	seq.s32 s10, $0x1;
	s10 =	sld [smem:$0x3FB0]  }
0x3d: {  	_ =	shalt  }
0x3e: {  	_ =	shalt  }
0x3f: {  	_ =	shalt  }
0x40: {  	_ =	shalt  }
0x41: {  	_ =	shalt  }
0x42: {  	_ =	shalt  }
0x43: {  	_ =	shalt  }
0x44: {  	_ =	shalt  }
0x45: {  	_ =	shalt  }
0x46: {  	_ =	shalt  }
0x47: {  	_ =	shalt  }
0x48: {  	_ =	shalt  }
0x49: {  	_ =	shalt  }
0x4a: {  	_ =	shalt  }
0x4b: {  	_ =	shalt  }
0x4c: {  	_ =	shalt  }
0x4d: {  	_ =	shalt  }
0x4e: {  	_ =	shalt  }
0x4f: {  	_ =	shalt  }
0x50: {  	_ =	shalt  }
0x51: {  	_ =	shalt  }
0x52: {  	_ =	shalt  }
0x53: {  	_ =	shalt  }
0x54: {  	_ =	shalt  }
0x55: {  	_ =	shalt  }
0x56: {  	_ =	shalt  }
0x57: {  	_ =	shalt  }
0x58: {  	_ =	shalt  }
0x59: {  	_ =	shalt  }
0x5a: {  	_ =	shalt  }
0x5b: {  	_ =	shalt  }
0x5c: {  	_ =	shalt  }
0x5d: {  	_ =	shalt  }
0x5e: {  	_ =	shalt  }
0x5f: {  	_ =	shalt  }
0x60: {  	_ =	shalt  }
0x61: {  	_ =	shalt  }
0x62: {  	_ =	shalt  }
0x63: {  	_ =	shalt  }
0x64: {  	_ =	shalt  }
0x65: {  	_ =	shalt  }
0x66: {  	_ =	shalt  }
0x67: {  	_ =	shalt  }
0x68: {  	_ =	shalt  }
0x69: {  	_ =	shalt  }
0x6a: {  	_ =	shalt  }
0x6b: {  	_ =	shalt  }
0x6c: {  	_ =	shalt  }
0x6d: {  	_ =	shalt  }
0x6e: {  	_ =	shalt  }
0x6f: {  	_ =	shalt  }
0x70: {  	_ =	shalt  }
0x71: {  	_ =	shalt  }
0x72: {  	_ =	shalt  }
0x73: {  	_ =	shalt  }
0x74: {  	_ =	shalt  }
0x75: {  	_ =	shalt  }
0x76: {  	_ =	shalt  }
0x77: {  	_ =	shalt  }
0x78: {  	_ =	shalt  }
0x79: {  	_ =	shalt  }
0x7a: {  	_ =	shalt  }
0x7b: {  	_ =	shalt  }
0x7c: {  	_ =	shalt  }
0x7d: {  	_ =	shalt  }
0x7e: {  	_ =	shalt  }
0x7f: {  	_ =	shalt  }
0x80: {  	_ =	shalt  }
0x81: {  	_ =	shalt  }
0x82: {  	_ =	shalt  }
0x83: {  	_ =	shalt  }
0x84: {  	_ =	shalt  }
0x85: {  	_ =	shalt  }
0x86: {  	_ =	shalt  }
0x87: {  	_ =	shalt  }
.Lfunc_end0:
.L_simem_size_0:
called_computation.2_lowered:
.L_overlay_start_0:
0x88: {  	s2 =	sld [smem:$0x3FD9]  }
0x89: {  	s3 =	sld [smem:$0x3FFE];
	_ =	sdelay $0x1  }
0x8a: {  	s1 =	srdreg.scid  }
0x8b: {  	s0 =	sand.u32 $0x1, s1  }
0x8c: {  	s16 =	sshll.u32 s0, $0xA;
	s2 =	sadd.s32 s3, s2  }
0x8d: {  	s2 =	sadd.s32 s2, s16  }
0x8e: {  	[smem:$0x3FBC] =	sst s2  }
0x8f: {  	_ = 	snop  }
0x90: {  	(tm) =	ssettm $0x1  }
0x91: {  	s17 =	sld [smem:$0x3FFB];
	_ =	sdelay $0x3  }
0x92: {  	_ =	strace s17  }
0x93: {  	s2 =	sld [smem:$0x3FFC];
	_ =	sdelay $0x3  }
0x94: {  	_ =	strace s2  }
0x95: {  	s2 =	sld [smem:$0x3FFD];
	_ =	sdelay $0x3  }
0x96: {  	_ =	strace s2  }
0x97: {  	_ =	strace $0x8FFFFFFF  }
0x98: {  	s18 =	sld [smem:$0x3FDB];
	_ =	sdelay $0x1  }
0x99: {  	s19 =	simm.s32 $_scs_section_size  }
0x9a: {  	s4 =	simm.s32 $_size__tile_overlayer_lowered;
	s5 =	simm.s32 $_tile_overlayer_lowered  }
0x9b: {  	s22 =	simm.s32 $0x1BFF;
	s21 =	sshll.u32 s5, $0x1;
	s2 =	sadd.s32 s19, s18  }
0x9c: {  	s6 =	simm.s32 $0x0;
	s20 =	sshll.u32 s4, $0x1;
	s4 =	sadd.s32 s21, s2  }
0x9d: {  	[timem:s6], [sflag:s22] =	dma.local [hbm:s4], s20  }
0x9e: {  	_ =	swait.ge [sflag:s22], s20  }
0x9f: {  	s3 =	ssub.s32 $0x0, s20;
	[sflag:s22] =	ssyncset.done $0x0  }
0xa0: {  	[sflag:s22] =	ssyncadd.s32 s3;
	_ =	sdelay $0x1  }
0xa1: {  	s23 =	simm.s32 $0x1B8B  }
0xa2: {  	_ =	swait.ge [sflag:s23], $0x1  }
0xa3: {  	[sflag:s23] =	ssyncset.done $0x0  }
0xa4: {  	s25 =	simm.s32 $0x1B8E;
	s24 =	sld [smem:$0x3FFE];
	[sflag:s23] =	ssyncadd.s32 $0xFFFFFFFF  }
0xa5: {  	s26 =	simm.s32 $execute0_lowered;
	[smem:$0x3FD2] =	sst s25  }
0xa6: {  	s4 =	sshll.u32 s26, $0x1;
	_ =	strace $0x80000049;
	[dreg:$0x1] =	wrdreg $0xFFFFFFFF  }
0xa7: {  	s28 =	simm.s32 $_size_execute0_lowered;
	s2 =	sadd.s32 s2, s4;
	[dreg:$0x0] =	wrdreg $0x0  }
0xa8: {  	s4 =	sshll.u32 s28, $0x1;
	[dreg:$0x2] =	wrdreg s2  }
0xa9: {  	[dreg:$0x3] =	wrdreg s4  }
0xaa: {  	[dreg:$0x4] =	wrdreg $0xC0  }
0xab: {  	_ =	task [dreg:s6], $0x5FFFF  }
0xac: {  	[dreg:$0x1] =	wrdreg $0xFFFFFFFF  }
0xad: {  	[dreg:$0x0] =	wrdreg $0x60  }
0xae: {  	[dreg:$0x2] =	wrdreg s24  }
0xaf: {  	[dreg:$0x3] =	wrdreg $0x140000  }
0xb0: {  	[dreg:$0x4] =	wrdreg $0xA  }
0xb1: {  	_ =	task.clear_ibuf [dreg:s6], $0x5FFFF;
	_ =	strace $0x90000049  }
0xb2: {  	s29 =	simm.s32 $0xA;
	_ =	strace $0x8000004B  }
0xb3: {  	_ =	swait.ge [sflag:s29], $0x1  }
0xb4: {  	[sflag:s29] =	ssyncadd.s32 $0xFFFFFFFF  }
0xb5: {  	_ =	strace $0x9000004B  }
0xb6: {  	_ =	sfence  }
0xb7: {  	s30 =	sld [smem:$0x0];
	_ =	sdelay $0x2  }
0xb8: {  	s31 =	sshll.u32 s1, $0xD;
	s1 =	sshrl.u32 s1, $0x2  }
0xb9: {  	s3 =	sand.u32 $0x4000, s31;
	s1 =	sadd.s32 s1, s30  }
0xba: {  	s0 =	sor.u32 s3, s0;
	s1 =	sshll.u32 s1, $0x11  }
0xbb: {  	s0 =	sor.u32 s1, s0  }
0xbc: {  	s0 =	sadd.s32 $0x8F2B, s0  }
0xbd: {  	[sflag:s0] =	ssyncadd.remote.s32 $0x1  }
0xbe: {  	_ =	sfence.sel $0xFFFF  }
0xbf: {  	[dreg:$0x0] =	wrdreg $0xFFFFFFFF;
	(pc) =	sbr.abs _section_cstart, $3  }
0xc0: {  	[dreg:$0x1] =	wrdreg $0xFFFFFFFF  }
0xc1: {  	_ =	task.clear_ibuf [dreg:s6], $0x2FFFF;
	_ =	strace $0x9FFFFFFF  }
0xc2: {  	(tm) =	ssettm $0x7FFFFFFF  }
0xc3: {  	_ =	shalt  }
tec
execute0_lowered:
.L_overlay_start_1:
0x0: {  	(tag) =	ssettag $0x1  }
0x1: {  	s5 =	rddreg [dreg:$0x0]  }
0x2: {  	s2 =	rddreg [dreg:$0x1]  }
0x3: {  	s0 =	rddreg [dreg:$0x2]  }
0x4: {  	s3 =	srdreg.scid;
	s1 =	stileid.u32  }
0x5: {  	s13 =	simm.s32 $0x1;
	s14 =	simm.s32 $0x5000;
	s15 =	simm.s32 $0xA000  }
0x6: {  	s16 =	simm.s32 $0x140;
	s17 =	simm.s32 $0x0;
	s28 =	smul.u32 $0x5400, s1  }
0x7: {  	s6 =	sand.u32 $0x1, s3;
	s26 =	sshrl.u32 s1, $0x2;
	s29 =	smul.u32 $0x15000, s1  }
0x8: {  	s4 =	sshll.u32 s1, $0x8;
	s3 =	simm.s32 $0x0;
	s7 =	smul.u32 $0x28000, s26  }
0x9: {  	s8 =	sshll.u32 s6, $0x7;
	s4 =	sand.u32 $0x300, s4;
	[smem:$0x7FF] =	sst s3  }
0xa: {  	s9 =	smul.u32 $0xA8000, s6;
	s6 =	ssub.s32 $0x2, s6;
	s4 =	sor.u32 s8, s4  }
0xb: {  	_ =	strace $0x8000004A;
	s10 =	sshrl.u32 s28, $0x3;
	s30 =	sshrl.u32 s6, $0x1  }
0xc: {  	s31 =	sshrl.u32 s29, $0x2;
	s7 =	sor.u32 s7, s4;
	s4 =	sadd.s32 $0x42600, s5  }
0xd: {  	s8 =	sadd.s32 s28, s9;
	s10 =	sadd.s32 s10, s5;
	s7 =	sshrl.u32 s7, $0x3  }
0xe: {  	s12 =	ssub.s32 s6, s30;
	s8 =	sshrl.u32 s8, $0x3;
	s7 =	sadd.s32 s7, s5  }
0xf: {  	s11 =	sadd.s32 s8, s5;
	s8 =	sadd.s32 s31, s2;
	s5 =	sadd.s32 $0x1A600, s7  }
0x10: {  	s6 =	sadd.s32 $0x2E600, s7;
	s7 =	sadd.s32 $0x6A600, s10;
	s9 =	sadd.s32 $0x7F600, s11  }
0x11: {  	s10 =	smax.u32 s12, $0x1;
	s11 =	simm.s32 $0x80;
	s12 =	simm.s32 $0x400  }
.LBB2_1:
0x12: {  	[tilespmem:s3], [sflag:$0x1] =	stream.strided.gather [hbm4b:s5+s11], $0x5000, s12, s11, $0x38;
	[tilespmem:$0x1E800] =	vst v63  }
0x13: {  	_ =	swait.ge [sflag:s13], $0x5000  }
0x14: {  	[sflag:s13] =	ssyncset.done $0x0  }
0x15: {  	[sflag:s13] =	ssyncadd.s32 $0xFFFFB000  }
0x16: {  	[tilespmem:s14], [sflag:$0x1] =	stream.strided.gather [hbm4b:s6+s11], $0x5000, s12, s11, $0x38;
	[tilespmem:$0x1E800] =	vst v63  }
0x17: {  	_ =	swait.ge [sflag:s13], $0x5000  }
0x18: {  	[sflag:s13] =	ssyncset.done $0x0  }
0x19: {  	[sflag:s13] =	ssyncadd.s32 $0xFFFFB000  }
0x1a: {  	[tilespmem:s15], [sflag:$0x1] =	stream.linear.gather [hbm4b:s7+s3], $0x5400, $0x38;
	[tilespmem:$0x1E800] =	vst v63  }
0x1b: {  	_ =	swait.ge [sflag:s13], $0x5400  }
0x1c: {  	[sflag:s13] =	ssyncset.done $0x0  }
0x1d: {  	[sflag:s13] =	ssyncadd.s32 $0xFFFFAC00  }
0x1e: {  	[spmem:s8] =	stream.linear.scatter [tilespmem:s15], [sflag:$0x1], $0x5400, $0x38;
	[tilespmem:$0x1E800] =	vst v63  }
0x1f: {  	_ =	swait.ge [sflag:s13], $0x5400  }
0x20: {  	[sflag:s13] =	ssyncset.done $0x0  }
0x21: {  	[sflag:s13] =	ssyncadd.s32 $0xFFFFAC00  }
0x22: {  	s18 =	simm.s32 $0x0;
	[bflag:$0x0] =	sbarrier.arrive $0xFFFF  }
0x23: {  	[tilespmem:s15], [sflag:$0x1] =	stream.indirect.gather [hbm4b:s4+s16], $0x80, s18, s16, $0xb8;
	[tilespmem:$0x1E800] =	vst v63  }
0x24: {  	_ =	swait.ge [sflag:s13], $0xA000  }
0x25: {  	[sflag:s13] =	ssyncset.done $0x0  }
0x26: {  	s31 =	simm.s32 $0x5000;
	[sflag:s13] =	ssyncadd.s32 $0xFFFF6000  }
0x27: {  	[spmem:s2] =	stream.indirect.scatter.add.f32 [tilespmem:s15], [sflag:$0x1], $0x80, s31, s16, $0xb8;
	[tilespmem:$0x1E800] =	vst v63  }
0x28: {  	_ =	swait.ge [sflag:s13], $0xA000  }
0x29: {  	s19 =	simm.s32 $0xA00;
	s18 =	simm.s32 $0x500;
	[sflag:s13] =	ssyncset.done $0x0  }
.LBB2_2:
0x2a: {  	s20 =	sshra.s32 s18, $0x2  }
0x2b: {  	[sflag:s13] =	ssyncadd.s32 $0xFFFF6000;
	s18 =	smov.u32 s19;
	s21 =	sadd.s32 $0x500, s19  }
0x2c: {  	[tilespmem:s15], [sflag:$0x1] =	stream.indirect.gather [hbm4b:s4+s16], $0x80, s20, s16, $0xb8;
	[tilespmem:$0x1E800] =	vst v63  }
0x2d: {  	p0 =	sne.s32 s19, $0x13B00;
	_ =	swait.ge [sflag:s13], $0xA000  }
.Ltmp0:
0x2e: {  	[sflag:s13] =	ssyncset.done $0x0;
	(pc) =	sbr.rel @p0 .LBB2_2-.Ltmp0, $4  }
0x2f: {  	s19 =	sadd.s32 $0x5000, s20;
	[sflag:s13] =	ssyncadd.s32 $0xFFFF6000  }
0x30: {  	[spmem:s2] =	stream.indirect.scatter.add.f32 [tilespmem:s15], [sflag:$0x1], $0x80, s19, s16, $0xb8;
	[tilespmem:$0x1E800] =	vst v63  }
0x31: {  	_ =	swait.ge [sflag:s13], $0xA000  }
0x32: {  	s19 =	smov.u32 s21;
	[sflag:s13] =	ssyncset.done $0x0  }
0x33: {  	s18 =	sshra.s32 s18, $0x2;
	[sflag:s13] =	ssyncadd.s32 $0xFFFF6000  }
0x34: {  	[tilespmem:s15], [sflag:$0x1] =	stream.indirect.gather [hbm4b:s4+s16], $0x80, s18, s16, $0xb8;
	[tilespmem:$0x1E800] =	vst v63  }
0x35: {  	_ =	swait.ge [sflag:s13], $0xA000  }
0x36: {  	[sflag:s13] =	ssyncset.done $0x0  }
0x37: {  	s18 =	sadd.s32 $0x5000, s18;
	[sflag:s13] =	ssyncadd.s32 $0xFFFF6000  }
0x38: {  	[spmem:s2] =	stream.indirect.scatter.add.f32 [tilespmem:s15], [sflag:$0x1], $0x80, s18, s16, $0xb8;
	[tilespmem:$0x1E800] =	vst v63  }
0x39: {  	_ =	swait.ge [sflag:s13], $0xA000  }
0x3a: {  	[sflag:s13] =	ssyncset.done $0x0  }
0x3b: {  	[sflag:s13] =	ssyncadd.s32 $0xFFFF6000  }
0x3c: {  	[bflag:$0x0] =	sbarrier.arrive $0xFFFF  }
0x3d: {  	[tilespmem:s15], [sflag:$0x1] =	stream.linear.gather [spmem:s8], $0x5400, $0x38;
	[tilespmem:$0x1E800] =	vst v63  }
0x3e: {  	s17 =	sadd.s32 $0x1, s17;
	_ =	swait.ge [sflag:s13], $0x5400  }
0x3f: {  	p0 =	sne.s32 s17, s10;
	[sflag:s13] =	ssyncset.done $0x0  }
.Ltmp1:
0x40: {  	[sflag:s13] =	ssyncadd.s32 $0xFFFFAC00;
	(pc) =	sbr.rel @p0 .LBB2_1-.Ltmp1, $4  }
0x41: {  	[hbm4b:s9+s3] =	stream.linear.scatter [tilespmem:s15], [sflag:$0x1], $0x5400, $0x38;
	[tilespmem:$0x1E800] =	vst v63  }
0x42: {  	_ =	swait.ge [sflag:s13], $0x5400  }
0x43: {  	[sflag:s13] =	ssyncset.done $0x0  }
0x44: {  	[sflag:s13] =	ssyncadd.s32 $0xFFFFAC00  }
0x45: {  	_ =	sfence.sel $0x180000  }
0x46: {  	[bflag:$0x0] =	sbarrier.arrive $0xFFFF  }
0x47: {  	p0 =	sne.s32 s1, $0x0;
	_ =	strace $0x9000004A  }
0x48: {  	s0 =	sadd.s32 @!p0 $0x100000, s0;
	[bflag:$0x2] =	sbarrier.arrive $0xFFFF  }
0x49: {  	[sflag:s0] =	ssyncadd.tile.s32 @!p0 $0x1;
	_ =	shalt  }
.Lfunc_end2:
_tile_overlayer_lowered:
.L_overlay_start_2:
0x4a: {  	(tag) =	ssettag $0x2  }
0x4b: {  	s0 =	rddreg [dreg:$0x0];
	s2 =	stileid.u32  }
0x4c: {  	s1 =	rddreg [dreg:$0x1];
	p0 =	sne.s32 s2, $0x0  }
0x4d: {  	s3 =	rddreg [dreg:$0x2];
	[bflag:$0x3] =	sbarrier.arrive $0xFFFF;
	s2 =	simm.s32 @!p0 $0x1C01  }
0x4e: {  	[timem:s3], [sflag:s2] =	dma.local @!p0 [hbm:s0], s1  }
0x4f: {  	s0 =	simm.s32 @!p0 $0x1  }
0x50: {  	_ =	swait.ge @!p0 [sflag:s0], s1  }
0x51: {  	s1 =	ssub.s32 @!p0 $0x0, s1;
	[sflag:s0] =	ssyncset.done @!p0 $0x0  }
0x52: {  	[sflag:s0] =	ssyncadd.s32 @!p0 s1  }
0x53: {  	[bflag:$0x3] =	sbarrier.arrive $0xFFFF  }
0x54: {  	_ =	shalt  }

// kernel: kernel.21.cloned.1.call-start
scs
__scs_entry_jumppad:
0x0: {  	(pc) =	sbr.rel $0x88, $3  }
0x1: {  	(tag) =	ssettag $0x0;
	lr =	simm.s32 $0x1  }
0x2: {  	[smem:$0x3F95] =	sst lr;
	_ =	strace $0xD0000000  }
0x3: {  	_ = 	snop  }
0x4: {  	_ = 	snop  }
0x5: {  	_ = 	snop  }
0x6: {  	_ = 	snop  }
0x7: {  	_ = 	snop  }
__scs_overlays_trampoline_lowered:
0x8: {  	[smem:$0x3FA4] =	sst s0  }
0x9: {  	[smem:$0x3FA5] =	sst s1  }
0xa: {  	[smem:$0x3FA6] =	sst s2  }
0xb: {  	[smem:$0x3FA7] =	sst s3  }
0xc: {  	[smem:$0x3FA8] =	sst s4  }
0xd: {  	[smem:$0x3FA9] =	sst s5  }
0xe: {  	[smem:$0x3FAA] =	sst s6  }
0xf: {  	[smem:$0x3FAB] =	sst s7  }
0x10: {  	[smem:$0x3FAC] =	sst s8  }
0x11: {  	[smem:$0x3FAD] =	sst s9;
	s0 =	simm.s32 @!p0 $0x0  }
0x12: {  	s1 =	sld [smem:$0x3F93];
	s0 =	simm.s32 @p0 $0x1  }
0x13: {  	[smem:$0x3FAE] =	sst s0;
	s0 =	simm.s32 @!p1 $0x0  }
0x14: {  	s2 =	sld [smem:$0x3F92];
	s0 =	simm.s32 @p1 $0x1  }
0x15: {  	[smem:$0x3FAF] =	sst s0;
	s0 =	simm.s32 @!p2 $0x0  }
0x16: {  	s3 =	sld [smem:$0x3FDB];
	s0 =	simm.s32 @p2 $0x1  }
0x17: {  	s4 =	simm.s32 $0x1BF5;
	[smem:$0x3FB1] =	sst s0  }
0x18: {  	s0 =	sld [smem:$0x3F94];
	_ =	swait.ge [sflag:s4], $0x0  }
0x19: {  	s7 =	sld [smem:$0x3F95]  }
0x1a: {  	s8 =	sadd.s32 $0xFFFFE003, lr  }
0x1b: {  	s9 =	sadd.s32 $0xFFFFFEF7, lr;
	s5 =	simm.s32 $0xFFFFFFFF;
	p2 =	slt.u32 s8, $0xFFFFF086  }
0x1c: {  	p1 =	slt.u32 s9, $0xF7A;
	s5 =	simm.s32 @!p2 $0x0  }
0x1d: {  	s5 =	simm.s32 @p1 $0x1;
	p0 =	seq.s32 s7, s2  }
0x1e: {  	s7 =	smul.u32 @!p0 $0xF7A, s2;
	p2 =	seq.s32 @!p0 s5, $0x0  }
0x1f: {  	s9 =	smul.u32 $0xF7A, s1;
	s8 =	simm.s32 @!p0 $0x1BF5;
	p2 =	por !p2, p0  }
0x20: {  	[sflag:s8] =	ssyncset.s32 @!p0 $0xFFFFF086;
	s6 =	sadd.s32 @!p0 s3, s7;
	s7 =	simm.s32 @!p0 $0x108  }
0x21: {  	s3 =	sadd.s32 s3, s9;
	s6 =	sadd.s32 @!p0 $0x88, s6;
	s7 =	simm.s32 @p2 $0x1082  }
0x22: {  	[simem:s7], [sflag:s8] =	dma.local @!p0 [hbm:s6], $0xF7A  }
0x23: {  	s9 =	sor.u32 $0xD0000000, s2;
	s6 =	simm.s32 $0x108;
	_ =	swait.ge @!p0 [sflag:s8], $0x0  }
0x24: {  	s3 =	sadd.s32 $0x88, s3;
	s6 =	simm.s32 @!p1 $0x1082;
	[sflag:s4] =	ssyncset.s32 $0xFFFFF086  }
0x25: {  	[simem:s6], [sflag:s4] =	dma.local [hbm:s3], $0xF7A  }
0x26: {  	[smem:$0x3F95] =	sst s1;
	(tag) =	ssettag s2;
	_ =	strace s9  }
0x27: {  	s1 =	sld [smem:$0x3FA5]  }
0x28: {  	s2 =	sld [smem:$0x3FA6]  }
0x29: {  	s4 =	sld [smem:$0x3FA8]  }
0x2a: {  	p0 =	seq.s32 s5, $0x0;
	s5 =	sld [smem:$0x3FA9]  }
0x2b: {  	s6 =	sld [smem:$0x3FAA]  }
0x2c: {  	s7 =	sld [smem:$0x3FAB]  }
0x2d: {  	s3 =	simm.s32 $0x108;
	s8 =	sld [smem:$0x3FAC]  }
0x2e: {  	s3 =	simm.s32 @!p0 $0x1082;
	s9 =	sld [smem:$0x3FAD]  }
0x2f: {  	lr =	sadd.s32 s0, s3;
	s0 =	sld [smem:$0x3FA4]  }
0x30: {  	s3 =	sld [smem:$0x3FA7]  }
0x31: {  	[smem:$0x3FB0] =	sst s10  }
0x32: {  	s10 =	sld [smem:$0x3FAE];
	_ =	sdelay $0x3  }
0x33: {  	p0 =	seq.s32 s10, $0x1;
	s10 =	sld [smem:$0x3FB0];
	_ =	sdelay $0x3  }
0x34: {  	[smem:$0x3FB0] =	sst s10  }
0x35: {  	s10 =	sld [smem:$0x3FAF];
	_ =	sdelay $0x3  }
0x36: {  	p1 =	seq.s32 s10, $0x1;
	s10 =	sld [smem:$0x3FB0];
	_ =	sdelay $0x3  }
0x37: {  	[smem:$0x3FB0] =	sst s10  }
0x38: {  	s10 =	sld [smem:$0x3FB1]  }
0x39: {  	_ = 	snop;
	(pc) =	sbr.ind lr, $3  }
0x3a: {  	_ = 	snop  }
0x3b: {  	_ = 	snop  }
0x3c: {  	p2 =	seq.s32 s10, $0x1;
	s10 =	sld [smem:$0x3FB0]  }
0x3d: {  	_ =	shalt  }
0x3e: {  	_ =	shalt  }
0x3f: {  	_ =	shalt  }
0x40: {  	_ =	shalt  }
0x41: {  	_ =	shalt  }
0x42: {  	_ =	shalt  }
0x43: {  	_ =	shalt  }
0x44: {  	_ =	shalt  }
0x45: {  	_ =	shalt  }
0x46: {  	_ =	shalt  }
0x47: {  	_ =	shalt  }
0x48: {  	_ =	shalt  }
0x49: {  	_ =	shalt  }
0x4a: {  	_ =	shalt  }
0x4b: {  	_ =	shalt  }
0x4c: {  	_ =	shalt  }
0x4d: {  	_ =	shalt  }
0x4e: {  	_ =	shalt  }
0x4f: {  	_ =	shalt  }
0x50: {  	_ =	shalt  }
0x51: {  	_ =	shalt  }
0x52: {  	_ =	shalt  }
0x53: {  	_ =	shalt  }
0x54: {  	_ =	shalt  }
0x55: {  	_ =	shalt  }
0x56: {  	_ =	shalt  }
0x57: {  	_ =	shalt  }
0x58: {  	_ =	shalt  }
0x59: {  	_ =	shalt  }
0x5a: {  	_ =	shalt  }
0x5b: {  	_ =	shalt  }
0x5c: {  	_ =	shalt  }
0x5d: {  	_ =	shalt  }
0x5e: {  	_ =	shalt  }
0x5f: {  	_ =	shalt  }
0x60: {  	_ =	shalt  }
0x61: {  	_ =	shalt  }
0x62: {  	_ =	shalt  }
0x63: {  	_ =	shalt  }
0x64: {  	_ =	shalt  }
0x65: {  	_ =	shalt  }
0x66: {  	_ =	shalt  }
0x67: {  	_ =	shalt  }
0x68: {  	_ =	shalt  }
0x69: {  	_ =	shalt  }
0x6a: {  	_ =	shalt  }
0x6b: {  	_ =	shalt  }
0x6c: {  	_ =	shalt  }
0x6d: {  	_ =	shalt  }
0x6e: {  	_ =	shalt  }
0x6f: {  	_ =	shalt  }
0x70: {  	_ =	shalt  }
0x71: {  	_ =	shalt  }
0x72: {  	_ =	shalt  }
0x73: {  	_ =	shalt  }
0x74: {  	_ =	shalt  }
0x75: {  	_ =	shalt  }
0x76: {  	_ =	shalt  }
0x77: {  	_ =	shalt  }
0x78: {  	_ =	shalt  }
0x79: {  	_ =	shalt  }
0x7a: {  	_ =	shalt  }
0x7b: {  	_ =	shalt  }
0x7c: {  	_ =	shalt  }
0x7d: {  	_ =	shalt  }
0x7e: {  	_ =	shalt  }
0x7f: {  	_ =	shalt  }
0x80: {  	_ =	shalt  }
0x81: {  	_ =	shalt  }
0x82: {  	_ =	shalt  }
0x83: {  	_ =	shalt  }
0x84: {  	_ =	shalt  }
0x85: {  	_ =	shalt  }
0x86: {  	_ =	shalt  }
0x87: {  	_ =	shalt  }
.Lfunc_end0:
.L_simem_size_0:
called_computation.3_lowered:
.L_overlay_start_0:
0x88: {  	s2 =	sld [smem:$0x3FD9]  }
0x89: {  	s3 =	sld [smem:$0x3FFE];
	_ =	sdelay $0x1  }
0x8a: {  	s1 =	srdreg.scid  }
0x8b: {  	s0 =	sand.u32 $0x1, s1  }
0x8c: {  	s17 =	sshll.u32 s0, $0xA;
	s2 =	sadd.s32 s3, s2  }
0x8d: {  	s2 =	sadd.s32 s2, s17  }
0x8e: {  	[smem:$0x3FBC] =	sst s2  }
0x8f: {  	_ = 	snop  }
0x90: {  	(tm) =	ssettm $0x1  }
0x91: {  	s18 =	sld [smem:$0x3FFB];
	_ =	sdelay $0x3  }
0x92: {  	_ =	strace s18  }
0x93: {  	s2 =	sld [smem:$0x3FFC];
	_ =	sdelay $0x3  }
0x94: {  	_ =	strace s2  }
0x95: {  	s2 =	sld [smem:$0x3FFD];
	_ =	sdelay $0x3  }
0x96: {  	_ =	strace s2  }
0x97: {  	_ =	strace $0x8FFFFFFF  }
0x98: {  	s19 =	sld [smem:$0x3FDB];
	_ =	sdelay $0x1  }
0x99: {  	s20 =	simm.s32 $_scs_section_size  }
0x9a: {  	s4 =	simm.s32 $_size__tile_overlayer_lowered;
	s5 =	simm.s32 $_tile_overlayer_lowered  }
0x9b: {  	s6 =	simm.s32 $0x1BFF;
	s21 =	sshll.u32 s5, $0x1;
	s3 =	sadd.s32 s20, s19  }
0x9c: {  	s22 =	simm.s32 $0x0;
	s4 =	sshll.u32 s4, $0x1;
	s5 =	sadd.s32 s21, s3  }
0x9d: {  	[timem:s22], [sflag:s6] =	dma.local [hbm:s5], s4  }
0x9e: {  	_ =	swait.ge [sflag:s6], s4  }
0x9f: {  	s4 =	ssub.s32 $0x0, s4;
	[sflag:s6] =	ssyncset.done $0x0  }
0xa0: {  	[sflag:s6] =	ssyncadd.s32 s4;
	_ =	sdelay $0x1  }
0xa1: {  	s23 =	simm.s32 $0x1B8B  }
0xa2: {  	_ =	swait.ge [sflag:s23], $0x1  }
0xa3: {  	[sflag:s23] =	ssyncset.done $0x0  }
0xa4: {  	[sflag:s23] =	ssyncadd.s32 $0xFFFFFFFF  }
0xa5: {  	s4 =	sld [smem:$0x0]  }
0xa6: {  	s5 =	sand.u32 $0xFFFFFFFE, s1  }
0xa7: {  	p0 =	sne.s32 s1, s5  }
0xa8: {  	s5 =	sshll.u32 @p0 s5, $0xE  }
0xa9: {  	s5 =	sadd.s32 @p0 $0x11B8D, s5;
	s6 =	sshll.u32 @p0 s4, $0x11  }
0xaa: {  	s5 =	sor.u32 @p0 s6, s5  }
0xab: {  	[sflag:s5] =	ssyncadd.remote.s32 @p0 $0x1;
	_ =	sdelay $0x1  }
0xac: {  	s5 =	simm.s32 @p0 $0x1B8D  }
0xad: {  	_ =	swait.eq @p0 [sflag:s5], $0x1  }
0xae: {  	[sflag:s5] =	ssyncadd.s32 @p0 $0xFFFFFFFF  }
0xaf: {  	s6 =	sshll.u32 @!p0 s1, $0xE  }
0xb0: {  	s6 =	sor.u32 @!p0 $0x4000, s6;
	s5 =	simm.s32 @!p0 $0x1B8D  }
0xb1: {  	s4 =	sshll.u32 @!p0 s4, $0x11;
	s6 =	sadd.s32 @!p0 $0x11B8D, s6;
	_ =	swait.eq @!p0 [sflag:s5], $0x1  }
0xb2: {  	s4 =	sor.u32 @!p0 s4, s6;
	[sflag:s5] =	ssyncadd.s32 @!p0 $0xFFFFFFFF  }
0xb3: {  	s25 =	simm.s32 $0x1B8E;
	s24 =	sld [smem:$0x3FFE];
	[sflag:s4] =	ssyncadd.remote.s32 @!p0 $0x1  }
0xb4: {  	s26 =	simm.s32 $execute0_lowered;
	[smem:$0x3FD2] =	sst s25  }
0xb5: {  	s5 =	sshll.u32 s26, $0x1;
	_ =	strace $0x80000052;
	[dreg:$0x1] =	wrdreg $0xFFFFFFFF  }
0xb6: {  	s28 =	simm.s32 $_size_execute0_lowered;
	s3 =	sadd.s32 s3, s5;
	[dreg:$0x0] =	wrdreg $0x0  }
0xb7: {  	s5 =	sshll.u32 s28, $0x1;
	[dreg:$0x2] =	wrdreg s3  }
0xb8: {  	[dreg:$0x3] =	wrdreg s5  }
0xb9: {  	[dreg:$0x4] =	wrdreg $0xC0  }
0xba: {  	_ =	task [dreg:s22], $0x5FFFF  }
0xbb: {  	[dreg:$0x1] =	wrdreg $0xFFFFFFFF  }
0xbc: {  	[dreg:$0x0] =	wrdreg $0x60  }
0xbd: {  	[dreg:$0x2] =	wrdreg s24  }
0xbe: {  	[dreg:$0x3] =	wrdreg $0x140000  }
0xbf: {  	[dreg:$0x4] =	wrdreg $0x9  }
0xc0: {  	_ =	task.clear_ibuf [dreg:s22], $0x5FFFF;
	_ =	strace $0x90000052  }
0xc1: {  	s29 =	simm.s32 $0x9;
	_ =	strace $0x80000054  }
0xc2: {  	_ =	swait.ge [sflag:s29], $0x1  }
0xc3: {  	[sflag:s29] =	ssyncadd.s32 $0xFFFFFFFF  }
0xc4: {  	_ =	strace $0x90000054  }
0xc5: {  	_ =	sfence  }
0xc6: {  	s30 =	sld [smem:$0x0];
	_ =	sdelay $0x2  }
0xc7: {  	s31 =	sshll.u32 s1, $0xD;
	s1 =	sshrl.u32 s1, $0x2  }
0xc8: {  	s4 =	sand.u32 $0x4000, s31;
	s1 =	sadd.s32 s1, s30  }
0xc9: {  	s0 =	sor.u32 s4, s0;
	s1 =	sshll.u32 s1, $0x11  }
0xca: {  	s0 =	sor.u32 s1, s0  }
0xcb: {  	s0 =	sadd.s32 $0x8F2B, s0  }
0xcc: {  	[sflag:s0] =	ssyncadd.remote.s32 $0x1  }
0xcd: {  	_ =	sfence.sel $0xFFFF  }
0xce: {  	[dreg:$0x0] =	wrdreg $0xFFFFFFFF;
	(pc) =	sbr.abs _section_cstart, $3  }
0xcf: {  	[dreg:$0x1] =	wrdreg $0xFFFFFFFF  }
0xd0: {  	_ =	task.clear_ibuf [dreg:s22], $0x2FFFF;
	_ =	strace $0x9FFFFFFF  }
0xd1: {  	(tm) =	ssettm $0x7FFFFFFF  }
tec
execute0_lowered:
.L_overlay_start_1:
0x0: {  	(tag) =	ssettag $0x1  }
0x1: {  	s5 =	rddreg [dreg:$0x0]  }
0x2: {  	s2 =	rddreg [dreg:$0x1]  }
0x3: {  	s0 =	rddreg [dreg:$0x2]  }
0x4: {  	s3 =	srdreg.scid;
	s1 =	stileid.u32  }
0x5: {  	s13 =	simm.s32 $0x1;
	s14 =	simm.s32 $0x5000;
	s15 =	simm.s32 $0xA000  }
0x6: {  	s16 =	simm.s32 $0x140;
	s17 =	simm.s32 $0x0;
	s28 =	smul.u32 $0x5400, s1  }
0x7: {  	s6 =	sand.u32 $0x1, s3;
	s26 =	sshrl.u32 s1, $0x2;
	s29 =	smul.u32 $0x15000, s1  }
0x8: {  	s4 =	sshll.u32 s1, $0x8;
	s3 =	simm.s32 $0x0;
	s7 =	smul.u32 $0x28000, s26  }
0x9: {  	s8 =	sshll.u32 s6, $0x7;
	s4 =	sand.u32 $0x300, s4;
	[smem:$0x7FF] =	sst s3  }
0xa: {  	s9 =	smul.u32 $0xA8000, s6;
	s6 =	ssub.s32 $0x2, s6;
	s4 =	sor.u32 s8, s4  }
0xb: {  	_ =	strace $0x80000053;
	s10 =	sshrl.u32 s28, $0x3;
	s30 =	sshrl.u32 s6, $0x1  }
0xc: {  	s31 =	sshrl.u32 s29, $0x2;
	s7 =	sor.u32 s7, s4;
	s4 =	sadd.s32 $0x42600, s5  }
0xd: {  	s8 =	sadd.s32 s28, s9;
	s10 =	sadd.s32 s10, s5;
	s7 =	sshrl.u32 s7, $0x3  }
0xe: {  	s12 =	ssub.s32 s6, s30;
	s8 =	sshrl.u32 s8, $0x3;
	s7 =	sadd.s32 s7, s5  }
0xf: {  	s11 =	sadd.s32 s8, s5;
	s8 =	sadd.s32 s31, s2;
	s5 =	sadd.s32 $0x1A600, s7  }
0x10: {  	s6 =	sadd.s32 $0x5E00, s7;
	s7 =	sadd.s32 $0x6A600, s10;
	s9 =	sadd.s32 $0xA9600, s11  }
0x11: {  	s10 =	smax.u32 s12, $0x1;
	s11 =	simm.s32 $0x80;
	s12 =	simm.s32 $0x400  }
.LBB2_1:
0x12: {  	[tilespmem:s3], [sflag:$0x1] =	stream.strided.gather [hbm4b:s5+s11], $0x5000, s12, s11, $0x38;
	[tilespmem:$0x1E800] =	vst v63  }
0x13: {  	_ =	swait.ge [sflag:s13], $0x5000  }
0x14: {  	[sflag:s13] =	ssyncset.done $0x0  }
0x15: {  	[sflag:s13] =	ssyncadd.s32 $0xFFFFB000  }
0x16: {  	[tilespmem:s14], [sflag:$0x1] =	stream.strided.gather [hbm4b:s6+s11], $0x5000, s12, s11, $0x38;
	[tilespmem:$0x1E800] =	vst v63  }
0x17: {  	_ =	swait.ge [sflag:s13], $0x5000  }
0x18: {  	[sflag:s13] =	ssyncset.done $0x0  }
0x19: {  	[sflag:s13] =	ssyncadd.s32 $0xFFFFB000  }
0x1a: {  	[tilespmem:s15], [sflag:$0x1] =	stream.linear.gather [hbm4b:s7+s3], $0x5400, $0x38;
	[tilespmem:$0x1E800] =	vst v63  }
0x1b: {  	_ =	swait.ge [sflag:s13], $0x5400  }
0x1c: {  	[sflag:s13] =	ssyncset.done $0x0  }
0x1d: {  	[sflag:s13] =	ssyncadd.s32 $0xFFFFAC00  }
0x1e: {  	[spmem:s8] =	stream.linear.scatter [tilespmem:s15], [sflag:$0x1], $0x5400, $0x38;
	[tilespmem:$0x1E800] =	vst v63  }
0x1f: {  	_ =	swait.ge [sflag:s13], $0x5400  }
0x20: {  	[sflag:s13] =	ssyncset.done $0x0  }
0x21: {  	[sflag:s13] =	ssyncadd.s32 $0xFFFFAC00  }
0x22: {  	s18 =	simm.s32 $0x0;
	[bflag:$0x0] =	sbarrier.arrive $0xFFFF  }
0x23: {  	[tilespmem:s15], [sflag:$0x1] =	stream.indirect.gather [hbm4b:s4+s16], $0x80, s18, s16, $0xb8;
	[tilespmem:$0x1E800] =	vst v63  }
0x24: {  	_ =	swait.ge [sflag:s13], $0xA000  }
0x25: {  	[sflag:s13] =	ssyncset.done $0x0  }
0x26: {  	s31 =	simm.s32 $0x5000;
	[sflag:s13] =	ssyncadd.s32 $0xFFFF6000  }
0x27: {  	[spmem:s2] =	stream.indirect.scatter.add.f32 [tilespmem:s15], [sflag:$0x1], $0x80, s31, s16, $0xb8;
	[tilespmem:$0x1E800] =	vst v63  }
0x28: {  	_ =	swait.ge [sflag:s13], $0xA000  }
0x29: {  	s19 =	simm.s32 $0xA00;
	s18 =	simm.s32 $0x500;
	[sflag:s13] =	ssyncset.done $0x0  }
.LBB2_2:
0x2a: {  	s20 =	sshra.s32 s18, $0x2  }
0x2b: {  	[sflag:s13] =	ssyncadd.s32 $0xFFFF6000;
	s18 =	smov.u32 s19;
	s21 =	sadd.s32 $0x500, s19  }
0x2c: {  	[tilespmem:s15], [sflag:$0x1] =	stream.indirect.gather [hbm4b:s4+s16], $0x80, s20, s16, $0xb8;
	[tilespmem:$0x1E800] =	vst v63  }
0x2d: {  	p0 =	sne.s32 s19, $0x13B00;
	_ =	swait.ge [sflag:s13], $0xA000  }
.Ltmp0:
0x2e: {  	[sflag:s13] =	ssyncset.done $0x0;
	(pc) =	sbr.rel @p0 .LBB2_2-.Ltmp0, $4  }
0x2f: {  	s19 =	sadd.s32 $0x5000, s20;
	[sflag:s13] =	ssyncadd.s32 $0xFFFF6000  }
0x30: {  	[spmem:s2] =	stream.indirect.scatter.add.f32 [tilespmem:s15], [sflag:$0x1], $0x80, s19, s16, $0xb8;
	[tilespmem:$0x1E800] =	vst v63  }
0x31: {  	_ =	swait.ge [sflag:s13], $0xA000  }
0x32: {  	s19 =	smov.u32 s21;
	[sflag:s13] =	ssyncset.done $0x0  }
0x33: {  	s18 =	sshra.s32 s18, $0x2;
	[sflag:s13] =	ssyncadd.s32 $0xFFFF6000  }
0x34: {  	[tilespmem:s15], [sflag:$0x1] =	stream.indirect.gather [hbm4b:s4+s16], $0x80, s18, s16, $0xb8;
	[tilespmem:$0x1E800] =	vst v63  }
0x35: {  	_ =	swait.ge [sflag:s13], $0xA000  }
0x36: {  	[sflag:s13] =	ssyncset.done $0x0  }
0x37: {  	s18 =	sadd.s32 $0x5000, s18;
	[sflag:s13] =	ssyncadd.s32 $0xFFFF6000  }
0x38: {  	[spmem:s2] =	stream.indirect.scatter.add.f32 [tilespmem:s15], [sflag:$0x1], $0x80, s18, s16, $0xb8;
	[tilespmem:$0x1E800] =	vst v63  }
0x39: {  	_ =	swait.ge [sflag:s13], $0xA000  }
0x3a: {  	[sflag:s13] =	ssyncset.done $0x0  }
0x3b: {  	[sflag:s13] =	ssyncadd.s32 $0xFFFF6000  }
0x3c: {  	[bflag:$0x0] =	sbarrier.arrive $0xFFFF  }
0x3d: {  	[tilespmem:s15], [sflag:$0x1] =	stream.linear.gather [spmem:s8], $0x5400, $0x38;
	[tilespmem:$0x1E800] =	vst v63  }
0x3e: {  	s17 =	sadd.s32 $0x1, s17;
	_ =	swait.ge [sflag:s13], $0x5400  }
0x3f: {  	p0 =	sne.s32 s17, s10;
	[sflag:s13] =	ssyncset.done $0x0  }
.Ltmp1:
0x40: {  	[sflag:s13] =	ssyncadd.s32 $0xFFFFAC00;
	(pc) =	sbr.rel @p0 .LBB2_1-.Ltmp1, $4  }
0x41: {  	[hbm4b:s9+s3] =	stream.linear.scatter [tilespmem:s15], [sflag:$0x1], $0x5400, $0x38;
	[tilespmem:$0x1E800] =	vst v63  }
0x42: {  	_ =	swait.ge [sflag:s13], $0x5400  }
0x43: {  	[sflag:s13] =	ssyncset.done $0x0  }
0x44: {  	[sflag:s13] =	ssyncadd.s32 $0xFFFFAC00  }
0x45: {  	_ =	sfence.sel $0x180000  }
0x46: {  	[bflag:$0x0] =	sbarrier.arrive $0xFFFF  }
0x47: {  	p0 =	sne.s32 s1, $0x0;
	_ =	strace $0x90000053  }
0x48: {  	s0 =	sadd.s32 @!p0 $0x100000, s0;
	[bflag:$0x2] =	sbarrier.arrive $0xFFFF  }
0x49: {  	[sflag:s0] =	ssyncadd.tile.s32 @!p0 $0x1;
	_ =	shalt  }
.Lfunc_end2:
_tile_overlayer_lowered:
.L_overlay_start_2:
0x4a: {  	(tag) =	ssettag $0x2  }
0x4b: {  	s0 =	rddreg [dreg:$0x0];
	s2 =	stileid.u32  }
0x4c: {  	s1 =	rddreg [dreg:$0x1];
	p0 =	sne.s32 s2, $0x0  }
0x4d: {  	s3 =	rddreg [dreg:$0x2];
	[bflag:$0x3] =	sbarrier.arrive $0xFFFF;
	s2 =	simm.s32 @!p0 $0x1C01  }
0x4e: {  	[timem:s3], [sflag:s2] =	dma.local @!p0 [hbm:s0], s1  }
0x4f: {  	s0 =	simm.s32 @!p0 $0x1  }
0x50: {  	_ =	swait.ge @!p0 [sflag:s0], s1  }
0x51: {  	s1 =	ssub.s32 @!p0 $0x0, s1;
	[sflag:s0] =	ssyncset.done @!p0 $0x0  }
0x52: {  	[sflag:s0] =	ssyncadd.s32 @!p0 s1  }
0x53: {  	[bflag:$0x3] =	sbarrier.arrive $0xFFFF  }
0x54: {  	_ =	shalt  }

// kernel: kernel.24.cloned.1.call-start
scs
__scs_entry_jumppad:
0x0: {  	(pc) =	sbr.rel $0x88, $3  }
0x1: {  	(tag) =	ssettag $0x0;
	lr =	simm.s32 $0x1  }
0x2: {  	[smem:$0x3F95] =	sst lr;
	_ =	strace $0xD0000000  }
0x3: {  	_ = 	snop  }
0x4: {  	_ = 	snop  }
0x5: {  	_ = 	snop  }
0x6: {  	_ = 	snop  }
0x7: {  	_ = 	snop  }
__scs_overlays_trampoline_lowered:
0x8: {  	[smem:$0x3FA4] =	sst s0  }
0x9: {  	[smem:$0x3FA5] =	sst s1  }
0xa: {  	[smem:$0x3FA6] =	sst s2  }
0xb: {  	[smem:$0x3FA7] =	sst s3  }
0xc: {  	[smem:$0x3FA8] =	sst s4  }
0xd: {  	[smem:$0x3FA9] =	sst s5  }
0xe: {  	[smem:$0x3FAA] =	sst s6  }
0xf: {  	[smem:$0x3FAB] =	sst s7  }
0x10: {  	[smem:$0x3FAC] =	sst s8  }
0x11: {  	[smem:$0x3FAD] =	sst s9;
	s0 =	simm.s32 @!p0 $0x0  }
0x12: {  	s1 =	sld [smem:$0x3F93];
	s0 =	simm.s32 @p0 $0x1  }
0x13: {  	[smem:$0x3FAE] =	sst s0;
	s0 =	simm.s32 @!p1 $0x0  }
0x14: {  	s2 =	sld [smem:$0x3F92];
	s0 =	simm.s32 @p1 $0x1  }
0x15: {  	[smem:$0x3FAF] =	sst s0;
	s0 =	simm.s32 @!p2 $0x0  }
0x16: {  	s3 =	sld [smem:$0x3FDB];
	s0 =	simm.s32 @p2 $0x1  }
0x17: {  	s4 =	simm.s32 $0x1BF5;
	[smem:$0x3FB1] =	sst s0  }
0x18: {  	s0 =	sld [smem:$0x3F94];
	_ =	swait.ge [sflag:s4], $0x0  }
0x19: {  	s7 =	sld [smem:$0x3F95]  }
0x1a: {  	s8 =	sadd.s32 $0xFFFFE003, lr  }
0x1b: {  	s9 =	sadd.s32 $0xFFFFFEF7, lr;
	s5 =	simm.s32 $0xFFFFFFFF;
	p2 =	slt.u32 s8, $0xFFFFF086  }
0x1c: {  	p1 =	slt.u32 s9, $0xF7A;
	s5 =	simm.s32 @!p2 $0x0  }
0x1d: {  	s5 =	simm.s32 @p1 $0x1;
	p0 =	seq.s32 s7, s2  }
0x1e: {  	s7 =	smul.u32 @!p0 $0xF7A, s2;
	p2 =	seq.s32 @!p0 s5, $0x0  }
0x1f: {  	s9 =	smul.u32 $0xF7A, s1;
	s8 =	simm.s32 @!p0 $0x1BF5;
	p2 =	por !p2, p0  }
0x20: {  	[sflag:s8] =	ssyncset.s32 @!p0 $0xFFFFF086;
	s6 =	sadd.s32 @!p0 s3, s7;
	s7 =	simm.s32 @!p0 $0x108  }
0x21: {  	s3 =	sadd.s32 s3, s9;
	s6 =	sadd.s32 @!p0 $0x88, s6;
	s7 =	simm.s32 @p2 $0x1082  }
0x22: {  	[simem:s7], [sflag:s8] =	dma.local @!p0 [hbm:s6], $0xF7A  }
0x23: {  	s9 =	sor.u32 $0xD0000000, s2;
	s6 =	simm.s32 $0x108;
	_ =	swait.ge @!p0 [sflag:s8], $0x0  }
0x24: {  	s3 =	sadd.s32 $0x88, s3;
	s6 =	simm.s32 @!p1 $0x1082;
	[sflag:s4] =	ssyncset.s32 $0xFFFFF086  }
0x25: {  	[simem:s6], [sflag:s4] =	dma.local [hbm:s3], $0xF7A  }
0x26: {  	[smem:$0x3F95] =	sst s1;
	(tag) =	ssettag s2;
	_ =	strace s9  }
0x27: {  	s1 =	sld [smem:$0x3FA5]  }
0x28: {  	s2 =	sld [smem:$0x3FA6]  }
0x29: {  	s4 =	sld [smem:$0x3FA8]  }
0x2a: {  	p0 =	seq.s32 s5, $0x0;
	s5 =	sld [smem:$0x3FA9]  }
0x2b: {  	s6 =	sld [smem:$0x3FAA]  }
0x2c: {  	s7 =	sld [smem:$0x3FAB]  }
0x2d: {  	s3 =	simm.s32 $0x108;
	s8 =	sld [smem:$0x3FAC]  }
0x2e: {  	s3 =	simm.s32 @!p0 $0x1082;
	s9 =	sld [smem:$0x3FAD]  }
0x2f: {  	lr =	sadd.s32 s0, s3;
	s0 =	sld [smem:$0x3FA4]  }
0x30: {  	s3 =	sld [smem:$0x3FA7]  }
0x31: {  	[smem:$0x3FB0] =	sst s10  }
0x32: {  	s10 =	sld [smem:$0x3FAE];
	_ =	sdelay $0x3  }
0x33: {  	p0 =	seq.s32 s10, $0x1;
	s10 =	sld [smem:$0x3FB0];
	_ =	sdelay $0x3  }
0x34: {  	[smem:$0x3FB0] =	sst s10  }
0x35: {  	s10 =	sld [smem:$0x3FAF];
	_ =	sdelay $0x3  }
0x36: {  	p1 =	seq.s32 s10, $0x1;
	s10 =	sld [smem:$0x3FB0];
	_ =	sdelay $0x3  }
0x37: {  	[smem:$0x3FB0] =	sst s10  }
0x38: {  	s10 =	sld [smem:$0x3FB1]  }
0x39: {  	_ = 	snop;
	(pc) =	sbr.ind lr, $3  }
0x3a: {  	_ = 	snop  }
0x3b: {  	_ = 	snop  }
0x3c: {  	p2 =	seq.s32 s10, $0x1;
	s10 =	sld [smem:$0x3FB0]  }
0x3d: {  	_ =	shalt  }
0x3e: {  	_ =	shalt  }
0x3f: {  	_ =	shalt  }
0x40: {  	_ =	shalt  }
0x41: {  	_ =	shalt  }
0x42: {  	_ =	shalt  }
0x43: {  	_ =	shalt  }
0x44: {  	_ =	shalt  }
0x45: {  	_ =	shalt  }
0x46: {  	_ =	shalt  }
0x47: {  	_ =	shalt  }
0x48: {  	_ =	shalt  }
0x49: {  	_ =	shalt  }
0x4a: {  	_ =	shalt  }
0x4b: {  	_ =	shalt  }
0x4c: {  	_ =	shalt  }
0x4d: {  	_ =	shalt  }
0x4e: {  	_ =	shalt  }
0x4f: {  	_ =	shalt  }
0x50: {  	_ =	shalt  }
0x51: {  	_ =	shalt  }
0x52: {  	_ =	shalt  }
0x53: {  	_ =	shalt  }
0x54: {  	_ =	shalt  }
0x55: {  	_ =	shalt  }
0x56: {  	_ =	shalt  }
0x57: {  	_ =	shalt  }
0x58: {  	_ =	shalt  }
0x59: {  	_ =	shalt  }
0x5a: {  	_ =	shalt  }
0x5b: {  	_ =	shalt  }
0x5c: {  	_ =	shalt  }
0x5d: {  	_ =	shalt  }
0x5e: {  	_ =	shalt  }
0x5f: {  	_ =	shalt  }
0x60: {  	_ =	shalt  }
0x61: {  	_ =	shalt  }
0x62: {  	_ =	shalt  }
0x63: {  	_ =	shalt  }
0x64: {  	_ =	shalt  }
0x65: {  	_ =	shalt  }
0x66: {  	_ =	shalt  }
0x67: {  	_ =	shalt  }
0x68: {  	_ =	shalt  }
0x69: {  	_ =	shalt  }
0x6a: {  	_ =	shalt  }
0x6b: {  	_ =	shalt  }
0x6c: {  	_ =	shalt  }
0x6d: {  	_ =	shalt  }
0x6e: {  	_ =	shalt  }
0x6f: {  	_ =	shalt  }
0x70: {  	_ =	shalt  }
0x71: {  	_ =	shalt  }
0x72: {  	_ =	shalt  }
0x73: {  	_ =	shalt  }
0x74: {  	_ =	shalt  }
0x75: {  	_ =	shalt  }
0x76: {  	_ =	shalt  }
0x77: {  	_ =	shalt  }
0x78: {  	_ =	shalt  }
0x79: {  	_ =	shalt  }
0x7a: {  	_ =	shalt  }
0x7b: {  	_ =	shalt  }
0x7c: {  	_ =	shalt  }
0x7d: {  	_ =	shalt  }
0x7e: {  	_ =	shalt  }
0x7f: {  	_ =	shalt  }
0x80: {  	_ =	shalt  }
0x81: {  	_ =	shalt  }
0x82: {  	_ =	shalt  }
0x83: {  	_ =	shalt  }
0x84: {  	_ =	shalt  }
0x85: {  	_ =	shalt  }
0x86: {  	_ =	shalt  }
0x87: {  	_ =	shalt  }
.Lfunc_end0:
.L_simem_size_0:
called_computation.4_lowered:
.L_overlay_start_0:
0x88: {  	s2 =	sld [smem:$0x3FD9]  }
0x89: {  	s3 =	sld [smem:$0x3FFE];
	_ =	sdelay $0x1  }
0x8a: {  	s1 =	srdreg.scid  }
0x8b: {  	s0 =	sand.u32 $0x1, s1  }
0x8c: {  	s16 =	sshll.u32 s0, $0xA;
	s2 =	sadd.s32 s3, s2  }
0x8d: {  	s2 =	sadd.s32 s2, s16  }
0x8e: {  	[smem:$0x3FBC] =	sst s2  }
0x8f: {  	_ = 	snop  }
0x90: {  	(tm) =	ssettm $0x1  }
0x91: {  	s17 =	sld [smem:$0x3FFB];
	_ =	sdelay $0x3  }
0x92: {  	_ =	strace s17  }
0x93: {  	s2 =	sld [smem:$0x3FFC];
	_ =	sdelay $0x3  }
0x94: {  	_ =	strace s2  }
0x95: {  	s2 =	sld [smem:$0x3FFD];
	_ =	sdelay $0x3  }
0x96: {  	_ =	strace s2  }
0x97: {  	_ =	strace $0x8FFFFFFF  }
0x98: {  	s18 =	sld [smem:$0x3FDB];
	_ =	sdelay $0x1  }
0x99: {  	s19 =	simm.s32 $_scs_section_size  }
0x9a: {  	s4 =	simm.s32 $_size__tile_overlayer_lowered;
	s5 =	simm.s32 $_tile_overlayer_lowered  }
0x9b: {  	s22 =	simm.s32 $0x1BFF;
	s21 =	sshll.u32 s5, $0x1;
	s2 =	sadd.s32 s19, s18  }
0x9c: {  	s6 =	simm.s32 $0x0;
	s20 =	sshll.u32 s4, $0x1;
	s4 =	sadd.s32 s21, s2  }
0x9d: {  	[timem:s6], [sflag:s22] =	dma.local [hbm:s4], s20  }
0x9e: {  	_ =	swait.ge [sflag:s22], s20  }
0x9f: {  	s3 =	ssub.s32 $0x0, s20;
	[sflag:s22] =	ssyncset.done $0x0  }
0xa0: {  	[sflag:s22] =	ssyncadd.s32 s3;
	_ =	sdelay $0x1  }
0xa1: {  	s23 =	simm.s32 $0x1B8B  }
0xa2: {  	_ =	swait.ge [sflag:s23], $0x1  }
0xa3: {  	[sflag:s23] =	ssyncset.done $0x0  }
0xa4: {  	s25 =	simm.s32 $0x1B8E;
	s24 =	sld [smem:$0x3FFE];
	[sflag:s23] =	ssyncadd.s32 $0xFFFFFFFF  }
0xa5: {  	s26 =	simm.s32 $execute0_lowered;
	[smem:$0x3FD2] =	sst s25  }
0xa6: {  	s4 =	sshll.u32 s26, $0x1;
	_ =	strace $0x8000004F;
	[dreg:$0x1] =	wrdreg $0xFFFFFFFF  }
0xa7: {  	s28 =	simm.s32 $_size_execute0_lowered;
	s2 =	sadd.s32 s2, s4;
	[dreg:$0x0] =	wrdreg $0x0  }
0xa8: {  	s4 =	sshll.u32 s28, $0x1;
	[dreg:$0x2] =	wrdreg s2  }
0xa9: {  	[dreg:$0x3] =	wrdreg s4  }
0xaa: {  	[dreg:$0x4] =	wrdreg $0xC0  }
0xab: {  	_ =	task [dreg:s6], $0x5FFFF  }
0xac: {  	[dreg:$0x1] =	wrdreg $0xFFFFFFFF  }
0xad: {  	[dreg:$0x0] =	wrdreg $0x60  }
0xae: {  	[dreg:$0x2] =	wrdreg s24  }
0xaf: {  	[dreg:$0x3] =	wrdreg $0x140000  }
0xb0: {  	[dreg:$0x4] =	wrdreg $0xA  }
0xb1: {  	_ =	task.clear_ibuf [dreg:s6], $0x5FFFF;
	_ =	strace $0x9000004F  }
0xb2: {  	s29 =	simm.s32 $0xA;
	_ =	strace $0x80000051  }
0xb3: {  	_ =	swait.ge [sflag:s29], $0x1  }
0xb4: {  	[sflag:s29] =	ssyncadd.s32 $0xFFFFFFFF  }
0xb5: {  	_ =	strace $0x90000051  }
0xb6: {  	_ =	sfence  }
0xb7: {  	s30 =	sld [smem:$0x0];
	_ =	sdelay $0x2  }
0xb8: {  	s31 =	sshll.u32 s1, $0xD;
	s1 =	sshrl.u32 s1, $0x2  }
0xb9: {  	s3 =	sand.u32 $0x4000, s31;
	s1 =	sadd.s32 s1, s30  }
0xba: {  	s0 =	sor.u32 s3, s0;
	s1 =	sshll.u32 s1, $0x11  }
0xbb: {  	s0 =	sor.u32 s1, s0  }
0xbc: {  	s0 =	sadd.s32 $0x8F2B, s0  }
0xbd: {  	[sflag:s0] =	ssyncadd.remote.s32 $0x1  }
0xbe: {  	_ =	sfence.sel $0xFFFF  }
0xbf: {  	[dreg:$0x0] =	wrdreg $0xFFFFFFFF;
	(pc) =	sbr.abs _section_cstart, $3  }
0xc0: {  	[dreg:$0x1] =	wrdreg $0xFFFFFFFF  }
0xc1: {  	_ =	task.clear_ibuf [dreg:s6], $0x2FFFF;
	_ =	strace $0x9FFFFFFF  }
0xc2: {  	(tm) =	ssettm $0x7FFFFFFF  }
0xc3: {  	_ =	shalt  }
tec
execute0_lowered:
.L_overlay_start_1:
0x0: {  	(tag) =	ssettag $0x1  }
0x1: {  	s5 =	rddreg [dreg:$0x0]  }
0x2: {  	s2 =	rddreg [dreg:$0x1]  }
0x3: {  	s0 =	rddreg [dreg:$0x2]  }
0x4: {  	s3 =	srdreg.scid;
	s1 =	stileid.u32  }
0x5: {  	s13 =	simm.s32 $0x1;
	s14 =	simm.s32 $0x5000;
	s15 =	simm.s32 $0xA000  }
0x6: {  	s16 =	simm.s32 $0x140;
	s17 =	simm.s32 $0x0;
	s28 =	smul.u32 $0x5400, s1  }
0x7: {  	s6 =	sand.u32 $0x1, s3;
	s26 =	sshrl.u32 s1, $0x2;
	s29 =	smul.u32 $0x15000, s1  }
0x8: {  	s4 =	sshll.u32 s1, $0x8;
	s3 =	simm.s32 $0x0;
	s7 =	smul.u32 $0x28000, s26  }
0x9: {  	s8 =	sshll.u32 s6, $0x7;
	s4 =	sand.u32 $0x300, s4;
	[smem:$0x7FF] =	sst s3  }
0xa: {  	s9 =	smul.u32 $0xA8000, s6;
	s6 =	ssub.s32 $0x2, s6;
	s4 =	sor.u32 s8, s4  }
0xb: {  	_ =	strace $0x80000050;
	s10 =	sshrl.u32 s28, $0x3;
	s30 =	sshrl.u32 s6, $0x1  }
0xc: {  	s31 =	sshrl.u32 s29, $0x2;
	s7 =	sor.u32 s7, s4;
	s4 =	sadd.s32 $0x42600, s5  }
0xd: {  	s8 =	sadd.s32 s28, s9;
	s10 =	sadd.s32 s10, s5;
	s7 =	sshrl.u32 s7, $0x3  }
0xe: {  	s12 =	ssub.s32 s6, s30;
	s8 =	sshrl.u32 s8, $0x3;
	s7 =	sadd.s32 s7, s5  }
0xf: {  	s11 =	sadd.s32 s8, s5;
	s8 =	sadd.s32 s31, s2;
	s5 =	sadd.s32 $0x1A600, s7  }
0x10: {  	s6 =	sadd.s32 $0x2E600, s7;
	s7 =	sadd.s32 $0x6A600, s10;
	s9 =	sadd.s32 $0x7F600, s11  }
0x11: {  	s10 =	smax.u32 s12, $0x1;
	s11 =	simm.s32 $0x80;
	s12 =	simm.s32 $0x400  }
.LBB2_1:
0x12: {  	[tilespmem:s3], [sflag:$0x1] =	stream.strided.gather [hbm4b:s5+s11], $0x5000, s12, s11, $0x38;
	[tilespmem:$0x1E800] =	vst v63  }
0x13: {  	_ =	swait.ge [sflag:s13], $0x5000  }
0x14: {  	[sflag:s13] =	ssyncset.done $0x0  }
0x15: {  	[sflag:s13] =	ssyncadd.s32 $0xFFFFB000  }
0x16: {  	[tilespmem:s14], [sflag:$0x1] =	stream.strided.gather [hbm4b:s6+s11], $0x5000, s12, s11, $0x38;
	[tilespmem:$0x1E800] =	vst v63  }
0x17: {  	_ =	swait.ge [sflag:s13], $0x5000  }
0x18: {  	[sflag:s13] =	ssyncset.done $0x0  }
0x19: {  	[sflag:s13] =	ssyncadd.s32 $0xFFFFB000  }
0x1a: {  	[tilespmem:s15], [sflag:$0x1] =	stream.linear.gather [hbm4b:s7+s3], $0x5400, $0x38;
	[tilespmem:$0x1E800] =	vst v63  }
0x1b: {  	_ =	swait.ge [sflag:s13], $0x5400  }
0x1c: {  	[sflag:s13] =	ssyncset.done $0x0  }
0x1d: {  	[sflag:s13] =	ssyncadd.s32 $0xFFFFAC00  }
0x1e: {  	[spmem:s8] =	stream.linear.scatter [tilespmem:s15], [sflag:$0x1], $0x5400, $0x38;
	[tilespmem:$0x1E800] =	vst v63  }
0x1f: {  	_ =	swait.ge [sflag:s13], $0x5400  }
0x20: {  	[sflag:s13] =	ssyncset.done $0x0  }
0x21: {  	[sflag:s13] =	ssyncadd.s32 $0xFFFFAC00  }
0x22: {  	s18 =	simm.s32 $0x0;
	[bflag:$0x0] =	sbarrier.arrive $0xFFFF  }
0x23: {  	[tilespmem:s15], [sflag:$0x1] =	stream.indirect.gather [hbm4b:s4+s16], $0x80, s18, s16, $0xb8;
	[tilespmem:$0x1E800] =	vst v63  }
0x24: {  	_ =	swait.ge [sflag:s13], $0xA000  }
0x25: {  	[sflag:s13] =	ssyncset.done $0x0  }
0x26: {  	s31 =	simm.s32 $0x5000;
	[sflag:s13] =	ssyncadd.s32 $0xFFFF6000  }
0x27: {  	[spmem:s2] =	stream.indirect.scatter.add.f32 [tilespmem:s15], [sflag:$0x1], $0x80, s31, s16, $0xb8;
	[tilespmem:$0x1E800] =	vst v63  }
0x28: {  	_ =	swait.ge [sflag:s13], $0xA000  }
0x29: {  	s19 =	simm.s32 $0xA00;
	s18 =	simm.s32 $0x500;
	[sflag:s13] =	ssyncset.done $0x0  }
.LBB2_2:
0x2a: {  	s20 =	sshra.s32 s18, $0x2  }
0x2b: {  	[sflag:s13] =	ssyncadd.s32 $0xFFFF6000;
	s18 =	smov.u32 s19;
	s21 =	sadd.s32 $0x500, s19  }
0x2c: {  	[tilespmem:s15], [sflag:$0x1] =	stream.indirect.gather [hbm4b:s4+s16], $0x80, s20, s16, $0xb8;
	[tilespmem:$0x1E800] =	vst v63  }
0x2d: {  	p0 =	sne.s32 s19, $0x13B00;
	_ =	swait.ge [sflag:s13], $0xA000  }
.Ltmp0:
0x2e: {  	[sflag:s13] =	ssyncset.done $0x0;
	(pc) =	sbr.rel @p0 .LBB2_2-.Ltmp0, $4  }
0x2f: {  	s19 =	sadd.s32 $0x5000, s20;
	[sflag:s13] =	ssyncadd.s32 $0xFFFF6000  }
0x30: {  	[spmem:s2] =	stream.indirect.scatter.add.f32 [tilespmem:s15], [sflag:$0x1], $0x80, s19, s16, $0xb8;
	[tilespmem:$0x1E800] =	vst v63  }
0x31: {  	_ =	swait.ge [sflag:s13], $0xA000  }
0x32: {  	s19 =	smov.u32 s21;
	[sflag:s13] =	ssyncset.done $0x0  }
0x33: {  	s18 =	sshra.s32 s18, $0x2;
	[sflag:s13] =	ssyncadd.s32 $0xFFFF6000  }
0x34: {  	[tilespmem:s15], [sflag:$0x1] =	stream.indirect.gather [hbm4b:s4+s16], $0x80, s18, s16, $0xb8;
	[tilespmem:$0x1E800] =	vst v63  }
0x35: {  	_ =	swait.ge [sflag:s13], $0xA000  }
0x36: {  	[sflag:s13] =	ssyncset.done $0x0  }
0x37: {  	s18 =	sadd.s32 $0x5000, s18;
	[sflag:s13] =	ssyncadd.s32 $0xFFFF6000  }
0x38: {  	[spmem:s2] =	stream.indirect.scatter.add.f32 [tilespmem:s15], [sflag:$0x1], $0x80, s18, s16, $0xb8;
	[tilespmem:$0x1E800] =	vst v63  }
0x39: {  	_ =	swait.ge [sflag:s13], $0xA000  }
0x3a: {  	[sflag:s13] =	ssyncset.done $0x0  }
0x3b: {  	[sflag:s13] =	ssyncadd.s32 $0xFFFF6000  }
0x3c: {  	[bflag:$0x0] =	sbarrier.arrive $0xFFFF  }
0x3d: {  	[tilespmem:s15], [sflag:$0x1] =	stream.linear.gather [spmem:s8], $0x5400, $0x38;
	[tilespmem:$0x1E800] =	vst v63  }
0x3e: {  	s17 =	sadd.s32 $0x1, s17;
	_ =	swait.ge [sflag:s13], $0x5400  }
0x3f: {  	p0 =	sne.s32 s17, s10;
	[sflag:s13] =	ssyncset.done $0x0  }
.Ltmp1:
0x40: {  	[sflag:s13] =	ssyncadd.s32 $0xFFFFAC00;
	(pc) =	sbr.rel @p0 .LBB2_1-.Ltmp1, $4  }
0x41: {  	[hbm4b:s9+s3] =	stream.linear.scatter [tilespmem:s15], [sflag:$0x1], $0x5400, $0x38;
	[tilespmem:$0x1E800] =	vst v63  }
0x42: {  	_ =	swait.ge [sflag:s13], $0x5400  }
0x43: {  	[sflag:s13] =	ssyncset.done $0x0  }
0x44: {  	[sflag:s13] =	ssyncadd.s32 $0xFFFFAC00  }
0x45: {  	_ =	sfence.sel $0x180000  }
0x46: {  	[bflag:$0x0] =	sbarrier.arrive $0xFFFF  }
0x47: {  	p0 =	sne.s32 s1, $0x0;
	_ =	strace $0x90000050  }
0x48: {  	s0 =	sadd.s32 @!p0 $0x100000, s0;
	[bflag:$0x2] =	sbarrier.arrive $0xFFFF  }
0x49: {  	[sflag:s0] =	ssyncadd.tile.s32 @!p0 $0x1;
	_ =	shalt  }
.Lfunc_end2:
_tile_overlayer_lowered:
.L_overlay_start_2:
0x4a: {  	(tag) =	ssettag $0x2  }
0x4b: {  	s0 =	rddreg [dreg:$0x0];
	s2 =	stileid.u32  }
0x4c: {  	s1 =	rddreg [dreg:$0x1];
	p0 =	sne.s32 s2, $0x0  }
0x4d: {  	s3 =	rddreg [dreg:$0x2];
	[bflag:$0x3] =	sbarrier.arrive $0xFFFF;
	s2 =	simm.s32 @!p0 $0x1C01  }
0x4e: {  	[timem:s3], [sflag:s2] =	dma.local @!p0 [hbm:s0], s1  }
0x4f: {  	s0 =	simm.s32 @!p0 $0x1  }
0x50: {  	_ =	swait.ge @!p0 [sflag:s0], s1  }
0x51: {  	s1 =	ssub.s32 @!p0 $0x0, s1;
	[sflag:s0] =	ssyncset.done @!p0 $0x0  }
0x52: {  	[sflag:s0] =	ssyncadd.s32 @!p0 s1  }
0x53: {  	[bflag:$0x3] =	sbarrier.arrive $0xFFFF  }
0x54: {  	_ =	shalt  }

// kernel: kernel.27.cloned.1.call-start
scs
__scs_entry_jumppad:
0x0: {  	(pc) =	sbr.rel $0x88, $3  }
0x1: {  	(tag) =	ssettag $0x0;
	lr =	simm.s32 $0x1  }
0x2: {  	[smem:$0x3F95] =	sst lr;
	_ =	strace $0xD0000000  }
0x3: {  	_ = 	snop  }
0x4: {  	_ = 	snop  }
0x5: {  	_ = 	snop  }
0x6: {  	_ = 	snop  }
0x7: {  	_ = 	snop  }
__scs_overlays_trampoline_lowered:
0x8: {  	[smem:$0x3FA4] =	sst s0  }
0x9: {  	[smem:$0x3FA5] =	sst s1  }
0xa: {  	[smem:$0x3FA6] =	sst s2  }
0xb: {  	[smem:$0x3FA7] =	sst s3  }
0xc: {  	[smem:$0x3FA8] =	sst s4  }
0xd: {  	[smem:$0x3FA9] =	sst s5  }
0xe: {  	[smem:$0x3FAA] =	sst s6  }
0xf: {  	[smem:$0x3FAB] =	sst s7  }
0x10: {  	[smem:$0x3FAC] =	sst s8  }
0x11: {  	[smem:$0x3FAD] =	sst s9;
	s0 =	simm.s32 @!p0 $0x0  }
0x12: {  	s1 =	sld [smem:$0x3F93];
	s0 =	simm.s32 @p0 $0x1  }
0x13: {  	[smem:$0x3FAE] =	sst s0;
	s0 =	simm.s32 @!p1 $0x0  }
0x14: {  	s2 =	sld [smem:$0x3F92];
	s0 =	simm.s32 @p1 $0x1  }
0x15: {  	[smem:$0x3FAF] =	sst s0;
	s0 =	simm.s32 @!p2 $0x0  }
0x16: {  	s3 =	sld [smem:$0x3FDB];
	s0 =	simm.s32 @p2 $0x1  }
0x17: {  	s4 =	simm.s32 $0x1BF5;
	[smem:$0x3FB1] =	sst s0  }
0x18: {  	s0 =	sld [smem:$0x3F94];
	_ =	swait.ge [sflag:s4], $0x0  }
0x19: {  	s7 =	sld [smem:$0x3F95]  }
0x1a: {  	s8 =	sadd.s32 $0xFFFFE003, lr  }
0x1b: {  	s9 =	sadd.s32 $0xFFFFFEF7, lr;
	s5 =	simm.s32 $0xFFFFFFFF;
	p2 =	slt.u32 s8, $0xFFFFF086  }
0x1c: {  	p1 =	slt.u32 s9, $0xF7A;
	s5 =	simm.s32 @!p2 $0x0  }
0x1d: {  	s5 =	simm.s32 @p1 $0x1;
	p0 =	seq.s32 s7, s2  }
0x1e: {  	s7 =	smul.u32 @!p0 $0xF7A, s2;
	p2 =	seq.s32 @!p0 s5, $0x0  }
0x1f: {  	s9 =	smul.u32 $0xF7A, s1;
	s8 =	simm.s32 @!p0 $0x1BF5;
	p2 =	por !p2, p0  }
0x20: {  	[sflag:s8] =	ssyncset.s32 @!p0 $0xFFFFF086;
	s6 =	sadd.s32 @!p0 s3, s7;
	s7 =	simm.s32 @!p0 $0x108  }
0x21: {  	s3 =	sadd.s32 s3, s9;
	s6 =	sadd.s32 @!p0 $0x88, s6;
	s7 =	simm.s32 @p2 $0x1082  }
0x22: {  	[simem:s7], [sflag:s8] =	dma.local @!p0 [hbm:s6], $0xF7A  }
0x23: {  	s9 =	sor.u32 $0xD0000000, s2;
	s6 =	simm.s32 $0x108;
	_ =	swait.ge @!p0 [sflag:s8], $0x0  }
0x24: {  	s3 =	sadd.s32 $0x88, s3;
	s6 =	simm.s32 @!p1 $0x1082;
	[sflag:s4] =	ssyncset.s32 $0xFFFFF086  }
0x25: {  	[simem:s6], [sflag:s4] =	dma.local [hbm:s3], $0xF7A  }
0x26: {  	[smem:$0x3F95] =	sst s1;
	(tag) =	ssettag s2;
	_ =	strace s9  }
0x27: {  	s1 =	sld [smem:$0x3FA5]  }
0x28: {  	s2 =	sld [smem:$0x3FA6]  }
0x29: {  	s4 =	sld [smem:$0x3FA8]  }
0x2a: {  	p0 =	seq.s32 s5, $0x0;
	s5 =	sld [smem:$0x3FA9]  }
0x2b: {  	s6 =	sld [smem:$0x3FAA]  }
0x2c: {  	s7 =	sld [smem:$0x3FAB]  }
0x2d: {  	s3 =	simm.s32 $0x108;
	s8 =	sld [smem:$0x3FAC]  }
0x2e: {  	s3 =	simm.s32 @!p0 $0x1082;
	s9 =	sld [smem:$0x3FAD]  }
0x2f: {  	lr =	sadd.s32 s0, s3;
	s0 =	sld [smem:$0x3FA4]  }
0x30: {  	s3 =	sld [smem:$0x3FA7]  }
0x31: {  	[smem:$0x3FB0] =	sst s10  }
0x32: {  	s10 =	sld [smem:$0x3FAE];
	_ =	sdelay $0x3  }
0x33: {  	p0 =	seq.s32 s10, $0x1;
	s10 =	sld [smem:$0x3FB0];
	_ =	sdelay $0x3  }
0x34: {  	[smem:$0x3FB0] =	sst s10  }
0x35: {  	s10 =	sld [smem:$0x3FAF];
	_ =	sdelay $0x3  }
0x36: {  	p1 =	seq.s32 s10, $0x1;
	s10 =	sld [smem:$0x3FB0];
	_ =	sdelay $0x3  }
0x37: {  	[smem:$0x3FB0] =	sst s10  }
0x38: {  	s10 =	sld [smem:$0x3FB1]  }
0x39: {  	_ = 	snop;
	(pc) =	sbr.ind lr, $3  }
0x3a: {  	_ = 	snop  }
0x3b: {  	_ = 	snop  }
0x3c: {  	p2 =	seq.s32 s10, $0x1;
	s10 =	sld [smem:$0x3FB0]  }
0x3d: {  	_ =	shalt  }
0x3e: {  	_ =	shalt  }
0x3f: {  	_ =	shalt  }
0x40: {  	_ =	shalt  }
0x41: {  	_ =	shalt  }
0x42: {  	_ =	shalt  }
0x43: {  	_ =	shalt  }
0x44: {  	_ =	shalt  }
0x45: {  	_ =	shalt  }
0x46: {  	_ =	shalt  }
0x47: {  	_ =	shalt  }
0x48: {  	_ =	shalt  }
0x49: {  	_ =	shalt  }
0x4a: {  	_ =	shalt  }
0x4b: {  	_ =	shalt  }
0x4c: {  	_ =	shalt  }
0x4d: {  	_ =	shalt  }
0x4e: {  	_ =	shalt  }
0x4f: {  	_ =	shalt  }
0x50: {  	_ =	shalt  }
0x51: {  	_ =	shalt  }
0x52: {  	_ =	shalt  }
0x53: {  	_ =	shalt  }
0x54: {  	_ =	shalt  }
0x55: {  	_ =	shalt  }
0x56: {  	_ =	shalt  }
0x57: {  	_ =	shalt  }
0x58: {  	_ =	shalt  }
0x59: {  	_ =	shalt  }
0x5a: {  	_ =	shalt  }
0x5b: {  	_ =	shalt  }
0x5c: {  	_ =	shalt  }
0x5d: {  	_ =	shalt  }
0x5e: {  	_ =	shalt  }
0x5f: {  	_ =	shalt  }
0x60: {  	_ =	shalt  }
0x61: {  	_ =	shalt  }
0x62: {  	_ =	shalt  }
0x63: {  	_ =	shalt  }
0x64: {  	_ =	shalt  }
0x65: {  	_ =	shalt  }
0x66: {  	_ =	shalt  }
0x67: {  	_ =	shalt  }
0x68: {  	_ =	shalt  }
0x69: {  	_ =	shalt  }
0x6a: {  	_ =	shalt  }
0x6b: {  	_ =	shalt  }
0x6c: {  	_ =	shalt  }
0x6d: {  	_ =	shalt  }
0x6e: {  	_ =	shalt  }
0x6f: {  	_ =	shalt  }
0x70: {  	_ =	shalt  }
0x71: {  	_ =	shalt  }
0x72: {  	_ =	shalt  }
0x73: {  	_ =	shalt  }
0x74: {  	_ =	shalt  }
0x75: {  	_ =	shalt  }
0x76: {  	_ =	shalt  }
0x77: {  	_ =	shalt  }
0x78: {  	_ =	shalt  }
0x79: {  	_ =	shalt  }
0x7a: {  	_ =	shalt  }
0x7b: {  	_ =	shalt  }
0x7c: {  	_ =	shalt  }
0x7d: {  	_ =	shalt  }
0x7e: {  	_ =	shalt  }
0x7f: {  	_ =	shalt  }
0x80: {  	_ =	shalt  }
0x81: {  	_ =	shalt  }
0x82: {  	_ =	shalt  }
0x83: {  	_ =	shalt  }
0x84: {  	_ =	shalt  }
0x85: {  	_ =	shalt  }
0x86: {  	_ =	shalt  }
0x87: {  	_ =	shalt  }
.Lfunc_end0:
.L_simem_size_0:
called_computation.5_lowered:
.L_overlay_start_0:
0x88: {  	s2 =	sld [smem:$0x3FD9]  }
0x89: {  	s3 =	sld [smem:$0x3FFE];
	_ =	sdelay $0x1  }
0x8a: {  	s1 =	srdreg.scid  }
0x8b: {  	s0 =	sand.u32 $0x1, s1  }
0x8c: {  	s16 =	sshll.u32 s0, $0xA;
	s2 =	sadd.s32 s3, s2  }
0x8d: {  	s2 =	sadd.s32 s2, s16  }
0x8e: {  	[smem:$0x3FBC] =	sst s2  }
0x8f: {  	_ = 	snop  }
0x90: {  	(tm) =	ssettm $0x1  }
0x91: {  	s17 =	sld [smem:$0x3FFB];
	_ =	sdelay $0x3  }
0x92: {  	_ =	strace s17  }
0x93: {  	s2 =	sld [smem:$0x3FFC];
	_ =	sdelay $0x3  }
0x94: {  	_ =	strace s2  }
0x95: {  	s2 =	sld [smem:$0x3FFD];
	_ =	sdelay $0x3  }
0x96: {  	_ =	strace s2  }
0x97: {  	_ =	strace $0x8FFFFFFF  }
0x98: {  	s18 =	sld [smem:$0x3FDB];
	_ =	sdelay $0x1  }
0x99: {  	s19 =	simm.s32 $_scs_section_size  }
0x9a: {  	s4 =	simm.s32 $_size__tile_overlayer_lowered;
	s5 =	simm.s32 $_tile_overlayer_lowered  }
0x9b: {  	s22 =	simm.s32 $0x1BFF;
	s21 =	sshll.u32 s5, $0x1;
	s2 =	sadd.s32 s19, s18  }
0x9c: {  	s6 =	simm.s32 $0x0;
	s20 =	sshll.u32 s4, $0x1;
	s4 =	sadd.s32 s21, s2  }
0x9d: {  	[timem:s6], [sflag:s22] =	dma.local [hbm:s4], s20  }
0x9e: {  	_ =	swait.ge [sflag:s22], s20  }
0x9f: {  	s3 =	ssub.s32 $0x0, s20;
	[sflag:s22] =	ssyncset.done $0x0  }
0xa0: {  	[sflag:s22] =	ssyncadd.s32 s3;
	_ =	sdelay $0x1  }
0xa1: {  	s23 =	simm.s32 $0x1B8B  }
0xa2: {  	_ =	swait.ge [sflag:s23], $0x1  }
0xa3: {  	[sflag:s23] =	ssyncset.done $0x0  }
0xa4: {  	s25 =	simm.s32 $0x1B8E;
	s24 =	sld [smem:$0x3FFE];
	[sflag:s23] =	ssyncadd.s32 $0xFFFFFFFF  }
0xa5: {  	s26 =	simm.s32 $execute0_lowered;
	[smem:$0x3FD2] =	sst s25  }
0xa6: {  	s4 =	sshll.u32 s26, $0x1;
	_ =	strace $0x80000055;
	[dreg:$0x1] =	wrdreg $0xFFFFFFFF  }
0xa7: {  	s28 =	simm.s32 $_size_execute0_lowered;
	s2 =	sadd.s32 s2, s4;
	[dreg:$0x0] =	wrdreg $0x0  }
0xa8: {  	s4 =	sshll.u32 s28, $0x1;
	[dreg:$0x2] =	wrdreg s2  }
0xa9: {  	[dreg:$0x3] =	wrdreg s4  }
0xaa: {  	[dreg:$0x4] =	wrdreg $0xC0  }
0xab: {  	_ =	task [dreg:s6], $0x5FFFF  }
0xac: {  	[dreg:$0x1] =	wrdreg $0xFFFFFFFF  }
0xad: {  	[dreg:$0x0] =	wrdreg $0x60  }
0xae: {  	[dreg:$0x2] =	wrdreg s24  }
0xaf: {  	[dreg:$0x3] =	wrdreg $0x9  }
0xb0: {  	_ =	task.clear_ibuf [dreg:s6], $0x4FFFF;
	_ =	strace $0x90000055  }
0xb1: {  	s29 =	simm.s32 $0x9;
	_ =	strace $0x80000057  }
0xb2: {  	_ =	swait.ge [sflag:s29], $0x1  }
0xb3: {  	[sflag:s29] =	ssyncadd.s32 $0xFFFFFFFF  }
0xb4: {  	_ =	strace $0x90000057  }
0xb5: {  	_ =	sfence  }
0xb6: {  	s30 =	sld [smem:$0x0];
	_ =	sdelay $0x2  }
0xb7: {  	s31 =	sshll.u32 s1, $0xD;
	s1 =	sshrl.u32 s1, $0x2  }
0xb8: {  	s3 =	sand.u32 $0x4000, s31;
	s1 =	sadd.s32 s1, s30  }
0xb9: {  	s0 =	sor.u32 s3, s0;
	s1 =	sshll.u32 s1, $0x11  }
0xba: {  	s0 =	sor.u32 s1, s0  }
0xbb: {  	s0 =	sadd.s32 $0x8F2B, s0  }
0xbc: {  	[sflag:s0] =	ssyncadd.remote.s32 $0x1  }
0xbd: {  	_ =	sfence.sel $0xFFFF  }
0xbe: {  	[dreg:$0x0] =	wrdreg $0xFFFFFFFF;
	(pc) =	sbr.abs _section_cstart, $3  }
0xbf: {  	[dreg:$0x1] =	wrdreg $0xFFFFFFFF  }
0xc0: {  	_ =	task.clear_ibuf [dreg:s6], $0x2FFFF;
	_ =	strace $0x9FFFFFFF  }
0xc1: {  	(tm) =	ssettm $0x7FFFFFFF  }
tec
execute0_lowered:
.L_overlay_start_1:
0x0: {  	(tag) =	ssettag $0x1  }
0x1: {  	s5 =	rddreg [dreg:$0x0]  }
0x2: {  	s0 =	rddreg [dreg:$0x1]  }
0x3: {  	s3 =	srdreg.scid;
	s1 =	stileid.u32  }
0x4: {  	s2 =	simm.s32 $0x0;
	s12 =	simm.s32 $0x80;
	s13 =	simm.s32 $0x9000  }
0x5: {  	s14 =	simm.s32 $0xD000;
	s15 =	simm.s32 $0x2880;
	s16 =	simm.s32 $0x11000  }
0x6: {  	s17 =	simm.s32 $0x9;
	s18 =	simm.s32 $0x7;
	s19 =	simm.s32 $0x8  }
0x7: {  	s20 =	simm.s32 $0x0;
	s6 =	sand.u32 $0x1, s3;
	s30 =	sshll.u32 s1, $0x1  }
0x8: {  	[smem:$0x7FF] =	sst s2;
	s9 =	smul.u32 $0x140000, s1;
	s4 =	sor.u32 s6, s30  }
0x9: {  	s3 =	sadd.s32 $0x5E00, s5;
	_ =	strace $0x80000056;
	s7 =	smul.u32 $0x500, s4  }
.Ltmp0:
0xa: {  	s8 =	ssub.s32 $0x2, s6;
	p0 =	seq.s32 s6, $0x0;
	(pc) =	sbr.rel .LBB2_1-.Ltmp0, $4  }
0xb: {  	s4 =	sadd.s32 $0x2DE00, s5;
	s31 =	sshrl.u32 s8, $0x1;
	s6 =	sadd.s32 $0x1400000, s9  }
0xc: {  	s11 =	ssub.s32 s8, s31;
	s6 =	smov.u32 @p0 s9;
	s10 =	sadd.s32 s7, s5  }
0xd: {  	s5 =	sadd.s32 $0xE7600, s5;
	s9 =	smax.u32 s11, $0x1;
	s11 =	simm.s32 $0x2800  }
0xe: {  	s7 =	sadd.s32 $0xDD600, s10;
	s8 =	sadd.s32 $0xD3600, s10;
	s10 =	simm.s32 $0xA  }
.LBB2_9:
0xf: {  	_ =	swait.ge [sflag:s17], $0x4000  }
0x10: {  	[sflag:s17] =	ssyncset.done $0x0  }
0x11: {  	s20 =	sadd.s32 $0x1, s20;
	[sflag:s17] =	ssyncadd.s32 $0xFFFFC000  }
0x12: {  	p0 =	sne.s32 s20, s9;
	_ =	swait.ge [sflag:s18], $0x4000  }
.Ltmp1:
0x13: {  	[sflag:s18] =	ssyncset.done $0x0;
	(pc) =	sbr.rel @!p0 .LBB2_10-.Ltmp1, $4  }
0x14: {  	[sflag:s18] =	ssyncadd.s32 $0xFFFFC000  }
0x15: {  	_ =	swait.ge [sflag:s19], $0x4000  }
0x16: {  	[sflag:s19] =	ssyncset.done $0x0  }
0x17: {  	[sflag:s19] =	ssyncadd.s32 $0xFFFFC000  }
.LBB2_1:
0x18: {  	[tilespmem:s2], [sflag:$0xA] =	stream.linear.gather [hbm4b:s7+s2], $0x2800, $0x38;
	[tilespmem:$0x1D000] =	vst v63  }
0x19: {  	_ =	swait.ge [sflag:s10], $0x2800  }
0x1a: {  	[sflag:s10] =	ssyncset.done $0x0  }
0x1b: {  	[sflag:s10] =	ssyncadd.s32 $0xFFFFD800  }
0x1c: {  	[tilespmem:s11], [sflag:$0xA] =	stream.linear.gather [hbm4b:s8+s2], $0x2800, $0x38;
	[tilespmem:$0x1D000] =	vst v63  }
0x1d: {  	_ =	swait.ge [sflag:s10], $0x2800  }
0x1e: {  	[sflag:s10] =	ssyncset.done $0x0  }
0x1f: {  	s21 =	simm.s32 $0x5000;
	[sflag:s10] =	ssyncadd.s32 $0xFFFFD800  }
0x20: {  	[tilespmem:s21], [sflag:$0x1] =	stream.indirect.gather [hbm4b:s3+s12], $0x80, s2, s12, $0xb8;
	[tilespmem:$0x1D000] =	vst v63  }
0x21: {  	_ = 	snop  }
0x22: {  	[tilespmem:s13], [sflag:$0x4] =	stream.indirect.gather [hbm4b:s4+s12], $0x80, s11, s12, $0xb8;
	[tilespmem:$0x1D000] =	vst v63  }
.Ltmp2:
0x23: {  	_ = 	snop;
	(pc) =	sbr.rel .LBB2_2-.Ltmp2, $4  }
0x24: {  	_ = 	snop  }
0x25: {  	[tilespmem:s14], [sflag:$0x2] =	stream.indirect.gather [hbm4b:s3+s12], $0x80, s12, s12, $0xb8;
	[tilespmem:$0x1D000] =	vst v63  }
0x26: {  	s22 =	simm.s32 $0x0  }
0x27: {  	[tilespmem:s16], [sflag:$0x5] =	stream.indirect.gather [hbm4b:s4+s12], $0x80, s15, s12, $0xb8;
	[tilespmem:$0x1D000] =	vst v63  }
.LBB2_5:
0x28: {  	s24 =	sadd.s32 $0x7, s23  }
0x29: {  	_ =	swait.ge [sflag:s24], $0x4000  }
0x2a: {  	[sflag:s24] =	ssyncset.done $0x0  }
0x2b: {  	[sflag:s24] =	ssyncadd.s32 $0xFFFFC000  }
.LBB2_7:
0x2c: {  	s24 =	sshll.u32 s23, $0xF  }
0x2d: {  	s24 =	sand.u32 $0x3FFF8000, s24  }
0x2e: {  	s25 =	sshll.u32 s25, $0x7;
	s28 =	sadd.s32 $0x1, s23;
	s26 =	sor.u32 $0x5000, s24  }
0x2f: {  	[tilespmem:s26], [sflag:s28] =	stream.indirect.gather [hbm4b:s3+s12], $0x80, s25, s12, $0xb8;
	[tilespmem:$0x1D000] =	vst v63  }
0x30: {  	s31 =	sadd.s32 $0x4, s23;
	s24 =	sadd.s32 $0x9000, s24;
	s25 =	sadd.s32 $0x2800, s25  }
0x31: {  	[tilespmem:s24], [sflag:s31] =	stream.indirect.gather [hbm4b:s4+s12], $0x80, s25, s12, $0xb8;
	[tilespmem:$0x1D000] =	vst v63  }
.LBB2_8:
0x32: {  	s22 =	sadd.s32 $0x1, s22  }
0x33: {  	p0 =	sne.s32 s22, $0x50  }
.Ltmp3:
0x34: {  	_ = 	snop;
	(pc) =	sbr.rel @!p0 .LBB2_9-.Ltmp3, $2  }
0x35: {  	_ =	sdelay $0x2  }
0x36: {  	s21 =	sadd.s32 $0x8000, s21  }
.LBB2_2:
0x37: {  	s23 =	smul.u32 $0xAB, s22;
	_ =	sdelay $0x1  }
0x38: {  	s23 =	sshrl.u32 s23, $0x9  }
0x39: {  	s24 =	smulhi.u32 $0xAAAAAAAB, s22;
	s23 =	sand.u32 $0x7F, s23  }
0x3a: {  	s23 =	smul.u32 $0x3, s23  }
0x3b: {  	s24 =	sshrl.u32 s24, $0x1  }
0x3c: {  	s24 =	smul.u32 $0xFFFA0000, s24;
	s23 =	ssub.s32 s22, s23  }
0x3d: {  	s23 =	sand.u32 $0xFF, s23  }
0x3e: {  	s24 =	sshra.s32 s24, $0x2;
	s25 =	sadd.s32 $0x1, s23  }
0x3f: {  	s26 =	sadd.s32 s24, s21;
	_ =	swait.ge [sflag:s25], $0x4000  }
0x40: {  	v0 =	vmov s26;
	[sflag:s25] =	ssyncset.done $0x0  }
0x41: {  	s30 =	sor.u32 $0x4, s23;
	[sflag:s25] =	ssyncadd.s32 $0xFFFFC000  }
0x42: {  	_ =	swait.ge [sflag:s30], $0x4000  }
0x43: {  	s28 =	simm.s32 $0x200;
	s31 =	sshll.u32 s23, $0xF;
	[sflag:s30] =	ssyncset.done $0x0  }
0x44: {  	s24 =	sor.u32 $0x5000, s31;
	s25 =	simm.s32 $0x0;
	[sflag:s30] =	ssyncadd.s32 $0xFFFFC000  }
.LBB2_3:
0x45: {  	p0 =	sne.s32 s28, $0xFE00;
	v1 =	vld.idx.msk [tilespmem:v0+s25+$0x4000 ss:$0x1], $0xffff;
	_ =	sdelay $0x4  }
0x46: {  	s29 =	sadd.s32 s25, s26  }
0x47: {  	[tilespmem:s29+$0x0] =	vst.add.f32.msk $0xffff, v1  }
0x48: {  	v1 =	vld.idx.msk [tilespmem:v0+s25+$0x4010 ss:$0x1], $0xffff;
	_ =	sdelay $0x5  }
0x49: {  	[tilespmem:s29+$0x10] =	vst.add.f32.msk $0xffff, v1  }
0x4a: {  	v1 =	vld.idx.msk [tilespmem:v0+s25+$0x4020 ss:$0x1], $0xffff;
	_ =	sdelay $0x5  }
0x4b: {  	[tilespmem:s29+$0x20] =	vst.add.f32.msk $0xffff, v1  }
0x4c: {  	v1 =	vld.idx.msk [tilespmem:v0+s25+$0x4030 ss:$0x1], $0xffff;
	_ =	sdelay $0x5  }
0x4d: {  	[tilespmem:s29+$0x30] =	vst.add.f32.msk $0xffff, v1  }
0x4e: {  	v1 =	vld.idx.msk [tilespmem:v0+s25+$0x4040 ss:$0x1], $0xffff;
	_ =	sdelay $0x5  }
0x4f: {  	[tilespmem:s29+$0x40] =	vst.add.f32.msk $0xffff, v1  }
0x50: {  	v1 =	vld.idx.msk [tilespmem:v0+s25+$0x4050 ss:$0x1], $0xffff;
	_ =	sdelay $0x5  }
0x51: {  	[tilespmem:s29+$0x50] =	vst.add.f32.msk $0xffff, v1  }
0x52: {  	v1 =	vld.idx.msk [tilespmem:v0+s25+$0x4060 ss:$0x1], $0xffff;
	_ =	sdelay $0x5  }
0x53: {  	[tilespmem:s29+$0x60] =	vst.add.f32.msk $0xffff, v1  }
0x54: {  	v1 =	vld.idx.msk [tilespmem:v0+s25+$0x4070 ss:$0x1], $0xffff;
	_ =	sdelay $0x1  }
.Ltmp4:
0x55: {  	(pc) =	sbr.rel @p0 .LBB2_3-.Ltmp4, $2  }
0x56: {  	_ =	sdelay $0x2  }
0x57: {  	s25 =	sshra.s32 s28, $0x2;
	s28 =	sadd.s32 $0x200, s28;
	[tilespmem:s29+$0x70] =	vst.add.f32.msk $0xffff, v1  }
0x58: {  	_ =	sdelay $0x3  }
0x59: {  	v1 =	vld.idx.msk [tilespmem:v0+s25+$0x4000 ss:$0x1], $0xffff;
	_ =	sdelay $0x3  }
0x5a: {  	s26 =	sadd.s32 s25, s26  }
0x5b: {  	[tilespmem:s26+$0x0] =	vst.add.f32.msk $0xffff, v1  }
0x5c: {  	v1 =	vld.idx.msk [tilespmem:v0+s25+$0x4010 ss:$0x1], $0xffff;
	_ =	sdelay $0x4  }
0x5d: {  	[tilespmem:s26+$0x10] =	vst.add.f32.msk $0xffff, v1  }
0x5e: {  	v1 =	vld.idx.msk [tilespmem:v0+s25+$0x4020 ss:$0x1], $0xffff;
	_ =	sdelay $0x4  }
0x5f: {  	[tilespmem:s26+$0x20] =	vst.add.f32.msk $0xffff, v1  }
0x60: {  	v1 =	vld.idx.msk [tilespmem:v0+s25+$0x4030 ss:$0x1], $0xffff;
	_ =	sdelay $0x4  }
0x61: {  	[tilespmem:s26+$0x30] =	vst.add.f32.msk $0xffff, v1  }
0x62: {  	v1 =	vld.idx.msk [tilespmem:v0+s25+$0x4040 ss:$0x1], $0xffff;
	_ =	sdelay $0x4  }
0x63: {  	[tilespmem:s26+$0x40] =	vst.add.f32.msk $0xffff, v1  }
0x64: {  	v1 =	vld.idx.msk [tilespmem:v0+s25+$0x4050 ss:$0x1], $0xffff;
	_ =	sdelay $0x4  }
0x65: {  	[tilespmem:s26+$0x50] =	vst.add.f32.msk $0xffff, v1  }
0x66: {  	v1 =	vld.idx.msk [tilespmem:v0+s25+$0x4060 ss:$0x1], $0xffff;
	_ =	sdelay $0x4  }
0x67: {  	[tilespmem:s26+$0x60] =	vst.add.f32.msk $0xffff, v1  }
0x68: {  	v63 =	vld.idx.msk [tilespmem:v0+s25+$0x4070 ss:$0x1], $0xffff;
	_ =	sdelay $0x1  }
0x69: {  	s30 =	sshll.u32 s22, $0xE  }
0x6a: {  	s25 =	sadd.s32 s6, s30  }
0x6b: {  	s28 =	sshrl.u32 s25, $0x3  }
0x6c: {  	s23 =	sadd.s32 $0x7, s23;
	s31 =	sadd.s32 s5, s28;
	[tilespmem:s26+$0x70] =	vst.add.f32.msk $0xffff, v63  }
0x6d: {  	[hbm4b:s31+s2] =	stream.linear.scatter [tilespmem:s24], [sflag:s23], $0x4000, $0x38;
	[tilespmem:$0x1D000] =	vst v63  }
0x6e: {  	s25 =	sadd.s32 $0x2, s22;
	s31 =	sadd.s32 $0xFFFFFFFF, s22  }
0x6f: {  	s29 =	smulhi.u32 $0xAAAAAAAB, s25;
	p0 =	sgt.u32 s31, $0x4C  }
.Ltmp5:
0x70: {  	_ = 	snop;
	(pc) =	sbr.rel @!p0 .LBB2_5-.Ltmp5, $3  }
0x71: {  	s30 =	sshrl.u32 s29, $0x1  }
0x72: {  	s23 =	smul.u32 $0x3, s30;
	_ =	sdelay $0x1  }
0x73: {  	s23 =	ssub.s32 s25, s23  }
0x74: {  	p0 =	sgt.u32 s22, $0x4D  }
.Ltmp6:
0x75: {  	_ = 	snop;
	(pc) =	sbr.rel @p0 .LBB2_8-.Ltmp6, $4  }
.Ltmp7:
0x76: {  	_ = 	snop;
	(pc) =	sbr.rel @!p0 .LBB2_7-.Ltmp7, $4  }
0x77: {  	_ = 	snop  }
0x78: {  	_ = 	snop  }
0x79: {  	_ = 	snop  }
0x7a: {  	_ = 	snop  }
.LBB2_10:
0x7b: {  	_ =	sfence.sel $0x180000  }
0x7c: {  	[bflag:$0x0] =	sbarrier.arrive $0xFFFF  }
0x7d: {  	p0 =	sne.s32 s1, $0x0;
	_ =	strace $0x90000056  }
0x7e: {  	s0 =	sadd.s32 @!p0 $0x100000, s0;
	[bflag:$0x2] =	sbarrier.arrive $0xFFFF  }
0x7f: {  	[sflag:s0] =	ssyncadd.tile.s32 @!p0 $0x1;
	_ =	shalt  }
.Lfunc_end2:
_tile_overlayer_lowered:
.L_overlay_start_2:
0x80: {  	(tag) =	ssettag $0x2  }
0x81: {  	s0 =	rddreg [dreg:$0x0];
	s2 =	stileid.u32  }
0x82: {  	s1 =	rddreg [dreg:$0x1];
	p0 =	sne.s32 s2, $0x0  }
0x83: {  	s3 =	rddreg [dreg:$0x2];
	[bflag:$0x3] =	sbarrier.arrive $0xFFFF;
	s2 =	simm.s32 @!p0 $0x1C0A  }
0x84: {  	[timem:s3], [sflag:s2] =	dma.local @!p0 [hbm:s0], s1  }
0x85: {  	s0 =	simm.s32 @!p0 $0xA  }
0x86: {  	_ =	swait.ge @!p0 [sflag:s0], s1  }
0x87: {  	s1 =	ssub.s32 @!p0 $0x0, s1;
	[sflag:s0] =	ssyncset.done @!p0 $0x0  }
0x88: {  	[sflag:s0] =	ssyncadd.s32 @!p0 s1  }
0x89: {  	[bflag:$0x3] =	sbarrier.arrive $0xFFFF  }
0x8a: {  	_ =	shalt  }

</sc_bundles>
